<compile_context>
chip_gen: v7x
topology: tpu7x:2x2x1
jax: 0.10.2.dev20260603
libtpu: 0.0.44.dev20260713+nightly
codegen_flags: <defaults>
</compile_context>

<pallas_src>
import functools

import jax
import jax.numpy as jnp
from jax import lax
from jax.experimental import pallas as pl
from jax.experimental.pallas import tpu as pltpu
from jax.experimental.pallas import tpu_sc as plsc

N = 10000
E = 320000
D = 128
NC = 2
NS = 16
L = 16
NW = NC * NS
CH = 128
CPW = 81
EPT = CPW * CH
E_PAD = NW * EPT
PAD = E_PAD - E
NB = 3
ROWS_PT = 632
ROWS_LAST = N - 15 * ROWS_PT


def _worker_id():
    return lax.axis_index("s") * NC + lax.axis_index("c")


def _mesh():
    return plsc.VectorSubcoreMesh(
        core_axis_name="c", subcore_axis_name="s", num_cores=NC, num_subcores=NS
    )


def _degree_body(src_hbm, dst_hbm, dego_hbm, degi_hbm,
                 dego_loc, degi_loc, sv, dv):
    wid = _worker_id()
    base_e = wid * EPT
    pltpu.sync_copy(src_hbm.at[pl.ds(base_e, EPT)], sv)
    pltpu.sync_copy(dst_hbm.at[pl.ds(base_e, EPT)], dv)

    def z(i, _):
        dego_loc[pl.ds(i * L, L)] = jnp.zeros((L,), jnp.float32)
        degi_loc[pl.ds(i * L, L)] = jnp.zeros((L,), jnp.float32)
        return 0

    lax.fori_loop(0, N // L, z, 0)

    ones = jnp.ones((L,), jnp.float32)

    def grp(g, _):
        plsc.addupdate_scatter(dego_loc, [sv[pl.ds(g * L, L)]], ones)
        plsc.addupdate_scatter(degi_loc, [dv[pl.ds(g * L, L)]], ones)
        return 0

    lax.fori_loop(0, EPT // L, grp, 0)

    pltpu.sync_copy(dego_loc, dego_hbm.at[pl.ds(wid * N, N)])
    pltpu.sync_copy(degi_loc, degi_hbm.at[pl.ds(wid * N, N)])


def _edge_weight_body(src_hbm, dst_hbm, ew_hbm, no_hbm, ni_hbm, we_hbm,
                      no_v, ni_v, sv, dv, ewv, ov):
    wid = _worker_id()
    base_e = wid * EPT
    pltpu.sync_copy(no_hbm, no_v)
    pltpu.sync_copy(ni_hbm, ni_v)
    pltpu.sync_copy(src_hbm.at[pl.ds(base_e, EPT)], sv)
    pltpu.sync_copy(dst_hbm.at[pl.ds(base_e, EPT)], dv)
    pltpu.sync_copy(ew_hbm.at[pl.ds(base_e, EPT)], ewv)

    def grp(g, _):
        s = sv[pl.ds(g * L, L)]
        d = dv[pl.ds(g * L, L)]
        w = ewv[pl.ds(g * L, L)]
        ov[pl.ds(g * L, L)] = (
            w * plsc.load_gather(no_v, [s]) * plsc.load_gather(ni_v, [d])
        )
        return 0

    lax.fori_loop(0, EPT // L, grp, 0)
    pltpu.sync_copy(ov, we_hbm.at[pl.ds(base_e, EPT)])


def _spmm_body(x_hbm, src_hbm, dst2d_hbm, we_hbm, zeros_hbm, acc_hbm,
               sv0, sv1, sv2, wv0, wv1, wv2, dv0, dv1, dv2b, r0, r1, r2,
               i0, i1, i2, d0, d1, d2, g0, g1, g2, s0, s1, s2, acc_sh):
    cid = lax.axis_index("c")
    sid = lax.axis_index("s")
    wid = _worker_id()
    svb = (sv0, sv1, sv2)
    wvb = (wv0, wv1, wv2)
    dvb = (dv0, dv1, dv2b)
    rows = (r0, r1, r2)
    isem = (i0, i1, i2)
    dsem = (d0, d1, d2)
    gsem = (g0, g1, g2)
    ssem = (s0, s1, s2)

    base_e = wid * EPT
    base_r = sid * ROWS_PT

    @pl.when(sid < NS - 1)
    def _():
        pltpu.sync_copy(zeros_hbm.at[pl.ds(base_r, ROWS_PT)],
                        acc_sh.at[pl.ds(base_r, ROWS_PT)])

    @pl.when(sid == NS - 1)
    def _():
        pltpu.sync_copy(zeros_hbm.at[pl.ds((NS - 1) * ROWS_PT, ROWS_LAST)],
                        acc_sh.at[pl.ds((NS - 1) * ROWS_PT, ROWS_LAST)])

    plsc.subcore_barrier()

    def idx_load(i, b):
        off = base_e + i * CH
        pltpu.async_copy(src_hbm.at[pl.ds(off, CH)], svb[b], isem[b])
        pltpu.async_copy(we_hbm.at[pl.ds(off, CH)], wvb[b], isem[b])

    def wait_idx(b):
        pltpu.make_async_copy(
            src_hbm.at[pl.ds(0, CH)], svb[b], isem[b]).wait()
        pltpu.make_async_copy(
            we_hbm.at[pl.ds(0, CH)], wvb[b], isem[b]).wait()

    def dvb_load(i, b):
        pltpu.async_copy(dst2d_hbm.at[pl.ds(wid * CPW + i, 1)], dvb[b],
                         dsem[b])

    def wait_dvb(b):
        pltpu.make_async_copy(
            dst2d_hbm.at[pl.ds(0, 1)], dvb[b], dsem[b]).wait()

    def issue_gather(b):
        pltpu.async_copy(x_hbm.at[svb[b]], rows[b], gsem[b])

    def wait_gather(b):
        pltpu.make_async_copy(x_hbm.at[svb[b]], rows[b], gsem[b]).wait()

    def issue_scatter(b):
        pltpu.async_copy(rows[b], acc_sh.at[dvb[b].at[0]], ssem[b], add=True)

    def wait_scatter(b):
        pltpu.make_async_copy(rows[b], acc_sh.at[dvb[b].at[0]], ssem[b]).wait()

    idx_load(0, 0)
    wait_idx(0)
    dvb_load(0, 0)
    issue_gather(0)
    idx_load(1, 1)

    def outer(j, _):
        for b in range(NB):
            i = j * NB + b
            wait_gather(b)
            q = (b + 1) % NB

            @pl.when(i + 1 < CPW)
            def _():
                wait_idx(q)

                @pl.when(i + 1 >= NB)
                def _():
                    wait_scatter(q)

                issue_gather(q)
                dvb_load(i + 1, q)

            @plsc.parallel_loop(0, CH, unroll=4)
            def scale(jj, _b=b):
                wb = plsc.load_gather(wvb[_b], [jnp.zeros((L,), jnp.int32) + jj])
                for k in range(D // L):
                    rows[_b][jj, pl.ds(k * L, L)] = (
                        rows[_b][jj, pl.ds(k * L, L)] * wb)

            wait_dvb(b)
            issue_scatter(b)

            r = (b + 2) % NB

            @pl.when(i + 2 < CPW)
            def _():
                idx_load(i + 2, r)

        return 0

    lax.fori_loop(0, CPW // NB, outer, 0)
    for b in range(NB):
        wait_scatter(b)

    plsc.subcore_barrier()

    @pl.when(sid < NS - 1)
    def _():
        pltpu.sync_copy(acc_sh.at[pl.ds(base_r, ROWS_PT)],
                        acc_hbm.at[cid, pl.ds(base_r, ROWS_PT)])

    @pl.when(sid == NS - 1)
    def _():
        pltpu.sync_copy(acc_sh.at[pl.ds((NS - 1) * ROWS_PT, ROWS_LAST)],
                        acc_hbm.at[cid, pl.ds((NS - 1) * ROWS_PT, ROWS_LAST)])


@functools.lru_cache(maxsize=None)
def _sc_kernels():
    mesh = _mesh()
    params = pltpu.CompilerParams(needs_layout_passes=False)
    degree = pl.kernel(
        _degree_body,
        out_type=(
            jax.ShapeDtypeStruct((NW * N,), jnp.float32),
            jax.ShapeDtypeStruct((NW * N,), jnp.float32),
        ),
        mesh=mesh,
        compiler_params=params,
        scratch_types=(
            pltpu.VMEM((N,), jnp.float32),
            pltpu.VMEM((N,), jnp.float32),
            pltpu.VMEM((EPT,), jnp.int32),
            pltpu.VMEM((EPT,), jnp.int32),
        ),
    )
    edge_weight = pl.kernel(
        _edge_weight_body,
        out_type=jax.ShapeDtypeStruct((E_PAD,), jnp.float32),
        mesh=mesh,
        compiler_params=params,
        scratch_types=(
            pltpu.VMEM((N,), jnp.float32),
            pltpu.VMEM((N,), jnp.float32),
            pltpu.VMEM((EPT,), jnp.int32),
            pltpu.VMEM((EPT,), jnp.int32),
            pltpu.VMEM((EPT,), jnp.float32),
            pltpu.VMEM((EPT,), jnp.float32),
        ),
    )
    spmm = pl.kernel(
        _spmm_body,
        out_type=jax.ShapeDtypeStruct((NC, N, D), jnp.float32),
        mesh=mesh,
        compiler_params=params,
        scratch_types=(
            pltpu.VMEM((CH,), jnp.int32),
            pltpu.VMEM((CH,), jnp.int32),
            pltpu.VMEM((CH,), jnp.int32),
            pltpu.VMEM((CH,), jnp.float32),
            pltpu.VMEM((CH,), jnp.float32),
            pltpu.VMEM((CH,), jnp.float32),
            pltpu.VMEM((1, CH), jnp.int32),
            pltpu.VMEM((1, CH), jnp.int32),
            pltpu.VMEM((1, CH), jnp.int32),
            pltpu.VMEM((CH, D), jnp.float32),
            pltpu.VMEM((CH, D), jnp.float32),
            pltpu.VMEM((CH, D), jnp.float32),
            pltpu.SemaphoreType.DMA,
            pltpu.SemaphoreType.DMA,
            pltpu.SemaphoreType.DMA,
            pltpu.SemaphoreType.DMA,
            pltpu.SemaphoreType.DMA,
            pltpu.SemaphoreType.DMA,
            pltpu.SemaphoreType.DMA,
            pltpu.SemaphoreType.DMA,
            pltpu.SemaphoreType.DMA,
            pltpu.SemaphoreType.DMA,
            pltpu.SemaphoreType.DMA,
            pltpu.SemaphoreType.DMA,
            pltpu.VMEM_SHARED((N, D), jnp.float32),
        ),
    )
    return degree, edge_weight, spmm


def _matmul(accp, Wm, bv, act):
    RB = 1000

    def body(a_ref, w_ref, b_ref, o_ref):
        acc = a_ref[0] + a_ref[1]
        y = jnp.dot(acc, w_ref[...], preferred_element_type=jnp.float32)
        y = y + b_ref[...]
        if act:
            y = jnp.where(y > 0, y, jnp.exp(y) - 1.0)
        o_ref[...] = y

    return pl.pallas_call(
        body,
        grid=(N // RB,),
        in_specs=[
            pl.BlockSpec((NC, RB, D), lambda i: (0, i, 0)),
            pl.BlockSpec((D, D), lambda i: (0, 0)),
            pl.BlockSpec((1, D), lambda i: (0, 0)),
        ],
        out_specs=pl.BlockSpec((RB, D), lambda i: (i, 0)),
        out_shape=jax.ShapeDtypeStruct((N, D), jnp.float32),
    )(accp, Wm, bv)


def kernel(h, edge_index, edge_weight, W0, b0, W1, b1, W2, b2):
    src = edge_index[0]
    dst = edge_index[1]
    pad_idx = jnp.arange(PAD, dtype=src.dtype) % N
    srcp = jnp.concatenate([src, pad_idx])
    dstp = jnp.concatenate([dst, pad_idx])
    ewp = jnp.concatenate([edge_weight, jnp.zeros((PAD,), edge_weight.dtype)])
    dst2d = dstp.reshape(E_PAD // CH, CH)
    _degree_kernel, _edge_weight_kernel, _spmm_kernel = _sc_kernels()

    pad_corr = (float(PAD // N)
                + (jnp.arange(N) < PAD % N).astype(jnp.float32))
    dego_p, degi_p = _degree_kernel(srcp, dstp)
    dego = dego_p.reshape(NW, N).sum(axis=0) - pad_corr
    degi = degi_p.reshape(NW, N).sum(axis=0) - pad_corr
    no = jnp.where(dego > 0, dego, 1.0) ** -0.5
    ni = jnp.where(degi > 0, degi, 1.0) ** -0.5

    we = _edge_weight_kernel(srcp, dstp, ewp, no, ni)

    zeros = jnp.zeros((N, D), jnp.float32)
    x = h
    for Wm, bv, act in ((W0, b0, True), (W1, b1, True), (W2, b2, False)):
        accp = _spmm_kernel(x, srcp, dst2d, we, zeros)
        x = _matmul(accp, Wm, bv.reshape(1, D), act)
    return x

# --- scband reference (transcript-rebuilt; emitter-appended) ---
"""Pipeline reference for scband-mp-encoder-53592601919692 (READ-ONLY COPY).

The authoritative reference and input builder live on the scoring server;
editing this copy changes nothing except your own understanding.
"""

import jax, jax.numpy as jnp
import numpy as np

N_NODES = 10000
N_EDGES = 320000
IN_DIM = 128
HID_DIM = 128


def _graph_conv(h, src, dst, ew, W, b, n_nodes, act):
    # DGL GraphConv with norm='both', weight=True, bias=True, edge_weight
    deg_out = jax.ops.segment_sum(jnp.ones_like(src, dtype=h.dtype), src, num_segments=n_nodes)
    norm_out = jnp.where(deg_out > 0, deg_out, 1.0) ** -0.5
    h_src = h * norm_out[:, None]
    msg = h_src[src] * ew[:, None]
    agg = jax.ops.segment_sum(msg, dst, num_segments=n_nodes)
    deg_in = jax.ops.segment_sum(jnp.ones_like(dst, dtype=h.dtype), dst, num_segments=n_nodes)
    norm_in = jnp.where(deg_in > 0, deg_in, 1.0) ** -0.5
    out = agg * norm_in[:, None]
    out = out @ W + b
    if act:
        out = jax.nn.elu(out)
    return out


def setup_inputs(seed: int = 0) -> dict:
    key = jax.random.key(seed)
    ks = jax.random.split(key, 9)
    h = jax.random.normal(ks[0], (N_NODES, IN_DIM), dtype=jnp.float32)
    edge_index = jax.random.randint(ks[1], (2, N_EDGES), 0, N_NODES, dtype=jnp.int32)
    edge_weight = jax.random.uniform(ks[2], (N_EDGES,), dtype=jnp.float32)
    s0 = (2.0 / (IN_DIM + HID_DIM)) ** 0.5
    s1 = (2.0 / (HID_DIM + HID_DIM)) ** 0.5
    W0 = jax.random.normal(ks[3], (IN_DIM, HID_DIM), dtype=jnp.float32) * s0
    b0 = jnp.zeros((HID_DIM,), dtype=jnp.float32)
    W1 = jax.random.normal(ks[4], (HID_DIM, HID_DIM), dtype=jnp.float32) * s1
    b1 = jnp.zeros((HID_DIM,), dtype=jnp.float32)
    W2 = jax.random.normal(ks[5], (HID_DIM, HID_DIM), dtype=jnp.float32) * s1
    b2 = jnp.zeros((HID_DIM,), dtype=jnp.float32)
    return {"h": h, "edge_index": edge_index, "edge_weight": edge_weight,
            "W0": W0, "b0": b0, "W1": W1, "b1": b1, "W2": W2, "b2": b2}


def reference(h, edge_index, edge_weight, W0, b0, W1, b1, W2, b2):
    # Mp_encoder: 3 GraphConv layers (layers=2 -> first + (layers-1) hidden + final).
    # Dropout p=0.0 -> identity (eval-mode reference).
    src = edge_index[0]
    dst = edge_index[1]
    x = _graph_conv(h, src, dst, edge_weight, W0, b0, N_NODES, act=True)
    x = _graph_conv(x, src, dst, edge_weight, W1, b1, N_NODES, act=True)
    x = _graph_conv(x, src, dst, edge_weight, W2, b2, N_NODES, act=False)
    return x

if __name__ == "__main__":
    import jax
    _d = setup_inputs()
    print(jax.jit(kernel)(*tuple(_d.values())))

</pallas_src>

<mosaic_0001>
#map = affine_map<(d0, d1) -> (0)>
module attributes {stable_mosaic.version = 14 : i64} {
  func.func @_degree_body(%arg0: i32, %arg1: i32, %arg2: memref<331776xi32, #tpu.memory_space<hbm>>, %arg3: memref<331776xi32, #tpu.memory_space<hbm>>, %arg4: memref<320000xf32, #tpu.memory_space<hbm>>, %arg5: memref<320000xf32, #tpu.memory_space<hbm>>, %arg6: memref<10000xf32, #tpu.memory_space<vmem>>, %arg7: memref<10000xf32, #tpu.memory_space<vmem>>, %arg8: memref<10368xi32, #tpu.memory_space<vmem>>, %arg9: memref<10368xi32, #tpu.memory_space<vmem>>) attributes {dimension_semantics = [#tpu.dimension_semantics<core_parallel>, #tpu.dimension_semantics<subcore_parallel>], iteration_bounds = array<i64: 2, 16>, scalar_prefetch = 0 : i64, scratch_operands = 4 : i64, tpu.core_type = #tpu.core_type<sc_vector_subcore>, window_params = [{transform_indices = #map}, {transform_indices = #map}, {transform_indices = #map}, {transform_indices = #map}]} {
    %mul3A = arith.constant 2 : i32
    %mul3A_0 = arith.muli %arg1, %mul3A : i32
    %add3A = arith.addi %mul3A_0, %arg0 : i32
    %mul3A_1 = arith.constant 10368 : i32
    %mul3A_2 = arith.muli %add3A, %mul3A_1 : i32
    "tpu.region"() ({
      %run_scoped3A = tpu.sem_alloc : memref<!tpu.dma_semaphore, #tpu.memory_space<semaphore_mem>>
      %dma_start3A = tpu.memref_slice %arg2[%mul3A_2] : memref<331776xi32, #tpu.memory_space<hbm>> -> memref<10368xi32, #tpu.memory_space<hbm>>
      %dma_start3A_21 = tpu.memref_slice %arg2[%mul3A_2] : memref<331776xi32, #tpu.memory_space<hbm>> -> memref<10368xi32, #tpu.memory_space<hbm>>
      tpu.enqueue_dma source(%dma_start3A_21 : memref<10368xi32, #tpu.memory_space<hbm>>) target(%arg8 : memref<10368xi32, #tpu.memory_space<vmem>>) target_semaphore(%run_scoped3A : memref<!tpu.dma_semaphore, #tpu.memory_space<semaphore_mem>>)
      %dma_wait3A = tpu.memref_slice %arg2[%mul3A_2] : memref<331776xi32, #tpu.memory_space<hbm>> -> memref<10368xi32, #tpu.memory_space<hbm>>
      %dma_wait3A_22 = tpu.memref_slice %arg2[%mul3A_2] : memref<331776xi32, #tpu.memory_space<hbm>> -> memref<10368xi32, #tpu.memory_space<hbm>>
      tpu.wait_dma2 semaphore(%run_scoped3A : memref<!tpu.dma_semaphore, #tpu.memory_space<semaphore_mem>>) src(%dma_wait3A_22 : memref<10368xi32, #tpu.memory_space<hbm>>) dst(%arg8 : memref<10368xi32, #tpu.memory_space<vmem>>)
      tpu.yield
    }) : () -> ()
    "tpu.region"() ({
      %run_scoped3A = tpu.sem_alloc : memref<!tpu.dma_semaphore, #tpu.memory_space<semaphore_mem>>
      %dma_start3A = tpu.memref_slice %arg3[%mul3A_2] : memref<331776xi32, #tpu.memory_space<hbm>> -> memref<10368xi32, #tpu.memory_space<hbm>>
      %dma_start3A_21 = tpu.memref_slice %arg3[%mul3A_2] : memref<331776xi32, #tpu.memory_space<hbm>> -> memref<10368xi32, #tpu.memory_space<hbm>>
      tpu.enqueue_dma source(%dma_start3A_21 : memref<10368xi32, #tpu.memory_space<hbm>>) target(%arg9 : memref<10368xi32, #tpu.memory_space<vmem>>) target_semaphore(%run_scoped3A : memref<!tpu.dma_semaphore, #tpu.memory_space<semaphore_mem>>)
      %dma_wait3A = tpu.memref_slice %arg3[%mul3A_2] : memref<331776xi32, #tpu.memory_space<hbm>> -> memref<10368xi32, #tpu.memory_space<hbm>>
      %dma_wait3A_22 = tpu.memref_slice %arg3[%mul3A_2] : memref<331776xi32, #tpu.memory_space<hbm>> -> memref<10368xi32, #tpu.memory_space<hbm>>
      tpu.wait_dma2 semaphore(%run_scoped3A : memref<!tpu.dma_semaphore, #tpu.memory_space<semaphore_mem>>) src(%dma_wait3A_22 : memref<10368xi32, #tpu.memory_space<hbm>>) dst(%arg9 : memref<10368xi32, #tpu.memory_space<vmem>>)
      tpu.yield
    }) : () -> ()
    %scan3A = arith.constant 0 : i32
    %scan3A_3 = arith.constant 0 : i32
    %scan3A_4 = arith.constant 625 : i32
    %scan3A_5 = arith.addi %scan3A_3, %scan3A_4 : i32
    %scan3A_6 = arith.constant 1 : i32
    %scan3A_7 = scf.for %scan3A_21 = %scan3A_3 to %scan3A_5 step %scan3A_6 iter_args(%scan3A_22 = %scan3A) -> (i32)  : i32 {
      %broadcast_in_dim3A_23 = arith.constant 0.000000e+00 : f32
      %broadcast_in_dim3A_24 = vector.broadcast %broadcast_in_dim3A_23 : f32 to vector<16xf32>
      %mul3A_25 = arith.constant 16 : i32
      %mul3A_26 = arith.muli %scan3A_21, %mul3A_25 : i32
      %swap3A = arith.index_cast %mul3A_26 : i32 to index
      %swap3A_27 = tpu.vector_load %arg6[%swap3A] {strides = array<i32>} : memref<10000xf32, #tpu.memory_space<vmem>>, vector<16xf32>,
      tpu.vector_store %arg6[%swap3A], %broadcast_in_dim3A_24 {strides = array<i32>} : memref<10000xf32, #tpu.memory_space<vmem>>, vector<16xf32>,
      %broadcast_in_dim3A_28 = arith.constant 0.000000e+00 : f32
      %broadcast_in_dim3A_29 = vector.broadcast %broadcast_in_dim3A_28 : f32 to vector<16xf32>
      %mul3A_30 = arith.constant 16 : i32
      %mul3A_31 = arith.muli %scan3A_21, %mul3A_30 : i32
      %swap3A_32 = arith.index_cast %mul3A_31 : i32 to index
      %swap3A_33 = tpu.vector_load %arg7[%swap3A_32] {strides = array<i32>} : memref<10000xf32, #tpu.memory_space<vmem>>, vector<16xf32>,
      tpu.vector_store %arg7[%swap3A_32], %broadcast_in_dim3A_29 {strides = array<i32>} : memref<10000xf32, #tpu.memory_space<vmem>>, vector<16xf32>,
      %scan3A_34 = arith.constant 0 : i32
      scf.yield %scan3A_34 : i32
    }
    %scan3A_8 = arith.constant 625 : i32
    %broadcast_in_dim3A = arith.constant 1.000000e+00 : f32
    %broadcast_in_dim3A_9 = vector.broadcast %broadcast_in_dim3A : f32 to vector<16xf32>
    %scan3A_10 = arith.constant 0 : i32
    %scan3A_11 = arith.constant 0 : i32
    %scan3A_12 = arith.constant 648 : i32
    %scan3A_13 = arith.addi %scan3A_11, %scan3A_12 : i32
    %scan3A_14 = arith.constant 1 : i32
    %scan3A_15 = scf.for %scan3A_21 = %scan3A_11 to %scan3A_13 step %scan3A_14 iter_args(%scan3A_22 = %scan3A_10) -> (i32)  : i32 {
      %mul3A_23 = arith.constant 16 : i32
      %mul3A_24 = arith.muli %scan3A_21, %mul3A_23 : i32
      %get3A = arith.index_cast %mul3A_24 : i32 to index
      %get3A_25 = tpu.vector_load %arg8[%get3A] {strides = array<i32>} : memref<10368xi32, #tpu.memory_space<vmem>>, vector<16xi32>,
      tpu.vector_store_idx %arg6[%get3A_25], %broadcast_in_dim3A_9 {add = true} : memref<10000xf32, #tpu.memory_space<vmem>>[vector<16xi32>], vector<16xf32>,
      %mul3A_26 = arith.constant 16 : i32
      %mul3A_27 = arith.muli %scan3A_21, %mul3A_26 : i32
      %get3A_28 = arith.index_cast %mul3A_27 : i32 to index
      %get3A_29 = tpu.vector_load %arg9[%get3A_28] {strides = array<i32>} : memref<10368xi32, #tpu.memory_space<vmem>>, vector<16xi32>,
      tpu.vector_store_idx %arg7[%get3A_29], %broadcast_in_dim3A_9 {add = true} : memref<10000xf32, #tpu.memory_space<vmem>>[vector<16xi32>], vector<16xf32>,
      %scan3A_30 = arith.constant 0 : i32
      scf.yield %scan3A_30 : i32
    }
    %scan3A_16 = arith.constant 648 : i32
    %mul3A_17 = arith.constant 10000 : i32
    %mul3A_18 = arith.muli %add3A, %mul3A_17 : i32
    "tpu.region"() ({
      %run_scoped3A = tpu.sem_alloc : memref<!tpu.dma_semaphore, #tpu.memory_space<semaphore_mem>>
      %dma_start3A = tpu.memref_slice %arg4[%mul3A_18] : memref<320000xf32, #tpu.memory_space<hbm>> -> memref<10000xf32, #tpu.memory_space<hbm>>
      %dma_start3A_21 = tpu.memref_slice %arg4[%mul3A_18] : memref<320000xf32, #tpu.memory_space<hbm>> -> memref<10000xf32, #tpu.memory_space<hbm>>
      tpu.enqueue_dma source(%arg6 : memref<10000xf32, #tpu.memory_space<vmem>>) target(%dma_start3A_21 : memref<10000xf32, #tpu.memory_space<hbm>>) target_semaphore(%run_scoped3A : memref<!tpu.dma_semaphore, #tpu.memory_space<semaphore_mem>>)
      %dma_wait3A = tpu.memref_slice %arg4[%mul3A_18] : memref<320000xf32, #tpu.memory_space<hbm>> -> memref<10000xf32, #tpu.memory_space<hbm>>
      %dma_wait3A_22 = tpu.memref_slice %arg4[%mul3A_18] : memref<320000xf32, #tpu.memory_space<hbm>> -> memref<10000xf32, #tpu.memory_space<hbm>>
      tpu.wait_dma2 semaphore(%run_scoped3A : memref<!tpu.dma_semaphore, #tpu.memory_space<semaphore_mem>>) src(%arg6 : memref<10000xf32, #tpu.memory_space<vmem>>) dst(%dma_wait3A_22 : memref<10000xf32, #tpu.memory_space<hbm>>)
      tpu.yield
    }) : () -> ()
    %mul3A_19 = arith.constant 10000 : i32
    %mul3A_20 = arith.muli %add3A, %mul3A_19 : i32
    "tpu.region"() ({
      %run_scoped3A = tpu.sem_alloc : memref<!tpu.dma_semaphore, #tpu.memory_space<semaphore_mem>>
      %dma_start3A = tpu.memref_slice %arg5[%mul3A_20] : memref<320000xf32, #tpu.memory_space<hbm>> -> memref<10000xf32, #tpu.memory_space<hbm>>
      %dma_start3A_21 = tpu.memref_slice %arg5[%mul3A_20] : memref<320000xf32, #tpu.memory_space<hbm>> -> memref<10000xf32, #tpu.memory_space<hbm>>
      tpu.enqueue_dma source(%arg7 : memref<10000xf32, #tpu.memory_space<vmem>>) target(%dma_start3A_21 : memref<10000xf32, #tpu.memory_space<hbm>>) target_semaphore(%run_scoped3A : memref<!tpu.dma_semaphore, #tpu.memory_space<semaphore_mem>>)
      %dma_wait3A = tpu.memref_slice %arg5[%mul3A_20] : memref<320000xf32, #tpu.memory_space<hbm>> -> memref<10000xf32, #tpu.memory_space<hbm>>
      %dma_wait3A_22 = tpu.memref_slice %arg5[%mul3A_20] : memref<320000xf32, #tpu.memory_space<hbm>> -> memref<10000xf32, #tpu.memory_space<hbm>>
      tpu.wait_dma2 semaphore(%run_scoped3A : memref<!tpu.dma_semaphore, #tpu.memory_space<semaphore_mem>>) src(%arg7 : memref<10000xf32, #tpu.memory_space<vmem>>) dst(%dma_wait3A_22 : memref<10000xf32, #tpu.memory_space<hbm>>)
      tpu.yield
    }) : () -> ()
    return
  }
}

#map = affine_map<(d0, d1) -> (0, 0)>
#map1 = affine_map<(d0, d1) -> (0)>
#map2 = affine_map<(d0, d1) -> (0, 0, 0)>
module attributes {stable_mosaic.version = 14 : i64} {
  func.func @_spmm_body(%arg0: i32, %arg1: i32, %arg2: memref<10000x128xf32, #tpu.memory_space<hbm>>, %arg3: memref<331776xi32, #tpu.memory_space<hbm>>, %arg4: memref<2592x128xi32, #tpu.memory_space<hbm>>, %arg5: memref<331776xf32, #tpu.memory_space<hbm>>, %arg6: memref<10000x128xf32, #tpu.memory_space<hbm>>, %arg7: memref<2x10000x128xf32, #tpu.memory_space<hbm>>, %arg8: memref<128xi32, #tpu.memory_space<vmem>>, %arg9: memref<128xi32, #tpu.memory_space<vmem>>, %arg10: memref<128xi32, #tpu.memory_space<vmem>>, %arg11: memref<128xf32, #tpu.memory_space<vmem>>, %arg12: memref<128xf32, #tpu.memory_space<vmem>>, %arg13: memref<128xf32, #tpu.memory_space<vmem>>, %arg14: memref<1x128xi32, #tpu.memory_space<vmem>>, %arg15: memref<1x128xi32, #tpu.memory_space<vmem>>, %arg16: memref<1x128xi32, #tpu.memory_space<vmem>>, %arg17: memref<128x128xf32, #tpu.memory_space<vmem>>, %arg18: memref<128x128xf32, #tpu.memory_space<vmem>>, %arg19: memref<128x128xf32, #tpu.memory_space<vmem>>, %arg20: memref<!tpu.dma_semaphore, #tpu.memory_space<semaphore_mem>>, %arg21: memref<!tpu.dma_semaphore, #tpu.memory_space<semaphore_mem>>, %arg22: memref<!tpu.dma_semaphore, #tpu.memory_space<semaphore_mem>>, %arg23: memref<!tpu.dma_semaphore, #tpu.memory_space<semaphore_mem>>, %arg24: memref<!tpu.dma_semaphore, #tpu.memory_space<semaphore_mem>>, %arg25: memref<!tpu.dma_semaphore, #tpu.memory_space<semaphore_mem>>, %arg26: memref<!tpu.dma_semaphore, #tpu.memory_space<semaphore_mem>>, %arg27: memref<!tpu.dma_semaphore, #tpu.memory_space<semaphore_mem>>, %arg28: memref<!tpu.dma_semaphore, #tpu.memory_space<semaphore_mem>>, %arg29: memref<!tpu.dma_semaphore, #tpu.memory_space<semaphore_mem>>, %arg30: memref<!tpu.dma_semaphore, #tpu.memory_space<semaphore_mem>>, %arg31: memref<!tpu.dma_semaphore, #tpu.memory_space<semaphore_mem>>, %arg32: memref<10000x128xf32, #tpu.memory_space<vmem_shared>>) attributes {dimension_semantics = [#tpu.dimension_semantics<core_parallel>, #tpu.dimension_semantics<subcore_parallel>], iteration_bounds = array<i64: 2, 16>, scalar_prefetch = 0 : i64, scratch_operands = 25 : i64, tpu.core_type = #tpu.core_type<sc_vector_subcore>, window_params = [{transform_indices = #map}, {transform_indices = #map1}, {transform_indices = #map}, {transform_indices = #map1}, {transform_indices = #map}, {transform_indices = #map2}]} {
    %mul3A = arith.constant 2 : i32
    %mul3A_0 = arith.muli %arg1, %mul3A : i32
    %add3A = arith.addi %mul3A_0, %arg0 : i32
    %mul3A_1 = arith.constant 10368 : i32
    %mul3A_2 = arith.muli %add3A, %mul3A_1 : i32
    %mul3A_3 = arith.constant 632 : i32
    %mul3A_4 = arith.muli %arg1, %mul3A_3 : i32
    %lt3A = arith.constant 15 : i32
    %lt3A_5 = arith.cmpi slt, %arg1, %lt3A : i32
    %convert_element_type3A = arith.extui %lt3A_5 : i1 to i32
    %cond3A = arith.constant 0 : i32
    %cond3A_6 = arith.cmpi ne, %convert_element_type3A, %cond3A : i32
    scf.if %cond3A_6 {
      "tpu.region"() ({
        %run_scoped3A = tpu.sem_alloc : memref<!tpu.dma_semaphore, #tpu.memory_space<semaphore_mem>>
        %dma_start3A_78 = arith.constant 0 : i32
        %dma_start3A_79 = tpu.memref_slice %arg32[%mul3A_4, %dma_start3A_78] : memref<10000x128xf32, #tpu.memory_space<vmem_shared>> -> memref<632x128xf32, #tpu.memory_space<vmem_shared>>
        %dma_start3A_80 = arith.constant 0 : i32
        %dma_start3A_81 = tpu.memref_slice %arg6[%mul3A_4, %dma_start3A_80] : memref<10000x128xf32, #tpu.memory_space<hbm>> -> memref<632x128xf32, #tpu.memory_space<hbm>>
        tpu.enqueue_dma source(%dma_start3A_81 : memref<632x128xf32, #tpu.memory_space<hbm>>) target(%dma_start3A_79 : memref<632x128xf32, #tpu.memory_space<vmem_shared>>) target_semaphore(%run_scoped3A : memref<!tpu.dma_semaphore, #tpu.memory_space<semaphore_mem>>)
        %dma_wait3A_82 = arith.constant 0 : i32
        %dma_wait3A_83 = tpu.memref_slice %arg32[%mul3A_4, %dma_wait3A_82] : memref<10000x128xf32, #tpu.memory_space<vmem_shared>> -> memref<632x128xf32, #tpu.memory_space<vmem_shared>>
        %dma_wait3A_84 = arith.constant 0 : i32
        %dma_wait3A_85 = tpu.memref_slice %arg6[%mul3A_4, %dma_wait3A_84] : memref<10000x128xf32, #tpu.memory_space<hbm>> -> memref<632x128xf32, #tpu.memory_space<hbm>>
        tpu.wait_dma2 semaphore(%run_scoped3A : memref<!tpu.dma_semaphore, #tpu.memory_space<semaphore_mem>>) src(%dma_wait3A_85 : memref<632x128xf32, #tpu.memory_space<hbm>>) dst(%dma_wait3A_83 : memref<632x128xf32, #tpu.memory_space<vmem_shared>>)
        tpu.yield
      }) : () -> ()
    } else {
    }
    %eq3A = arith.constant 15 : i32
    %eq3A_7 = arith.cmpi eq, %arg1, %eq3A : i32
    %convert_element_type3A_8 = arith.extui %eq3A_7 : i1 to i32
    %cond3A_9 = arith.constant 0 : i32
    %cond3A_10 = arith.cmpi ne, %convert_element_type3A_8, %cond3A_9 : i32
    scf.if %cond3A_10 {
      "tpu.region"() ({
        %run_scoped3A = tpu.sem_alloc : memref<!tpu.dma_semaphore, #tpu.memory_space<semaphore_mem>>
        %dma_start3A_78 = arith.constant 9480 : i32
        %dma_start3A_79 = arith.constant 0 : i32
        %dma_start3A_80 = tpu.memref_slice %arg32[%dma_start3A_78, %dma_start3A_79] : memref<10000x128xf32, #tpu.memory_space<vmem_shared>> -> memref<520x128xf32, #tpu.memory_space<vmem_shared>>
        %dma_start3A_81 = arith.constant 9480 : i32
        %dma_start3A_82 = arith.constant 0 : i32
        %dma_start3A_83 = tpu.memref_slice %arg6[%dma_start3A_81, %dma_start3A_82] : memref<10000x128xf32, #tpu.memory_space<hbm>> -> memref<520x128xf32, #tpu.memory_space<hbm>>
        tpu.enqueue_dma source(%dma_start3A_83 : memref<520x128xf32, #tpu.memory_space<hbm>>) target(%dma_start3A_80 : memref<520x128xf32, #tpu.memory_space<vmem_shared>>) target_semaphore(%run_scoped3A : memref<!tpu.dma_semaphore, #tpu.memory_space<semaphore_mem>>)
        %dma_wait3A_84 = arith.constant 9480 : i32
        %dma_wait3A_85 = arith.constant 0 : i32
        %dma_wait3A_86 = tpu.memref_slice %arg32[%dma_wait3A_84, %dma_wait3A_85] : memref<10000x128xf32, #tpu.memory_space<vmem_shared>> -> memref<520x128xf32, #tpu.memory_space<vmem_shared>>
        %dma_wait3A_87 = arith.constant 9480 : i32
        %dma_wait3A_88 = arith.constant 0 : i32
        %dma_wait3A_89 = tpu.memref_slice %arg6[%dma_wait3A_87, %dma_wait3A_88] : memref<10000x128xf32, #tpu.memory_space<hbm>> -> memref<520x128xf32, #tpu.memory_space<hbm>>
        tpu.wait_dma2 semaphore(%run_scoped3A : memref<!tpu.dma_semaphore, #tpu.memory_space<semaphore_mem>>) src(%dma_wait3A_89 : memref<520x128xf32, #tpu.memory_space<hbm>>) dst(%dma_wait3A_86 : memref<520x128xf32, #tpu.memory_space<vmem_shared>>)
        tpu.yield
      }) : () -> ()
    } else {
    }
    %barrier3A = arith.constant 0 : index
    tpu.barrier barrier_id(%barrier3A)
    %add3A_11 = arith.constant 0 : i32
    %add3A_12 = arith.addi %mul3A_2, %add3A_11 : i32
    %dma_start3A = tpu.memref_slice %arg3[%add3A_12] : memref<331776xi32, #tpu.memory_space<hbm>> -> memref<128xi32, #tpu.memory_space<hbm>>
    %dma_start3A_13 = tpu.memref_slice %arg3[%add3A_12] : memref<331776xi32, #tpu.memory_space<hbm>> -> memref<128xi32, #tpu.memory_space<hbm>>
    tpu.enqueue_dma source(%dma_start3A_13 : memref<128xi32, #tpu.memory_space<hbm>>) target(%arg8 : memref<128xi32, #tpu.memory_space<vmem>>) target_semaphore(%arg20 : memref<!tpu.dma_semaphore, #tpu.memory_space<semaphore_mem>>)
    %dma_start3A_14 = tpu.memref_slice %arg5[%add3A_12] : memref<331776xf32, #tpu.memory_space<hbm>> -> memref<128xf32, #tpu.memory_space<hbm>>
    %dma_start3A_15 = tpu.memref_slice %arg5[%add3A_12] : memref<331776xf32, #tpu.memory_space<hbm>> -> memref<128xf32, #tpu.memory_space<hbm>>
    tpu.enqueue_dma source(%dma_start3A_15 : memref<128xf32, #tpu.memory_space<hbm>>) target(%arg11 : memref<128xf32, #tpu.memory_space<vmem>>) target_semaphore(%arg20 : memref<!tpu.dma_semaphore, #tpu.memory_space<semaphore_mem>>)
    %dma_wait3A = arith.constant 0 : i32
    %dma_wait3A_16 = tpu.memref_slice %arg3[%dma_wait3A] : memref<331776xi32, #tpu.memory_space<hbm>> -> memref<128xi32, #tpu.memory_space<hbm>>
    %dma_wait3A_17 = arith.constant 0 : i32
    %dma_wait3A_18 = tpu.memref_slice %arg3[%dma_wait3A_17] : memref<331776xi32, #tpu.memory_space<hbm>> -> memref<128xi32, #tpu.memory_space<hbm>>
    tpu.wait_dma2 semaphore(%arg20 : memref<!tpu.dma_semaphore, #tpu.memory_space<semaphore_mem>>) src(%dma_wait3A_18 : memref<128xi32, #tpu.memory_space<hbm>>) dst(%arg8 : memref<128xi32, #tpu.memory_space<vmem>>)
    %dma_wait3A_19 = arith.constant 0 : i32
    %dma_wait3A_20 = tpu.memref_slice %arg5[%dma_wait3A_19] : memref<331776xf32, #tpu.memory_space<hbm>> -> memref<128xf32, #tpu.memory_space<hbm>>
    %dma_wait3A_21 = arith.constant 0 : i32
    %dma_wait3A_22 = tpu.memref_slice %arg5[%dma_wait3A_21] : memref<331776xf32, #tpu.memory_space<hbm>> -> memref<128xf32, #tpu.memory_space<hbm>>
    tpu.wait_dma2 semaphore(%arg20 : memref<!tpu.dma_semaphore, #tpu.memory_space<semaphore_mem>>) src(%dma_wait3A_22 : memref<128xf32, #tpu.memory_space<hbm>>) dst(%arg11 : memref<128xf32, #tpu.memory_space<vmem>>)
    %mul3A_23 = arith.constant 81 : i32
    %mul3A_24 = arith.muli %add3A, %mul3A_23 : i32
    %add3A_25 = arith.constant 0 : i32
    %add3A_26 = arith.addi %mul3A_24, %add3A_25 : i32
    %dma_start3A_27 = arith.constant 0 : i32
    %dma_start3A_28 = tpu.memref_slice %arg4[%add3A_26, %dma_start3A_27] : memref<2592x128xi32, #tpu.memory_space<hbm>> -> memref<1x128xi32, #tpu.memory_space<hbm>>
    %dma_start3A_29 = arith.constant 0 : i32
    %dma_start3A_30 = tpu.memref_slice %arg4[%add3A_26, %dma_start3A_29] : memref<2592x128xi32, #tpu.memory_space<hbm>> -> memref<1x128xi32, #tpu.memory_space<hbm>>
    tpu.enqueue_dma source(%dma_start3A_30 : memref<1x128xi32, #tpu.memory_space<hbm>>) target(%arg14 : memref<1x128xi32, #tpu.memory_space<vmem>>) target_semaphore(%arg23 : memref<!tpu.dma_semaphore, #tpu.memory_space<semaphore_mem>>)
    %dma_start3A_31 = arith.constant 0 : i32
    %dma_start3A_32 = arith.constant 0 : i32
    %dma_start3A_33 = tpu.memref_slice %arg2[%dma_start3A_31, %dma_start3A_32] : memref<10000x128xf32, #tpu.memory_space<hbm>> -> memref<10000x128xf32, #tpu.memory_space<hbm>>
    tpu.enqueue_indirect_dma source(%dma_start3A_33 : memref<10000x128xf32, #tpu.memory_space<hbm>>) target(%arg17 : memref<128x128xf32, #tpu.memory_space<vmem>>) offsets(%arg8 : memref<128xi32, #tpu.memory_space<vmem>>) semaphore(%arg26 : memref<!tpu.dma_semaphore, #tpu.memory_space<semaphore_mem>>)
    %add3A_34 = arith.constant 128 : i32
    %add3A_35 = arith.addi %mul3A_2, %add3A_34 : i32
    %dma_start3A_36 = tpu.memref_slice %arg3[%add3A_35] : memref<331776xi32, #tpu.memory_space<hbm>> -> memref<128xi32, #tpu.memory_space<hbm>>
    %dma_start3A_37 = tpu.memref_slice %arg3[%add3A_35] : memref<331776xi32, #tpu.memory_space<hbm>> -> memref<128xi32, #tpu.memory_space<hbm>>
    tpu.enqueue_dma source(%dma_start3A_37 : memref<128xi32, #tpu.memory_space<hbm>>) target(%arg9 : memref<128xi32, #tpu.memory_space<vmem>>) target_semaphore(%arg21 : memref<!tpu.dma_semaphore, #tpu.memory_space<semaphore_mem>>)
    %dma_start3A_38 = tpu.memref_slice %arg5[%add3A_35] : memref<331776xf32, #tpu.memory_space<hbm>> -> memref<128xf32, #tpu.memory_space<hbm>>
    %dma_start3A_39 = tpu.memref_slice %arg5[%add3A_35] : memref<331776xf32, #tpu.memory_space<hbm>> -> memref<128xf32, #tpu.memory_space<hbm>>
    tpu.enqueue_dma source(%dma_start3A_39 : memref<128xf32, #tpu.memory_space<hbm>>) target(%arg12 : memref<128xf32, #tpu.memory_space<vmem>>) target_semaphore(%arg21 : memref<!tpu.dma_semaphore, #tpu.memory_space<semaphore_mem>>)
    %scan3A = arith.constant 0 : i32
    %scan3A_40 = arith.constant 0 : i32
    %scan3A_41 = arith.constant 27 : i32
    %scan3A_42 = arith.addi %scan3A_40, %scan3A_41 : i32
    %scan3A_43 = arith.constant 1 : i32
    %scan3A_44 = scf.for %scan3A_78 = %scan3A_40 to %scan3A_42 step %scan3A_43 iter_args(%scan3A_79 = %scan3A) -> (i32)  : i32 {
      %mul3A_80 = arith.constant 3 : i32
      %mul3A_81 = arith.muli %scan3A_78, %mul3A_80 : i32
      %add3A_82 = arith.constant 0 : i32
      %add3A_83 = arith.addi %mul3A_81, %add3A_82 : i32
      %dma_wait3A_84 = arith.constant 0 : i32
      %dma_wait3A_85 = arith.constant 0 : i32
      %dma_wait3A_86 = tpu.memref_slice %arg2[%dma_wait3A_84, %dma_wait3A_85] : memref<10000x128xf32, #tpu.memory_space<hbm>> -> memref<10000x128xf32, #tpu.memory_space<hbm>>
      tpu.wait_indirect_dma semaphore(%arg26 : memref<!tpu.dma_semaphore, #tpu.memory_space<semaphore_mem>>) src(%dma_wait3A_86 : memref<10000x128xf32, #tpu.memory_space<hbm>>) dst(%arg17 : memref<128x128xf32, #tpu.memory_space<vmem>>)
      %add3A_87 = arith.constant 1 : i32
      %add3A_88 = arith.addi %add3A_83, %add3A_87 : i32
      %lt3A_89 = arith.constant 81 : i32
      %lt3A_90 = arith.cmpi slt, %add3A_88, %lt3A_89 : i32
      %convert_element_type3A_91 = arith.extui %lt3A_90 : i1 to i32
      %cond3A_92 = arith.constant 0 : i32
      %cond3A_93 = arith.cmpi ne, %convert_element_type3A_91, %cond3A_92 : i32
      scf.if %cond3A_93 {
        %dma_wait3A_191 = arith.constant 0 : i32
        %dma_wait3A_192 = tpu.memref_slice %arg3[%dma_wait3A_191] : memref<331776xi32, #tpu.memory_space<hbm>> -> memref<128xi32, #tpu.memory_space<hbm>>
        %dma_wait3A_193 = arith.constant 0 : i32
        %dma_wait3A_194 = tpu.memref_slice %arg3[%dma_wait3A_193] : memref<331776xi32, #tpu.memory_space<hbm>> -> memref<128xi32, #tpu.memory_space<hbm>>
        tpu.wait_dma2 semaphore(%arg21 : memref<!tpu.dma_semaphore, #tpu.memory_space<semaphore_mem>>) src(%dma_wait3A_194 : memref<128xi32, #tpu.memory_space<hbm>>) dst(%arg9 : memref<128xi32, #tpu.memory_space<vmem>>)
        %dma_wait3A_195 = arith.constant 0 : i32
        %dma_wait3A_196 = tpu.memref_slice %arg5[%dma_wait3A_195] : memref<331776xf32, #tpu.memory_space<hbm>> -> memref<128xf32, #tpu.memory_space<hbm>>
        %dma_wait3A_197 = arith.constant 0 : i32
        %dma_wait3A_198 = tpu.memref_slice %arg5[%dma_wait3A_197] : memref<331776xf32, #tpu.memory_space<hbm>> -> memref<128xf32, #tpu.memory_space<hbm>>
        tpu.wait_dma2 semaphore(%arg21 : memref<!tpu.dma_semaphore, #tpu.memory_space<semaphore_mem>>) src(%dma_wait3A_198 : memref<128xf32, #tpu.memory_space<hbm>>) dst(%arg12 : memref<128xf32, #tpu.memory_space<vmem>>)
        %add3A_199 = arith.constant 1 : i32
        %add3A_200 = arith.addi %add3A_83, %add3A_199 : i32
        %ge3A = arith.constant 3 : i32
        %ge3A_201 = arith.cmpi sge, %add3A_200, %ge3A : i32
        %convert_element_type3A_202 = arith.extui %ge3A_201 : i1 to i32
        %cond3A_203 = arith.constant 0 : i32
        %cond3A_204 = arith.cmpi ne, %convert_element_type3A_202, %cond3A_203 : i32
        scf.if %cond3A_204 {
          %dma_wait3A_217 = arith.constant 0 : i32
          %dma_wait3A_218 = arith.constant 0 : i32
          %dma_wait3A_219 = tpu.memref_slice %arg15[%dma_wait3A_217, %dma_wait3A_218] : memref<1x128xi32, #tpu.memory_space<vmem>> -> memref<1x128xi32, #tpu.memory_space<vmem>>
          %dma_wait3A_220 = tpu.memref_squeeze %dma_wait3A_219 : memref<1x128xi32, #tpu.memory_space<vmem>> -> memref<128xi32, #tpu.memory_space<vmem>>
          %dma_wait3A_221 = arith.constant 0 : i32
          %dma_wait3A_222 = arith.constant 0 : i32
          %dma_wait3A_223 = tpu.memref_slice %arg32[%dma_wait3A_221, %dma_wait3A_222] : memref<10000x128xf32, #tpu.memory_space<vmem_shared>> -> memref<10000x128xf32, #tpu.memory_space<vmem_shared>>
          tpu.wait_indirect_dma semaphore(%arg30 : memref<!tpu.dma_semaphore, #tpu.memory_space<semaphore_mem>>) src(%arg18 : memref<128x128xf32, #tpu.memory_space<vmem>>) dst(%dma_wait3A_223 : memref<10000x128xf32, #tpu.memory_space<vmem_shared>>)
        } else {
        }
        %dma_start3A_205 = arith.constant 0 : i32
        %dma_start3A_206 = arith.constant 0 : i32
        %dma_start3A_207 = tpu.memref_slice %arg2[%dma_start3A_205, %dma_start3A_206] : memref<10000x128xf32, #tpu.memory_space<hbm>> -> memref<10000x128xf32, #tpu.memory_space<hbm>>
        tpu.enqueue_indirect_dma source(%dma_start3A_207 : memref<10000x128xf32, #tpu.memory_space<hbm>>) target(%arg18 : memref<128x128xf32, #tpu.memory_space<vmem>>) offsets(%arg9 : memref<128xi32, #tpu.memory_space<vmem>>) semaphore(%arg27 : memref<!tpu.dma_semaphore, #tpu.memory_space<semaphore_mem>>)
        %add3A_208 = arith.constant 1 : i32
        %add3A_209 = arith.addi %add3A_83, %add3A_208 : i32
        %mul3A_210 = arith.constant 81 : i32
        %mul3A_211 = arith.muli %add3A, %mul3A_210 : i32
        %add3A_212 = arith.addi %mul3A_211, %add3A_209 : i32
        %dma_start3A_213 = arith.constant 0 : i32
        %dma_start3A_214 = tpu.memref_slice %arg4[%add3A_212, %dma_start3A_213] : memref<2592x128xi32, #tpu.memory_space<hbm>> -> memref<1x128xi32, #tpu.memory_space<hbm>>
        %dma_start3A_215 = arith.constant 0 : i32
        %dma_start3A_216 = tpu.memref_slice %arg4[%add3A_212, %dma_start3A_215] : memref<2592x128xi32, #tpu.memory_space<hbm>> -> memref<1x128xi32, #tpu.memory_space<hbm>>
        tpu.enqueue_dma source(%dma_start3A_216 : memref<1x128xi32, #tpu.memory_space<hbm>>) target(%arg15 : memref<1x128xi32, #tpu.memory_space<vmem>>) target_semaphore(%arg24 : memref<!tpu.dma_semaphore, #tpu.memory_space<semaphore_mem>>)
      } else {
      }
      %parallel_loop3A = arith.constant 0 : i32
      %parallel_loop3A_94 = arith.constant 128 : i32
      %parallel_loop3A_95 = arith.constant 1 : i32
      scf.for %parallel_loop3A_191 = %parallel_loop3A to %parallel_loop3A_94 step %parallel_loop3A_95  : i32 {
        %parallel_loop3A_192 = arith.constant 0 : i32
        %parallel_loop3A_193 = vector.broadcast %parallel_loop3A_192 : i32 to vector<16xi32>
        %parallel_loop3A_194 = vector.broadcast %parallel_loop3A_191 : i32 to vector<16xi32>
        %parallel_loop3A_195 = arith.addi %parallel_loop3A_193, %parallel_loop3A_194 : vector<16xi32>
        %parallel_loop3A_196 = tpu.vector_load_idx %arg11[%parallel_loop3A_195] : memref<128xf32, #tpu.memory_space<vmem>>[vector<16xi32>], vector<16xf32>,
        %parallel_loop3A_197 = arith.index_cast %parallel_loop3A_191 : i32 to index
        %parallel_loop3A_198 = arith.constant 0 : index
        %parallel_loop3A_199 = tpu.vector_load %arg17[%parallel_loop3A_197, %parallel_loop3A_198] {strides = array<i32>} : memref<128x128xf32, #tpu.memory_space<vmem>>, vector<16xf32>,
        %parallel_loop3A_200 = arith.mulf %parallel_loop3A_199, %parallel_loop3A_196 : vector<16xf32>
        %parallel_loop3A_201 = arith.index_cast %parallel_loop3A_191 : i32 to index
        %parallel_loop3A_202 = arith.constant 0 : index
        %parallel_loop3A_203 = tpu.vector_load %arg17[%parallel_loop3A_201, %parallel_loop3A_202] {strides = array<i32>} : memref<128x128xf32, #tpu.memory_space<vmem>>, vector<16xf32>,
        tpu.vector_store %arg17[%parallel_loop3A_201, %parallel_loop3A_202], %parallel_loop3A_200 {strides = array<i32>} : memref<128x128xf32, #tpu.memory_space<vmem>>, vector<16xf32>,
        %parallel_loop3A_204 = arith.index_cast %parallel_loop3A_191 : i32 to index
        %parallel_loop3A_205 = arith.constant 16 : index
        %parallel_loop3A_206 = tpu.vector_load %arg17[%parallel_loop3A_204, %parallel_loop3A_205] {strides = array<i32>} : memref<128x128xf32, #tpu.memory_space<vmem>>, vector<16xf32>,
        %parallel_loop3A_207 = arith.mulf %parallel_loop3A_206, %parallel_loop3A_196 : vector<16xf32>
        %parallel_loop3A_208 = arith.index_cast %parallel_loop3A_191 : i32 to index
        %parallel_loop3A_209 = arith.constant 16 : index
        %parallel_loop3A_210 = tpu.vector_load %arg17[%parallel_loop3A_208, %parallel_loop3A_209] {strides = array<i32>} : memref<128x128xf32, #tpu.memory_space<vmem>>, vector<16xf32>,
        tpu.vector_store %arg17[%parallel_loop3A_208, %parallel_loop3A_209], %parallel_loop3A_207 {strides = array<i32>} : memref<128x128xf32, #tpu.memory_space<vmem>>, vector<16xf32>,
        %parallel_loop3A_211 = arith.index_cast %parallel_loop3A_191 : i32 to index
        %parallel_loop3A_212 = arith.constant 32 : index
        %parallel_loop3A_213 = tpu.vector_load %arg17[%parallel_loop3A_211, %parallel_loop3A_212] {strides = array<i32>} : memref<128x128xf32, #tpu.memory_space<vmem>>, vector<16xf32>,
        %parallel_loop3A_214 = arith.mulf %parallel_loop3A_213, %parallel_loop3A_196 : vector<16xf32>
        %parallel_loop3A_215 = arith.index_cast %parallel_loop3A_191 : i32 to index
        %parallel_loop3A_216 = arith.constant 32 : index
        %parallel_loop3A_217 = tpu.vector_load %arg17[%parallel_loop3A_215, %parallel_loop3A_216] {strides = array<i32>} : memref<128x128xf32, #tpu.memory_space<vmem>>, vector<16xf32>,
        tpu.vector_store %arg17[%parallel_loop3A_215, %parallel_loop3A_216], %parallel_loop3A_214 {strides = array<i32>} : memref<128x128xf32, #tpu.memory_space<vmem>>, vector<16xf32>,
        %parallel_loop3A_218 = arith.index_cast %parallel_loop3A_191 : i32 to index
        %parallel_loop3A_219 = arith.constant 48 : index
        %parallel_loop3A_220 = tpu.vector_load %arg17[%parallel_loop3A_218, %parallel_loop3A_219] {strides = array<i32>} : memref<128x128xf32, #tpu.memory_space<vmem>>, vector<16xf32>,
        %parallel_loop3A_221 = arith.mulf %parallel_loop3A_220, %parallel_loop3A_196 : vector<16xf32>
        %parallel_loop3A_222 = arith.index_cast %parallel_loop3A_191 : i32 to index
        %parallel_loop3A_223 = arith.constant 48 : index
        %parallel_loop3A_224 = tpu.vector_load %arg17[%parallel_loop3A_222, %parallel_loop3A_223] {strides = array<i32>} : memref<128x128xf32, #tpu.memory_space<vmem>>, vector<16xf32>,
        tpu.vector_store %arg17[%parallel_loop3A_222, %parallel_loop3A_223], %parallel_loop3A_221 {strides = array<i32>} : memref<128x128xf32, #tpu.memory_space<vmem>>, vector<16xf32>,
        %parallel_loop3A_225 = arith.index_cast %parallel_loop3A_191 : i32 to index
        %parallel_loop3A_226 = arith.constant 64 : index
        %parallel_loop3A_227 = tpu.vector_load %arg17[%parallel_loop3A_225, %parallel_loop3A_226] {strides = array<i32>} : memref<128x128xf32, #tpu.memory_space<vmem>>, vector<16xf32>,
        %parallel_loop3A_228 = arith.mulf %parallel_loop3A_227, %parallel_loop3A_196 : vector<16xf32>
        %parallel_loop3A_229 = arith.index_cast %parallel_loop3A_191 : i32 to index
        %parallel_loop3A_230 = arith.constant 64 : index
        %parallel_loop3A_231 = tpu.vector_load %arg17[%parallel_loop3A_229, %parallel_loop3A_230] {strides = array<i32>} : memref<128x128xf32, #tpu.memory_space<vmem>>, vector<16xf32>,
        tpu.vector_store %arg17[%parallel_loop3A_229, %parallel_loop3A_230], %parallel_loop3A_228 {strides = array<i32>} : memref<128x128xf32, #tpu.memory_space<vmem>>, vector<16xf32>,
        %parallel_loop3A_232 = arith.index_cast %parallel_loop3A_191 : i32 to index
        %parallel_loop3A_233 = arith.constant 80 : index
        %parallel_loop3A_234 = tpu.vector_load %arg17[%parallel_loop3A_232, %parallel_loop3A_233] {strides = array<i32>} : memref<128x128xf32, #tpu.memory_space<vmem>>, vector<16xf32>,
        %parallel_loop3A_235 = arith.mulf %parallel_loop3A_234, %parallel_loop3A_196 : vector<16xf32>
        %parallel_loop3A_236 = arith.index_cast %parallel_loop3A_191 : i32 to index
        %parallel_loop3A_237 = arith.constant 80 : index
        %parallel_loop3A_238 = tpu.vector_load %arg17[%parallel_loop3A_236, %parallel_loop3A_237] {strides = array<i32>} : memref<128x128xf32, #tpu.memory_space<vmem>>, vector<16xf32>,
        tpu.vector_store %arg17[%parallel_loop3A_236, %parallel_loop3A_237], %parallel_loop3A_235 {strides = array<i32>} : memref<128x128xf32, #tpu.memory_space<vmem>>, vector<16xf32>,
        %parallel_loop3A_239 = arith.index_cast %parallel_loop3A_191 : i32 to index
        %parallel_loop3A_240 = arith.constant 96 : index
        %parallel_loop3A_241 = tpu.vector_load %arg17[%parallel_loop3A_239, %parallel_loop3A_240] {strides = array<i32>} : memref<128x128xf32, #tpu.memory_space<vmem>>, vector<16xf32>,
        %parallel_loop3A_242 = arith.mulf %parallel_loop3A_241, %parallel_loop3A_196 : vector<16xf32>
        %parallel_loop3A_243 = arith.index_cast %parallel_loop3A_191 : i32 to index
        %parallel_loop3A_244 = arith.constant 96 : index
        %parallel_loop3A_245 = tpu.vector_load %arg17[%parallel_loop3A_243, %parallel_loop3A_244] {strides = array<i32>} : memref<128x128xf32, #tpu.memory_space<vmem>>, vector<16xf32>,
        tpu.vector_store %arg17[%parallel_loop3A_243, %parallel_loop3A_244], %parallel_loop3A_242 {strides = array<i32>} : memref<128x128xf32, #tpu.memory_space<vmem>>, vector<16xf32>,
        %parallel_loop3A_246 = arith.index_cast %parallel_loop3A_191 : i32 to index
        %parallel_loop3A_247 = arith.constant 112 : index
        %parallel_loop3A_248 = tpu.vector_load %arg17[%parallel_loop3A_246, %parallel_loop3A_247] {strides = array<i32>} : memref<128x128xf32, #tpu.memory_space<vmem>>, vector<16xf32>,
        %parallel_loop3A_249 = arith.mulf %parallel_loop3A_248, %parallel_loop3A_196 : vector<16xf32>
        %parallel_loop3A_250 = arith.index_cast %parallel_loop3A_191 : i32 to index
        %parallel_loop3A_251 = arith.constant 112 : index
        %parallel_loop3A_252 = tpu.vector_load %arg17[%parallel_loop3A_250, %parallel_loop3A_251] {strides = array<i32>} : memref<128x128xf32, #tpu.memory_space<vmem>>, vector<16xf32>,
        tpu.vector_store %arg17[%parallel_loop3A_250, %parallel_loop3A_251], %parallel_loop3A_249 {strides = array<i32>} : memref<128x128xf32, #tpu.memory_space<vmem>>, vector<16xf32>,
      } {sc.loop_unroll_factor = 4 : i64, sc.parallel_access}
      %dma_wait3A_96 = arith.constant 0 : i32
      %dma_wait3A_97 = arith.constant 0 : i32
      %dma_wait3A_98 = tpu.memref_slice %arg4[%dma_wait3A_96, %dma_wait3A_97] : memref<2592x128xi32, #tpu.memory_space<hbm>> -> memref<1x128xi32, #tpu.memory_space<hbm>>
      %dma_wait3A_99 = arith.constant 0 : i32
      %dma_wait3A_100 = arith.constant 0 : i32
      %dma_wait3A_101 = tpu.memref_slice %arg4[%dma_wait3A_99, %dma_wait3A_100] : memref<2592x128xi32, #tpu.memory_space<hbm>> -> memref<1x128xi32, #tpu.memory_space<hbm>>
      tpu.wait_dma2 semaphore(%arg23 : memref<!tpu.dma_semaphore, #tpu.memory_space<semaphore_mem>>) src(%dma_wait3A_101 : memref<1x128xi32, #tpu.memory_space<hbm>>) dst(%arg14 : memref<1x128xi32, #tpu.memory_space<vmem>>)
      %dma_start3A_102 = arith.constant 0 : i32
      %dma_start3A_103 = arith.constant 0 : i32
      %dma_start3A_104 = tpu.memref_slice %arg14[%dma_start3A_102, %dma_start3A_103] : memref<1x128xi32, #tpu.memory_space<vmem>> -> memref<1x128xi32, #tpu.memory_space<vmem>>
      %dma_start3A_105 = tpu.memref_squeeze %dma_start3A_104 : memref<1x128xi32, #tpu.memory_space<vmem>> -> memref<128xi32, #tpu.memory_space<vmem>>
      %dma_start3A_106 = arith.constant 0 : i32
      %dma_start3A_107 = arith.constant 0 : i32
      %dma_start3A_108 = tpu.memref_slice %arg32[%dma_start3A_106, %dma_start3A_107] : memref<10000x128xf32, #tpu.memory_space<vmem_shared>> -> memref<10000x128xf32, #tpu.memory_space<vmem_shared>>
      tpu.enqueue_indirect_dma source(%arg17 : memref<128x128xf32, #tpu.memory_space<vmem>>) target(%dma_start3A_108 : memref<10000x128xf32, #tpu.memory_space<vmem_shared>>) offsets(%dma_start3A_105 : memref<128xi32, #tpu.memory_space<vmem>>) semaphore(%arg29 : memref<!tpu.dma_semaphore, #tpu.memory_space<semaphore_mem>>) {add = true}
      %add3A_109 = arith.constant 2 : i32
      %add3A_110 = arith.addi %add3A_83, %add3A_109 : i32
      %lt3A_111 = arith.constant 81 : i32
      %lt3A_112 = arith.cmpi slt, %add3A_110, %lt3A_111 : i32
      %convert_element_type3A_113 = arith.extui %lt3A_112 : i1 to i32
      %cond3A_114 = arith.constant 0 : i32
      %cond3A_115 = arith.cmpi ne, %convert_element_type3A_113, %cond3A_114 : i32
      scf.if %cond3A_115 {
        %add3A_191 = arith.constant 2 : i32
        %add3A_192 = arith.addi %add3A_83, %add3A_191 : i32
        %mul3A_193 = arith.constant 128 : i32
        %mul3A_194 = arith.muli %add3A_192, %mul3A_193 : i32
        %add3A_195 = arith.addi %mul3A_2, %mul3A_194 : i32
        %dma_start3A_196 = tpu.memref_slice %arg3[%add3A_195] : memref<331776xi32, #tpu.memory_space<hbm>> -> memref<128xi32, #tpu.memory_space<hbm>>
        %dma_start3A_197 = tpu.memref_slice %arg3[%add3A_195] : memref<331776xi32, #tpu.memory_space<hbm>> -> memref<128xi32, #tpu.memory_space<hbm>>
        tpu.enqueue_dma source(%dma_start3A_197 : memref<128xi32, #tpu.memory_space<hbm>>) target(%arg10 : memref<128xi32, #tpu.memory_space<vmem>>) target_semaphore(%arg22 : memref<!tpu.dma_semaphore, #tpu.memory_space<semaphore_mem>>)
        %dma_start3A_198 = tpu.memref_slice %arg5[%add3A_195] : memref<331776xf32, #tpu.memory_space<hbm>> -> memref<128xf32, #tpu.memory_space<hbm>>
        %dma_start3A_199 = tpu.memref_slice %arg5[%add3A_195] : memref<331776xf32, #tpu.memory_space<hbm>> -> memref<128xf32, #tpu.memory_space<hbm>>
        tpu.enqueue_dma source(%dma_start3A_199 : memref<128xf32, #tpu.memory_space<hbm>>) target(%arg13 : memref<128xf32, #tpu.memory_space<vmem>>) target_semaphore(%arg22 : memref<!tpu.dma_semaphore, #tpu.memory_space<semaphore_mem>>)
      } else {
      }
      %mul3A_116 = arith.constant 3 : i32
      %mul3A_117 = arith.muli %scan3A_78, %mul3A_116 : i32
      %add3A_118 = arith.constant 1 : i32
      %add3A_119 = arith.addi %mul3A_117, %add3A_118 : i32
      %dma_wait3A_120 = arith.constant 0 : i32
      %dma_wait3A_121 = arith.constant 0 : i32
      %dma_wait3A_122 = tpu.memref_slice %arg2[%dma_wait3A_120, %dma_wait3A_121] : memref<10000x128xf32, #tpu.memory_space<hbm>> -> memref<10000x128xf32, #tpu.memory_space<hbm>>
      tpu.wait_indirect_dma semaphore(%arg27 : memref<!tpu.dma_semaphore, #tpu.memory_space<semaphore_mem>>) src(%dma_wait3A_122 : memref<10000x128xf32, #tpu.memory_space<hbm>>) dst(%arg18 : memref<128x128xf32, #tpu.memory_space<vmem>>)
      %add3A_123 = arith.constant 1 : i32
      %add3A_124 = arith.addi %add3A_119, %add3A_123 : i32
      %lt3A_125 = arith.constant 81 : i32
      %lt3A_126 = arith.cmpi slt, %add3A_124, %lt3A_125 : i32
      %convert_element_type3A_127 = arith.extui %lt3A_126 : i1 to i32
      %cond3A_128 = arith.constant 0 : i32
      %cond3A_129 = arith.cmpi ne, %convert_element_type3A_127, %cond3A_128 : i32
      scf.if %cond3A_129 {
        %dma_wait3A_191 = arith.constant 0 : i32
        %dma_wait3A_192 = tpu.memref_slice %arg3[%dma_wait3A_191] : memref<331776xi32, #tpu.memory_space<hbm>> -> memref<128xi32, #tpu.memory_space<hbm>>
        %dma_wait3A_193 = arith.constant 0 : i32
        %dma_wait3A_194 = tpu.memref_slice %arg3[%dma_wait3A_193] : memref<331776xi32, #tpu.memory_space<hbm>> -> memref<128xi32, #tpu.memory_space<hbm>>
        tpu.wait_dma2 semaphore(%arg22 : memref<!tpu.dma_semaphore, #tpu.memory_space<semaphore_mem>>) src(%dma_wait3A_194 : memref<128xi32, #tpu.memory_space<hbm>>) dst(%arg10 : memref<128xi32, #tpu.memory_space<vmem>>)
        %dma_wait3A_195 = arith.constant 0 : i32
        %dma_wait3A_196 = tpu.memref_slice %arg5[%dma_wait3A_195] : memref<331776xf32, #tpu.memory_space<hbm>> -> memref<128xf32, #tpu.memory_space<hbm>>
        %dma_wait3A_197 = arith.constant 0 : i32
        %dma_wait3A_198 = tpu.memref_slice %arg5[%dma_wait3A_197] : memref<331776xf32, #tpu.memory_space<hbm>> -> memref<128xf32, #tpu.memory_space<hbm>>
        tpu.wait_dma2 semaphore(%arg22 : memref<!tpu.dma_semaphore, #tpu.memory_space<semaphore_mem>>) src(%dma_wait3A_198 : memref<128xf32, #tpu.memory_space<hbm>>) dst(%arg13 : memref<128xf32, #tpu.memory_space<vmem>>)
        %add3A_199 = arith.constant 1 : i32
        %add3A_200 = arith.addi %add3A_119, %add3A_199 : i32
        %ge3A = arith.constant 3 : i32
        %ge3A_201 = arith.cmpi sge, %add3A_200, %ge3A : i32
        %convert_element_type3A_202 = arith.extui %ge3A_201 : i1 to i32
        %cond3A_203 = arith.constant 0 : i32
        %cond3A_204 = arith.cmpi ne, %convert_element_type3A_202, %cond3A_203 : i32
        scf.if %cond3A_204 {
          %dma_wait3A_217 = arith.constant 0 : i32
          %dma_wait3A_218 = arith.constant 0 : i32
          %dma_wait3A_219 = tpu.memref_slice %arg16[%dma_wait3A_217, %dma_wait3A_218] : memref<1x128xi32, #tpu.memory_space<vmem>> -> memref<1x128xi32, #tpu.memory_space<vmem>>
          %dma_wait3A_220 = tpu.memref_squeeze %dma_wait3A_219 : memref<1x128xi32, #tpu.memory_space<vmem>> -> memref<128xi32, #tpu.memory_space<vmem>>
          %dma_wait3A_221 = arith.constant 0 : i32
          %dma_wait3A_222 = arith.constant 0 : i32
          %dma_wait3A_223 = tpu.memref_slice %arg32[%dma_wait3A_221, %dma_wait3A_222] : memref<10000x128xf32, #tpu.memory_space<vmem_shared>> -> memref<10000x128xf32, #tpu.memory_space<vmem_shared>>
          tpu.wait_indirect_dma semaphore(%arg31 : memref<!tpu.dma_semaphore, #tpu.memory_space<semaphore_mem>>) src(%arg19 : memref<128x128xf32, #tpu.memory_space<vmem>>) dst(%dma_wait3A_223 : memref<10000x128xf32, #tpu.memory_space<vmem_shared>>)
        } else {
        }
        %dma_start3A_205 = arith.constant 0 : i32
        %dma_start3A_206 = arith.constant 0 : i32
        %dma_start3A_207 = tpu.memref_slice %arg2[%dma_start3A_205, %dma_start3A_206] : memref<10000x128xf32, #tpu.memory_space<hbm>> -> memref<10000x128xf32, #tpu.memory_space<hbm>>
        tpu.enqueue_indirect_dma source(%dma_start3A_207 : memref<10000x128xf32, #tpu.memory_space<hbm>>) target(%arg19 : memref<128x128xf32, #tpu.memory_space<vmem>>) offsets(%arg10 : memref<128xi32, #tpu.memory_space<vmem>>) semaphore(%arg28 : memref<!tpu.dma_semaphore, #tpu.memory_space<semaphore_mem>>)
        %add3A_208 = arith.constant 1 : i32
        %add3A_209 = arith.addi %add3A_119, %add3A_208 : i32
        %mul3A_210 = arith.constant 81 : i32
        %mul3A_211 = arith.muli %add3A, %mul3A_210 : i32
        %add3A_212 = arith.addi %mul3A_211, %add3A_209 : i32
        %dma_start3A_213 = arith.constant 0 : i32
        %dma_start3A_214 = tpu.memref_slice %arg4[%add3A_212, %dma_start3A_213] : memref<2592x128xi32, #tpu.memory_space<hbm>> -> memref<1x128xi32, #tpu.memory_space<hbm>>
        %dma_start3A_215 = arith.constant 0 : i32
        %dma_start3A_216 = tpu.memref_slice %arg4[%add3A_212, %dma_start3A_215] : memref<2592x128xi32, #tpu.memory_space<hbm>> -> memref<1x128xi32, #tpu.memory_space<hbm>>
        tpu.enqueue_dma source(%dma_start3A_216 : memref<1x128xi32, #tpu.memory_space<hbm>>) target(%arg16 : memref<1x128xi32, #tpu.memory_space<vmem>>) target_semaphore(%arg25 : memref<!tpu.dma_semaphore, #tpu.memory_space<semaphore_mem>>)
      } else {
      }
      %parallel_loop3A_130 = arith.constant 0 : i32
      %parallel_loop3A_131 = arith.constant 128 : i32
      %parallel_loop3A_132 = arith.constant 1 : i32
      scf.for %parallel_loop3A_191 = %parallel_loop3A_130 to %parallel_loop3A_131 step %parallel_loop3A_132  : i32 {
        %parallel_loop3A_192 = arith.constant 0 : i32
        %parallel_loop3A_193 = vector.broadcast %parallel_loop3A_192 : i32 to vector<16xi32>
        %parallel_loop3A_194 = vector.broadcast %parallel_loop3A_191 : i32 to vector<16xi32>
        %parallel_loop3A_195 = arith.addi %parallel_loop3A_193, %parallel_loop3A_194 : vector<16xi32>
        %parallel_loop3A_196 = tpu.vector_load_idx %arg12[%parallel_loop3A_195] : memref<128xf32, #tpu.memory_space<vmem>>[vector<16xi32>], vector<16xf32>,
        %parallel_loop3A_197 = arith.index_cast %parallel_loop3A_191 : i32 to index
        %parallel_loop3A_198 = arith.constant 0 : index
        %parallel_loop3A_199 = tpu.vector_load %arg18[%parallel_loop3A_197, %parallel_loop3A_198] {strides = array<i32>} : memref<128x128xf32, #tpu.memory_space<vmem>>, vector<16xf32>,
        %parallel_loop3A_200 = arith.mulf %parallel_loop3A_199, %parallel_loop3A_196 : vector<16xf32>
        %parallel_loop3A_201 = arith.index_cast %parallel_loop3A_191 : i32 to index
        %parallel_loop3A_202 = arith.constant 0 : index
        %parallel_loop3A_203 = tpu.vector_load %arg18[%parallel_loop3A_201, %parallel_loop3A_202] {strides = array<i32>} : memref<128x128xf32, #tpu.memory_space<vmem>>, vector<16xf32>,
        tpu.vector_store %arg18[%parallel_loop3A_201, %parallel_loop3A_202], %parallel_loop3A_200 {strides = array<i32>} : memref<128x128xf32, #tpu.memory_space<vmem>>, vector<16xf32>,
        %parallel_loop3A_204 = arith.index_cast %parallel_loop3A_191 : i32 to index
        %parallel_loop3A_205 = arith.constant 16 : index
        %parallel_loop3A_206 = tpu.vector_load %arg18[%parallel_loop3A_204, %parallel_loop3A_205] {strides = array<i32>} : memref<128x128xf32, #tpu.memory_space<vmem>>, vector<16xf32>,
        %parallel_loop3A_207 = arith.mulf %parallel_loop3A_206, %parallel_loop3A_196 : vector<16xf32>
        %parallel_loop3A_208 = arith.index_cast %parallel_loop3A_191 : i32 to index
        %parallel_loop3A_209 = arith.constant 16 : index
        %parallel_loop3A_210 = tpu.vector_load %arg18[%parallel_loop3A_208, %parallel_loop3A_209] {strides = array<i32>} : memref<128x128xf32, #tpu.memory_space<vmem>>, vector<16xf32>,
        tpu.vector_store %arg18[%parallel_loop3A_208, %parallel_loop3A_209], %parallel_loop3A_207 {strides = array<i32>} : memref<128x128xf32, #tpu.memory_space<vmem>>, vector<16xf32>,
        %parallel_loop3A_211 = arith.index_cast %parallel_loop3A_191 : i32 to index
        %parallel_loop3A_212 = arith.constant 32 : index
        %parallel_loop3A_213 = tpu.vector_load %arg18[%parallel_loop3A_211, %parallel_loop3A_212] {strides = array<i32>} : memref<128x128xf32, #tpu.memory_space<vmem>>, vector<16xf32>,
        %parallel_loop3A_214 = arith.mulf %parallel_loop3A_213, %parallel_loop3A_196 : vector<16xf32>
        %parallel_loop3A_215 = arith.index_cast %parallel_loop3A_191 : i32 to index
        %parallel_loop3A_216 = arith.constant 32 : index
        %parallel_loop3A_217 = tpu.vector_load %arg18[%parallel_loop3A_215, %parallel_loop3A_216] {strides = array<i32>} : memref<128x128xf32, #tpu.memory_space<vmem>>, vector<16xf32>,
        tpu.vector_store %arg18[%parallel_loop3A_215, %parallel_loop3A_216], %parallel_loop3A_214 {strides = array<i32>} : memref<128x128xf32, #tpu.memory_space<vmem>>, vector<16xf32>,
        %parallel_loop3A_218 = arith.index_cast %parallel_loop3A_191 : i32 to index
        %parallel_loop3A_219 = arith.constant 48 : index
        %parallel_loop3A_220 = tpu.vector_load %arg18[%parallel_loop3A_218, %parallel_loop3A_219] {strides = array<i32>} : memref<128x128xf32, #tpu.memory_space<vmem>>, vector<16xf32>,
        %parallel_loop3A_221 = arith.mulf %parallel_loop3A_220, %parallel_loop3A_196 : vector<16xf32>
        %parallel_loop3A_222 = arith.index_cast %parallel_loop3A_191 : i32 to index
        %parallel_loop3A_223 = arith.constant 48 : index
        %parallel_loop3A_224 = tpu.vector_load %arg18[%parallel_loop3A_222, %parallel_loop3A_223] {strides = array<i32>} : memref<128x128xf32, #tpu.memory_space<vmem>>, vector<16xf32>,
        tpu.vector_store %arg18[%parallel_loop3A_222, %parallel_loop3A_223], %parallel_loop3A_221 {strides = array<i32>} : memref<128x128xf32, #tpu.memory_space<vmem>>, vector<16xf32>,
        %parallel_loop3A_225 = arith.index_cast %parallel_loop3A_191 : i32 to index
        %parallel_loop3A_226 = arith.constant 64 : index
        %parallel_loop3A_227 = tpu.vector_load %arg18[%parallel_loop3A_225, %parallel_loop3A_226] {strides = array<i32>} : memref<128x128xf32, #tpu.memory_space<vmem>>, vector<16xf32>,
        %parallel_loop3A_228 = arith.mulf %parallel_loop3A_227, %parallel_loop3A_196 : vector<16xf32>
        %parallel_loop3A_229 = arith.index_cast %parallel_loop3A_191 : i32 to index
        %parallel_loop3A_230 = arith.constant 64 : index
        %parallel_loop3A_231 = tpu.vector_load %arg18[%parallel_loop3A_229, %parallel_loop3A_230] {strides = array<i32>} : memref<128x128xf32, #tpu.memory_space<vmem>>, vector<16xf32>,
        tpu.vector_store %arg18[%parallel_loop3A_229, %parallel_loop3A_230], %parallel_loop3A_228 {strides = array<i32>} : memref<128x128xf32, #tpu.memory_space<vmem>>, vector<16xf32>,
        %parallel_loop3A_232 = arith.index_cast %parallel_loop3A_191 : i32 to index
        %parallel_loop3A_233 = arith.constant 80 : index
        %parallel_loop3A_234 = tpu.vector_load %arg18[%parallel_loop3A_232, %parallel_loop3A_233] {strides = array<i32>} : memref<128x128xf32, #tpu.memory_space<vmem>>, vector<16xf32>,
        %parallel_loop3A_235 = arith.mulf %parallel_loop3A_234, %parallel_loop3A_196 : vector<16xf32>
        %parallel_loop3A_236 = arith.index_cast %parallel_loop3A_191 : i32 to index
        %parallel_loop3A_237 = arith.constant 80 : index
        %parallel_loop3A_238 = tpu.vector_load %arg18[%parallel_loop3A_236, %parallel_loop3A_237] {strides = array<i32>} : memref<128x128xf32, #tpu.memory_space<vmem>>, vector<16xf32>,
        tpu.vector_store %arg18[%parallel_loop3A_236, %parallel_loop3A_237], %parallel_loop3A_235 {strides = array<i32>} : memref<128x128xf32, #tpu.memory_space<vmem>>, vector<16xf32>,
        %parallel_loop3A_239 = arith.index_cast %parallel_loop3A_191 : i32 to index
        %parallel_loop3A_240 = arith.constant 96 : index
        %parallel_loop3A_241 = tpu.vector_load %arg18[%parallel_loop3A_239, %parallel_loop3A_240] {strides = array<i32>} : memref<128x128xf32, #tpu.memory_space<vmem>>, vector<16xf32>,
        %parallel_loop3A_242 = arith.mulf %parallel_loop3A_241, %parallel_loop3A_196 : vector<16xf32>
        %parallel_loop3A_243 = arith.index_cast %parallel_loop3A_191 : i32 to index
        %parallel_loop3A_244 = arith.constant 96 : index
        %parallel_loop3A_245 = tpu.vector_load %arg18[%parallel_loop3A_243, %parallel_loop3A_244] {strides = array<i32>} : memref<128x128xf32, #tpu.memory_space<vmem>>, vector<16xf32>,
        tpu.vector_store %arg18[%parallel_loop3A_243, %parallel_loop3A_244], %parallel_loop3A_242 {strides = array<i32>} : memref<128x128xf32, #tpu.memory_space<vmem>>, vector<16xf32>,
        %parallel_loop3A_246 = arith.index_cast %parallel_loop3A_191 : i32 to index
        %parallel_loop3A_247 = arith.constant 112 : index
        %parallel_loop3A_248 = tpu.vector_load %arg18[%parallel_loop3A_246, %parallel_loop3A_247] {strides = array<i32>} : memref<128x128xf32, #tpu.memory_space<vmem>>, vector<16xf32>,
        %parallel_loop3A_249 = arith.mulf %parallel_loop3A_248, %parallel_loop3A_196 : vector<16xf32>
        %parallel_loop3A_250 = arith.index_cast %parallel_loop3A_191 : i32 to index
        %parallel_loop3A_251 = arith.constant 112 : index
        %parallel_loop3A_252 = tpu.vector_load %arg18[%parallel_loop3A_250, %parallel_loop3A_251] {strides = array<i32>} : memref<128x128xf32, #tpu.memory_space<vmem>>, vector<16xf32>,
        tpu.vector_store %arg18[%parallel_loop3A_250, %parallel_loop3A_251], %parallel_loop3A_249 {strides = array<i32>} : memref<128x128xf32, #tpu.memory_space<vmem>>, vector<16xf32>,
      } {sc.loop_unroll_factor = 4 : i64, sc.parallel_access}
      %dma_wait3A_133 = arith.constant 0 : i32
      %dma_wait3A_134 = arith.constant 0 : i32
      %dma_wait3A_135 = tpu.memref_slice %arg4[%dma_wait3A_133, %dma_wait3A_134] : memref<2592x128xi32, #tpu.memory_space<hbm>> -> memref<1x128xi32, #tpu.memory_space<hbm>>
      %dma_wait3A_136 = arith.constant 0 : i32
      %dma_wait3A_137 = arith.constant 0 : i32
      %dma_wait3A_138 = tpu.memref_slice %arg4[%dma_wait3A_136, %dma_wait3A_137] : memref<2592x128xi32, #tpu.memory_space<hbm>> -> memref<1x128xi32, #tpu.memory_space<hbm>>
      tpu.wait_dma2 semaphore(%arg24 : memref<!tpu.dma_semaphore, #tpu.memory_space<semaphore_mem>>) src(%dma_wait3A_138 : memref<1x128xi32, #tpu.memory_space<hbm>>) dst(%arg15 : memref<1x128xi32, #tpu.memory_space<vmem>>)
      %dma_start3A_139 = arith.constant 0 : i32
      %dma_start3A_140 = arith.constant 0 : i32
      %dma_start3A_141 = tpu.memref_slice %arg15[%dma_start3A_139, %dma_start3A_140] : memref<1x128xi32, #tpu.memory_space<vmem>> -> memref<1x128xi32, #tpu.memory_space<vmem>>
      %dma_start3A_142 = tpu.memref_squeeze %dma_start3A_141 : memref<1x128xi32, #tpu.memory_space<vmem>> -> memref<128xi32, #tpu.memory_space<vmem>>
      %dma_start3A_143 = arith.constant 0 : i32
      %dma_start3A_144 = arith.constant 0 : i32
      %dma_start3A_145 = tpu.memref_slice %arg32[%dma_start3A_143, %dma_start3A_144] : memref<10000x128xf32, #tpu.memory_space<vmem_shared>> -> memref<10000x128xf32, #tpu.memory_space<vmem_shared>>
      tpu.enqueue_indirect_dma source(%arg18 : memref<128x128xf32, #tpu.memory_space<vmem>>) target(%dma_start3A_145 : memref<10000x128xf32, #tpu.memory_space<vmem_shared>>) offsets(%dma_start3A_142 : memref<128xi32, #tpu.memory_space<vmem>>) semaphore(%arg30 : memref<!tpu.dma_semaphore, #tpu.memory_space<semaphore_mem>>) {add = true}
      %add3A_146 = arith.constant 2 : i32
      %add3A_147 = arith.addi %add3A_119, %add3A_146 : i32
      %lt3A_148 = arith.constant 81 : i32
      %lt3A_149 = arith.cmpi slt, %add3A_147, %lt3A_148 : i32
      %convert_element_type3A_150 = arith.extui %lt3A_149 : i1 to i32
      %cond3A_151 = arith.constant 0 : i32
      %cond3A_152 = arith.cmpi ne, %convert_element_type3A_150, %cond3A_151 : i32
      scf.if %cond3A_152 {
        %add3A_191 = arith.constant 2 : i32
        %add3A_192 = arith.addi %add3A_119, %add3A_191 : i32
        %mul3A_193 = arith.constant 128 : i32
        %mul3A_194 = arith.muli %add3A_192, %mul3A_193 : i32
        %add3A_195 = arith.addi %mul3A_2, %mul3A_194 : i32
        %dma_start3A_196 = tpu.memref_slice %arg3[%add3A_195] : memref<331776xi32, #tpu.memory_space<hbm>> -> memref<128xi32, #tpu.memory_space<hbm>>
        %dma_start3A_197 = tpu.memref_slice %arg3[%add3A_195] : memref<331776xi32, #tpu.memory_space<hbm>> -> memref<128xi32, #tpu.memory_space<hbm>>
        tpu.enqueue_dma source(%dma_start3A_197 : memref<128xi32, #tpu.memory_space<hbm>>) target(%arg8 : memref<128xi32, #tpu.memory_space<vmem>>) target_semaphore(%arg20 : memref<!tpu.dma_semaphore, #tpu.memory_space<semaphore_mem>>)
        %dma_start3A_198 = tpu.memref_slice %arg5[%add3A_195] : memref<331776xf32, #tpu.memory_space<hbm>> -> memref<128xf32, #tpu.memory_space<hbm>>
        %dma_start3A_199 = tpu.memref_slice %arg5[%add3A_195] : memref<331776xf32, #tpu.memory_space<hbm>> -> memref<128xf32, #tpu.memory_space<hbm>>
        tpu.enqueue_dma source(%dma_start3A_199 : memref<128xf32, #tpu.memory_space<hbm>>) target(%arg11 : memref<128xf32, #tpu.memory_space<vmem>>) target_semaphore(%arg20 : memref<!tpu.dma_semaphore, #tpu.memory_space<semaphore_mem>>)
      } else {
      }
      %mul3A_153 = arith.constant 3 : i32
      %mul3A_154 = arith.muli %scan3A_78, %mul3A_153 : i32
      %add3A_155 = arith.constant 2 : i32
      %add3A_156 = arith.addi %mul3A_154, %add3A_155 : i32
      %dma_wait3A_157 = arith.constant 0 : i32
      %dma_wait3A_158 = arith.constant 0 : i32
      %dma_wait3A_159 = tpu.memref_slice %arg2[%dma_wait3A_157, %dma_wait3A_158] : memref<10000x128xf32, #tpu.memory_space<hbm>> -> memref<10000x128xf32, #tpu.memory_space<hbm>>
      tpu.wait_indirect_dma semaphore(%arg28 : memref<!tpu.dma_semaphore, #tpu.memory_space<semaphore_mem>>) src(%dma_wait3A_159 : memref<10000x128xf32, #tpu.memory_space<hbm>>) dst(%arg19 : memref<128x128xf32, #tpu.memory_space<vmem>>)
      %add3A_160 = arith.constant 1 : i32
      %add3A_161 = arith.addi %add3A_156, %add3A_160 : i32
      %lt3A_162 = arith.constant 81 : i32
      %lt3A_163 = arith.cmpi slt, %add3A_161, %lt3A_162 : i32
      %convert_element_type3A_164 = arith.extui %lt3A_163 : i1 to i32
      %cond3A_165 = arith.constant 0 : i32
      %cond3A_166 = arith.cmpi ne, %convert_element_type3A_164, %cond3A_165 : i32
      scf.if %cond3A_166 {
        %dma_wait3A_191 = arith.constant 0 : i32
        %dma_wait3A_192 = tpu.memref_slice %arg3[%dma_wait3A_191] : memref<331776xi32, #tpu.memory_space<hbm>> -> memref<128xi32, #tpu.memory_space<hbm>>
        %dma_wait3A_193 = arith.constant 0 : i32
        %dma_wait3A_194 = tpu.memref_slice %arg3[%dma_wait3A_193] : memref<331776xi32, #tpu.memory_space<hbm>> -> memref<128xi32, #tpu.memory_space<hbm>>
        tpu.wait_dma2 semaphore(%arg20 : memref<!tpu.dma_semaphore, #tpu.memory_space<semaphore_mem>>) src(%dma_wait3A_194 : memref<128xi32, #tpu.memory_space<hbm>>) dst(%arg8 : memref<128xi32, #tpu.memory_space<vmem>>)
        %dma_wait3A_195 = arith.constant 0 : i32
        %dma_wait3A_196 = tpu.memref_slice %arg5[%dma_wait3A_195] : memref<331776xf32, #tpu.memory_space<hbm>> -> memref<128xf32, #tpu.memory_space<hbm>>
        %dma_wait3A_197 = arith.constant 0 : i32
        %dma_wait3A_198 = tpu.memref_slice %arg5[%dma_wait3A_197] : memref<331776xf32, #tpu.memory_space<hbm>> -> memref<128xf32, #tpu.memory_space<hbm>>
        tpu.wait_dma2 semaphore(%arg20 : memref<!tpu.dma_semaphore, #tpu.memory_space<semaphore_mem>>) src(%dma_wait3A_198 : memref<128xf32, #tpu.memory_space<hbm>>) dst(%arg11 : memref<128xf32, #tpu.memory_space<vmem>>)
        %add3A_199 = arith.constant 1 : i32
        %add3A_200 = arith.addi %add3A_156, %add3A_199 : i32
        %ge3A = arith.constant 3 : i32
        %ge3A_201 = arith.cmpi sge, %add3A_200, %ge3A : i32
        %convert_element_type3A_202 = arith.extui %ge3A_201 : i1 to i32
        %cond3A_203 = arith.constant 0 : i32
        %cond3A_204 = arith.cmpi ne, %convert_element_type3A_202, %cond3A_203 : i32
        scf.if %cond3A_204 {
          %dma_wait3A_217 = arith.constant 0 : i32
          %dma_wait3A_218 = arith.constant 0 : i32
          %dma_wait3A_219 = tpu.memref_slice %arg14[%dma_wait3A_217, %dma_wait3A_218] : memref<1x128xi32, #tpu.memory_space<vmem>> -> memref<1x128xi32, #tpu.memory_space<vmem>>
          %dma_wait3A_220 = tpu.memref_squeeze %dma_wait3A_219 : memref<1x128xi32, #tpu.memory_space<vmem>> -> memref<128xi32, #tpu.memory_space<vmem>>
          %dma_wait3A_221 = arith.constant 0 : i32
          %dma_wait3A_222 = arith.constant 0 : i32
          %dma_wait3A_223 = tpu.memref_slice %arg32[%dma_wait3A_221, %dma_wait3A_222] : memref<10000x128xf32, #tpu.memory_space<vmem_shared>> -> memref<10000x128xf32, #tpu.memory_space<vmem_shared>>
          tpu.wait_indirect_dma semaphore(%arg29 : memref<!tpu.dma_semaphore, #tpu.memory_space<semaphore_mem>>) src(%arg17 : memref<128x128xf32, #tpu.memory_space<vmem>>) dst(%dma_wait3A_223 : memref<10000x128xf32, #tpu.memory_space<vmem_shared>>)
        } else {
        }
        %dma_start3A_205 = arith.constant 0 : i32
        %dma_start3A_206 = arith.constant 0 : i32
        %dma_start3A_207 = tpu.memref_slice %arg2[%dma_start3A_205, %dma_start3A_206] : memref<10000x128xf32, #tpu.memory_space<hbm>> -> memref<10000x128xf32, #tpu.memory_space<hbm>>
        tpu.enqueue_indirect_dma source(%dma_start3A_207 : memref<10000x128xf32, #tpu.memory_space<hbm>>) target(%arg17 : memref<128x128xf32, #tpu.memory_space<vmem>>) offsets(%arg8 : memref<128xi32, #tpu.memory_space<vmem>>) semaphore(%arg26 : memref<!tpu.dma_semaphore, #tpu.memory_space<semaphore_mem>>)
        %add3A_208 = arith.constant 1 : i32
        %add3A_209 = arith.addi %add3A_156, %add3A_208 : i32
        %mul3A_210 = arith.constant 81 : i32
        %mul3A_211 = arith.muli %add3A, %mul3A_210 : i32
        %add3A_212 = arith.addi %mul3A_211, %add3A_209 : i32
        %dma_start3A_213 = arith.constant 0 : i32
        %dma_start3A_214 = tpu.memref_slice %arg4[%add3A_212, %dma_start3A_213] : memref<2592x128xi32, #tpu.memory_space<hbm>> -> memref<1x128xi32, #tpu.memory_space<hbm>>
        %dma_start3A_215 = arith.constant 0 : i32
        %dma_start3A_216 = tpu.memref_slice %arg4[%add3A_212, %dma_start3A_215] : memref<2592x128xi32, #tpu.memory_space<hbm>> -> memref<1x128xi32, #tpu.memory_space<hbm>>
        tpu.enqueue_dma source(%dma_start3A_216 : memref<1x128xi32, #tpu.memory_space<hbm>>) target(%arg14 : memref<1x128xi32, #tpu.memory_space<vmem>>) target_semaphore(%arg23 : memref<!tpu.dma_semaphore, #tpu.memory_space<semaphore_mem>>)
      } else {
      }
      %parallel_loop3A_167 = arith.constant 0 : i32
      %parallel_loop3A_168 = arith.constant 128 : i32
      %parallel_loop3A_169 = arith.constant 1 : i32
      scf.for %parallel_loop3A_191 = %parallel_loop3A_167 to %parallel_loop3A_168 step %parallel_loop3A_169  : i32 {
        %parallel_loop3A_192 = arith.constant 0 : i32
        %parallel_loop3A_193 = vector.broadcast %parallel_loop3A_192 : i32 to vector<16xi32>
        %parallel_loop3A_194 = vector.broadcast %parallel_loop3A_191 : i32 to vector<16xi32>
        %parallel_loop3A_195 = arith.addi %parallel_loop3A_193, %parallel_loop3A_194 : vector<16xi32>
        %parallel_loop3A_196 = tpu.vector_load_idx %arg13[%parallel_loop3A_195] : memref<128xf32, #tpu.memory_space<vmem>>[vector<16xi32>], vector<16xf32>,
        %parallel_loop3A_197 = arith.index_cast %parallel_loop3A_191 : i32 to index
        %parallel_loop3A_198 = arith.constant 0 : index
        %parallel_loop3A_199 = tpu.vector_load %arg19[%parallel_loop3A_197, %parallel_loop3A_198] {strides = array<i32>} : memref<128x128xf32, #tpu.memory_space<vmem>>, vector<16xf32>,
        %parallel_loop3A_200 = arith.mulf %parallel_loop3A_199, %parallel_loop3A_196 : vector<16xf32>
        %parallel_loop3A_201 = arith.index_cast %parallel_loop3A_191 : i32 to index
        %parallel_loop3A_202 = arith.constant 0 : index
        %parallel_loop3A_203 = tpu.vector_load %arg19[%parallel_loop3A_201, %parallel_loop3A_202] {strides = array<i32>} : memref<128x128xf32, #tpu.memory_space<vmem>>, vector<16xf32>,
        tpu.vector_store %arg19[%parallel_loop3A_201, %parallel_loop3A_202], %parallel_loop3A_200 {strides = array<i32>} : memref<128x128xf32, #tpu.memory_space<vmem>>, vector<16xf32>,
        %parallel_loop3A_204 = arith.index_cast %parallel_loop3A_191 : i32 to index
        %parallel_loop3A_205 = arith.constant 16 : index
        %parallel_loop3A_206 = tpu.vector_load %arg19[%parallel_loop3A_204, %parallel_loop3A_205] {strides = array<i32>} : memref<128x128xf32, #tpu.memory_space<vmem>>, vector<16xf32>,
        %parallel_loop3A_207 = arith.mulf %parallel_loop3A_206, %parallel_loop3A_196 : vector<16xf32>
        %parallel_loop3A_208 = arith.index_cast %parallel_loop3A_191 : i32 to index
        %parallel_loop3A_209 = arith.constant 16 : index
        %parallel_loop3A_210 = tpu.vector_load %arg19[%parallel_loop3A_208, %parallel_loop3A_209] {strides = array<i32>} : memref<128x128xf32, #tpu.memory_space<vmem>>, vector<16xf32>,
        tpu.vector_store %arg19[%parallel_loop3A_208, %parallel_loop3A_209], %parallel_loop3A_207 {strides = array<i32>} : memref<128x128xf32, #tpu.memory_space<vmem>>, vector<16xf32>,
        %parallel_loop3A_211 = arith.index_cast %parallel_loop3A_191 : i32 to index
        %parallel_loop3A_212 = arith.constant 32 : index
        %parallel_loop3A_213 = tpu.vector_load %arg19[%parallel_loop3A_211, %parallel_loop3A_212] {strides = array<i32>} : memref<128x128xf32, #tpu.memory_space<vmem>>, vector<16xf32>,
        %parallel_loop3A_214 = arith.mulf %parallel_loop3A_213, %parallel_loop3A_196 : vector<16xf32>
        %parallel_loop3A_215 = arith.index_cast %parallel_loop3A_191 : i32 to index
        %parallel_loop3A_216 = arith.constant 32 : index
        %parallel_loop3A_217 = tpu.vector_load %arg19[%parallel_loop3A_215, %parallel_loop3A_216] {strides = array<i32>} : memref<128x128xf32, #tpu.memory_space<vmem>>, vector<16xf32>,
        tpu.vector_store %arg19[%parallel_loop3A_215, %parallel_loop3A_216], %parallel_loop3A_214 {strides = array<i32>} : memref<128x128xf32, #tpu.memory_space<vmem>>, vector<16xf32>,
        %parallel_loop3A_218 = arith.index_cast %parallel_loop3A_191 : i32 to index
        %parallel_loop3A_219 = arith.constant 48 : index
        %parallel_loop3A_220 = tpu.vector_load %arg19[%parallel_loop3A_218, %parallel_loop3A_219] {strides = array<i32>} : memref<128x128xf32, #tpu.memory_space<vmem>>, vector<16xf32>,
        %parallel_loop3A_221 = arith.mulf %parallel_loop3A_220, %parallel_loop3A_196 : vector<16xf32>
        %parallel_loop3A_222 = arith.index_cast %parallel_loop3A_191 : i32 to index
        %parallel_loop3A_223 = arith.constant 48 : index
        %parallel_loop3A_224 = tpu.vector_load %arg19[%parallel_loop3A_222, %parallel_loop3A_223] {strides = array<i32>} : memref<128x128xf32, #tpu.memory_space<vmem>>, vector<16xf32>,
        tpu.vector_store %arg19[%parallel_loop3A_222, %parallel_loop3A_223], %parallel_loop3A_221 {strides = array<i32>} : memref<128x128xf32, #tpu.memory_space<vmem>>, vector<16xf32>,
        %parallel_loop3A_225 = arith.index_cast %parallel_loop3A_191 : i32 to index
        %parallel_loop3A_226 = arith.constant 64 : index
        %parallel_loop3A_227 = tpu.vector_load %arg19[%parallel_loop3A_225, %parallel_loop3A_226] {strides = array<i32>} : memref<128x128xf32, #tpu.memory_space<vmem>>, vector<16xf32>,
        %parallel_loop3A_228 = arith.mulf %parallel_loop3A_227, %parallel_loop3A_196 : vector<16xf32>
        %parallel_loop3A_229 = arith.index_cast %parallel_loop3A_191 : i32 to index
        %parallel_loop3A_230 = arith.constant 64 : index
        %parallel_loop3A_231 = tpu.vector_load %arg19[%parallel_loop3A_229, %parallel_loop3A_230] {strides = array<i32>} : memref<128x128xf32, #tpu.memory_space<vmem>>, vector<16xf32>,
        tpu.vector_store %arg19[%parallel_loop3A_229, %parallel_loop3A_230], %parallel_loop3A_228 {strides = array<i32>} : memref<128x128xf32, #tpu.memory_space<vmem>>, vector<16xf32>,
        %parallel_loop3A_232 = arith.index_cast %parallel_loop3A_191 : i32 to index
        %parallel_loop3A_233 = arith.constant 80 : index
        %parallel_loop3A_234 = tpu.vector_load %arg19[%parallel_loop3A_232, %parallel_loop3A_233] {strides = array<i32>} : memref<128x128xf32, #tpu.memory_space<vmem>>, vector<16xf32>,
        %parallel_loop3A_235 = arith.mulf %parallel_loop3A_234, %parallel_loop3A_196 : vector<16xf32>
        %parallel_loop3A_236 = arith.index_cast %parallel_loop3A_191 : i32 to index
        %parallel_loop3A_237 = arith.constant 80 : index
        %parallel_loop3A_238 = tpu.vector_load %arg19[%parallel_loop3A_236, %parallel_loop3A_237] {strides = array<i32>} : memref<128x128xf32, #tpu.memory_space<vmem>>, vector<16xf32>,
        tpu.vector_store %arg19[%parallel_loop3A_236, %parallel_loop3A_237], %parallel_loop3A_235 {strides = array<i32>} : memref<128x128xf32, #tpu.memory_space<vmem>>, vector<16xf32>,
        %parallel_loop3A_239 = arith.index_cast %parallel_loop3A_191 : i32 to index
        %parallel_loop3A_240 = arith.constant 96 : index
        %parallel_loop3A_241 = tpu.vector_load %arg19[%parallel_loop3A_239, %parallel_loop3A_240] {strides = array<i32>} : memref<128x128xf32, #tpu.memory_space<vmem>>, vector<16xf32>,
        %parallel_loop3A_242 = arith.mulf %parallel_loop3A_241, %parallel_loop3A_196 : vector<16xf32>
        %parallel_loop3A_243 = arith.index_cast %parallel_loop3A_191 : i32 to index
        %parallel_loop3A_244 = arith.constant 96 : index
        %parallel_loop3A_245 = tpu.vector_load %arg19[%parallel_loop3A_243, %parallel_loop3A_244] {strides = array<i32>} : memref<128x128xf32, #tpu.memory_space<vmem>>, vector<16xf32>,
        tpu.vector_store %arg19[%parallel_loop3A_243, %parallel_loop3A_244], %parallel_loop3A_242 {strides = array<i32>} : memref<128x128xf32, #tpu.memory_space<vmem>>, vector<16xf32>,
        %parallel_loop3A_246 = arith.index_cast %parallel_loop3A_191 : i32 to index
        %parallel_loop3A_247 = arith.constant 112 : index
        %parallel_loop3A_248 = tpu.vector_load %arg19[%parallel_loop3A_246, %parallel_loop3A_247] {strides = array<i32>} : memref<128x128xf32, #tpu.memory_space<vmem>>, vector<16xf32>,
        %parallel_loop3A_249 = arith.mulf %parallel_loop3A_248, %parallel_loop3A_196 : vector<16xf32>
        %parallel_loop3A_250 = arith.index_cast %parallel_loop3A_191 : i32 to index
        %parallel_loop3A_251 = arith.constant 112 : index
        %parallel_loop3A_252 = tpu.vector_load %arg19[%parallel_loop3A_250, %parallel_loop3A_251] {strides = array<i32>} : memref<128x128xf32, #tpu.memory_space<vmem>>, vector<16xf32>,
        tpu.vector_store %arg19[%parallel_loop3A_250, %parallel_loop3A_251], %parallel_loop3A_249 {strides = array<i32>} : memref<128x128xf32, #tpu.memory_space<vmem>>, vector<16xf32>,
      } {sc.loop_unroll_factor = 4 : i64, sc.parallel_access}
      %dma_wait3A_170 = arith.constant 0 : i32
      %dma_wait3A_171 = arith.constant 0 : i32
      %dma_wait3A_172 = tpu.memref_slice %arg4[%dma_wait3A_170, %dma_wait3A_171] : memref<2592x128xi32, #tpu.memory_space<hbm>> -> memref<1x128xi32, #tpu.memory_space<hbm>>
      %dma_wait3A_173 = arith.constant 0 : i32
      %dma_wait3A_174 = arith.constant 0 : i32
      %dma_wait3A_175 = tpu.memref_slice %arg4[%dma_wait3A_173, %dma_wait3A_174] : memref<2592x128xi32, #tpu.memory_space<hbm>> -> memref<1x128xi32, #tpu.memory_space<hbm>>
      tpu.wait_dma2 semaphore(%arg25 : memref<!tpu.dma_semaphore, #tpu.memory_space<semaphore_mem>>) src(%dma_wait3A_175 : memref<1x128xi32, #tpu.memory_space<hbm>>) dst(%arg16 : memref<1x128xi32, #tpu.memory_space<vmem>>)
      %dma_start3A_176 = arith.constant 0 : i32
      %dma_start3A_177 = arith.constant 0 : i32
      %dma_start3A_178 = tpu.memref_slice %arg16[%dma_start3A_176, %dma_start3A_177] : memref<1x128xi32, #tpu.memory_space<vmem>> -> memref<1x128xi32, #tpu.memory_space<vmem>>
      %dma_start3A_179 = tpu.memref_squeeze %dma_start3A_178 : memref<1x128xi32, #tpu.memory_space<vmem>> -> memref<128xi32, #tpu.memory_space<vmem>>
      %dma_start3A_180 = arith.constant 0 : i32
      %dma_start3A_181 = arith.constant 0 : i32
      %dma_start3A_182 = tpu.memref_slice %arg32[%dma_start3A_180, %dma_start3A_181] : memref<10000x128xf32, #tpu.memory_space<vmem_shared>> -> memref<10000x128xf32, #tpu.memory_space<vmem_shared>>
      tpu.enqueue_indirect_dma source(%arg19 : memref<128x128xf32, #tpu.memory_space<vmem>>) target(%dma_start3A_182 : memref<10000x128xf32, #tpu.memory_space<vmem_shared>>) offsets(%dma_start3A_179 : memref<128xi32, #tpu.memory_space<vmem>>) semaphore(%arg31 : memref<!tpu.dma_semaphore, #tpu.memory_space<semaphore_mem>>) {add = true}
      %add3A_183 = arith.constant 2 : i32
      %add3A_184 = arith.addi %add3A_156, %add3A_183 : i32
      %lt3A_185 = arith.constant 81 : i32
      %lt3A_186 = arith.cmpi slt, %add3A_184, %lt3A_185 : i32
      %convert_element_type3A_187 = arith.extui %lt3A_186 : i1 to i32
      %cond3A_188 = arith.constant 0 : i32
      %cond3A_189 = arith.cmpi ne, %convert_element_type3A_187, %cond3A_188 : i32
      scf.if %cond3A_189 {
        %add3A_191 = arith.constant 2 : i32
        %add3A_192 = arith.addi %add3A_156, %add3A_191 : i32
        %mul3A_193 = arith.constant 128 : i32
        %mul3A_194 = arith.muli %add3A_192, %mul3A_193 : i32
        %add3A_195 = arith.addi %mul3A_2, %mul3A_194 : i32
        %dma_start3A_196 = tpu.memref_slice %arg3[%add3A_195] : memref<331776xi32, #tpu.memory_space<hbm>> -> memref<128xi32, #tpu.memory_space<hbm>>
        %dma_start3A_197 = tpu.memref_slice %arg3[%add3A_195] : memref<331776xi32, #tpu.memory_space<hbm>> -> memref<128xi32, #tpu.memory_space<hbm>>
        tpu.enqueue_dma source(%dma_start3A_197 : memref<128xi32, #tpu.memory_space<hbm>>) target(%arg9 : memref<128xi32, #tpu.memory_space<vmem>>) target_semaphore(%arg21 : memref<!tpu.dma_semaphore, #tpu.memory_space<semaphore_mem>>)
        %dma_start3A_198 = tpu.memref_slice %arg5[%add3A_195] : memref<331776xf32, #tpu.memory_space<hbm>> -> memref<128xf32, #tpu.memory_space<hbm>>
        %dma_start3A_199 = tpu.memref_slice %arg5[%add3A_195] : memref<331776xf32, #tpu.memory_space<hbm>> -> memref<128xf32, #tpu.memory_space<hbm>>
        tpu.enqueue_dma source(%dma_start3A_199 : memref<128xf32, #tpu.memory_space<hbm>>) target(%arg12 : memref<128xf32, #tpu.memory_space<vmem>>) target_semaphore(%arg21 : memref<!tpu.dma_semaphore, #tpu.memory_space<semaphore_mem>>)
      } else {
      }
      %scan3A_190 = arith.constant 0 : i32
      scf.yield %scan3A_190 : i32
    }
    %scan3A_45 = arith.constant 27 : i32
    %dma_wait3A_46 = arith.constant 0 : i32
    %dma_wait3A_47 = arith.constant 0 : i32
    %dma_wait3A_48 = tpu.memref_slice %arg14[%dma_wait3A_46, %dma_wait3A_47] : memref<1x128xi32, #tpu.memory_space<vmem>> -> memref<1x128xi32, #tpu.memory_space<vmem>>
    %dma_wait3A_49 = tpu.memref_squeeze %dma_wait3A_48 : memref<1x128xi32, #tpu.memory_space<vmem>> -> memref<128xi32, #tpu.memory_space<vmem>>
    %dma_wait3A_50 = arith.constant 0 : i32
    %dma_wait3A_51 = arith.constant 0 : i32
    %dma_wait3A_52 = tpu.memref_slice %arg32[%dma_wait3A_50, %dma_wait3A_51] : memref<10000x128xf32, #tpu.memory_space<vmem_shared>> -> memref<10000x128xf32, #tpu.memory_space<vmem_shared>>
    tpu.wait_indirect_dma semaphore(%arg29 : memref<!tpu.dma_semaphore, #tpu.memory_space<semaphore_mem>>) src(%arg17 : memref<128x128xf32, #tpu.memory_space<vmem>>) dst(%dma_wait3A_52 : memref<10000x128xf32, #tpu.memory_space<vmem_shared>>)
    %dma_wait3A_53 = arith.constant 0 : i32
    %dma_wait3A_54 = arith.constant 0 : i32
    %dma_wait3A_55 = tpu.memref_slice %arg15[%dma_wait3A_53, %dma_wait3A_54] : memref<1x128xi32, #tpu.memory_space<vmem>> -> memref<1x128xi32, #tpu.memory_space<vmem>>
    %dma_wait3A_56 = tpu.memref_squeeze %dma_wait3A_55 : memref<1x128xi32, #tpu.memory_space<vmem>> -> memref<128xi32, #tpu.memory_space<vmem>>
    %dma_wait3A_57 = arith.constant 0 : i32
    %dma_wait3A_58 = arith.constant 0 : i32
    %dma_wait3A_59 = tpu.memref_slice %arg32[%dma_wait3A_57, %dma_wait3A_58] : memref<10000x128xf32, #tpu.memory_space<vmem_shared>> -> memref<10000x128xf32, #tpu.memory_space<vmem_shared>>
    tpu.wait_indirect_dma semaphore(%arg30 : memref<!tpu.dma_semaphore, #tpu.memory_space<semaphore_mem>>) src(%arg18 : memref<128x128xf32, #tpu.memory_space<vmem>>) dst(%dma_wait3A_59 : memref<10000x128xf32, #tpu.memory_space<vmem_shared>>)
    %dma_wait3A_60 = arith.constant 0 : i32
    %dma_wait3A_61 = arith.constant 0 : i32
    %dma_wait3A_62 = tpu.memref_slice %arg16[%dma_wait3A_60, %dma_wait3A_61] : memref<1x128xi32, #tpu.memory_space<vmem>> -> memref<1x128xi32, #tpu.memory_space<vmem>>
    %dma_wait3A_63 = tpu.memref_squeeze %dma_wait3A_62 : memref<1x128xi32, #tpu.memory_space<vmem>> -> memref<128xi32, #tpu.memory_space<vmem>>
    %dma_wait3A_64 = arith.constant 0 : i32
    %dma_wait3A_65 = arith.constant 0 : i32
    %dma_wait3A_66 = tpu.memref_slice %arg32[%dma_wait3A_64, %dma_wait3A_65] : memref<10000x128xf32, #tpu.memory_space<vmem_shared>> -> memref<10000x128xf32, #tpu.memory_space<vmem_shared>>
    tpu.wait_indirect_dma semaphore(%arg31 : memref<!tpu.dma_semaphore, #tpu.memory_space<semaphore_mem>>) src(%arg19 : memref<128x128xf32, #tpu.memory_space<vmem>>) dst(%dma_wait3A_66 : memref<10000x128xf32, #tpu.memory_space<vmem_shared>>)
    %barrier3A_67 = arith.constant 0 : index
    tpu.barrier barrier_id(%barrier3A_67)
    %lt3A_68 = arith.constant 15 : i32
    %lt3A_69 = arith.cmpi slt, %arg1, %lt3A_68 : i32
    %convert_element_type3A_70 = arith.extui %lt3A_69 : i1 to i32
    %cond3A_71 = arith.constant 0 : i32
    %cond3A_72 = arith.cmpi ne, %convert_element_type3A_70, %cond3A_71 : i32
    scf.if %cond3A_72 {
      "tpu.region"() ({
        %run_scoped3A = tpu.sem_alloc : memref<!tpu.dma_semaphore, #tpu.memory_space<semaphore_mem>>
        %dma_start3A_78 = arith.constant 0 : i32
        %dma_start3A_79 = tpu.memref_slice %arg7[%arg0, %mul3A_4, %dma_start3A_78] : memref<2x10000x128xf32, #tpu.memory_space<hbm>> -> memref<1x632x128xf32, #tpu.memory_space<hbm>>
        %dma_start3A_80 = tpu.memref_squeeze %dma_start3A_79 : memref<1x632x128xf32, #tpu.memory_space<hbm>> -> memref<632x128xf32, #tpu.memory_space<hbm>>
        %dma_start3A_81 = arith.constant 0 : i32
        %dma_start3A_82 = tpu.memref_slice %arg32[%mul3A_4, %dma_start3A_81] : memref<10000x128xf32, #tpu.memory_space<vmem_shared>> -> memref<632x128xf32, #tpu.memory_space<vmem_shared>>
        tpu.enqueue_dma source(%dma_start3A_82 : memref<632x128xf32, #tpu.memory_space<vmem_shared>>) target(%dma_start3A_80 : memref<632x128xf32, #tpu.memory_space<hbm>>) target_semaphore(%run_scoped3A : memref<!tpu.dma_semaphore, #tpu.memory_space<semaphore_mem>>)
        %dma_wait3A_83 = arith.constant 0 : i32
        %dma_wait3A_84 = tpu.memref_slice %arg7[%arg0, %mul3A_4, %dma_wait3A_83] : memref<2x10000x128xf32, #tpu.memory_space<hbm>> -> memref<1x632x128xf32, #tpu.memory_space<hbm>>
        %dma_wait3A_85 = tpu.memref_squeeze %dma_wait3A_84 : memref<1x632x128xf32, #tpu.memory_space<hbm>> -> memref<632x128xf32, #tpu.memory_space<hbm>>
        %dma_wait3A_86 = arith.constant 0 : i32
        %dma_wait3A_87 = tpu.memref_slice %arg32[%mul3A_4, %dma_wait3A_86] : memref<10000x128xf32, #tpu.memory_space<vmem_shared>> -> memref<632x128xf32, #tpu.memory_space<vmem_shared>>
        tpu.wait_dma2 semaphore(%run_scoped3A : memref<!tpu.dma_semaphore, #tpu.memory_space<semaphore_mem>>) src(%dma_wait3A_87 : memref<632x128xf32, #tpu.memory_space<vmem_shared>>) dst(%dma_wait3A_85 : memref<632x128xf32, #tpu.memory_space<hbm>>)
        tpu.yield
      }) : () -> ()
    } else {
    }
    %eq3A_73 = arith.constant 15 : i32
    %eq3A_74 = arith.cmpi eq, %arg1, %eq3A_73 : i32
    %convert_element_type3A_75 = arith.extui %eq3A_74 : i1 to i32
    %cond3A_76 = arith.constant 0 : i32
    %cond3A_77 = arith.cmpi ne, %convert_element_type3A_75, %cond3A_76 : i32
    scf.if %cond3A_77 {
      "tpu.region"() ({
        %run_scoped3A = tpu.sem_alloc : memref<!tpu.dma_semaphore, #tpu.memory_space<semaphore_mem>>
        %dma_start3A_78 = arith.constant 9480 : i32
        %dma_start3A_79 = arith.constant 0 : i32
        %dma_start3A_80 = tpu.memref_slice %arg7[%arg0, %dma_start3A_78, %dma_start3A_79] : memref<2x10000x128xf32, #tpu.memory_space<hbm>> -> memref<1x520x128xf32, #tpu.memory_space<hbm>>
        %dma_start3A_81 = tpu.memref_squeeze %dma_start3A_80 : memref<1x520x128xf32, #tpu.memory_space<hbm>> -> memref<520x128xf32, #tpu.memory_space<hbm>>
        %dma_start3A_82 = arith.constant 9480 : i32
        %dma_start3A_83 = arith.constant 0 : i32
        %dma_start3A_84 = tpu.memref_slice %arg32[%dma_start3A_82, %dma_start3A_83] : memref<10000x128xf32, #tpu.memory_space<vmem_shared>> -> memref<520x128xf32, #tpu.memory_space<vmem_shared>>
        tpu.enqueue_dma source(%dma_start3A_84 : memref<520x128xf32, #tpu.memory_space<vmem_shared>>) target(%dma_start3A_81 : memref<520x128xf32, #tpu.memory_space<hbm>>) target_semaphore(%run_scoped3A : memref<!tpu.dma_semaphore, #tpu.memory_space<semaphore_mem>>)
        %dma_wait3A_85 = arith.constant 9480 : i32
        %dma_wait3A_86 = arith.constant 0 : i32
        %dma_wait3A_87 = tpu.memref_slice %arg7[%arg0, %dma_wait3A_85, %dma_wait3A_86] : memref<2x10000x128xf32, #tpu.memory_space<hbm>> -> memref<1x520x128xf32, #tpu.memory_space<hbm>>
        %dma_wait3A_88 = tpu.memref_squeeze %dma_wait3A_87 : memref<1x520x128xf32, #tpu.memory_space<hbm>> -> memref<520x128xf32, #tpu.memory_space<hbm>>
        %dma_wait3A_89 = arith.constant 9480 : i32
        %dma_wait3A_90 = arith.constant 0 : i32
        %dma_wait3A_91 = tpu.memref_slice %arg32[%dma_wait3A_89, %dma_wait3A_90] : memref<10000x128xf32, #tpu.memory_space<vmem_shared>> -> memref<520x128xf32, #tpu.memory_space<vmem_shared>>
        tpu.wait_dma2 semaphore(%run_scoped3A : memref<!tpu.dma_semaphore, #tpu.memory_space<semaphore_mem>>) src(%dma_wait3A_91 : memref<520x128xf32, #tpu.memory_space<vmem_shared>>) dst(%dma_wait3A_88 : memref<520x128xf32, #tpu.memory_space<hbm>>)
        tpu.yield
      }) : () -> ()
    } else {
    }
    return
  }
}

#map = affine_map<(d0, d1) -> (0)>
module attributes {stable_mosaic.version = 14 : i64} {
  func.func @_edge_weight_body(%arg0: i32, %arg1: i32, %arg2: memref<331776xi32, #tpu.memory_space<hbm>>, %arg3: memref<331776xi32, #tpu.memory_space<hbm>>, %arg4: memref<331776xf32, #tpu.memory_space<hbm>>, %arg5: memref<10000xf32, #tpu.memory_space<hbm>>, %arg6: memref<10000xf32, #tpu.memory_space<hbm>>, %arg7: memref<331776xf32, #tpu.memory_space<hbm>>, %arg8: memref<10000xf32, #tpu.memory_space<vmem>>, %arg9: memref<10000xf32, #tpu.memory_space<vmem>>, %arg10: memref<10368xi32, #tpu.memory_space<vmem>>, %arg11: memref<10368xi32, #tpu.memory_space<vmem>>, %arg12: memref<10368xf32, #tpu.memory_space<vmem>>, %arg13: memref<10368xf32, #tpu.memory_space<vmem>>) attributes {dimension_semantics = [#tpu.dimension_semantics<core_parallel>, #tpu.dimension_semantics<subcore_parallel>], iteration_bounds = array<i64: 2, 16>, scalar_prefetch = 0 : i64, scratch_operands = 6 : i64, tpu.core_type = #tpu.core_type<sc_vector_subcore>, window_params = [{transform_indices = #map}, {transform_indices = #map}, {transform_indices = #map}, {transform_indices = #map}, {transform_indices = #map}, {transform_indices = #map}]} {
    %mul3A = arith.constant 2 : i32
    %mul3A_0 = arith.muli %arg1, %mul3A : i32
    %add3A = arith.addi %mul3A_0, %arg0 : i32
    %mul3A_1 = arith.constant 10368 : i32
    %mul3A_2 = arith.muli %add3A, %mul3A_1 : i32
    "tpu.region"() ({
      %run_scoped3A = tpu.sem_alloc : memref<!tpu.dma_semaphore, #tpu.memory_space<semaphore_mem>>
      tpu.enqueue_dma source(%arg5 : memref<10000xf32, #tpu.memory_space<hbm>>) target(%arg8 : memref<10000xf32, #tpu.memory_space<vmem>>) target_semaphore(%run_scoped3A : memref<!tpu.dma_semaphore, #tpu.memory_space<semaphore_mem>>)
      tpu.wait_dma2 semaphore(%run_scoped3A : memref<!tpu.dma_semaphore, #tpu.memory_space<semaphore_mem>>) src(%arg5 : memref<10000xf32, #tpu.memory_space<hbm>>) dst(%arg8 : memref<10000xf32, #tpu.memory_space<vmem>>)
      tpu.yield
    }) : () -> ()
    "tpu.region"() ({
      %run_scoped3A = tpu.sem_alloc : memref<!tpu.dma_semaphore, #tpu.memory_space<semaphore_mem>>
      tpu.enqueue_dma source(%arg6 : memref<10000xf32, #tpu.memory_space<hbm>>) target(%arg9 : memref<10000xf32, #tpu.memory_space<vmem>>) target_semaphore(%run_scoped3A : memref<!tpu.dma_semaphore, #tpu.memory_space<semaphore_mem>>)
      tpu.wait_dma2 semaphore(%run_scoped3A : memref<!tpu.dma_semaphore, #tpu.memory_space<semaphore_mem>>) src(%arg6 : memref<10000xf32, #tpu.memory_space<hbm>>) dst(%arg9 : memref<10000xf32, #tpu.memory_space<vmem>>)
      tpu.yield
    }) : () -> ()
    "tpu.region"() ({
      %run_scoped3A = tpu.sem_alloc : memref<!tpu.dma_semaphore, #tpu.memory_space<semaphore_mem>>
      %dma_start3A = tpu.memref_slice %arg2[%mul3A_2] : memref<331776xi32, #tpu.memory_space<hbm>> -> memref<10368xi32, #tpu.memory_space<hbm>>
      %dma_start3A_9 = tpu.memref_slice %arg2[%mul3A_2] : memref<331776xi32, #tpu.memory_space<hbm>> -> memref<10368xi32, #tpu.memory_space<hbm>>
      tpu.enqueue_dma source(%dma_start3A_9 : memref<10368xi32, #tpu.memory_space<hbm>>) target(%arg10 : memref<10368xi32, #tpu.memory_space<vmem>>) target_semaphore(%run_scoped3A : memref<!tpu.dma_semaphore, #tpu.memory_space<semaphore_mem>>)
      %dma_wait3A = tpu.memref_slice %arg2[%mul3A_2] : memref<331776xi32, #tpu.memory_space<hbm>> -> memref<10368xi32, #tpu.memory_space<hbm>>
      %dma_wait3A_10 = tpu.memref_slice %arg2[%mul3A_2] : memref<331776xi32, #tpu.memory_space<hbm>> -> memref<10368xi32, #tpu.memory_space<hbm>>
      tpu.wait_dma2 semaphore(%run_scoped3A : memref<!tpu.dma_semaphore, #tpu.memory_space<semaphore_mem>>) src(%dma_wait3A_10 : memref<10368xi32, #tpu.memory_space<hbm>>) dst(%arg10 : memref<10368xi32, #tpu.memory_space<vmem>>)
      tpu.yield
    }) : () -> ()
    "tpu.region"() ({
      %run_scoped3A = tpu.sem_alloc : memref<!tpu.dma_semaphore, #tpu.memory_space<semaphore_mem>>
      %dma_start3A = tpu.memref_slice %arg3[%mul3A_2] : memref<331776xi32, #tpu.memory_space<hbm>> -> memref<10368xi32, #tpu.memory_space<hbm>>
      %dma_start3A_9 = tpu.memref_slice %arg3[%mul3A_2] : memref<331776xi32, #tpu.memory_space<hbm>> -> memref<10368xi32, #tpu.memory_space<hbm>>
      tpu.enqueue_dma source(%dma_start3A_9 : memref<10368xi32, #tpu.memory_space<hbm>>) target(%arg11 : memref<10368xi32, #tpu.memory_space<vmem>>) target_semaphore(%run_scoped3A : memref<!tpu.dma_semaphore, #tpu.memory_space<semaphore_mem>>)
      %dma_wait3A = tpu.memref_slice %arg3[%mul3A_2] : memref<331776xi32, #tpu.memory_space<hbm>> -> memref<10368xi32, #tpu.memory_space<hbm>>
      %dma_wait3A_10 = tpu.memref_slice %arg3[%mul3A_2] : memref<331776xi32, #tpu.memory_space<hbm>> -> memref<10368xi32, #tpu.memory_space<hbm>>
      tpu.wait_dma2 semaphore(%run_scoped3A : memref<!tpu.dma_semaphore, #tpu.memory_space<semaphore_mem>>) src(%dma_wait3A_10 : memref<10368xi32, #tpu.memory_space<hbm>>) dst(%arg11 : memref<10368xi32, #tpu.memory_space<vmem>>)
      tpu.yield
    }) : () -> ()
    "tpu.region"() ({
      %run_scoped3A = tpu.sem_alloc : memref<!tpu.dma_semaphore, #tpu.memory_space<semaphore_mem>>
      %dma_start3A = tpu.memref_slice %arg4[%mul3A_2] : memref<331776xf32, #tpu.memory_space<hbm>> -> memref<10368xf32, #tpu.memory_space<hbm>>
      %dma_start3A_9 = tpu.memref_slice %arg4[%mul3A_2] : memref<331776xf32, #tpu.memory_space<hbm>> -> memref<10368xf32, #tpu.memory_space<hbm>>
      tpu.enqueue_dma source(%dma_start3A_9 : memref<10368xf32, #tpu.memory_space<hbm>>) target(%arg12 : memref<10368xf32, #tpu.memory_space<vmem>>) target_semaphore(%run_scoped3A : memref<!tpu.dma_semaphore, #tpu.memory_space<semaphore_mem>>)
      %dma_wait3A = tpu.memref_slice %arg4[%mul3A_2] : memref<331776xf32, #tpu.memory_space<hbm>> -> memref<10368xf32, #tpu.memory_space<hbm>>
      %dma_wait3A_10 = tpu.memref_slice %arg4[%mul3A_2] : memref<331776xf32, #tpu.memory_space<hbm>> -> memref<10368xf32, #tpu.memory_space<hbm>>
      tpu.wait_dma2 semaphore(%run_scoped3A : memref<!tpu.dma_semaphore, #tpu.memory_space<semaphore_mem>>) src(%dma_wait3A_10 : memref<10368xf32, #tpu.memory_space<hbm>>) dst(%arg12 : memref<10368xf32, #tpu.memory_space<vmem>>)
      tpu.yield
    }) : () -> ()
    %scan3A = arith.constant 0 : i32
    %scan3A_3 = arith.constant 0 : i32
    %scan3A_4 = arith.constant 648 : i32
    %scan3A_5 = arith.addi %scan3A_3, %scan3A_4 : i32
    %scan3A_6 = arith.constant 1 : i32
    %scan3A_7 = scf.for %scan3A_9 = %scan3A_3 to %scan3A_5 step %scan3A_6 iter_args(%scan3A_10 = %scan3A) -> (i32)  : i32 {
      %mul3A_11 = arith.constant 16 : i32
      %mul3A_12 = arith.muli %scan3A_9, %mul3A_11 : i32
      %get3A = arith.index_cast %mul3A_12 : i32 to index
      %get3A_13 = tpu.vector_load %arg10[%get3A] {strides = array<i32>} : memref<10368xi32, #tpu.memory_space<vmem>>, vector<16xi32>,
      %mul3A_14 = arith.constant 16 : i32
      %mul3A_15 = arith.muli %scan3A_9, %mul3A_14 : i32
      %get3A_16 = arith.index_cast %mul3A_15 : i32 to index
      %get3A_17 = tpu.vector_load %arg11[%get3A_16] {strides = array<i32>} : memref<10368xi32, #tpu.memory_space<vmem>>, vector<16xi32>,
      %mul3A_18 = arith.constant 16 : i32
      %mul3A_19 = arith.muli %scan3A_9, %mul3A_18 : i32
      %get3A_20 = arith.index_cast %mul3A_19 : i32 to index
      %get3A_21 = tpu.vector_load %arg12[%get3A_20] {strides = array<i32>} : memref<10368xf32, #tpu.memory_space<vmem>>, vector<16xf32>,
      %gather3A = tpu.vector_load_idx %arg8[%get3A_13] : memref<10000xf32, #tpu.memory_space<vmem>>[vector<16xi32>], vector<16xf32>,
      %mul3A_22 = arith.mulf %get3A_21, %gather3A : vector<16xf32>
      %gather3A_23 = tpu.vector_load_idx %arg9[%get3A_17] : memref<10000xf32, #tpu.memory_space<vmem>>[vector<16xi32>], vector<16xf32>,
      %mul3A_24 = arith.mulf %mul3A_22, %gather3A_23 : vector<16xf32>
      %mul3A_25 = arith.constant 16 : i32
      %mul3A_26 = arith.muli %scan3A_9, %mul3A_25 : i32
      %swap3A = arith.index_cast %mul3A_26 : i32 to index
      %swap3A_27 = tpu.vector_load %arg13[%swap3A] {strides = array<i32>} : memref<10368xf32, #tpu.memory_space<vmem>>, vector<16xf32>,
      tpu.vector_store %arg13[%swap3A], %mul3A_24 {strides = array<i32>} : memref<10368xf32, #tpu.memory_space<vmem>>, vector<16xf32>,
      %scan3A_28 = arith.constant 0 : i32
      scf.yield %scan3A_28 : i32
    }
    %scan3A_8 = arith.constant 648 : i32
    "tpu.region"() ({
      %run_scoped3A = tpu.sem_alloc : memref<!tpu.dma_semaphore, #tpu.memory_space<semaphore_mem>>
      %dma_start3A = tpu.memref_slice %arg7[%mul3A_2] : memref<331776xf32, #tpu.memory_space<hbm>> -> memref<10368xf32, #tpu.memory_space<hbm>>
      %dma_start3A_9 = tpu.memref_slice %arg7[%mul3A_2] : memref<331776xf32, #tpu.memory_space<hbm>> -> memref<10368xf32, #tpu.memory_space<hbm>>
      tpu.enqueue_dma source(%arg13 : memref<10368xf32, #tpu.memory_space<vmem>>) target(%dma_start3A_9 : memref<10368xf32, #tpu.memory_space<hbm>>) target_semaphore(%run_scoped3A : memref<!tpu.dma_semaphore, #tpu.memory_space<semaphore_mem>>)
      %dma_wait3A = tpu.memref_slice %arg7[%mul3A_2] : memref<331776xf32, #tpu.memory_space<hbm>> -> memref<10368xf32, #tpu.memory_space<hbm>>
      %dma_wait3A_10 = tpu.memref_slice %arg7[%mul3A_2] : memref<331776xf32, #tpu.memory_space<hbm>> -> memref<10368xf32, #tpu.memory_space<hbm>>
      tpu.wait_dma2 semaphore(%run_scoped3A : memref<!tpu.dma_semaphore, #tpu.memory_space<semaphore_mem>>) src(%arg13 : memref<10368xf32, #tpu.memory_space<vmem>>) dst(%dma_wait3A_10 : memref<10368xf32, #tpu.memory_space<hbm>>)
      tpu.yield
    }) : () -> ()
    return
  }
}

#map = affine_map<(d0, d1) -> (0, 0)>
#map1 = affine_map<(d0, d1) -> (0)>
#map2 = affine_map<(d0, d1) -> (0, 0, 0)>
module attributes {stable_mosaic.version = 14 : i64} {
  func.func @_spmm_body(%arg0: i32, %arg1: i32, %arg2: memref<10000x128xf32, #tpu.memory_space<hbm>>, %arg3: memref<331776xi32, #tpu.memory_space<hbm>>, %arg4: memref<2592x128xi32, #tpu.memory_space<hbm>>, %arg5: memref<331776xf32, #tpu.memory_space<hbm>>, %arg6: memref<10000x128xf32, #tpu.memory_space<hbm>>, %arg7: memref<2x10000x128xf32, #tpu.memory_space<hbm>>, %arg8: memref<128xi32, #tpu.memory_space<vmem>>, %arg9: memref<128xi32, #tpu.memory_space<vmem>>, %arg10: memref<128xi32, #tpu.memory_space<vmem>>, %arg11: memref<128xf32, #tpu.memory_space<vmem>>, %arg12: memref<128xf32, #tpu.memory_space<vmem>>, %arg13: memref<128xf32, #tpu.memory_space<vmem>>, %arg14: memref<1x128xi32, #tpu.memory_space<vmem>>, %arg15: memref<1x128xi32, #tpu.memory_space<vmem>>, %arg16: memref<1x128xi32, #tpu.memory_space<vmem>>, %arg17: memref<128x128xf32, #tpu.memory_space<vmem>>, %arg18: memref<128x128xf32, #tpu.memory_space<vmem>>, %arg19: memref<128x128xf32, #tpu.memory_space<vmem>>, %arg20: memref<!tpu.dma_semaphore, #tpu.memory_space<semaphore_mem>>, %arg21: memref<!tpu.dma_semaphore, #tpu.memory_space<semaphore_mem>>, %arg22: memref<!tpu.dma_semaphore, #tpu.memory_space<semaphore_mem>>, %arg23: memref<!tpu.dma_semaphore, #tpu.memory_space<semaphore_mem>>, %arg24: memref<!tpu.dma_semaphore, #tpu.memory_space<semaphore_mem>>, %arg25: memref<!tpu.dma_semaphore, #tpu.memory_space<semaphore_mem>>, %arg26: memref<!tpu.dma_semaphore, #tpu.memory_space<semaphore_mem>>, %arg27: memref<!tpu.dma_semaphore, #tpu.memory_space<semaphore_mem>>, %arg28: memref<!tpu.dma_semaphore, #tpu.memory_space<semaphore_mem>>, %arg29: memref<!tpu.dma_semaphore, #tpu.memory_space<semaphore_mem>>, %arg30: memref<!tpu.dma_semaphore, #tpu.memory_space<semaphore_mem>>, %arg31: memref<!tpu.dma_semaphore, #tpu.memory_space<semaphore_mem>>, %arg32: memref<10000x128xf32, #tpu.memory_space<vmem_shared>>) attributes {dimension_semantics = [#tpu.dimension_semantics<core_parallel>, #tpu.dimension_semantics<subcore_parallel>], iteration_bounds = array<i64: 2, 16>, scalar_prefetch = 0 : i64, scratch_operands = 25 : i64, tpu.core_type = #tpu.core_type<sc_vector_subcore>, window_params = [{transform_indices = #map}, {transform_indices = #map1}, {transform_indices = #map}, {transform_indices = #map1}, {transform_indices = #map}, {transform_indices = #map2}]} {
    %mul3A = arith.constant 2 : i32
    %mul3A_0 = arith.muli %arg1, %mul3A : i32
    %add3A = arith.addi %mul3A_0, %arg0 : i32
    %mul3A_1 = arith.constant 10368 : i32
    %mul3A_2 = arith.muli %add3A, %mul3A_1 : i32
    %mul3A_3 = arith.constant 632 : i32
    %mul3A_4 = arith.muli %arg1, %mul3A_3 : i32
    %lt3A = arith.constant 15 : i32
    %lt3A_5 = arith.cmpi slt, %arg1, %lt3A : i32
    %convert_element_type3A = arith.extui %lt3A_5 : i1 to i32
    %cond3A = arith.constant 0 : i32
    %cond3A_6 = arith.cmpi ne, %convert_element_type3A, %cond3A : i32
    scf.if %cond3A_6 {
      "tpu.region"() ({
        %run_scoped3A = tpu.sem_alloc : memref<!tpu.dma_semaphore, #tpu.memory_space<semaphore_mem>>
        %dma_start3A_78 = arith.constant 0 : i32
        %dma_start3A_79 = tpu.memref_slice %arg32[%mul3A_4, %dma_start3A_78] : memref<10000x128xf32, #tpu.memory_space<vmem_shared>> -> memref<632x128xf32, #tpu.memory_space<vmem_shared>>
        %dma_start3A_80 = arith.constant 0 : i32
        %dma_start3A_81 = tpu.memref_slice %arg6[%mul3A_4, %dma_start3A_80] : memref<10000x128xf32, #tpu.memory_space<hbm>> -> memref<632x128xf32, #tpu.memory_space<hbm>>
        tpu.enqueue_dma source(%dma_start3A_81 : memref<632x128xf32, #tpu.memory_space<hbm>>) target(%dma_start3A_79 : memref<632x128xf32, #tpu.memory_space<vmem_shared>>) target_semaphore(%run_scoped3A : memref<!tpu.dma_semaphore, #tpu.memory_space<semaphore_mem>>)
        %dma_wait3A_82 = arith.constant 0 : i32
        %dma_wait3A_83 = tpu.memref_slice %arg32[%mul3A_4, %dma_wait3A_82] : memref<10000x128xf32, #tpu.memory_space<vmem_shared>> -> memref<632x128xf32, #tpu.memory_space<vmem_shared>>
        %dma_wait3A_84 = arith.constant 0 : i32
        %dma_wait3A_85 = tpu.memref_slice %arg6[%mul3A_4, %dma_wait3A_84] : memref<10000x128xf32, #tpu.memory_space<hbm>> -> memref<632x128xf32, #tpu.memory_space<hbm>>
        tpu.wait_dma2 semaphore(%run_scoped3A : memref<!tpu.dma_semaphore, #tpu.memory_space<semaphore_mem>>) src(%dma_wait3A_85 : memref<632x128xf32, #tpu.memory_space<hbm>>) dst(%dma_wait3A_83 : memref<632x128xf32, #tpu.memory_space<vmem_shared>>)
        tpu.yield
      }) : () -> ()
    } else {
    }
    %eq3A = arith.constant 15 : i32
    %eq3A_7 = arith.cmpi eq, %arg1, %eq3A : i32
    %convert_element_type3A_8 = arith.extui %eq3A_7 : i1 to i32
    %cond3A_9 = arith.constant 0 : i32
    %cond3A_10 = arith.cmpi ne, %convert_element_type3A_8, %cond3A_9 : i32
    scf.if %cond3A_10 {
      "tpu.region"() ({
        %run_scoped3A = tpu.sem_alloc : memref<!tpu.dma_semaphore, #tpu.memory_space<semaphore_mem>>
        %dma_start3A_78 = arith.constant 9480 : i32
        %dma_start3A_79 = arith.constant 0 : i32
        %dma_start3A_80 = tpu.memref_slice %arg32[%dma_start3A_78, %dma_start3A_79] : memref<10000x128xf32, #tpu.memory_space<vmem_shared>> -> memref<520x128xf32, #tpu.memory_space<vmem_shared>>
        %dma_start3A_81 = arith.constant 9480 : i32
        %dma_start3A_82 = arith.constant 0 : i32
        %dma_start3A_83 = tpu.memref_slice %arg6[%dma_start3A_81, %dma_start3A_82] : memref<10000x128xf32, #tpu.memory_space<hbm>> -> memref<520x128xf32, #tpu.memory_space<hbm>>
        tpu.enqueue_dma source(%dma_start3A_83 : memref<520x128xf32, #tpu.memory_space<hbm>>) target(%dma_start3A_80 : memref<520x128xf32, #tpu.memory_space<vmem_shared>>) target_semaphore(%run_scoped3A : memref<!tpu.dma_semaphore, #tpu.memory_space<semaphore_mem>>)
        %dma_wait3A_84 = arith.constant 9480 : i32
        %dma_wait3A_85 = arith.constant 0 : i32
        %dma_wait3A_86 = tpu.memref_slice %arg32[%dma_wait3A_84, %dma_wait3A_85] : memref<10000x128xf32, #tpu.memory_space<vmem_shared>> -> memref<520x128xf32, #tpu.memory_space<vmem_shared>>
        %dma_wait3A_87 = arith.constant 9480 : i32
        %dma_wait3A_88 = arith.constant 0 : i32
        %dma_wait3A_89 = tpu.memref_slice %arg6[%dma_wait3A_87, %dma_wait3A_88] : memref<10000x128xf32, #tpu.memory_space<hbm>> -> memref<520x128xf32, #tpu.memory_space<hbm>>
        tpu.wait_dma2 semaphore(%run_scoped3A : memref<!tpu.dma_semaphore, #tpu.memory_space<semaphore_mem>>) src(%dma_wait3A_89 : memref<520x128xf32, #tpu.memory_space<hbm>>) dst(%dma_wait3A_86 : memref<520x128xf32, #tpu.memory_space<vmem_shared>>)
        tpu.yield
      }) : () -> ()
    } else {
    }
    %barrier3A = arith.constant 0 : index
    tpu.barrier barrier_id(%barrier3A)
    %add3A_11 = arith.constant 0 : i32
    %add3A_12 = arith.addi %mul3A_2, %add3A_11 : i32
    %dma_start3A = tpu.memref_slice %arg3[%add3A_12] : memref<331776xi32, #tpu.memory_space<hbm>> -> memref<128xi32, #tpu.memory_space<hbm>>
    %dma_start3A_13 = tpu.memref_slice %arg3[%add3A_12] : memref<331776xi32, #tpu.memory_space<hbm>> -> memref<128xi32, #tpu.memory_space<hbm>>
    tpu.enqueue_dma source(%dma_start3A_13 : memref<128xi32, #tpu.memory_space<hbm>>) target(%arg8 : memref<128xi32, #tpu.memory_space<vmem>>) target_semaphore(%arg20 : memref<!tpu.dma_semaphore, #tpu.memory_space<semaphore_mem>>)
    %dma_start3A_14 = tpu.memref_slice %arg5[%add3A_12] : memref<331776xf32, #tpu.memory_space<hbm>> -> memref<128xf32, #tpu.memory_space<hbm>>
    %dma_start3A_15 = tpu.memref_slice %arg5[%add3A_12] : memref<331776xf32, #tpu.memory_space<hbm>> -> memref<128xf32, #tpu.memory_space<hbm>>
    tpu.enqueue_dma source(%dma_start3A_15 : memref<128xf32, #tpu.memory_space<hbm>>) target(%arg11 : memref<128xf32, #tpu.memory_space<vmem>>) target_semaphore(%arg20 : memref<!tpu.dma_semaphore, #tpu.memory_space<semaphore_mem>>)
    %dma_wait3A = arith.constant 0 : i32
    %dma_wait3A_16 = tpu.memref_slice %arg3[%dma_wait3A] : memref<331776xi32, #tpu.memory_space<hbm>> -> memref<128xi32, #tpu.memory_space<hbm>>
    %dma_wait3A_17 = arith.constant 0 : i32
    %dma_wait3A_18 = tpu.memref_slice %arg3[%dma_wait3A_17] : memref<331776xi32, #tpu.memory_space<hbm>> -> memref<128xi32, #tpu.memory_space<hbm>>
    tpu.wait_dma2 semaphore(%arg20 : memref<!tpu.dma_semaphore, #tpu.memory_space<semaphore_mem>>) src(%dma_wait3A_18 : memref<128xi32, #tpu.memory_space<hbm>>) dst(%arg8 : memref<128xi32, #tpu.memory_space<vmem>>)
    %dma_wait3A_19 = arith.constant 0 : i32
    %dma_wait3A_20 = tpu.memref_slice %arg5[%dma_wait3A_19] : memref<331776xf32, #tpu.memory_space<hbm>> -> memref<128xf32, #tpu.memory_space<hbm>>
    %dma_wait3A_21 = arith.constant 0 : i32
    %dma_wait3A_22 = tpu.memref_slice %arg5[%dma_wait3A_21] : memref<331776xf32, #tpu.memory_space<hbm>> -> memref<128xf32, #tpu.memory_space<hbm>>
    tpu.wait_dma2 semaphore(%arg20 : memref<!tpu.dma_semaphore, #tpu.memory_space<semaphore_mem>>) src(%dma_wait3A_22 : memref<128xf32, #tpu.memory_space<hbm>>) dst(%arg11 : memref<128xf32, #tpu.memory_space<vmem>>)
    %mul3A_23 = arith.constant 81 : i32
    %mul3A_24 = arith.muli %add3A, %mul3A_23 : i32
    %add3A_25 = arith.constant 0 : i32
    %add3A_26 = arith.addi %mul3A_24, %add3A_25 : i32
    %dma_start3A_27 = arith.constant 0 : i32
    %dma_start3A_28 = tpu.memref_slice %arg4[%add3A_26, %dma_start3A_27] : memref<2592x128xi32, #tpu.memory_space<hbm>> -> memref<1x128xi32, #tpu.memory_space<hbm>>
    %dma_start3A_29 = arith.constant 0 : i32
    %dma_start3A_30 = tpu.memref_slice %arg4[%add3A_26, %dma_start3A_29] : memref<2592x128xi32, #tpu.memory_space<hbm>> -> memref<1x128xi32, #tpu.memory_space<hbm>>
    tpu.enqueue_dma source(%dma_start3A_30 : memref<1x128xi32, #tpu.memory_space<hbm>>) target(%arg14 : memref<1x128xi32, #tpu.memory_space<vmem>>) target_semaphore(%arg23 : memref<!tpu.dma_semaphore, #tpu.memory_space<semaphore_mem>>)
    %dma_start3A_31 = arith.constant 0 : i32
    %dma_start3A_32 = arith.constant 0 : i32
    %dma_start3A_33 = tpu.memref_slice %arg2[%dma_start3A_31, %dma_start3A_32] : memref<10000x128xf32, #tpu.memory_space<hbm>> -> memref<10000x128xf32, #tpu.memory_space<hbm>>
    tpu.enqueue_indirect_dma source(%dma_start3A_33 : memref<10000x128xf32, #tpu.memory_space<hbm>>) target(%arg17 : memref<128x128xf32, #tpu.memory_space<vmem>>) offsets(%arg8 : memref<128xi32, #tpu.memory_space<vmem>>) semaphore(%arg26 : memref<!tpu.dma_semaphore, #tpu.memory_space<semaphore_mem>>)
    %add3A_34 = arith.constant 128 : i32
    %add3A_35 = arith.addi %mul3A_2, %add3A_34 : i32
    %dma_start3A_36 = tpu.memref_slice %arg3[%add3A_35] : memref<331776xi32, #tpu.memory_space<hbm>> -> memref<128xi32, #tpu.memory_space<hbm>>
    %dma_start3A_37 = tpu.memref_slice %arg3[%add3A_35] : memref<331776xi32, #tpu.memory_space<hbm>> -> memref<128xi32, #tpu.memory_space<hbm>>
    tpu.enqueue_dma source(%dma_start3A_37 : memref<128xi32, #tpu.memory_space<hbm>>) target(%arg9 : memref<128xi32, #tpu.memory_space<vmem>>) target_semaphore(%arg21 : memref<!tpu.dma_semaphore, #tpu.memory_space<semaphore_mem>>)
    %dma_start3A_38 = tpu.memref_slice %arg5[%add3A_35] : memref<331776xf32, #tpu.memory_space<hbm>> -> memref<128xf32, #tpu.memory_space<hbm>>
    %dma_start3A_39 = tpu.memref_slice %arg5[%add3A_35] : memref<331776xf32, #tpu.memory_space<hbm>> -> memref<128xf32, #tpu.memory_space<hbm>>
    tpu.enqueue_dma source(%dma_start3A_39 : memref<128xf32, #tpu.memory_space<hbm>>) target(%arg12 : memref<128xf32, #tpu.memory_space<vmem>>) target_semaphore(%arg21 : memref<!tpu.dma_semaphore, #tpu.memory_space<semaphore_mem>>)
    %scan3A = arith.constant 0 : i32
    %scan3A_40 = arith.constant 0 : i32
    %scan3A_41 = arith.constant 27 : i32
    %scan3A_42 = arith.addi %scan3A_40, %scan3A_41 : i32
    %scan3A_43 = arith.constant 1 : i32
    %scan3A_44 = scf.for %scan3A_78 = %scan3A_40 to %scan3A_42 step %scan3A_43 iter_args(%scan3A_79 = %scan3A) -> (i32)  : i32 {
      %mul3A_80 = arith.constant 3 : i32
      %mul3A_81 = arith.muli %scan3A_78, %mul3A_80 : i32
      %add3A_82 = arith.constant 0 : i32
      %add3A_83 = arith.addi %mul3A_81, %add3A_82 : i32
      %dma_wait3A_84 = arith.constant 0 : i32
      %dma_wait3A_85 = arith.constant 0 : i32
      %dma_wait3A_86 = tpu.memref_slice %arg2[%dma_wait3A_84, %dma_wait3A_85] : memref<10000x128xf32, #tpu.memory_space<hbm>> -> memref<10000x128xf32, #tpu.memory_space<hbm>>
      tpu.wait_indirect_dma semaphore(%arg26 : memref<!tpu.dma_semaphore, #tpu.memory_space<semaphore_mem>>) src(%dma_wait3A_86 : memref<10000x128xf32, #tpu.memory_space<hbm>>) dst(%arg17 : memref<128x128xf32, #tpu.memory_space<vmem>>)
      %add3A_87 = arith.constant 1 : i32
      %add3A_88 = arith.addi %add3A_83, %add3A_87 : i32
      %lt3A_89 = arith.constant 81 : i32
      %lt3A_90 = arith.cmpi slt, %add3A_88, %lt3A_89 : i32
      %convert_element_type3A_91 = arith.extui %lt3A_90 : i1 to i32
      %cond3A_92 = arith.constant 0 : i32
      %cond3A_93 = arith.cmpi ne, %convert_element_type3A_91, %cond3A_92 : i32
      scf.if %cond3A_93 {
        %dma_wait3A_191 = arith.constant 0 : i32
        %dma_wait3A_192 = tpu.memref_slice %arg3[%dma_wait3A_191] : memref<331776xi32, #tpu.memory_space<hbm>> -> memref<128xi32, #tpu.memory_space<hbm>>
        %dma_wait3A_193 = arith.constant 0 : i32
        %dma_wait3A_194 = tpu.memref_slice %arg3[%dma_wait3A_193] : memref<331776xi32, #tpu.memory_space<hbm>> -> memref<128xi32, #tpu.memory_space<hbm>>
        tpu.wait_dma2 semaphore(%arg21 : memref<!tpu.dma_semaphore, #tpu.memory_space<semaphore_mem>>) src(%dma_wait3A_194 : memref<128xi32, #tpu.memory_space<hbm>>) dst(%arg9 : memref<128xi32, #tpu.memory_space<vmem>>)
        %dma_wait3A_195 = arith.constant 0 : i32
        %dma_wait3A_196 = tpu.memref_slice %arg5[%dma_wait3A_195] : memref<331776xf32, #tpu.memory_space<hbm>> -> memref<128xf32, #tpu.memory_space<hbm>>
        %dma_wait3A_197 = arith.constant 0 : i32
        %dma_wait3A_198 = tpu.memref_slice %arg5[%dma_wait3A_197] : memref<331776xf32, #tpu.memory_space<hbm>> -> memref<128xf32, #tpu.memory_space<hbm>>
        tpu.wait_dma2 semaphore(%arg21 : memref<!tpu.dma_semaphore, #tpu.memory_space<semaphore_mem>>) src(%dma_wait3A_198 : memref<128xf32, #tpu.memory_space<hbm>>) dst(%arg12 : memref<128xf32, #tpu.memory_space<vmem>>)
        %add3A_199 = arith.constant 1 : i32
        %add3A_200 = arith.addi %add3A_83, %add3A_199 : i32
        %ge3A = arith.constant 3 : i32
        %ge3A_201 = arith.cmpi sge, %add3A_200, %ge3A : i32
        %convert_element_type3A_202 = arith.extui %ge3A_201 : i1 to i32
        %cond3A_203 = arith.constant 0 : i32
        %cond3A_204 = arith.cmpi ne, %convert_element_type3A_202, %cond3A_203 : i32
        scf.if %cond3A_204 {
          %dma_wait3A_217 = arith.constant 0 : i32
          %dma_wait3A_218 = arith.constant 0 : i32
          %dma_wait3A_219 = tpu.memref_slice %arg15[%dma_wait3A_217, %dma_wait3A_218] : memref<1x128xi32, #tpu.memory_space<vmem>> -> memref<1x128xi32, #tpu.memory_space<vmem>>
          %dma_wait3A_220 = tpu.memref_squeeze %dma_wait3A_219 : memref<1x128xi32, #tpu.memory_space<vmem>> -> memref<128xi32, #tpu.memory_space<vmem>>
          %dma_wait3A_221 = arith.constant 0 : i32
          %dma_wait3A_222 = arith.constant 0 : i32
          %dma_wait3A_223 = tpu.memref_slice %arg32[%dma_wait3A_221, %dma_wait3A_222] : memref<10000x128xf32, #tpu.memory_space<vmem_shared>> -> memref<10000x128xf32, #tpu.memory_space<vmem_shared>>
          tpu.wait_indirect_dma semaphore(%arg30 : memref<!tpu.dma_semaphore, #tpu.memory_space<semaphore_mem>>) src(%arg18 : memref<128x128xf32, #tpu.memory_space<vmem>>) dst(%dma_wait3A_223 : memref<10000x128xf32, #tpu.memory_space<vmem_shared>>)
        } else {
        }
        %dma_start3A_205 = arith.constant 0 : i32
        %dma_start3A_206 = arith.constant 0 : i32
        %dma_start3A_207 = tpu.memref_slice %arg2[%dma_start3A_205, %dma_start3A_206] : memref<10000x128xf32, #tpu.memory_space<hbm>> -> memref<10000x128xf32, #tpu.memory_space<hbm>>
        tpu.enqueue_indirect_dma source(%dma_start3A_207 : memref<10000x128xf32, #tpu.memory_space<hbm>>) target(%arg18 : memref<128x128xf32, #tpu.memory_space<vmem>>) offsets(%arg9 : memref<128xi32, #tpu.memory_space<vmem>>) semaphore(%arg27 : memref<!tpu.dma_semaphore, #tpu.memory_space<semaphore_mem>>)
        %add3A_208 = arith.constant 1 : i32
        %add3A_209 = arith.addi %add3A_83, %add3A_208 : i32
        %mul3A_210 = arith.constant 81 : i32
        %mul3A_211 = arith.muli %add3A, %mul3A_210 : i32
        %add3A_212 = arith.addi %mul3A_211, %add3A_209 : i32
        %dma_start3A_213 = arith.constant 0 : i32
        %dma_start3A_214 = tpu.memref_slice %arg4[%add3A_212, %dma_start3A_213] : memref<2592x128xi32, #tpu.memory_space<hbm>> -> memref<1x128xi32, #tpu.memory_space<hbm>>
        %dma_start3A_215 = arith.constant 0 : i32
        %dma_start3A_216 = tpu.memref_slice %arg4[%add3A_212, %dma_start3A_215] : memref<2592x128xi32, #tpu.memory_space<hbm>> -> memref<1x128xi32, #tpu.memory_space<hbm>>
        tpu.enqueue_dma source(%dma_start3A_216 : memref<1x128xi32, #tpu.memory_space<hbm>>) target(%arg15 : memref<1x128xi32, #tpu.memory_space<vmem>>) target_semaphore(%arg24 : memref<!tpu.dma_semaphore, #tpu.memory_space<semaphore_mem>>)
      } else {
      }
      %parallel_loop3A = arith.constant 0 : i32
      %parallel_loop3A_94 = arith.constant 128 : i32
      %parallel_loop3A_95 = arith.constant 1 : i32
      scf.for %parallel_loop3A_191 = %parallel_loop3A to %parallel_loop3A_94 step %parallel_loop3A_95  : i32 {
        %parallel_loop3A_192 = arith.constant 0 : i32
        %parallel_loop3A_193 = vector.broadcast %parallel_loop3A_192 : i32 to vector<16xi32>
        %parallel_loop3A_194 = vector.broadcast %parallel_loop3A_191 : i32 to vector<16xi32>
        %parallel_loop3A_195 = arith.addi %parallel_loop3A_193, %parallel_loop3A_194 : vector<16xi32>
        %parallel_loop3A_196 = tpu.vector_load_idx %arg11[%parallel_loop3A_195] : memref<128xf32, #tpu.memory_space<vmem>>[vector<16xi32>], vector<16xf32>,
        %parallel_loop3A_197 = arith.index_cast %parallel_loop3A_191 : i32 to index
        %parallel_loop3A_198 = arith.constant 0 : index
        %parallel_loop3A_199 = tpu.vector_load %arg17[%parallel_loop3A_197, %parallel_loop3A_198] {strides = array<i32>} : memref<128x128xf32, #tpu.memory_space<vmem>>, vector<16xf32>,
        %parallel_loop3A_200 = arith.mulf %parallel_loop3A_199, %parallel_loop3A_196 : vector<16xf32>
        %parallel_loop3A_201 = arith.index_cast %parallel_loop3A_191 : i32 to index
        %parallel_loop3A_202 = arith.constant 0 : index
        %parallel_loop3A_203 = tpu.vector_load %arg17[%parallel_loop3A_201, %parallel_loop3A_202] {strides = array<i32>} : memref<128x128xf32, #tpu.memory_space<vmem>>, vector<16xf32>,
        tpu.vector_store %arg17[%parallel_loop3A_201, %parallel_loop3A_202], %parallel_loop3A_200 {strides = array<i32>} : memref<128x128xf32, #tpu.memory_space<vmem>>, vector<16xf32>,
        %parallel_loop3A_204 = arith.index_cast %parallel_loop3A_191 : i32 to index
        %parallel_loop3A_205 = arith.constant 16 : index
        %parallel_loop3A_206 = tpu.vector_load %arg17[%parallel_loop3A_204, %parallel_loop3A_205] {strides = array<i32>} : memref<128x128xf32, #tpu.memory_space<vmem>>, vector<16xf32>,
        %parallel_loop3A_207 = arith.mulf %parallel_loop3A_206, %parallel_loop3A_196 : vector<16xf32>
        %parallel_loop3A_208 = arith.index_cast %parallel_loop3A_191 : i32 to index
        %parallel_loop3A_209 = arith.constant 16 : index
        %parallel_loop3A_210 = tpu.vector_load %arg17[%parallel_loop3A_208, %parallel_loop3A_209] {strides = array<i32>} : memref<128x128xf32, #tpu.memory_space<vmem>>, vector<16xf32>,
        tpu.vector_store %arg17[%parallel_loop3A_208, %parallel_loop3A_209], %parallel_loop3A_207 {strides = array<i32>} : memref<128x128xf32, #tpu.memory_space<vmem>>, vector<16xf32>,
        %parallel_loop3A_211 = arith.index_cast %parallel_loop3A_191 : i32 to index
        %parallel_loop3A_212 = arith.constant 32 : index
        %parallel_loop3A_213 = tpu.vector_load %arg17[%parallel_loop3A_211, %parallel_loop3A_212] {strides = array<i32>} : memref<128x128xf32, #tpu.memory_space<vmem>>, vector<16xf32>,
        %parallel_loop3A_214 = arith.mulf %parallel_loop3A_213, %parallel_loop3A_196 : vector<16xf32>
        %parallel_loop3A_215 = arith.index_cast %parallel_loop3A_191 : i32 to index
        %parallel_loop3A_216 = arith.constant 32 : index
        %parallel_loop3A_217 = tpu.vector_load %arg17[%parallel_loop3A_215, %parallel_loop3A_216] {strides = array<i32>} : memref<128x128xf32, #tpu.memory_space<vmem>>, vector<16xf32>,
        tpu.vector_store %arg17[%parallel_loop3A_215, %parallel_loop3A_216], %parallel_loop3A_214 {strides = array<i32>} : memref<128x128xf32, #tpu.memory_space<vmem>>, vector<16xf32>,
        %parallel_loop3A_218 = arith.index_cast %parallel_loop3A_191 : i32 to index
        %parallel_loop3A_219 = arith.constant 48 : index
        %parallel_loop3A_220 = tpu.vector_load %arg17[%parallel_loop3A_218, %parallel_loop3A_219] {strides = array<i32>} : memref<128x128xf32, #tpu.memory_space<vmem>>, vector<16xf32>,
        %parallel_loop3A_221 = arith.mulf %parallel_loop3A_220, %parallel_loop3A_196 : vector<16xf32>
        %parallel_loop3A_222 = arith.index_cast %parallel_loop3A_191 : i32 to index
        %parallel_loop3A_223 = arith.constant 48 : index
        %parallel_loop3A_224 = tpu.vector_load %arg17[%parallel_loop3A_222, %parallel_loop3A_223] {strides = array<i32>} : memref<128x128xf32, #tpu.memory_space<vmem>>, vector<16xf32>,
        tpu.vector_store %arg17[%parallel_loop3A_222, %parallel_loop3A_223], %parallel_loop3A_221 {strides = array<i32>} : memref<128x128xf32, #tpu.memory_space<vmem>>, vector<16xf32>,
        %parallel_loop3A_225 = arith.index_cast %parallel_loop3A_191 : i32 to index
        %parallel_loop3A_226 = arith.constant 64 : index
        %parallel_loop3A_227 = tpu.vector_load %arg17[%parallel_loop3A_225, %parallel_loop3A_226] {strides = array<i32>} : memref<128x128xf32, #tpu.memory_space<vmem>>, vector<16xf32>,
        %parallel_loop3A_228 = arith.mulf %parallel_loop3A_227, %parallel_loop3A_196 : vector<16xf32>
        %parallel_loop3A_229 = arith.index_cast %parallel_loop3A_191 : i32 to index
        %parallel_loop3A_230 = arith.constant 64 : index
        %parallel_loop3A_231 = tpu.vector_load %arg17[%parallel_loop3A_229, %parallel_loop3A_230] {strides = array<i32>} : memref<128x128xf32, #tpu.memory_space<vmem>>, vector<16xf32>,
        tpu.vector_store %arg17[%parallel_loop3A_229, %parallel_loop3A_230], %parallel_loop3A_228 {strides = array<i32>} : memref<128x128xf32, #tpu.memory_space<vmem>>, vector<16xf32>,
        %parallel_loop3A_232 = arith.index_cast %parallel_loop3A_191 : i32 to index
        %parallel_loop3A_233 = arith.constant 80 : index
        %parallel_loop3A_234 = tpu.vector_load %arg17[%parallel_loop3A_232, %parallel_loop3A_233] {strides = array<i32>} : memref<128x128xf32, #tpu.memory_space<vmem>>, vector<16xf32>,
        %parallel_loop3A_235 = arith.mulf %parallel_loop3A_234, %parallel_loop3A_196 : vector<16xf32>
        %parallel_loop3A_236 = arith.index_cast %parallel_loop3A_191 : i32 to index
        %parallel_loop3A_237 = arith.constant 80 : index
        %parallel_loop3A_238 = tpu.vector_load %arg17[%parallel_loop3A_236, %parallel_loop3A_237] {strides = array<i32>} : memref<128x128xf32, #tpu.memory_space<vmem>>, vector<16xf32>,
        tpu.vector_store %arg17[%parallel_loop3A_236, %parallel_loop3A_237], %parallel_loop3A_235 {strides = array<i32>} : memref<128x128xf32, #tpu.memory_space<vmem>>, vector<16xf32>,
        %parallel_loop3A_239 = arith.index_cast %parallel_loop3A_191 : i32 to index
        %parallel_loop3A_240 = arith.constant 96 : index
        %parallel_loop3A_241 = tpu.vector_load %arg17[%parallel_loop3A_239, %parallel_loop3A_240] {strides = array<i32>} : memref<128x128xf32, #tpu.memory_space<vmem>>, vector<16xf32>,
        %parallel_loop3A_242 = arith.mulf %parallel_loop3A_241, %parallel_loop3A_196 : vector<16xf32>
        %parallel_loop3A_243 = arith.index_cast %parallel_loop3A_191 : i32 to index
        %parallel_loop3A_244 = arith.constant 96 : index
        %parallel_loop3A_245 = tpu.vector_load %arg17[%parallel_loop3A_243, %parallel_loop3A_244] {strides = array<i32>} : memref<128x128xf32, #tpu.memory_space<vmem>>, vector<16xf32>,
        tpu.vector_store %arg17[%parallel_loop3A_243, %parallel_loop3A_244], %parallel_loop3A_242 {strides = array<i32>} : memref<128x128xf32, #tpu.memory_space<vmem>>, vector<16xf32>,
        %parallel_loop3A_246 = arith.index_cast %parallel_loop3A_191 : i32 to index
        %parallel_loop3A_247 = arith.constant 112 : index
        %parallel_loop3A_248 = tpu.vector_load %arg17[%parallel_loop3A_246, %parallel_loop3A_247] {strides = array<i32>} : memref<128x128xf32, #tpu.memory_space<vmem>>, vector<16xf32>,
        %parallel_loop3A_249 = arith.mulf %parallel_loop3A_248, %parallel_loop3A_196 : vector<16xf32>
        %parallel_loop3A_250 = arith.index_cast %parallel_loop3A_191 : i32 to index
        %parallel_loop3A_251 = arith.constant 112 : index
        %parallel_loop3A_252 = tpu.vector_load %arg17[%parallel_loop3A_250, %parallel_loop3A_251] {strides = array<i32>} : memref<128x128xf32, #tpu.memory_space<vmem>>, vector<16xf32>,
        tpu.vector_store %arg17[%parallel_loop3A_250, %parallel_loop3A_251], %parallel_loop3A_249 {strides = array<i32>} : memref<128x128xf32, #tpu.memory_space<vmem>>, vector<16xf32>,
      } {sc.loop_unroll_factor = 4 : i64, sc.parallel_access}
      %dma_wait3A_96 = arith.constant 0 : i32
      %dma_wait3A_97 = arith.constant 0 : i32
      %dma_wait3A_98 = tpu.memref_slice %arg4[%dma_wait3A_96, %dma_wait3A_97] : memref<2592x128xi32, #tpu.memory_space<hbm>> -> memref<1x128xi32, #tpu.memory_space<hbm>>
      %dma_wait3A_99 = arith.constant 0 : i32
      %dma_wait3A_100 = arith.constant 0 : i32
      %dma_wait3A_101 = tpu.memref_slice %arg4[%dma_wait3A_99, %dma_wait3A_100] : memref<2592x128xi32, #tpu.memory_space<hbm>> -> memref<1x128xi32, #tpu.memory_space<hbm>>
      tpu.wait_dma2 semaphore(%arg23 : memref<!tpu.dma_semaphore, #tpu.memory_space<semaphore_mem>>) src(%dma_wait3A_101 : memref<1x128xi32, #tpu.memory_space<hbm>>) dst(%arg14 : memref<1x128xi32, #tpu.memory_space<vmem>>)
      %dma_start3A_102 = arith.constant 0 : i32
      %dma_start3A_103 = arith.constant 0 : i32
      %dma_start3A_104 = tpu.memref_slice %arg14[%dma_start3A_102, %dma_start3A_103] : memref<1x128xi32, #tpu.memory_space<vmem>> -> memref<1x128xi32, #tpu.memory_space<vmem>>
      %dma_start3A_105 = tpu.memref_squeeze %dma_start3A_104 : memref<1x128xi32, #tpu.memory_space<vmem>> -> memref<128xi32, #tpu.memory_space<vmem>>
      %dma_start3A_106 = arith.constant 0 : i32
      %dma_start3A_107 = arith.constant 0 : i32
      %dma_start3A_108 = tpu.memref_slice %arg32[%dma_start3A_106, %dma_start3A_107] : memref<10000x128xf32, #tpu.memory_space<vmem_shared>> -> memref<10000x128xf32, #tpu.memory_space<vmem_shared>>
      tpu.enqueue_indirect_dma source(%arg17 : memref<128x128xf32, #tpu.memory_space<vmem>>) target(%dma_start3A_108 : memref<10000x128xf32, #tpu.memory_space<vmem_shared>>) offsets(%dma_start3A_105 : memref<128xi32, #tpu.memory_space<vmem>>) semaphore(%arg29 : memref<!tpu.dma_semaphore, #tpu.memory_space<semaphore_mem>>) {add = true}
      %add3A_109 = arith.constant 2 : i32
      %add3A_110 = arith.addi %add3A_83, %add3A_109 : i32
      %lt3A_111 = arith.constant 81 : i32
      %lt3A_112 = arith.cmpi slt, %add3A_110, %lt3A_111 : i32
      %convert_element_type3A_113 = arith.extui %lt3A_112 : i1 to i32
      %cond3A_114 = arith.constant 0 : i32
      %cond3A_115 = arith.cmpi ne, %convert_element_type3A_113, %cond3A_114 : i32
      scf.if %cond3A_115 {
        %add3A_191 = arith.constant 2 : i32
        %add3A_192 = arith.addi %add3A_83, %add3A_191 : i32
        %mul3A_193 = arith.constant 128 : i32
        %mul3A_194 = arith.muli %add3A_192, %mul3A_193 : i32
        %add3A_195 = arith.addi %mul3A_2, %mul3A_194 : i32
        %dma_start3A_196 = tpu.memref_slice %arg3[%add3A_195] : memref<331776xi32, #tpu.memory_space<hbm>> -> memref<128xi32, #tpu.memory_space<hbm>>
        %dma_start3A_197 = tpu.memref_slice %arg3[%add3A_195] : memref<331776xi32, #tpu.memory_space<hbm>> -> memref<128xi32, #tpu.memory_space<hbm>>
        tpu.enqueue_dma source(%dma_start3A_197 : memref<128xi32, #tpu.memory_space<hbm>>) target(%arg10 : memref<128xi32, #tpu.memory_space<vmem>>) target_semaphore(%arg22 : memref<!tpu.dma_semaphore, #tpu.memory_space<semaphore_mem>>)
        %dma_start3A_198 = tpu.memref_slice %arg5[%add3A_195] : memref<331776xf32, #tpu.memory_space<hbm>> -> memref<128xf32, #tpu.memory_space<hbm>>
        %dma_start3A_199 = tpu.memref_slice %arg5[%add3A_195] : memref<331776xf32, #tpu.memory_space<hbm>> -> memref<128xf32, #tpu.memory_space<hbm>>
        tpu.enqueue_dma source(%dma_start3A_199 : memref<128xf32, #tpu.memory_space<hbm>>) target(%arg13 : memref<128xf32, #tpu.memory_space<vmem>>) target_semaphore(%arg22 : memref<!tpu.dma_semaphore, #tpu.memory_space<semaphore_mem>>)
      } else {
      }
      %mul3A_116 = arith.constant 3 : i32
      %mul3A_117 = arith.muli %scan3A_78, %mul3A_116 : i32
      %add3A_118 = arith.constant 1 : i32
      %add3A_119 = arith.addi %mul3A_117, %add3A_118 : i32
      %dma_wait3A_120 = arith.constant 0 : i32
      %dma_wait3A_121 = arith.constant 0 : i32
      %dma_wait3A_122 = tpu.memref_slice %arg2[%dma_wait3A_120, %dma_wait3A_121] : memref<10000x128xf32, #tpu.memory_space<hbm>> -> memref<10000x128xf32, #tpu.memory_space<hbm>>
      tpu.wait_indirect_dma semaphore(%arg27 : memref<!tpu.dma_semaphore, #tpu.memory_space<semaphore_mem>>) src(%dma_wait3A_122 : memref<10000x128xf32, #tpu.memory_space<hbm>>) dst(%arg18 : memref<128x128xf32, #tpu.memory_space<vmem>>)
      %add3A_123 = arith.constant 1 : i32
      %add3A_124 = arith.addi %add3A_119, %add3A_123 : i32
      %lt3A_125 = arith.constant 81 : i32
      %lt3A_126 = arith.cmpi slt, %add3A_124, %lt3A_125 : i32
      %convert_element_type3A_127 = arith.extui %lt3A_126 : i1 to i32
      %cond3A_128 = arith.constant 0 : i32
      %cond3A_129 = arith.cmpi ne, %convert_element_type3A_127, %cond3A_128 : i32
      scf.if %cond3A_129 {
        %dma_wait3A_191 = arith.constant 0 : i32
        %dma_wait3A_192 = tpu.memref_slice %arg3[%dma_wait3A_191] : memref<331776xi32, #tpu.memory_space<hbm>> -> memref<128xi32, #tpu.memory_space<hbm>>
        %dma_wait3A_193 = arith.constant 0 : i32
        %dma_wait3A_194 = tpu.memref_slice %arg3[%dma_wait3A_193] : memref<331776xi32, #tpu.memory_space<hbm>> -> memref<128xi32, #tpu.memory_space<hbm>>
        tpu.wait_dma2 semaphore(%arg22 : memref<!tpu.dma_semaphore, #tpu.memory_space<semaphore_mem>>) src(%dma_wait3A_194 : memref<128xi32, #tpu.memory_space<hbm>>) dst(%arg10 : memref<128xi32, #tpu.memory_space<vmem>>)
        %dma_wait3A_195 = arith.constant 0 : i32
        %dma_wait3A_196 = tpu.memref_slice %arg5[%dma_wait3A_195] : memref<331776xf32, #tpu.memory_space<hbm>> -> memref<128xf32, #tpu.memory_space<hbm>>
        %dma_wait3A_197 = arith.constant 0 : i32
        %dma_wait3A_198 = tpu.memref_slice %arg5[%dma_wait3A_197] : memref<331776xf32, #tpu.memory_space<hbm>> -> memref<128xf32, #tpu.memory_space<hbm>>
        tpu.wait_dma2 semaphore(%arg22 : memref<!tpu.dma_semaphore, #tpu.memory_space<semaphore_mem>>) src(%dma_wait3A_198 : memref<128xf32, #tpu.memory_space<hbm>>) dst(%arg13 : memref<128xf32, #tpu.memory_space<vmem>>)
        %add3A_199 = arith.constant 1 : i32
        %add3A_200 = arith.addi %add3A_119, %add3A_199 : i32
        %ge3A = arith.constant 3 : i32
        %ge3A_201 = arith.cmpi sge, %add3A_200, %ge3A : i32
        %convert_element_type3A_202 = arith.extui %ge3A_201 : i1 to i32
        %cond3A_203 = arith.constant 0 : i32
        %cond3A_204 = arith.cmpi ne, %convert_element_type3A_202, %cond3A_203 : i32
        scf.if %cond3A_204 {
          %dma_wait3A_217 = arith.constant 0 : i32
          %dma_wait3A_218 = arith.constant 0 : i32
          %dma_wait3A_219 = tpu.memref_slice %arg16[%dma_wait3A_217, %dma_wait3A_218] : memref<1x128xi32, #tpu.memory_space<vmem>> -> memref<1x128xi32, #tpu.memory_space<vmem>>
          %dma_wait3A_220 = tpu.memref_squeeze %dma_wait3A_219 : memref<1x128xi32, #tpu.memory_space<vmem>> -> memref<128xi32, #tpu.memory_space<vmem>>
          %dma_wait3A_221 = arith.constant 0 : i32
          %dma_wait3A_222 = arith.constant 0 : i32
          %dma_wait3A_223 = tpu.memref_slice %arg32[%dma_wait3A_221, %dma_wait3A_222] : memref<10000x128xf32, #tpu.memory_space<vmem_shared>> -> memref<10000x128xf32, #tpu.memory_space<vmem_shared>>
          tpu.wait_indirect_dma semaphore(%arg31 : memref<!tpu.dma_semaphore, #tpu.memory_space<semaphore_mem>>) src(%arg19 : memref<128x128xf32, #tpu.memory_space<vmem>>) dst(%dma_wait3A_223 : memref<10000x128xf32, #tpu.memory_space<vmem_shared>>)
        } else {
        }
        %dma_start3A_205 = arith.constant 0 : i32
        %dma_start3A_206 = arith.constant 0 : i32
        %dma_start3A_207 = tpu.memref_slice %arg2[%dma_start3A_205, %dma_start3A_206] : memref<10000x128xf32, #tpu.memory_space<hbm>> -> memref<10000x128xf32, #tpu.memory_space<hbm>>
        tpu.enqueue_indirect_dma source(%dma_start3A_207 : memref<10000x128xf32, #tpu.memory_space<hbm>>) target(%arg19 : memref<128x128xf32, #tpu.memory_space<vmem>>) offsets(%arg10 : memref<128xi32, #tpu.memory_space<vmem>>) semaphore(%arg28 : memref<!tpu.dma_semaphore, #tpu.memory_space<semaphore_mem>>)
        %add3A_208 = arith.constant 1 : i32
        %add3A_209 = arith.addi %add3A_119, %add3A_208 : i32
        %mul3A_210 = arith.constant 81 : i32
        %mul3A_211 = arith.muli %add3A, %mul3A_210 : i32
        %add3A_212 = arith.addi %mul3A_211, %add3A_209 : i32
        %dma_start3A_213 = arith.constant 0 : i32
        %dma_start3A_214 = tpu.memref_slice %arg4[%add3A_212, %dma_start3A_213] : memref<2592x128xi32, #tpu.memory_space<hbm>> -> memref<1x128xi32, #tpu.memory_space<hbm>>
        %dma_start3A_215 = arith.constant 0 : i32
        %dma_start3A_216 = tpu.memref_slice %arg4[%add3A_212, %dma_start3A_215] : memref<2592x128xi32, #tpu.memory_space<hbm>> -> memref<1x128xi32, #tpu.memory_space<hbm>>
        tpu.enqueue_dma source(%dma_start3A_216 : memref<1x128xi32, #tpu.memory_space<hbm>>) target(%arg16 : memref<1x128xi32, #tpu.memory_space<vmem>>) target_semaphore(%arg25 : memref<!tpu.dma_semaphore, #tpu.memory_space<semaphore_mem>>)
      } else {
      }
      %parallel_loop3A_130 = arith.constant 0 : i32
      %parallel_loop3A_131 = arith.constant 128 : i32
      %parallel_loop3A_132 = arith.constant 1 : i32
      scf.for %parallel_loop3A_191 = %parallel_loop3A_130 to %parallel_loop3A_131 step %parallel_loop3A_132  : i32 {
        %parallel_loop3A_192 = arith.constant 0 : i32
        %parallel_loop3A_193 = vector.broadcast %parallel_loop3A_192 : i32 to vector<16xi32>
        %parallel_loop3A_194 = vector.broadcast %parallel_loop3A_191 : i32 to vector<16xi32>
        %parallel_loop3A_195 = arith.addi %parallel_loop3A_193, %parallel_loop3A_194 : vector<16xi32>
        %parallel_loop3A_196 = tpu.vector_load_idx %arg12[%parallel_loop3A_195] : memref<128xf32, #tpu.memory_space<vmem>>[vector<16xi32>], vector<16xf32>,
        %parallel_loop3A_197 = arith.index_cast %parallel_loop3A_191 : i32 to index
        %parallel_loop3A_198 = arith.constant 0 : index
        %parallel_loop3A_199 = tpu.vector_load %arg18[%parallel_loop3A_197, %parallel_loop3A_198] {strides = array<i32>} : memref<128x128xf32, #tpu.memory_space<vmem>>, vector<16xf32>,
        %parallel_loop3A_200 = arith.mulf %parallel_loop3A_199, %parallel_loop3A_196 : vector<16xf32>
        %parallel_loop3A_201 = arith.index_cast %parallel_loop3A_191 : i32 to index
        %parallel_loop3A_202 = arith.constant 0 : index
        %parallel_loop3A_203 = tpu.vector_load %arg18[%parallel_loop3A_201, %parallel_loop3A_202] {strides = array<i32>} : memref<128x128xf32, #tpu.memory_space<vmem>>, vector<16xf32>,
        tpu.vector_store %arg18[%parallel_loop3A_201, %parallel_loop3A_202], %parallel_loop3A_200 {strides = array<i32>} : memref<128x128xf32, #tpu.memory_space<vmem>>, vector<16xf32>,
        %parallel_loop3A_204 = arith.index_cast %parallel_loop3A_191 : i32 to index
        %parallel_loop3A_205 = arith.constant 16 : index
        %parallel_loop3A_206 = tpu.vector_load %arg18[%parallel_loop3A_204, %parallel_loop3A_205] {strides = array<i32>} : memref<128x128xf32, #tpu.memory_space<vmem>>, vector<16xf32>,
        %parallel_loop3A_207 = arith.mulf %parallel_loop3A_206, %parallel_loop3A_196 : vector<16xf32>
        %parallel_loop3A_208 = arith.index_cast %parallel_loop3A_191 : i32 to index
        %parallel_loop3A_209 = arith.constant 16 : index
        %parallel_loop3A_210 = tpu.vector_load %arg18[%parallel_loop3A_208, %parallel_loop3A_209] {strides = array<i32>} : memref<128x128xf32, #tpu.memory_space<vmem>>, vector<16xf32>,
        tpu.vector_store %arg18[%parallel_loop3A_208, %parallel_loop3A_209], %parallel_loop3A_207 {strides = array<i32>} : memref<128x128xf32, #tpu.memory_space<vmem>>, vector<16xf32>,
        %parallel_loop3A_211 = arith.index_cast %parallel_loop3A_191 : i32 to index
        %parallel_loop3A_212 = arith.constant 32 : index
        %parallel_loop3A_213 = tpu.vector_load %arg18[%parallel_loop3A_211, %parallel_loop3A_212] {strides = array<i32>} : memref<128x128xf32, #tpu.memory_space<vmem>>, vector<16xf32>,
        %parallel_loop3A_214 = arith.mulf %parallel_loop3A_213, %parallel_loop3A_196 : vector<16xf32>
        %parallel_loop3A_215 = arith.index_cast %parallel_loop3A_191 : i32 to index
        %parallel_loop3A_216 = arith.constant 32 : index
        %parallel_loop3A_217 = tpu.vector_load %arg18[%parallel_loop3A_215, %parallel_loop3A_216] {strides = array<i32>} : memref<128x128xf32, #tpu.memory_space<vmem>>, vector<16xf32>,
        tpu.vector_store %arg18[%parallel_loop3A_215, %parallel_loop3A_216], %parallel_loop3A_214 {strides = array<i32>} : memref<128x128xf32, #tpu.memory_space<vmem>>, vector<16xf32>,
        %parallel_loop3A_218 = arith.index_cast %parallel_loop3A_191 : i32 to index
        %parallel_loop3A_219 = arith.constant 48 : index
        %parallel_loop3A_220 = tpu.vector_load %arg18[%parallel_loop3A_218, %parallel_loop3A_219] {strides = array<i32>} : memref<128x128xf32, #tpu.memory_space<vmem>>, vector<16xf32>,
        %parallel_loop3A_221 = arith.mulf %parallel_loop3A_220, %parallel_loop3A_196 : vector<16xf32>
        %parallel_loop3A_222 = arith.index_cast %parallel_loop3A_191 : i32 to index
        %parallel_loop3A_223 = arith.constant 48 : index
        %parallel_loop3A_224 = tpu.vector_load %arg18[%parallel_loop3A_222, %parallel_loop3A_223] {strides = array<i32>} : memref<128x128xf32, #tpu.memory_space<vmem>>, vector<16xf32>,
        tpu.vector_store %arg18[%parallel_loop3A_222, %parallel_loop3A_223], %parallel_loop3A_221 {strides = array<i32>} : memref<128x128xf32, #tpu.memory_space<vmem>>, vector<16xf32>,
        %parallel_loop3A_225 = arith.index_cast %parallel_loop3A_191 : i32 to index
        %parallel_loop3A_226 = arith.constant 64 : index
        %parallel_loop3A_227 = tpu.vector_load %arg18[%parallel_loop3A_225, %parallel_loop3A_226] {strides = array<i32>} : memref<128x128xf32, #tpu.memory_space<vmem>>, vector<16xf32>,
        %parallel_loop3A_228 = arith.mulf %parallel_loop3A_227, %parallel_loop3A_196 : vector<16xf32>
        %parallel_loop3A_229 = arith.index_cast %parallel_loop3A_191 : i32 to index
        %parallel_loop3A_230 = arith.constant 64 : index
        %parallel_loop3A_231 = tpu.vector_load %arg18[%parallel_loop3A_229, %parallel_loop3A_230] {strides = array<i32>} : memref<128x128xf32, #tpu.memory_space<vmem>>, vector<16xf32>,
        tpu.vector_store %arg18[%parallel_loop3A_229, %parallel_loop3A_230], %parallel_loop3A_228 {strides = array<i32>} : memref<128x128xf32, #tpu.memory_space<vmem>>, vector<16xf32>,
        %parallel_loop3A_232 = arith.index_cast %parallel_loop3A_191 : i32 to index
        %parallel_loop3A_233 = arith.constant 80 : index
        %parallel_loop3A_234 = tpu.vector_load %arg18[%parallel_loop3A_232, %parallel_loop3A_233] {strides = array<i32>} : memref<128x128xf32, #tpu.memory_space<vmem>>, vector<16xf32>,
        %parallel_loop3A_235 = arith.mulf %parallel_loop3A_234, %parallel_loop3A_196 : vector<16xf32>
        %parallel_loop3A_236 = arith.index_cast %parallel_loop3A_191 : i32 to index
        %parallel_loop3A_237 = arith.constant 80 : index
        %parallel_loop3A_238 = tpu.vector_load %arg18[%parallel_loop3A_236, %parallel_loop3A_237] {strides = array<i32>} : memref<128x128xf32, #tpu.memory_space<vmem>>, vector<16xf32>,
        tpu.vector_store %arg18[%parallel_loop3A_236, %parallel_loop3A_237], %parallel_loop3A_235 {strides = array<i32>} : memref<128x128xf32, #tpu.memory_space<vmem>>, vector<16xf32>,
        %parallel_loop3A_239 = arith.index_cast %parallel_loop3A_191 : i32 to index
        %parallel_loop3A_240 = arith.constant 96 : index
        %parallel_loop3A_241 = tpu.vector_load %arg18[%parallel_loop3A_239, %parallel_loop3A_240] {strides = array<i32>} : memref<128x128xf32, #tpu.memory_space<vmem>>, vector<16xf32>,
        %parallel_loop3A_242 = arith.mulf %parallel_loop3A_241, %parallel_loop3A_196 : vector<16xf32>
        %parallel_loop3A_243 = arith.index_cast %parallel_loop3A_191 : i32 to index
        %parallel_loop3A_244 = arith.constant 96 : index
        %parallel_loop3A_245 = tpu.vector_load %arg18[%parallel_loop3A_243, %parallel_loop3A_244] {strides = array<i32>} : memref<128x128xf32, #tpu.memory_space<vmem>>, vector<16xf32>,
        tpu.vector_store %arg18[%parallel_loop3A_243, %parallel_loop3A_244], %parallel_loop3A_242 {strides = array<i32>} : memref<128x128xf32, #tpu.memory_space<vmem>>, vector<16xf32>,
        %parallel_loop3A_246 = arith.index_cast %parallel_loop3A_191 : i32 to index
        %parallel_loop3A_247 = arith.constant 112 : index
        %parallel_loop3A_248 = tpu.vector_load %arg18[%parallel_loop3A_246, %parallel_loop3A_247] {strides = array<i32>} : memref<128x128xf32, #tpu.memory_space<vmem>>, vector<16xf32>,
        %parallel_loop3A_249 = arith.mulf %parallel_loop3A_248, %parallel_loop3A_196 : vector<16xf32>
        %parallel_loop3A_250 = arith.index_cast %parallel_loop3A_191 : i32 to index
        %parallel_loop3A_251 = arith.constant 112 : index
        %parallel_loop3A_252 = tpu.vector_load %arg18[%parallel_loop3A_250, %parallel_loop3A_251] {strides = array<i32>} : memref<128x128xf32, #tpu.memory_space<vmem>>, vector<16xf32>,
        tpu.vector_store %arg18[%parallel_loop3A_250, %parallel_loop3A_251], %parallel_loop3A_249 {strides = array<i32>} : memref<128x128xf32, #tpu.memory_space<vmem>>, vector<16xf32>,
      } {sc.loop_unroll_factor = 4 : i64, sc.parallel_access}
      %dma_wait3A_133 = arith.constant 0 : i32
      %dma_wait3A_134 = arith.constant 0 : i32
      %dma_wait3A_135 = tpu.memref_slice %arg4[%dma_wait3A_133, %dma_wait3A_134] : memref<2592x128xi32, #tpu.memory_space<hbm>> -> memref<1x128xi32, #tpu.memory_space<hbm>>
      %dma_wait3A_136 = arith.constant 0 : i32
      %dma_wait3A_137 = arith.constant 0 : i32
      %dma_wait3A_138 = tpu.memref_slice %arg4[%dma_wait3A_136, %dma_wait3A_137] : memref<2592x128xi32, #tpu.memory_space<hbm>> -> memref<1x128xi32, #tpu.memory_space<hbm>>
      tpu.wait_dma2 semaphore(%arg24 : memref<!tpu.dma_semaphore, #tpu.memory_space<semaphore_mem>>) src(%dma_wait3A_138 : memref<1x128xi32, #tpu.memory_space<hbm>>) dst(%arg15 : memref<1x128xi32, #tpu.memory_space<vmem>>)
      %dma_start3A_139 = arith.constant 0 : i32
      %dma_start3A_140 = arith.constant 0 : i32
      %dma_start3A_141 = tpu.memref_slice %arg15[%dma_start3A_139, %dma_start3A_140] : memref<1x128xi32, #tpu.memory_space<vmem>> -> memref<1x128xi32, #tpu.memory_space<vmem>>
      %dma_start3A_142 = tpu.memref_squeeze %dma_start3A_141 : memref<1x128xi32, #tpu.memory_space<vmem>> -> memref<128xi32, #tpu.memory_space<vmem>>
      %dma_start3A_143 = arith.constant 0 : i32
      %dma_start3A_144 = arith.constant 0 : i32
      %dma_start3A_145 = tpu.memref_slice %arg32[%dma_start3A_143, %dma_start3A_144] : memref<10000x128xf32, #tpu.memory_space<vmem_shared>> -> memref<10000x128xf32, #tpu.memory_space<vmem_shared>>
      tpu.enqueue_indirect_dma source(%arg18 : memref<128x128xf32, #tpu.memory_space<vmem>>) target(%dma_start3A_145 : memref<10000x128xf32, #tpu.memory_space<vmem_shared>>) offsets(%dma_start3A_142 : memref<128xi32, #tpu.memory_space<vmem>>) semaphore(%arg30 : memref<!tpu.dma_semaphore, #tpu.memory_space<semaphore_mem>>) {add = true}
      %add3A_146 = arith.constant 2 : i32
      %add3A_147 = arith.addi %add3A_119, %add3A_146 : i32
      %lt3A_148 = arith.constant 81 : i32
      %lt3A_149 = arith.cmpi slt, %add3A_147, %lt3A_148 : i32
      %convert_element_type3A_150 = arith.extui %lt3A_149 : i1 to i32
      %cond3A_151 = arith.constant 0 : i32
      %cond3A_152 = arith.cmpi ne, %convert_element_type3A_150, %cond3A_151 : i32
      scf.if %cond3A_152 {
        %add3A_191 = arith.constant 2 : i32
        %add3A_192 = arith.addi %add3A_119, %add3A_191 : i32
        %mul3A_193 = arith.constant 128 : i32
        %mul3A_194 = arith.muli %add3A_192, %mul3A_193 : i32
        %add3A_195 = arith.addi %mul3A_2, %mul3A_194 : i32
        %dma_start3A_196 = tpu.memref_slice %arg3[%add3A_195] : memref<331776xi32, #tpu.memory_space<hbm>> -> memref<128xi32, #tpu.memory_space<hbm>>
        %dma_start3A_197 = tpu.memref_slice %arg3[%add3A_195] : memref<331776xi32, #tpu.memory_space<hbm>> -> memref<128xi32, #tpu.memory_space<hbm>>
        tpu.enqueue_dma source(%dma_start3A_197 : memref<128xi32, #tpu.memory_space<hbm>>) target(%arg8 : memref<128xi32, #tpu.memory_space<vmem>>) target_semaphore(%arg20 : memref<!tpu.dma_semaphore, #tpu.memory_space<semaphore_mem>>)
        %dma_start3A_198 = tpu.memref_slice %arg5[%add3A_195] : memref<331776xf32, #tpu.memory_space<hbm>> -> memref<128xf32, #tpu.memory_space<hbm>>
        %dma_start3A_199 = tpu.memref_slice %arg5[%add3A_195] : memref<331776xf32, #tpu.memory_space<hbm>> -> memref<128xf32, #tpu.memory_space<hbm>>
        tpu.enqueue_dma source(%dma_start3A_199 : memref<128xf32, #tpu.memory_space<hbm>>) target(%arg11 : memref<128xf32, #tpu.memory_space<vmem>>) target_semaphore(%arg20 : memref<!tpu.dma_semaphore, #tpu.memory_space<semaphore_mem>>)
      } else {
      }
      %mul3A_153 = arith.constant 3 : i32
      %mul3A_154 = arith.muli %scan3A_78, %mul3A_153 : i32
      %add3A_155 = arith.constant 2 : i32
      %add3A_156 = arith.addi %mul3A_154, %add3A_155 : i32
      %dma_wait3A_157 = arith.constant 0 : i32
      %dma_wait3A_158 = arith.constant 0 : i32
      %dma_wait3A_159 = tpu.memref_slice %arg2[%dma_wait3A_157, %dma_wait3A_158] : memref<10000x128xf32, #tpu.memory_space<hbm>> -> memref<10000x128xf32, #tpu.memory_space<hbm>>
      tpu.wait_indirect_dma semaphore(%arg28 : memref<!tpu.dma_semaphore, #tpu.memory_space<semaphore_mem>>) src(%dma_wait3A_159 : memref<10000x128xf32, #tpu.memory_space<hbm>>) dst(%arg19 : memref<128x128xf32, #tpu.memory_space<vmem>>)
      %add3A_160 = arith.constant 1 : i32
      %add3A_161 = arith.addi %add3A_156, %add3A_160 : i32
      %lt3A_162 = arith.constant 81 : i32
      %lt3A_163 = arith.cmpi slt, %add3A_161, %lt3A_162 : i32
      %convert_element_type3A_164 = arith.extui %lt3A_163 : i1 to i32
      %cond3A_165 = arith.constant 0 : i32
      %cond3A_166 = arith.cmpi ne, %convert_element_type3A_164, %cond3A_165 : i32
      scf.if %cond3A_166 {
        %dma_wait3A_191 = arith.constant 0 : i32
        %dma_wait3A_192 = tpu.memref_slice %arg3[%dma_wait3A_191] : memref<331776xi32, #tpu.memory_space<hbm>> -> memref<128xi32, #tpu.memory_space<hbm>>
        %dma_wait3A_193 = arith.constant 0 : i32
        %dma_wait3A_194 = tpu.memref_slice %arg3[%dma_wait3A_193] : memref<331776xi32, #tpu.memory_space<hbm>> -> memref<128xi32, #tpu.memory_space<hbm>>
        tpu.wait_dma2 semaphore(%arg20 : memref<!tpu.dma_semaphore, #tpu.memory_space<semaphore_mem>>) src(%dma_wait3A_194 : memref<128xi32, #tpu.memory_space<hbm>>) dst(%arg8 : memref<128xi32, #tpu.memory_space<vmem>>)
        %dma_wait3A_195 = arith.constant 0 : i32
        %dma_wait3A_196 = tpu.memref_slice %arg5[%dma_wait3A_195] : memref<331776xf32, #tpu.memory_space<hbm>> -> memref<128xf32, #tpu.memory_space<hbm>>
        %dma_wait3A_197 = arith.constant 0 : i32
        %dma_wait3A_198 = tpu.memref_slice %arg5[%dma_wait3A_197] : memref<331776xf32, #tpu.memory_space<hbm>> -> memref<128xf32, #tpu.memory_space<hbm>>
        tpu.wait_dma2 semaphore(%arg20 : memref<!tpu.dma_semaphore, #tpu.memory_space<semaphore_mem>>) src(%dma_wait3A_198 : memref<128xf32, #tpu.memory_space<hbm>>) dst(%arg11 : memref<128xf32, #tpu.memory_space<vmem>>)
        %add3A_199 = arith.constant 1 : i32
        %add3A_200 = arith.addi %add3A_156, %add3A_199 : i32
        %ge3A = arith.constant 3 : i32
        %ge3A_201 = arith.cmpi sge, %add3A_200, %ge3A : i32
        %convert_element_type3A_202 = arith.extui %ge3A_201 : i1 to i32
        %cond3A_203 = arith.constant 0 : i32
        %cond3A_204 = arith.cmpi ne, %convert_element_type3A_202, %cond3A_203 : i32
        scf.if %cond3A_204 {
          %dma_wait3A_217 = arith.constant 0 : i32
          %dma_wait3A_218 = arith.constant 0 : i32
          %dma_wait3A_219 = tpu.memref_slice %arg14[%dma_wait3A_217, %dma_wait3A_218] : memref<1x128xi32, #tpu.memory_space<vmem>> -> memref<1x128xi32, #tpu.memory_space<vmem>>
          %dma_wait3A_220 = tpu.memref_squeeze %dma_wait3A_219 : memref<1x128xi32, #tpu.memory_space<vmem>> -> memref<128xi32, #tpu.memory_space<vmem>>
          %dma_wait3A_221 = arith.constant 0 : i32
          %dma_wait3A_222 = arith.constant 0 : i32
          %dma_wait3A_223 = tpu.memref_slice %arg32[%dma_wait3A_221, %dma_wait3A_222] : memref<10000x128xf32, #tpu.memory_space<vmem_shared>> -> memref<10000x128xf32, #tpu.memory_space<vmem_shared>>
          tpu.wait_indirect_dma semaphore(%arg29 : memref<!tpu.dma_semaphore, #tpu.memory_space<semaphore_mem>>) src(%arg17 : memref<128x128xf32, #tpu.memory_space<vmem>>) dst(%dma_wait3A_223 : memref<10000x128xf32, #tpu.memory_space<vmem_shared>>)
        } else {
        }
        %dma_start3A_205 = arith.constant 0 : i32
        %dma_start3A_206 = arith.constant 0 : i32
        %dma_start3A_207 = tpu.memref_slice %arg2[%dma_start3A_205, %dma_start3A_206] : memref<10000x128xf32, #tpu.memory_space<hbm>> -> memref<10000x128xf32, #tpu.memory_space<hbm>>
        tpu.enqueue_indirect_dma source(%dma_start3A_207 : memref<10000x128xf32, #tpu.memory_space<hbm>>) target(%arg17 : memref<128x128xf32, #tpu.memory_space<vmem>>) offsets(%arg8 : memref<128xi32, #tpu.memory_space<vmem>>) semaphore(%arg26 : memref<!tpu.dma_semaphore, #tpu.memory_space<semaphore_mem>>)
        %add3A_208 = arith.constant 1 : i32
        %add3A_209 = arith.addi %add3A_156, %add3A_208 : i32
        %mul3A_210 = arith.constant 81 : i32
        %mul3A_211 = arith.muli %add3A, %mul3A_210 : i32
        %add3A_212 = arith.addi %mul3A_211, %add3A_209 : i32
        %dma_start3A_213 = arith.constant 0 : i32
        %dma_start3A_214 = tpu.memref_slice %arg4[%add3A_212, %dma_start3A_213] : memref<2592x128xi32, #tpu.memory_space<hbm>> -> memref<1x128xi32, #tpu.memory_space<hbm>>
        %dma_start3A_215 = arith.constant 0 : i32
        %dma_start3A_216 = tpu.memref_slice %arg4[%add3A_212, %dma_start3A_215] : memref<2592x128xi32, #tpu.memory_space<hbm>> -> memref<1x128xi32, #tpu.memory_space<hbm>>
        tpu.enqueue_dma source(%dma_start3A_216 : memref<1x128xi32, #tpu.memory_space<hbm>>) target(%arg14 : memref<1x128xi32, #tpu.memory_space<vmem>>) target_semaphore(%arg23 : memref<!tpu.dma_semaphore, #tpu.memory_space<semaphore_mem>>)
      } else {
      }
      %parallel_loop3A_167 = arith.constant 0 : i32
      %parallel_loop3A_168 = arith.constant 128 : i32
      %parallel_loop3A_169 = arith.constant 1 : i32
      scf.for %parallel_loop3A_191 = %parallel_loop3A_167 to %parallel_loop3A_168 step %parallel_loop3A_169  : i32 {
        %parallel_loop3A_192 = arith.constant 0 : i32
        %parallel_loop3A_193 = vector.broadcast %parallel_loop3A_192 : i32 to vector<16xi32>
        %parallel_loop3A_194 = vector.broadcast %parallel_loop3A_191 : i32 to vector<16xi32>
        %parallel_loop3A_195 = arith.addi %parallel_loop3A_193, %parallel_loop3A_194 : vector<16xi32>
        %parallel_loop3A_196 = tpu.vector_load_idx %arg13[%parallel_loop3A_195] : memref<128xf32, #tpu.memory_space<vmem>>[vector<16xi32>], vector<16xf32>,
        %parallel_loop3A_197 = arith.index_cast %parallel_loop3A_191 : i32 to index
        %parallel_loop3A_198 = arith.constant 0 : index
        %parallel_loop3A_199 = tpu.vector_load %arg19[%parallel_loop3A_197, %parallel_loop3A_198] {strides = array<i32>} : memref<128x128xf32, #tpu.memory_space<vmem>>, vector<16xf32>,
        %parallel_loop3A_200 = arith.mulf %parallel_loop3A_199, %parallel_loop3A_196 : vector<16xf32>
        %parallel_loop3A_201 = arith.index_cast %parallel_loop3A_191 : i32 to index
        %parallel_loop3A_202 = arith.constant 0 : index
        %parallel_loop3A_203 = tpu.vector_load %arg19[%parallel_loop3A_201, %parallel_loop3A_202] {strides = array<i32>} : memref<128x128xf32, #tpu.memory_space<vmem>>, vector<16xf32>,
        tpu.vector_store %arg19[%parallel_loop3A_201, %parallel_loop3A_202], %parallel_loop3A_200 {strides = array<i32>} : memref<128x128xf32, #tpu.memory_space<vmem>>, vector<16xf32>,
        %parallel_loop3A_204 = arith.index_cast %parallel_loop3A_191 : i32 to index
        %parallel_loop3A_205 = arith.constant 16 : index
        %parallel_loop3A_206 = tpu.vector_load %arg19[%parallel_loop3A_204, %parallel_loop3A_205] {strides = array<i32>} : memref<128x128xf32, #tpu.memory_space<vmem>>, vector<16xf32>,
        %parallel_loop3A_207 = arith.mulf %parallel_loop3A_206, %parallel_loop3A_196 : vector<16xf32>
        %parallel_loop3A_208 = arith.index_cast %parallel_loop3A_191 : i32 to index
        %parallel_loop3A_209 = arith.constant 16 : index
        %parallel_loop3A_210 = tpu.vector_load %arg19[%parallel_loop3A_208, %parallel_loop3A_209] {strides = array<i32>} : memref<128x128xf32, #tpu.memory_space<vmem>>, vector<16xf32>,
        tpu.vector_store %arg19[%parallel_loop3A_208, %parallel_loop3A_209], %parallel_loop3A_207 {strides = array<i32>} : memref<128x128xf32, #tpu.memory_space<vmem>>, vector<16xf32>,
        %parallel_loop3A_211 = arith.index_cast %parallel_loop3A_191 : i32 to index
        %parallel_loop3A_212 = arith.constant 32 : index
        %parallel_loop3A_213 = tpu.vector_load %arg19[%parallel_loop3A_211, %parallel_loop3A_212] {strides = array<i32>} : memref<128x128xf32, #tpu.memory_space<vmem>>, vector<16xf32>,
        %parallel_loop3A_214 = arith.mulf %parallel_loop3A_213, %parallel_loop3A_196 : vector<16xf32>
        %parallel_loop3A_215 = arith.index_cast %parallel_loop3A_191 : i32 to index
        %parallel_loop3A_216 = arith.constant 32 : index
        %parallel_loop3A_217 = tpu.vector_load %arg19[%parallel_loop3A_215, %parallel_loop3A_216] {strides = array<i32>} : memref<128x128xf32, #tpu.memory_space<vmem>>, vector<16xf32>,
        tpu.vector_store %arg19[%parallel_loop3A_215, %parallel_loop3A_216], %parallel_loop3A_214 {strides = array<i32>} : memref<128x128xf32, #tpu.memory_space<vmem>>, vector<16xf32>,
        %parallel_loop3A_218 = arith.index_cast %parallel_loop3A_191 : i32 to index
        %parallel_loop3A_219 = arith.constant 48 : index
        %parallel_loop3A_220 = tpu.vector_load %arg19[%parallel_loop3A_218, %parallel_loop3A_219] {strides = array<i32>} : memref<128x128xf32, #tpu.memory_space<vmem>>, vector<16xf32>,
        %parallel_loop3A_221 = arith.mulf %parallel_loop3A_220, %parallel_loop3A_196 : vector<16xf32>
        %parallel_loop3A_222 = arith.index_cast %parallel_loop3A_191 : i32 to index
        %parallel_loop3A_223 = arith.constant 48 : index
        %parallel_loop3A_224 = tpu.vector_load %arg19[%parallel_loop3A_222, %parallel_loop3A_223] {strides = array<i32>} : memref<128x128xf32, #tpu.memory_space<vmem>>, vector<16xf32>,
        tpu.vector_store %arg19[%parallel_loop3A_222, %parallel_loop3A_223], %parallel_loop3A_221 {strides = array<i32>} : memref<128x128xf32, #tpu.memory_space<vmem>>, vector<16xf32>,
        %parallel_loop3A_225 = arith.index_cast %parallel_loop3A_191 : i32 to index
        %parallel_loop3A_226 = arith.constant 64 : index
        %parallel_loop3A_227 = tpu.vector_load %arg19[%parallel_loop3A_225, %parallel_loop3A_226] {strides = array<i32>} : memref<128x128xf32, #tpu.memory_space<vmem>>, vector<16xf32>,
        %parallel_loop3A_228 = arith.mulf %parallel_loop3A_227, %parallel_loop3A_196 : vector<16xf32>
        %parallel_loop3A_229 = arith.index_cast %parallel_loop3A_191 : i32 to index
        %parallel_loop3A_230 = arith.constant 64 : index
        %parallel_loop3A_231 = tpu.vector_load %arg19[%parallel_loop3A_229, %parallel_loop3A_230] {strides = array<i32>} : memref<128x128xf32, #tpu.memory_space<vmem>>, vector<16xf32>,
        tpu.vector_store %arg19[%parallel_loop3A_229, %parallel_loop3A_230], %parallel_loop3A_228 {strides = array<i32>} : memref<128x128xf32, #tpu.memory_space<vmem>>, vector<16xf32>,
        %parallel_loop3A_232 = arith.index_cast %parallel_loop3A_191 : i32 to index
        %parallel_loop3A_233 = arith.constant 80 : index
        %parallel_loop3A_234 = tpu.vector_load %arg19[%parallel_loop3A_232, %parallel_loop3A_233] {strides = array<i32>} : memref<128x128xf32, #tpu.memory_space<vmem>>, vector<16xf32>,
        %parallel_loop3A_235 = arith.mulf %parallel_loop3A_234, %parallel_loop3A_196 : vector<16xf32>
        %parallel_loop3A_236 = arith.index_cast %parallel_loop3A_191 : i32 to index
        %parallel_loop3A_237 = arith.constant 80 : index
        %parallel_loop3A_238 = tpu.vector_load %arg19[%parallel_loop3A_236, %parallel_loop3A_237] {strides = array<i32>} : memref<128x128xf32, #tpu.memory_space<vmem>>, vector<16xf32>,
        tpu.vector_store %arg19[%parallel_loop3A_236, %parallel_loop3A_237], %parallel_loop3A_235 {strides = array<i32>} : memref<128x128xf32, #tpu.memory_space<vmem>>, vector<16xf32>,
        %parallel_loop3A_239 = arith.index_cast %parallel_loop3A_191 : i32 to index
        %parallel_loop3A_240 = arith.constant 96 : index
        %parallel_loop3A_241 = tpu.vector_load %arg19[%parallel_loop3A_239, %parallel_loop3A_240] {strides = array<i32>} : memref<128x128xf32, #tpu.memory_space<vmem>>, vector<16xf32>,
        %parallel_loop3A_242 = arith.mulf %parallel_loop3A_241, %parallel_loop3A_196 : vector<16xf32>
        %parallel_loop3A_243 = arith.index_cast %parallel_loop3A_191 : i32 to index
        %parallel_loop3A_244 = arith.constant 96 : index
        %parallel_loop3A_245 = tpu.vector_load %arg19[%parallel_loop3A_243, %parallel_loop3A_244] {strides = array<i32>} : memref<128x128xf32, #tpu.memory_space<vmem>>, vector<16xf32>,
        tpu.vector_store %arg19[%parallel_loop3A_243, %parallel_loop3A_244], %parallel_loop3A_242 {strides = array<i32>} : memref<128x128xf32, #tpu.memory_space<vmem>>, vector<16xf32>,
        %parallel_loop3A_246 = arith.index_cast %parallel_loop3A_191 : i32 to index
        %parallel_loop3A_247 = arith.constant 112 : index
        %parallel_loop3A_248 = tpu.vector_load %arg19[%parallel_loop3A_246, %parallel_loop3A_247] {strides = array<i32>} : memref<128x128xf32, #tpu.memory_space<vmem>>, vector<16xf32>,
        %parallel_loop3A_249 = arith.mulf %parallel_loop3A_248, %parallel_loop3A_196 : vector<16xf32>
        %parallel_loop3A_250 = arith.index_cast %parallel_loop3A_191 : i32 to index
        %parallel_loop3A_251 = arith.constant 112 : index
        %parallel_loop3A_252 = tpu.vector_load %arg19[%parallel_loop3A_250, %parallel_loop3A_251] {strides = array<i32>} : memref<128x128xf32, #tpu.memory_space<vmem>>, vector<16xf32>,
        tpu.vector_store %arg19[%parallel_loop3A_250, %parallel_loop3A_251], %parallel_loop3A_249 {strides = array<i32>} : memref<128x128xf32, #tpu.memory_space<vmem>>, vector<16xf32>,
      } {sc.loop_unroll_factor = 4 : i64, sc.parallel_access}
      %dma_wait3A_170 = arith.constant 0 : i32
      %dma_wait3A_171 = arith.constant 0 : i32
      %dma_wait3A_172 = tpu.memref_slice %arg4[%dma_wait3A_170, %dma_wait3A_171] : memref<2592x128xi32, #tpu.memory_space<hbm>> -> memref<1x128xi32, #tpu.memory_space<hbm>>
      %dma_wait3A_173 = arith.constant 0 : i32
      %dma_wait3A_174 = arith.constant 0 : i32
      %dma_wait3A_175 = tpu.memref_slice %arg4[%dma_wait3A_173, %dma_wait3A_174] : memref<2592x128xi32, #tpu.memory_space<hbm>> -> memref<1x128xi32, #tpu.memory_space<hbm>>
      tpu.wait_dma2 semaphore(%arg25 : memref<!tpu.dma_semaphore, #tpu.memory_space<semaphore_mem>>) src(%dma_wait3A_175 : memref<1x128xi32, #tpu.memory_space<hbm>>) dst(%arg16 : memref<1x128xi32, #tpu.memory_space<vmem>>)
      %dma_start3A_176 = arith.constant 0 : i32
      %dma_start3A_177 = arith.constant 0 : i32
      %dma_start3A_178 = tpu.memref_slice %arg16[%dma_start3A_176, %dma_start3A_177] : memref<1x128xi32, #tpu.memory_space<vmem>> -> memref<1x128xi32, #tpu.memory_space<vmem>>
      %dma_start3A_179 = tpu.memref_squeeze %dma_start3A_178 : memref<1x128xi32, #tpu.memory_space<vmem>> -> memref<128xi32, #tpu.memory_space<vmem>>
      %dma_start3A_180 = arith.constant 0 : i32
      %dma_start3A_181 = arith.constant 0 : i32
      %dma_start3A_182 = tpu.memref_slice %arg32[%dma_start3A_180, %dma_start3A_181] : memref<10000x128xf32, #tpu.memory_space<vmem_shared>> -> memref<10000x128xf32, #tpu.memory_space<vmem_shared>>
      tpu.enqueue_indirect_dma source(%arg19 : memref<128x128xf32, #tpu.memory_space<vmem>>) target(%dma_start3A_182 : memref<10000x128xf32, #tpu.memory_space<vmem_shared>>) offsets(%dma_start3A_179 : memref<128xi32, #tpu.memory_space<vmem>>) semaphore(%arg31 : memref<!tpu.dma_semaphore, #tpu.memory_space<semaphore_mem>>) {add = true}
      %add3A_183 = arith.constant 2 : i32
      %add3A_184 = arith.addi %add3A_156, %add3A_183 : i32
      %lt3A_185 = arith.constant 81 : i32
      %lt3A_186 = arith.cmpi slt, %add3A_184, %lt3A_185 : i32
      %convert_element_type3A_187 = arith.extui %lt3A_186 : i1 to i32
      %cond3A_188 = arith.constant 0 : i32
      %cond3A_189 = arith.cmpi ne, %convert_element_type3A_187, %cond3A_188 : i32
      scf.if %cond3A_189 {
        %add3A_191 = arith.constant 2 : i32
        %add3A_192 = arith.addi %add3A_156, %add3A_191 : i32
        %mul3A_193 = arith.constant 128 : i32
        %mul3A_194 = arith.muli %add3A_192, %mul3A_193 : i32
        %add3A_195 = arith.addi %mul3A_2, %mul3A_194 : i32
        %dma_start3A_196 = tpu.memref_slice %arg3[%add3A_195] : memref<331776xi32, #tpu.memory_space<hbm>> -> memref<128xi32, #tpu.memory_space<hbm>>
        %dma_start3A_197 = tpu.memref_slice %arg3[%add3A_195] : memref<331776xi32, #tpu.memory_space<hbm>> -> memref<128xi32, #tpu.memory_space<hbm>>
        tpu.enqueue_dma source(%dma_start3A_197 : memref<128xi32, #tpu.memory_space<hbm>>) target(%arg9 : memref<128xi32, #tpu.memory_space<vmem>>) target_semaphore(%arg21 : memref<!tpu.dma_semaphore, #tpu.memory_space<semaphore_mem>>)
        %dma_start3A_198 = tpu.memref_slice %arg5[%add3A_195] : memref<331776xf32, #tpu.memory_space<hbm>> -> memref<128xf32, #tpu.memory_space<hbm>>
        %dma_start3A_199 = tpu.memref_slice %arg5[%add3A_195] : memref<331776xf32, #tpu.memory_space<hbm>> -> memref<128xf32, #tpu.memory_space<hbm>>
        tpu.enqueue_dma source(%dma_start3A_199 : memref<128xf32, #tpu.memory_space<hbm>>) target(%arg12 : memref<128xf32, #tpu.memory_space<vmem>>) target_semaphore(%arg21 : memref<!tpu.dma_semaphore, #tpu.memory_space<semaphore_mem>>)
      } else {
      }
      %scan3A_190 = arith.constant 0 : i32
      scf.yield %scan3A_190 : i32
    }
    %scan3A_45 = arith.constant 27 : i32
    %dma_wait3A_46 = arith.constant 0 : i32
    %dma_wait3A_47 = arith.constant 0 : i32
    %dma_wait3A_48 = tpu.memref_slice %arg14[%dma_wait3A_46, %dma_wait3A_47] : memref<1x128xi32, #tpu.memory_space<vmem>> -> memref<1x128xi32, #tpu.memory_space<vmem>>
    %dma_wait3A_49 = tpu.memref_squeeze %dma_wait3A_48 : memref<1x128xi32, #tpu.memory_space<vmem>> -> memref<128xi32, #tpu.memory_space<vmem>>
    %dma_wait3A_50 = arith.constant 0 : i32
    %dma_wait3A_51 = arith.constant 0 : i32
    %dma_wait3A_52 = tpu.memref_slice %arg32[%dma_wait3A_50, %dma_wait3A_51] : memref<10000x128xf32, #tpu.memory_space<vmem_shared>> -> memref<10000x128xf32, #tpu.memory_space<vmem_shared>>
    tpu.wait_indirect_dma semaphore(%arg29 : memref<!tpu.dma_semaphore, #tpu.memory_space<semaphore_mem>>) src(%arg17 : memref<128x128xf32, #tpu.memory_space<vmem>>) dst(%dma_wait3A_52 : memref<10000x128xf32, #tpu.memory_space<vmem_shared>>)
    %dma_wait3A_53 = arith.constant 0 : i32
    %dma_wait3A_54 = arith.constant 0 : i32
    %dma_wait3A_55 = tpu.memref_slice %arg15[%dma_wait3A_53, %dma_wait3A_54] : memref<1x128xi32, #tpu.memory_space<vmem>> -> memref<1x128xi32, #tpu.memory_space<vmem>>
    %dma_wait3A_56 = tpu.memref_squeeze %dma_wait3A_55 : memref<1x128xi32, #tpu.memory_space<vmem>> -> memref<128xi32, #tpu.memory_space<vmem>>
    %dma_wait3A_57 = arith.constant 0 : i32
    %dma_wait3A_58 = arith.constant 0 : i32
    %dma_wait3A_59 = tpu.memref_slice %arg32[%dma_wait3A_57, %dma_wait3A_58] : memref<10000x128xf32, #tpu.memory_space<vmem_shared>> -> memref<10000x128xf32, #tpu.memory_space<vmem_shared>>
    tpu.wait_indirect_dma semaphore(%arg30 : memref<!tpu.dma_semaphore, #tpu.memory_space<semaphore_mem>>) src(%arg18 : memref<128x128xf32, #tpu.memory_space<vmem>>) dst(%dma_wait3A_59 : memref<10000x128xf32, #tpu.memory_space<vmem_shared>>)
    %dma_wait3A_60 = arith.constant 0 : i32
    %dma_wait3A_61 = arith.constant 0 : i32
    %dma_wait3A_62 = tpu.memref_slice %arg16[%dma_wait3A_60, %dma_wait3A_61] : memref<1x128xi32, #tpu.memory_space<vmem>> -> memref<1x128xi32, #tpu.memory_space<vmem>>
    %dma_wait3A_63 = tpu.memref_squeeze %dma_wait3A_62 : memref<1x128xi32, #tpu.memory_space<vmem>> -> memref<128xi32, #tpu.memory_space<vmem>>
    %dma_wait3A_64 = arith.constant 0 : i32
    %dma_wait3A_65 = arith.constant 0 : i32
    %dma_wait3A_66 = tpu.memref_slice %arg32[%dma_wait3A_64, %dma_wait3A_65] : memref<10000x128xf32, #tpu.memory_space<vmem_shared>> -> memref<10000x128xf32, #tpu.memory_space<vmem_shared>>
    tpu.wait_indirect_dma semaphore(%arg31 : memref<!tpu.dma_semaphore, #tpu.memory_space<semaphore_mem>>) src(%arg19 : memref<128x128xf32, #tpu.memory_space<vmem>>) dst(%dma_wait3A_66 : memref<10000x128xf32, #tpu.memory_space<vmem_shared>>)
    %barrier3A_67 = arith.constant 0 : index
    tpu.barrier barrier_id(%barrier3A_67)
    %lt3A_68 = arith.constant 15 : i32
    %lt3A_69 = arith.cmpi slt, %arg1, %lt3A_68 : i32
    %convert_element_type3A_70 = arith.extui %lt3A_69 : i1 to i32
    %cond3A_71 = arith.constant 0 : i32
    %cond3A_72 = arith.cmpi ne, %convert_element_type3A_70, %cond3A_71 : i32
    scf.if %cond3A_72 {
      "tpu.region"() ({
        %run_scoped3A = tpu.sem_alloc : memref<!tpu.dma_semaphore, #tpu.memory_space<semaphore_mem>>
        %dma_start3A_78 = arith.constant 0 : i32
        %dma_start3A_79 = tpu.memref_slice %arg7[%arg0, %mul3A_4, %dma_start3A_78] : memref<2x10000x128xf32, #tpu.memory_space<hbm>> -> memref<1x632x128xf32, #tpu.memory_space<hbm>>
        %dma_start3A_80 = tpu.memref_squeeze %dma_start3A_79 : memref<1x632x128xf32, #tpu.memory_space<hbm>> -> memref<632x128xf32, #tpu.memory_space<hbm>>
        %dma_start3A_81 = arith.constant 0 : i32
        %dma_start3A_82 = tpu.memref_slice %arg32[%mul3A_4, %dma_start3A_81] : memref<10000x128xf32, #tpu.memory_space<vmem_shared>> -> memref<632x128xf32, #tpu.memory_space<vmem_shared>>
        tpu.enqueue_dma source(%dma_start3A_82 : memref<632x128xf32, #tpu.memory_space<vmem_shared>>) target(%dma_start3A_80 : memref<632x128xf32, #tpu.memory_space<hbm>>) target_semaphore(%run_scoped3A : memref<!tpu.dma_semaphore, #tpu.memory_space<semaphore_mem>>)
        %dma_wait3A_83 = arith.constant 0 : i32
        %dma_wait3A_84 = tpu.memref_slice %arg7[%arg0, %mul3A_4, %dma_wait3A_83] : memref<2x10000x128xf32, #tpu.memory_space<hbm>> -> memref<1x632x128xf32, #tpu.memory_space<hbm>>
        %dma_wait3A_85 = tpu.memref_squeeze %dma_wait3A_84 : memref<1x632x128xf32, #tpu.memory_space<hbm>> -> memref<632x128xf32, #tpu.memory_space<hbm>>
        %dma_wait3A_86 = arith.constant 0 : i32
        %dma_wait3A_87 = tpu.memref_slice %arg32[%mul3A_4, %dma_wait3A_86] : memref<10000x128xf32, #tpu.memory_space<vmem_shared>> -> memref<632x128xf32, #tpu.memory_space<vmem_shared>>
        tpu.wait_dma2 semaphore(%run_scoped3A : memref<!tpu.dma_semaphore, #tpu.memory_space<semaphore_mem>>) src(%dma_wait3A_87 : memref<632x128xf32, #tpu.memory_space<vmem_shared>>) dst(%dma_wait3A_85 : memref<632x128xf32, #tpu.memory_space<hbm>>)
        tpu.yield
      }) : () -> ()
    } else {
    }
    %eq3A_73 = arith.constant 15 : i32
    %eq3A_74 = arith.cmpi eq, %arg1, %eq3A_73 : i32
    %convert_element_type3A_75 = arith.extui %eq3A_74 : i1 to i32
    %cond3A_76 = arith.constant 0 : i32
    %cond3A_77 = arith.cmpi ne, %convert_element_type3A_75, %cond3A_76 : i32
    scf.if %cond3A_77 {
      "tpu.region"() ({
        %run_scoped3A = tpu.sem_alloc : memref<!tpu.dma_semaphore, #tpu.memory_space<semaphore_mem>>
        %dma_start3A_78 = arith.constant 9480 : i32
        %dma_start3A_79 = arith.constant 0 : i32
        %dma_start3A_80 = tpu.memref_slice %arg7[%arg0, %dma_start3A_78, %dma_start3A_79] : memref<2x10000x128xf32, #tpu.memory_space<hbm>> -> memref<1x520x128xf32, #tpu.memory_space<hbm>>
        %dma_start3A_81 = tpu.memref_squeeze %dma_start3A_80 : memref<1x520x128xf32, #tpu.memory_space<hbm>> -> memref<520x128xf32, #tpu.memory_space<hbm>>
        %dma_start3A_82 = arith.constant 9480 : i32
        %dma_start3A_83 = arith.constant 0 : i32
        %dma_start3A_84 = tpu.memref_slice %arg32[%dma_start3A_82, %dma_start3A_83] : memref<10000x128xf32, #tpu.memory_space<vmem_shared>> -> memref<520x128xf32, #tpu.memory_space<vmem_shared>>
        tpu.enqueue_dma source(%dma_start3A_84 : memref<520x128xf32, #tpu.memory_space<vmem_shared>>) target(%dma_start3A_81 : memref<520x128xf32, #tpu.memory_space<hbm>>) target_semaphore(%run_scoped3A : memref<!tpu.dma_semaphore, #tpu.memory_space<semaphore_mem>>)
        %dma_wait3A_85 = arith.constant 9480 : i32
        %dma_wait3A_86 = arith.constant 0 : i32
        %dma_wait3A_87 = tpu.memref_slice %arg7[%arg0, %dma_wait3A_85, %dma_wait3A_86] : memref<2x10000x128xf32, #tpu.memory_space<hbm>> -> memref<1x520x128xf32, #tpu.memory_space<hbm>>
        %dma_wait3A_88 = tpu.memref_squeeze %dma_wait3A_87 : memref<1x520x128xf32, #tpu.memory_space<hbm>> -> memref<520x128xf32, #tpu.memory_space<hbm>>
        %dma_wait3A_89 = arith.constant 9480 : i32
        %dma_wait3A_90 = arith.constant 0 : i32
        %dma_wait3A_91 = tpu.memref_slice %arg32[%dma_wait3A_89, %dma_wait3A_90] : memref<10000x128xf32, #tpu.memory_space<vmem_shared>> -> memref<520x128xf32, #tpu.memory_space<vmem_shared>>
        tpu.wait_dma2 semaphore(%run_scoped3A : memref<!tpu.dma_semaphore, #tpu.memory_space<semaphore_mem>>) src(%dma_wait3A_91 : memref<520x128xf32, #tpu.memory_space<vmem_shared>>) dst(%dma_wait3A_88 : memref<520x128xf32, #tpu.memory_space<hbm>>)
        tpu.yield
      }) : () -> ()
    } else {
    }
    return
  }
}

#map = affine_map<(d0, d1) -> (0, 0)>
#map1 = affine_map<(d0, d1) -> (0)>
#map2 = affine_map<(d0, d1) -> (0, 0, 0)>
module attributes {stable_mosaic.version = 14 : i64} {
  func.func @_spmm_body(%arg0: i32, %arg1: i32, %arg2: memref<10000x128xf32, #tpu.memory_space<hbm>>, %arg3: memref<331776xi32, #tpu.memory_space<hbm>>, %arg4: memref<2592x128xi32, #tpu.memory_space<hbm>>, %arg5: memref<331776xf32, #tpu.memory_space<hbm>>, %arg6: memref<10000x128xf32, #tpu.memory_space<hbm>>, %arg7: memref<2x10000x128xf32, #tpu.memory_space<hbm>>, %arg8: memref<128xi32, #tpu.memory_space<vmem>>, %arg9: memref<128xi32, #tpu.memory_space<vmem>>, %arg10: memref<128xi32, #tpu.memory_space<vmem>>, %arg11: memref<128xf32, #tpu.memory_space<vmem>>, %arg12: memref<128xf32, #tpu.memory_space<vmem>>, %arg13: memref<128xf32, #tpu.memory_space<vmem>>, %arg14: memref<1x128xi32, #tpu.memory_space<vmem>>, %arg15: memref<1x128xi32, #tpu.memory_space<vmem>>, %arg16: memref<1x128xi32, #tpu.memory_space<vmem>>, %arg17: memref<128x128xf32, #tpu.memory_space<vmem>>, %arg18: memref<128x128xf32, #tpu.memory_space<vmem>>, %arg19: memref<128x128xf32, #tpu.memory_space<vmem>>, %arg20: memref<!tpu.dma_semaphore, #tpu.memory_space<semaphore_mem>>, %arg21: memref<!tpu.dma_semaphore, #tpu.memory_space<semaphore_mem>>, %arg22: memref<!tpu.dma_semaphore, #tpu.memory_space<semaphore_mem>>, %arg23: memref<!tpu.dma_semaphore, #tpu.memory_space<semaphore_mem>>, %arg24: memref<!tpu.dma_semaphore, #tpu.memory_space<semaphore_mem>>, %arg25: memref<!tpu.dma_semaphore, #tpu.memory_space<semaphore_mem>>, %arg26: memref<!tpu.dma_semaphore, #tpu.memory_space<semaphore_mem>>, %arg27: memref<!tpu.dma_semaphore, #tpu.memory_space<semaphore_mem>>, %arg28: memref<!tpu.dma_semaphore, #tpu.memory_space<semaphore_mem>>, %arg29: memref<!tpu.dma_semaphore, #tpu.memory_space<semaphore_mem>>, %arg30: memref<!tpu.dma_semaphore, #tpu.memory_space<semaphore_mem>>, %arg31: memref<!tpu.dma_semaphore, #tpu.memory_space<semaphore_mem>>, %arg32: memref<10000x128xf32, #tpu.memory_space<vmem_shared>>) attributes {dimension_semantics = [#tpu.dimension_semantics<core_parallel>, #tpu.dimension_semantics<subcore_parallel>], iteration_bounds = array<i64: 2, 16>, scalar_prefetch = 0 : i64, scratch_operands = 25 : i64, tpu.core_type = #tpu.core_type<sc_vector_subcore>, window_params = [{transform_indices = #map}, {transform_indices = #map1}, {transform_indices = #map}, {transform_indices = #map1}, {transform_indices = #map}, {transform_indices = #map2}]} {
    %mul3A = arith.constant 2 : i32
    %mul3A_0 = arith.muli %arg1, %mul3A : i32
    %add3A = arith.addi %mul3A_0, %arg0 : i32
    %mul3A_1 = arith.constant 10368 : i32
    %mul3A_2 = arith.muli %add3A, %mul3A_1 : i32
    %mul3A_3 = arith.constant 632 : i32
    %mul3A_4 = arith.muli %arg1, %mul3A_3 : i32
    %lt3A = arith.constant 15 : i32
    %lt3A_5 = arith.cmpi slt, %arg1, %lt3A : i32
    %convert_element_type3A = arith.extui %lt3A_5 : i1 to i32
    %cond3A = arith.constant 0 : i32
    %cond3A_6 = arith.cmpi ne, %convert_element_type3A, %cond3A : i32
    scf.if %cond3A_6 {
      "tpu.region"() ({
        %run_scoped3A = tpu.sem_alloc : memref<!tpu.dma_semaphore, #tpu.memory_space<semaphore_mem>>
        %dma_start3A_78 = arith.constant 0 : i32
        %dma_start3A_79 = tpu.memref_slice %arg32[%mul3A_4, %dma_start3A_78] : memref<10000x128xf32, #tpu.memory_space<vmem_shared>> -> memref<632x128xf32, #tpu.memory_space<vmem_shared>>
        %dma_start3A_80 = arith.constant 0 : i32
        %dma_start3A_81 = tpu.memref_slice %arg6[%mul3A_4, %dma_start3A_80] : memref<10000x128xf32, #tpu.memory_space<hbm>> -> memref<632x128xf32, #tpu.memory_space<hbm>>
        tpu.enqueue_dma source(%dma_start3A_81 : memref<632x128xf32, #tpu.memory_space<hbm>>) target(%dma_start3A_79 : memref<632x128xf32, #tpu.memory_space<vmem_shared>>) target_semaphore(%run_scoped3A : memref<!tpu.dma_semaphore, #tpu.memory_space<semaphore_mem>>)
        %dma_wait3A_82 = arith.constant 0 : i32
        %dma_wait3A_83 = tpu.memref_slice %arg32[%mul3A_4, %dma_wait3A_82] : memref<10000x128xf32, #tpu.memory_space<vmem_shared>> -> memref<632x128xf32, #tpu.memory_space<vmem_shared>>
        %dma_wait3A_84 = arith.constant 0 : i32
        %dma_wait3A_85 = tpu.memref_slice %arg6[%mul3A_4, %dma_wait3A_84] : memref<10000x128xf32, #tpu.memory_space<hbm>> -> memref<632x128xf32, #tpu.memory_space<hbm>>
        tpu.wait_dma2 semaphore(%run_scoped3A : memref<!tpu.dma_semaphore, #tpu.memory_space<semaphore_mem>>) src(%dma_wait3A_85 : memref<632x128xf32, #tpu.memory_space<hbm>>) dst(%dma_wait3A_83 : memref<632x128xf32, #tpu.memory_space<vmem_shared>>)
        tpu.yield
      }) : () -> ()
    } else {
    }
    %eq3A = arith.constant 15 : i32
    %eq3A_7 = arith.cmpi eq, %arg1, %eq3A : i32
    %convert_element_type3A_8 = arith.extui %eq3A_7 : i1 to i32
    %cond3A_9 = arith.constant 0 : i32
    %cond3A_10 = arith.cmpi ne, %convert_element_type3A_8, %cond3A_9 : i32
    scf.if %cond3A_10 {
      "tpu.region"() ({
        %run_scoped3A = tpu.sem_alloc : memref<!tpu.dma_semaphore, #tpu.memory_space<semaphore_mem>>
        %dma_start3A_78 = arith.constant 9480 : i32
        %dma_start3A_79 = arith.constant 0 : i32
        %dma_start3A_80 = tpu.memref_slice %arg32[%dma_start3A_78, %dma_start3A_79] : memref<10000x128xf32, #tpu.memory_space<vmem_shared>> -> memref<520x128xf32, #tpu.memory_space<vmem_shared>>
        %dma_start3A_81 = arith.constant 9480 : i32
        %dma_start3A_82 = arith.constant 0 : i32
        %dma_start3A_83 = tpu.memref_slice %arg6[%dma_start3A_81, %dma_start3A_82] : memref<10000x128xf32, #tpu.memory_space<hbm>> -> memref<520x128xf32, #tpu.memory_space<hbm>>
        tpu.enqueue_dma source(%dma_start3A_83 : memref<520x128xf32, #tpu.memory_space<hbm>>) target(%dma_start3A_80 : memref<520x128xf32, #tpu.memory_space<vmem_shared>>) target_semaphore(%run_scoped3A : memref<!tpu.dma_semaphore, #tpu.memory_space<semaphore_mem>>)
        %dma_wait3A_84 = arith.constant 9480 : i32
        %dma_wait3A_85 = arith.constant 0 : i32
        %dma_wait3A_86 = tpu.memref_slice %arg32[%dma_wait3A_84, %dma_wait3A_85] : memref<10000x128xf32, #tpu.memory_space<vmem_shared>> -> memref<520x128xf32, #tpu.memory_space<vmem_shared>>
        %dma_wait3A_87 = arith.constant 9480 : i32
        %dma_wait3A_88 = arith.constant 0 : i32
        %dma_wait3A_89 = tpu.memref_slice %arg6[%dma_wait3A_87, %dma_wait3A_88] : memref<10000x128xf32, #tpu.memory_space<hbm>> -> memref<520x128xf32, #tpu.memory_space<hbm>>
        tpu.wait_dma2 semaphore(%run_scoped3A : memref<!tpu.dma_semaphore, #tpu.memory_space<semaphore_mem>>) src(%dma_wait3A_89 : memref<520x128xf32, #tpu.memory_space<hbm>>) dst(%dma_wait3A_86 : memref<520x128xf32, #tpu.memory_space<vmem_shared>>)
        tpu.yield
      }) : () -> ()
    } else {
    }
    %barrier3A = arith.constant 0 : index
    tpu.barrier barrier_id(%barrier3A)
    %add3A_11 = arith.constant 0 : i32
    %add3A_12 = arith.addi %mul3A_2, %add3A_11 : i32
    %dma_start3A = tpu.memref_slice %arg3[%add3A_12] : memref<331776xi32, #tpu.memory_space<hbm>> -> memref<128xi32, #tpu.memory_space<hbm>>
    %dma_start3A_13 = tpu.memref_slice %arg3[%add3A_12] : memref<331776xi32, #tpu.memory_space<hbm>> -> memref<128xi32, #tpu.memory_space<hbm>>
    tpu.enqueue_dma source(%dma_start3A_13 : memref<128xi32, #tpu.memory_space<hbm>>) target(%arg8 : memref<128xi32, #tpu.memory_space<vmem>>) target_semaphore(%arg20 : memref<!tpu.dma_semaphore, #tpu.memory_space<semaphore_mem>>)
    %dma_start3A_14 = tpu.memref_slice %arg5[%add3A_12] : memref<331776xf32, #tpu.memory_space<hbm>> -> memref<128xf32, #tpu.memory_space<hbm>>
    %dma_start3A_15 = tpu.memref_slice %arg5[%add3A_12] : memref<331776xf32, #tpu.memory_space<hbm>> -> memref<128xf32, #tpu.memory_space<hbm>>
    tpu.enqueue_dma source(%dma_start3A_15 : memref<128xf32, #tpu.memory_space<hbm>>) target(%arg11 : memref<128xf32, #tpu.memory_space<vmem>>) target_semaphore(%arg20 : memref<!tpu.dma_semaphore, #tpu.memory_space<semaphore_mem>>)
    %dma_wait3A = arith.constant 0 : i32
    %dma_wait3A_16 = tpu.memref_slice %arg3[%dma_wait3A] : memref<331776xi32, #tpu.memory_space<hbm>> -> memref<128xi32, #tpu.memory_space<hbm>>
    %dma_wait3A_17 = arith.constant 0 : i32
    %dma_wait3A_18 = tpu.memref_slice %arg3[%dma_wait3A_17] : memref<331776xi32, #tpu.memory_space<hbm>> -> memref<128xi32, #tpu.memory_space<hbm>>
    tpu.wait_dma2 semaphore(%arg20 : memref<!tpu.dma_semaphore, #tpu.memory_space<semaphore_mem>>) src(%dma_wait3A_18 : memref<128xi32, #tpu.memory_space<hbm>>) dst(%arg8 : memref<128xi32, #tpu.memory_space<vmem>>)
    %dma_wait3A_19 = arith.constant 0 : i32
    %dma_wait3A_20 = tpu.memref_slice %arg5[%dma_wait3A_19] : memref<331776xf32, #tpu.memory_space<hbm>> -> memref<128xf32, #tpu.memory_space<hbm>>
    %dma_wait3A_21 = arith.constant 0 : i32
    %dma_wait3A_22 = tpu.memref_slice %arg5[%dma_wait3A_21] : memref<331776xf32, #tpu.memory_space<hbm>> -> memref<128xf32, #tpu.memory_space<hbm>>
    tpu.wait_dma2 semaphore(%arg20 : memref<!tpu.dma_semaphore, #tpu.memory_space<semaphore_mem>>) src(%dma_wait3A_22 : memref<128xf32, #tpu.memory_space<hbm>>) dst(%arg11 : memref<128xf32, #tpu.memory_space<vmem>>)
    %mul3A_23 = arith.constant 81 : i32
    %mul3A_24 = arith.muli %add3A, %mul3A_23 : i32
    %add3A_25 = arith.constant 0 : i32
    %add3A_26 = arith.addi %mul3A_24, %add3A_25 : i32
    %dma_start3A_27 = arith.constant 0 : i32
    %dma_start3A_28 = tpu.memref_slice %arg4[%add3A_26, %dma_start3A_27] : memref<2592x128xi32, #tpu.memory_space<hbm>> -> memref<1x128xi32, #tpu.memory_space<hbm>>
    %dma_start3A_29 = arith.constant 0 : i32
    %dma_start3A_30 = tpu.memref_slice %arg4[%add3A_26, %dma_start3A_29] : memref<2592x128xi32, #tpu.memory_space<hbm>> -> memref<1x128xi32, #tpu.memory_space<hbm>>
    tpu.enqueue_dma source(%dma_start3A_30 : memref<1x128xi32, #tpu.memory_space<hbm>>) target(%arg14 : memref<1x128xi32, #tpu.memory_space<vmem>>) target_semaphore(%arg23 : memref<!tpu.dma_semaphore, #tpu.memory_space<semaphore_mem>>)
    %dma_start3A_31 = arith.constant 0 : i32
    %dma_start3A_32 = arith.constant 0 : i32
    %dma_start3A_33 = tpu.memref_slice %arg2[%dma_start3A_31, %dma_start3A_32] : memref<10000x128xf32, #tpu.memory_space<hbm>> -> memref<10000x128xf32, #tpu.memory_space<hbm>>
    tpu.enqueue_indirect_dma source(%dma_start3A_33 : memref<10000x128xf32, #tpu.memory_space<hbm>>) target(%arg17 : memref<128x128xf32, #tpu.memory_space<vmem>>) offsets(%arg8 : memref<128xi32, #tpu.memory_space<vmem>>) semaphore(%arg26 : memref<!tpu.dma_semaphore, #tpu.memory_space<semaphore_mem>>)
    %add3A_34 = arith.constant 128 : i32
    %add3A_35 = arith.addi %mul3A_2, %add3A_34 : i32
    %dma_start3A_36 = tpu.memref_slice %arg3[%add3A_35] : memref<331776xi32, #tpu.memory_space<hbm>> -> memref<128xi32, #tpu.memory_space<hbm>>
    %dma_start3A_37 = tpu.memref_slice %arg3[%add3A_35] : memref<331776xi32, #tpu.memory_space<hbm>> -> memref<128xi32, #tpu.memory_space<hbm>>
    tpu.enqueue_dma source(%dma_start3A_37 : memref<128xi32, #tpu.memory_space<hbm>>) target(%arg9 : memref<128xi32, #tpu.memory_space<vmem>>) target_semaphore(%arg21 : memref<!tpu.dma_semaphore, #tpu.memory_space<semaphore_mem>>)
    %dma_start3A_38 = tpu.memref_slice %arg5[%add3A_35] : memref<331776xf32, #tpu.memory_space<hbm>> -> memref<128xf32, #tpu.memory_space<hbm>>
    %dma_start3A_39 = tpu.memref_slice %arg5[%add3A_35] : memref<331776xf32, #tpu.memory_space<hbm>> -> memref<128xf32, #tpu.memory_space<hbm>>
    tpu.enqueue_dma source(%dma_start3A_39 : memref<128xf32, #tpu.memory_space<hbm>>) target(%arg12 : memref<128xf32, #tpu.memory_space<vmem>>) target_semaphore(%arg21 : memref<!tpu.dma_semaphore, #tpu.memory_space<semaphore_mem>>)
    %scan3A = arith.constant 0 : i32
    %scan3A_40 = arith.constant 0 : i32
    %scan3A_41 = arith.constant 27 : i32
    %scan3A_42 = arith.addi %scan3A_40, %scan3A_41 : i32
    %scan3A_43 = arith.constant 1 : i32
    %scan3A_44 = scf.for %scan3A_78 = %scan3A_40 to %scan3A_42 step %scan3A_43 iter_args(%scan3A_79 = %scan3A) -> (i32)  : i32 {
      %mul3A_80 = arith.constant 3 : i32
      %mul3A_81 = arith.muli %scan3A_78, %mul3A_80 : i32
      %add3A_82 = arith.constant 0 : i32
      %add3A_83 = arith.addi %mul3A_81, %add3A_82 : i32
      %dma_wait3A_84 = arith.constant 0 : i32
      %dma_wait3A_85 = arith.constant 0 : i32
      %dma_wait3A_86 = tpu.memref_slice %arg2[%dma_wait3A_84, %dma_wait3A_85] : memref<10000x128xf32, #tpu.memory_space<hbm>> -> memref<10000x128xf32, #tpu.memory_space<hbm>>
      tpu.wait_indirect_dma semaphore(%arg26 : memref<!tpu.dma_semaphore, #tpu.memory_space<semaphore_mem>>) src(%dma_wait3A_86 : memref<10000x128xf32, #tpu.memory_space<hbm>>) dst(%arg17 : memref<128x128xf32, #tpu.memory_space<vmem>>)
      %add3A_87 = arith.constant 1 : i32
      %add3A_88 = arith.addi %add3A_83, %add3A_87 : i32
      %lt3A_89 = arith.constant 81 : i32
      %lt3A_90 = arith.cmpi slt, %add3A_88, %lt3A_89 : i32
      %convert_element_type3A_91 = arith.extui %lt3A_90 : i1 to i32
      %cond3A_92 = arith.constant 0 : i32
      %cond3A_93 = arith.cmpi ne, %convert_element_type3A_91, %cond3A_92 : i32
      scf.if %cond3A_93 {
        %dma_wait3A_191 = arith.constant 0 : i32
        %dma_wait3A_192 = tpu.memref_slice %arg3[%dma_wait3A_191] : memref<331776xi32, #tpu.memory_space<hbm>> -> memref<128xi32, #tpu.memory_space<hbm>>
        %dma_wait3A_193 = arith.constant 0 : i32
        %dma_wait3A_194 = tpu.memref_slice %arg3[%dma_wait3A_193] : memref<331776xi32, #tpu.memory_space<hbm>> -> memref<128xi32, #tpu.memory_space<hbm>>
        tpu.wait_dma2 semaphore(%arg21 : memref<!tpu.dma_semaphore, #tpu.memory_space<semaphore_mem>>) src(%dma_wait3A_194 : memref<128xi32, #tpu.memory_space<hbm>>) dst(%arg9 : memref<128xi32, #tpu.memory_space<vmem>>)
        %dma_wait3A_195 = arith.constant 0 : i32
        %dma_wait3A_196 = tpu.memref_slice %arg5[%dma_wait3A_195] : memref<331776xf32, #tpu.memory_space<hbm>> -> memref<128xf32, #tpu.memory_space<hbm>>
        %dma_wait3A_197 = arith.constant 0 : i32
        %dma_wait3A_198 = tpu.memref_slice %arg5[%dma_wait3A_197] : memref<331776xf32, #tpu.memory_space<hbm>> -> memref<128xf32, #tpu.memory_space<hbm>>
        tpu.wait_dma2 semaphore(%arg21 : memref<!tpu.dma_semaphore, #tpu.memory_space<semaphore_mem>>) src(%dma_wait3A_198 : memref<128xf32, #tpu.memory_space<hbm>>) dst(%arg12 : memref<128xf32, #tpu.memory_space<vmem>>)
        %add3A_199 = arith.constant 1 : i32
        %add3A_200 = arith.addi %add3A_83, %add3A_199 : i32
        %ge3A = arith.constant 3 : i32
        %ge3A_201 = arith.cmpi sge, %add3A_200, %ge3A : i32
        %convert_element_type3A_202 = arith.extui %ge3A_201 : i1 to i32
        %cond3A_203 = arith.constant 0 : i32
        %cond3A_204 = arith.cmpi ne, %convert_element_type3A_202, %cond3A_203 : i32
        scf.if %cond3A_204 {
          %dma_wait3A_217 = arith.constant 0 : i32
          %dma_wait3A_218 = arith.constant 0 : i32
          %dma_wait3A_219 = tpu.memref_slice %arg15[%dma_wait3A_217, %dma_wait3A_218] : memref<1x128xi32, #tpu.memory_space<vmem>> -> memref<1x128xi32, #tpu.memory_space<vmem>>
          %dma_wait3A_220 = tpu.memref_squeeze %dma_wait3A_219 : memref<1x128xi32, #tpu.memory_space<vmem>> -> memref<128xi32, #tpu.memory_space<vmem>>
          %dma_wait3A_221 = arith.constant 0 : i32
          %dma_wait3A_222 = arith.constant 0 : i32
          %dma_wait3A_223 = tpu.memref_slice %arg32[%dma_wait3A_221, %dma_wait3A_222] : memref<10000x128xf32, #tpu.memory_space<vmem_shared>> -> memref<10000x128xf32, #tpu.memory_space<vmem_shared>>
          tpu.wait_indirect_dma semaphore(%arg30 : memref<!tpu.dma_semaphore, #tpu.memory_space<semaphore_mem>>) src(%arg18 : memref<128x128xf32, #tpu.memory_space<vmem>>) dst(%dma_wait3A_223 : memref<10000x128xf32, #tpu.memory_space<vmem_shared>>)
        } else {
        }
        %dma_start3A_205 = arith.constant 0 : i32
        %dma_start3A_206 = arith.constant 0 : i32
        %dma_start3A_207 = tpu.memref_slice %arg2[%dma_start3A_205, %dma_start3A_206] : memref<10000x128xf32, #tpu.memory_space<hbm>> -> memref<10000x128xf32, #tpu.memory_space<hbm>>
        tpu.enqueue_indirect_dma source(%dma_start3A_207 : memref<10000x128xf32, #tpu.memory_space<hbm>>) target(%arg18 : memref<128x128xf32, #tpu.memory_space<vmem>>) offsets(%arg9 : memref<128xi32, #tpu.memory_space<vmem>>) semaphore(%arg27 : memref<!tpu.dma_semaphore, #tpu.memory_space<semaphore_mem>>)
        %add3A_208 = arith.constant 1 : i32
        %add3A_209 = arith.addi %add3A_83, %add3A_208 : i32
        %mul3A_210 = arith.constant 81 : i32
        %mul3A_211 = arith.muli %add3A, %mul3A_210 : i32
        %add3A_212 = arith.addi %mul3A_211, %add3A_209 : i32
        %dma_start3A_213 = arith.constant 0 : i32
        %dma_start3A_214 = tpu.memref_slice %arg4[%add3A_212, %dma_start3A_213] : memref<2592x128xi32, #tpu.memory_space<hbm>> -> memref<1x128xi32, #tpu.memory_space<hbm>>
        %dma_start3A_215 = arith.constant 0 : i32
        %dma_start3A_216 = tpu.memref_slice %arg4[%add3A_212, %dma_start3A_215] : memref<2592x128xi32, #tpu.memory_space<hbm>> -> memref<1x128xi32, #tpu.memory_space<hbm>>
        tpu.enqueue_dma source(%dma_start3A_216 : memref<1x128xi32, #tpu.memory_space<hbm>>) target(%arg15 : memref<1x128xi32, #tpu.memory_space<vmem>>) target_semaphore(%arg24 : memref<!tpu.dma_semaphore, #tpu.memory_space<semaphore_mem>>)
      } else {
      }
      %parallel_loop3A = arith.constant 0 : i32
      %parallel_loop3A_94 = arith.constant 128 : i32
      %parallel_loop3A_95 = arith.constant 1 : i32
      scf.for %parallel_loop3A_191 = %parallel_loop3A to %parallel_loop3A_94 step %parallel_loop3A_95  : i32 {
        %parallel_loop3A_192 = arith.constant 0 : i32
        %parallel_loop3A_193 = vector.broadcast %parallel_loop3A_192 : i32 to vector<16xi32>
        %parallel_loop3A_194 = vector.broadcast %parallel_loop3A_191 : i32 to vector<16xi32>
        %parallel_loop3A_195 = arith.addi %parallel_loop3A_193, %parallel_loop3A_194 : vector<16xi32>
        %parallel_loop3A_196 = tpu.vector_load_idx %arg11[%parallel_loop3A_195] : memref<128xf32, #tpu.memory_space<vmem>>[vector<16xi32>], vector<16xf32>,
        %parallel_loop3A_197 = arith.index_cast %parallel_loop3A_191 : i32 to index
        %parallel_loop3A_198 = arith.constant 0 : index
        %parallel_loop3A_199 = tpu.vector_load %arg17[%parallel_loop3A_197, %parallel_loop3A_198] {strides = array<i32>} : memref<128x128xf32, #tpu.memory_space<vmem>>, vector<16xf32>,
        %parallel_loop3A_200 = arith.mulf %parallel_loop3A_199, %parallel_loop3A_196 : vector<16xf32>
        %parallel_loop3A_201 = arith.index_cast %parallel_loop3A_191 : i32 to index
        %parallel_loop3A_202 = arith.constant 0 : index
        %parallel_loop3A_203 = tpu.vector_load %arg17[%parallel_loop3A_201, %parallel_loop3A_202] {strides = array<i32>} : memref<128x128xf32, #tpu.memory_space<vmem>>, vector<16xf32>,
        tpu.vector_store %arg17[%parallel_loop3A_201, %parallel_loop3A_202], %parallel_loop3A_200 {strides = array<i32>} : memref<128x128xf32, #tpu.memory_space<vmem>>, vector<16xf32>,
        %parallel_loop3A_204 = arith.index_cast %parallel_loop3A_191 : i32 to index
        %parallel_loop3A_205 = arith.constant 16 : index
        %parallel_loop3A_206 = tpu.vector_load %arg17[%parallel_loop3A_204, %parallel_loop3A_205] {strides = array<i32>} : memref<128x128xf32, #tpu.memory_space<vmem>>, vector<16xf32>,
        %parallel_loop3A_207 = arith.mulf %parallel_loop3A_206, %parallel_loop3A_196 : vector<16xf32>
        %parallel_loop3A_208 = arith.index_cast %parallel_loop3A_191 : i32 to index
        %parallel_loop3A_209 = arith.constant 16 : index
        %parallel_loop3A_210 = tpu.vector_load %arg17[%parallel_loop3A_208, %parallel_loop3A_209] {strides = array<i32>} : memref<128x128xf32, #tpu.memory_space<vmem>>, vector<16xf32>,
        tpu.vector_store %arg17[%parallel_loop3A_208, %parallel_loop3A_209], %parallel_loop3A_207 {strides = array<i32>} : memref<128x128xf32, #tpu.memory_space<vmem>>, vector<16xf32>,
        %parallel_loop3A_211 = arith.index_cast %parallel_loop3A_191 : i32 to index
        %parallel_loop3A_212 = arith.constant 32 : index
        %parallel_loop3A_213 = tpu.vector_load %arg17[%parallel_loop3A_211, %parallel_loop3A_212] {strides = array<i32>} : memref<128x128xf32, #tpu.memory_space<vmem>>, vector<16xf32>,
        %parallel_loop3A_214 = arith.mulf %parallel_loop3A_213, %parallel_loop3A_196 : vector<16xf32>
        %parallel_loop3A_215 = arith.index_cast %parallel_loop3A_191 : i32 to index
        %parallel_loop3A_216 = arith.constant 32 : index
        %parallel_loop3A_217 = tpu.vector_load %arg17[%parallel_loop3A_215, %parallel_loop3A_216] {strides = array<i32>} : memref<128x128xf32, #tpu.memory_space<vmem>>, vector<16xf32>,
        tpu.vector_store %arg17[%parallel_loop3A_215, %parallel_loop3A_216], %parallel_loop3A_214 {strides = array<i32>} : memref<128x128xf32, #tpu.memory_space<vmem>>, vector<16xf32>,
        %parallel_loop3A_218 = arith.index_cast %parallel_loop3A_191 : i32 to index
        %parallel_loop3A_219 = arith.constant 48 : index
        %parallel_loop3A_220 = tpu.vector_load %arg17[%parallel_loop3A_218, %parallel_loop3A_219] {strides = array<i32>} : memref<128x128xf32, #tpu.memory_space<vmem>>, vector<16xf32>,
        %parallel_loop3A_221 = arith.mulf %parallel_loop3A_220, %parallel_loop3A_196 : vector<16xf32>
        %parallel_loop3A_222 = arith.index_cast %parallel_loop3A_191 : i32 to index
        %parallel_loop3A_223 = arith.constant 48 : index
        %parallel_loop3A_224 = tpu.vector_load %arg17[%parallel_loop3A_222, %parallel_loop3A_223] {strides = array<i32>} : memref<128x128xf32, #tpu.memory_space<vmem>>, vector<16xf32>,
        tpu.vector_store %arg17[%parallel_loop3A_222, %parallel_loop3A_223], %parallel_loop3A_221 {strides = array<i32>} : memref<128x128xf32, #tpu.memory_space<vmem>>, vector<16xf32>,
        %parallel_loop3A_225 = arith.index_cast %parallel_loop3A_191 : i32 to index
        %parallel_loop3A_226 = arith.constant 64 : index
        %parallel_loop3A_227 = tpu.vector_load %arg17[%parallel_loop3A_225, %parallel_loop3A_226] {strides = array<i32>} : memref<128x128xf32, #tpu.memory_space<vmem>>, vector<16xf32>,
        %parallel_loop3A_228 = arith.mulf %parallel_loop3A_227, %parallel_loop3A_196 : vector<16xf32>
        %parallel_loop3A_229 = arith.index_cast %parallel_loop3A_191 : i32 to index
        %parallel_loop3A_230 = arith.constant 64 : index
        %parallel_loop3A_231 = tpu.vector_load %arg17[%parallel_loop3A_229, %parallel_loop3A_230] {strides = array<i32>} : memref<128x128xf32, #tpu.memory_space<vmem>>, vector<16xf32>,
        tpu.vector_store %arg17[%parallel_loop3A_229, %parallel_loop3A_230], %parallel_loop3A_228 {strides = array<i32>} : memref<128x128xf32, #tpu.memory_space<vmem>>, vector<16xf32>,
        %parallel_loop3A_232 = arith.index_cast %parallel_loop3A_191 : i32 to index
        %parallel_loop3A_233 = arith.constant 80 : index
        %parallel_loop3A_234 = tpu.vector_load %arg17[%parallel_loop3A_232, %parallel_loop3A_233] {strides = array<i32>} : memref<128x128xf32, #tpu.memory_space<vmem>>, vector<16xf32>,
        %parallel_loop3A_235 = arith.mulf %parallel_loop3A_234, %parallel_loop3A_196 : vector<16xf32>
        %parallel_loop3A_236 = arith.index_cast %parallel_loop3A_191 : i32 to index
        %parallel_loop3A_237 = arith.constant 80 : index
        %parallel_loop3A_238 = tpu.vector_load %arg17[%parallel_loop3A_236, %parallel_loop3A_237] {strides = array<i32>} : memref<128x128xf32, #tpu.memory_space<vmem>>, vector<16xf32>,
        tpu.vector_store %arg17[%parallel_loop3A_236, %parallel_loop3A_237], %parallel_loop3A_235 {strides = array<i32>} : memref<128x128xf32, #tpu.memory_space<vmem>>, vector<16xf32>,
        %parallel_loop3A_239 = arith.index_cast %parallel_loop3A_191 : i32 to index
        %parallel_loop3A_240 = arith.constant 96 : index
        %parallel_loop3A_241 = tpu.vector_load %arg17[%parallel_loop3A_239, %parallel_loop3A_240] {strides = array<i32>} : memref<128x128xf32, #tpu.memory_space<vmem>>, vector<16xf32>,
        %parallel_loop3A_242 = arith.mulf %parallel_loop3A_241, %parallel_loop3A_196 : vector<16xf32>
        %parallel_loop3A_243 = arith.index_cast %parallel_loop3A_191 : i32 to index
        %parallel_loop3A_244 = arith.constant 96 : index
        %parallel_loop3A_245 = tpu.vector_load %arg17[%parallel_loop3A_243, %parallel_loop3A_244] {strides = array<i32>} : memref<128x128xf32, #tpu.memory_space<vmem>>, vector<16xf32>,
        tpu.vector_store %arg17[%parallel_loop3A_243, %parallel_loop3A_244], %parallel_loop3A_242 {strides = array<i32>} : memref<128x128xf32, #tpu.memory_space<vmem>>, vector<16xf32>,
        %parallel_loop3A_246 = arith.index_cast %parallel_loop3A_191 : i32 to index
        %parallel_loop3A_247 = arith.constant 112 : index
        %parallel_loop3A_248 = tpu.vector_load %arg17[%parallel_loop3A_246, %parallel_loop3A_247] {strides = array<i32>} : memref<128x128xf32, #tpu.memory_space<vmem>>, vector<16xf32>,
        %parallel_loop3A_249 = arith.mulf %parallel_loop3A_248, %parallel_loop3A_196 : vector<16xf32>
        %parallel_loop3A_250 = arith.index_cast %parallel_loop3A_191 : i32 to index
        %parallel_loop3A_251 = arith.constant 112 : index
        %parallel_loop3A_252 = tpu.vector_load %arg17[%parallel_loop3A_250, %parallel_loop3A_251] {strides = array<i32>} : memref<128x128xf32, #tpu.memory_space<vmem>>, vector<16xf32>,
        tpu.vector_store %arg17[%parallel_loop3A_250, %parallel_loop3A_251], %parallel_loop3A_249 {strides = array<i32>} : memref<128x128xf32, #tpu.memory_space<vmem>>, vector<16xf32>,
      } {sc.loop_unroll_factor = 4 : i64, sc.parallel_access}
      %dma_wait3A_96 = arith.constant 0 : i32
      %dma_wait3A_97 = arith.constant 0 : i32
      %dma_wait3A_98 = tpu.memref_slice %arg4[%dma_wait3A_96, %dma_wait3A_97] : memref<2592x128xi32, #tpu.memory_space<hbm>> -> memref<1x128xi32, #tpu.memory_space<hbm>>
      %dma_wait3A_99 = arith.constant 0 : i32
      %dma_wait3A_100 = arith.constant 0 : i32
      %dma_wait3A_101 = tpu.memref_slice %arg4[%dma_wait3A_99, %dma_wait3A_100] : memref<2592x128xi32, #tpu.memory_space<hbm>> -> memref<1x128xi32, #tpu.memory_space<hbm>>
      tpu.wait_dma2 semaphore(%arg23 : memref<!tpu.dma_semaphore, #tpu.memory_space<semaphore_mem>>) src(%dma_wait3A_101 : memref<1x128xi32, #tpu.memory_space<hbm>>) dst(%arg14 : memref<1x128xi32, #tpu.memory_space<vmem>>)
      %dma_start3A_102 = arith.constant 0 : i32
      %dma_start3A_103 = arith.constant 0 : i32
      %dma_start3A_104 = tpu.memref_slice %arg14[%dma_start3A_102, %dma_start3A_103] : memref<1x128xi32, #tpu.memory_space<vmem>> -> memref<1x128xi32, #tpu.memory_space<vmem>>
      %dma_start3A_105 = tpu.memref_squeeze %dma_start3A_104 : memref<1x128xi32, #tpu.memory_space<vmem>> -> memref<128xi32, #tpu.memory_space<vmem>>
      %dma_start3A_106 = arith.constant 0 : i32
      %dma_start3A_107 = arith.constant 0 : i32
      %dma_start3A_108 = tpu.memref_slice %arg32[%dma_start3A_106, %dma_start3A_107] : memref<10000x128xf32, #tpu.memory_space<vmem_shared>> -> memref<10000x128xf32, #tpu.memory_space<vmem_shared>>
      tpu.enqueue_indirect_dma source(%arg17 : memref<128x128xf32, #tpu.memory_space<vmem>>) target(%dma_start3A_108 : memref<10000x128xf32, #tpu.memory_space<vmem_shared>>) offsets(%dma_start3A_105 : memref<128xi32, #tpu.memory_space<vmem>>) semaphore(%arg29 : memref<!tpu.dma_semaphore, #tpu.memory_space<semaphore_mem>>) {add = true}
      %add3A_109 = arith.constant 2 : i32
      %add3A_110 = arith.addi %add3A_83, %add3A_109 : i32
      %lt3A_111 = arith.constant 81 : i32
      %lt3A_112 = arith.cmpi slt, %add3A_110, %lt3A_111 : i32
      %convert_element_type3A_113 = arith.extui %lt3A_112 : i1 to i32
      %cond3A_114 = arith.constant 0 : i32
      %cond3A_115 = arith.cmpi ne, %convert_element_type3A_113, %cond3A_114 : i32
      scf.if %cond3A_115 {
        %add3A_191 = arith.constant 2 : i32
        %add3A_192 = arith.addi %add3A_83, %add3A_191 : i32
        %mul3A_193 = arith.constant 128 : i32
        %mul3A_194 = arith.muli %add3A_192, %mul3A_193 : i32
        %add3A_195 = arith.addi %mul3A_2, %mul3A_194 : i32
        %dma_start3A_196 = tpu.memref_slice %arg3[%add3A_195] : memref<331776xi32, #tpu.memory_space<hbm>> -> memref<128xi32, #tpu.memory_space<hbm>>
        %dma_start3A_197 = tpu.memref_slice %arg3[%add3A_195] : memref<331776xi32, #tpu.memory_space<hbm>> -> memref<128xi32, #tpu.memory_space<hbm>>
        tpu.enqueue_dma source(%dma_start3A_197 : memref<128xi32, #tpu.memory_space<hbm>>) target(%arg10 : memref<128xi32, #tpu.memory_space<vmem>>) target_semaphore(%arg22 : memref<!tpu.dma_semaphore, #tpu.memory_space<semaphore_mem>>)
        %dma_start3A_198 = tpu.memref_slice %arg5[%add3A_195] : memref<331776xf32, #tpu.memory_space<hbm>> -> memref<128xf32, #tpu.memory_space<hbm>>
        %dma_start3A_199 = tpu.memref_slice %arg5[%add3A_195] : memref<331776xf32, #tpu.memory_space<hbm>> -> memref<128xf32, #tpu.memory_space<hbm>>
        tpu.enqueue_dma source(%dma_start3A_199 : memref<128xf32, #tpu.memory_space<hbm>>) target(%arg13 : memref<128xf32, #tpu.memory_space<vmem>>) target_semaphore(%arg22 : memref<!tpu.dma_semaphore, #tpu.memory_space<semaphore_mem>>)
      } else {
      }
      %mul3A_116 = arith.constant 3 : i32
      %mul3A_117 = arith.muli %scan3A_78, %mul3A_116 : i32
      %add3A_118 = arith.constant 1 : i32
      %add3A_119 = arith.addi %mul3A_117, %add3A_118 : i32
      %dma_wait3A_120 = arith.constant 0 : i32
      %dma_wait3A_121 = arith.constant 0 : i32
      %dma_wait3A_122 = tpu.memref_slice %arg2[%dma_wait3A_120, %dma_wait3A_121] : memref<10000x128xf32, #tpu.memory_space<hbm>> -> memref<10000x128xf32, #tpu.memory_space<hbm>>
      tpu.wait_indirect_dma semaphore(%arg27 : memref<!tpu.dma_semaphore, #tpu.memory_space<semaphore_mem>>) src(%dma_wait3A_122 : memref<10000x128xf32, #tpu.memory_space<hbm>>) dst(%arg18 : memref<128x128xf32, #tpu.memory_space<vmem>>)
      %add3A_123 = arith.constant 1 : i32
      %add3A_124 = arith.addi %add3A_119, %add3A_123 : i32
      %lt3A_125 = arith.constant 81 : i32
      %lt3A_126 = arith.cmpi slt, %add3A_124, %lt3A_125 : i32
      %convert_element_type3A_127 = arith.extui %lt3A_126 : i1 to i32
      %cond3A_128 = arith.constant 0 : i32
      %cond3A_129 = arith.cmpi ne, %convert_element_type3A_127, %cond3A_128 : i32
      scf.if %cond3A_129 {
        %dma_wait3A_191 = arith.constant 0 : i32
        %dma_wait3A_192 = tpu.memref_slice %arg3[%dma_wait3A_191] : memref<331776xi32, #tpu.memory_space<hbm>> -> memref<128xi32, #tpu.memory_space<hbm>>
        %dma_wait3A_193 = arith.constant 0 : i32
        %dma_wait3A_194 = tpu.memref_slice %arg3[%dma_wait3A_193] : memref<331776xi32, #tpu.memory_space<hbm>> -> memref<128xi32, #tpu.memory_space<hbm>>
        tpu.wait_dma2 semaphore(%arg22 : memref<!tpu.dma_semaphore, #tpu.memory_space<semaphore_mem>>) src(%dma_wait3A_194 : memref<128xi32, #tpu.memory_space<hbm>>) dst(%arg10 : memref<128xi32, #tpu.memory_space<vmem>>)
        %dma_wait3A_195 = arith.constant 0 : i32
        %dma_wait3A_196 = tpu.memref_slice %arg5[%dma_wait3A_195] : memref<331776xf32, #tpu.memory_space<hbm>> -> memref<128xf32, #tpu.memory_space<hbm>>
        %dma_wait3A_197 = arith.constant 0 : i32
        %dma_wait3A_198 = tpu.memref_slice %arg5[%dma_wait3A_197] : memref<331776xf32, #tpu.memory_space<hbm>> -> memref<128xf32, #tpu.memory_space<hbm>>
        tpu.wait_dma2 semaphore(%arg22 : memref<!tpu.dma_semaphore, #tpu.memory_space<semaphore_mem>>) src(%dma_wait3A_198 : memref<128xf32, #tpu.memory_space<hbm>>) dst(%arg13 : memref<128xf32, #tpu.memory_space<vmem>>)
        %add3A_199 = arith.constant 1 : i32
        %add3A_200 = arith.addi %add3A_119, %add3A_199 : i32
        %ge3A = arith.constant 3 : i32
        %ge3A_201 = arith.cmpi sge, %add3A_200, %ge3A : i32
        %convert_element_type3A_202 = arith.extui %ge3A_201 : i1 to i32
        %cond3A_203 = arith.constant 0 : i32
        %cond3A_204 = arith.cmpi ne, %convert_element_type3A_202, %cond3A_203 : i32
        scf.if %cond3A_204 {
          %dma_wait3A_217 = arith.constant 0 : i32
          %dma_wait3A_218 = arith.constant 0 : i32
          %dma_wait3A_219 = tpu.memref_slice %arg16[%dma_wait3A_217, %dma_wait3A_218] : memref<1x128xi32, #tpu.memory_space<vmem>> -> memref<1x128xi32, #tpu.memory_space<vmem>>
          %dma_wait3A_220 = tpu.memref_squeeze %dma_wait3A_219 : memref<1x128xi32, #tpu.memory_space<vmem>> -> memref<128xi32, #tpu.memory_space<vmem>>
          %dma_wait3A_221 = arith.constant 0 : i32
          %dma_wait3A_222 = arith.constant 0 : i32
          %dma_wait3A_223 = tpu.memref_slice %arg32[%dma_wait3A_221, %dma_wait3A_222] : memref<10000x128xf32, #tpu.memory_space<vmem_shared>> -> memref<10000x128xf32, #tpu.memory_space<vmem_shared>>
          tpu.wait_indirect_dma semaphore(%arg31 : memref<!tpu.dma_semaphore, #tpu.memory_space<semaphore_mem>>) src(%arg19 : memref<128x128xf32, #tpu.memory_space<vmem>>) dst(%dma_wait3A_223 : memref<10000x128xf32, #tpu.memory_space<vmem_shared>>)
        } else {
        }
        %dma_start3A_205 = arith.constant 0 : i32
        %dma_start3A_206 = arith.constant 0 : i32
        %dma_start3A_207 = tpu.memref_slice %arg2[%dma_start3A_205, %dma_start3A_206] : memref<10000x128xf32, #tpu.memory_space<hbm>> -> memref<10000x128xf32, #tpu.memory_space<hbm>>
        tpu.enqueue_indirect_dma source(%dma_start3A_207 : memref<10000x128xf32, #tpu.memory_space<hbm>>) target(%arg19 : memref<128x128xf32, #tpu.memory_space<vmem>>) offsets(%arg10 : memref<128xi32, #tpu.memory_space<vmem>>) semaphore(%arg28 : memref<!tpu.dma_semaphore, #tpu.memory_space<semaphore_mem>>)
        %add3A_208 = arith.constant 1 : i32
        %add3A_209 = arith.addi %add3A_119, %add3A_208 : i32
        %mul3A_210 = arith.constant 81 : i32
        %mul3A_211 = arith.muli %add3A, %mul3A_210 : i32
        %add3A_212 = arith.addi %mul3A_211, %add3A_209 : i32
        %dma_start3A_213 = arith.constant 0 : i32
        %dma_start3A_214 = tpu.memref_slice %arg4[%add3A_212, %dma_start3A_213] : memref<2592x128xi32, #tpu.memory_space<hbm>> -> memref<1x128xi32, #tpu.memory_space<hbm>>
        %dma_start3A_215 = arith.constant 0 : i32
        %dma_start3A_216 = tpu.memref_slice %arg4[%add3A_212, %dma_start3A_215] : memref<2592x128xi32, #tpu.memory_space<hbm>> -> memref<1x128xi32, #tpu.memory_space<hbm>>
        tpu.enqueue_dma source(%dma_start3A_216 : memref<1x128xi32, #tpu.memory_space<hbm>>) target(%arg16 : memref<1x128xi32, #tpu.memory_space<vmem>>) target_semaphore(%arg25 : memref<!tpu.dma_semaphore, #tpu.memory_space<semaphore_mem>>)
      } else {
      }
      %parallel_loop3A_130 = arith.constant 0 : i32
      %parallel_loop3A_131 = arith.constant 128 : i32
      %parallel_loop3A_132 = arith.constant 1 : i32
      scf.for %parallel_loop3A_191 = %parallel_loop3A_130 to %parallel_loop3A_131 step %parallel_loop3A_132  : i32 {
        %parallel_loop3A_192 = arith.constant 0 : i32
        %parallel_loop3A_193 = vector.broadcast %parallel_loop3A_192 : i32 to vector<16xi32>
        %parallel_loop3A_194 = vector.broadcast %parallel_loop3A_191 : i32 to vector<16xi32>
        %parallel_loop3A_195 = arith.addi %parallel_loop3A_193, %parallel_loop3A_194 : vector<16xi32>
        %parallel_loop3A_196 = tpu.vector_load_idx %arg12[%parallel_loop3A_195] : memref<128xf32, #tpu.memory_space<vmem>>[vector<16xi32>], vector<16xf32>,
        %parallel_loop3A_197 = arith.index_cast %parallel_loop3A_191 : i32 to index
        %parallel_loop3A_198 = arith.constant 0 : index
        %parallel_loop3A_199 = tpu.vector_load %arg18[%parallel_loop3A_197, %parallel_loop3A_198] {strides = array<i32>} : memref<128x128xf32, #tpu.memory_space<vmem>>, vector<16xf32>,
        %parallel_loop3A_200 = arith.mulf %parallel_loop3A_199, %parallel_loop3A_196 : vector<16xf32>
        %parallel_loop3A_201 = arith.index_cast %parallel_loop3A_191 : i32 to index
        %parallel_loop3A_202 = arith.constant 0 : index
        %parallel_loop3A_203 = tpu.vector_load %arg18[%parallel_loop3A_201, %parallel_loop3A_202] {strides = array<i32>} : memref<128x128xf32, #tpu.memory_space<vmem>>, vector<16xf32>,
        tpu.vector_store %arg18[%parallel_loop3A_201, %parallel_loop3A_202], %parallel_loop3A_200 {strides = array<i32>} : memref<128x128xf32, #tpu.memory_space<vmem>>, vector<16xf32>,
        %parallel_loop3A_204 = arith.index_cast %parallel_loop3A_191 : i32 to index
        %parallel_loop3A_205 = arith.constant 16 : index
        %parallel_loop3A_206 = tpu.vector_load %arg18[%parallel_loop3A_204, %parallel_loop3A_205] {strides = array<i32>} : memref<128x128xf32, #tpu.memory_space<vmem>>, vector<16xf32>,
        %parallel_loop3A_207 = arith.mulf %parallel_loop3A_206, %parallel_loop3A_196 : vector<16xf32>
        %parallel_loop3A_208 = arith.index_cast %parallel_loop3A_191 : i32 to index
        %parallel_loop3A_209 = arith.constant 16 : index
        %parallel_loop3A_210 = tpu.vector_load %arg18[%parallel_loop3A_208, %parallel_loop3A_209] {strides = array<i32>} : memref<128x128xf32, #tpu.memory_space<vmem>>, vector<16xf32>,
        tpu.vector_store %arg18[%parallel_loop3A_208, %parallel_loop3A_209], %parallel_loop3A_207 {strides = array<i32>} : memref<128x128xf32, #tpu.memory_space<vmem>>, vector<16xf32>,
        %parallel_loop3A_211 = arith.index_cast %parallel_loop3A_191 : i32 to index
        %parallel_loop3A_212 = arith.constant 32 : index
        %parallel_loop3A_213 = tpu.vector_load %arg18[%parallel_loop3A_211, %parallel_loop3A_212] {strides = array<i32>} : memref<128x128xf32, #tpu.memory_space<vmem>>, vector<16xf32>,
        %parallel_loop3A_214 = arith.mulf %parallel_loop3A_213, %parallel_loop3A_196 : vector<16xf32>
        %parallel_loop3A_215 = arith.index_cast %parallel_loop3A_191 : i32 to index
        %parallel_loop3A_216 = arith.constant 32 : index
        %parallel_loop3A_217 = tpu.vector_load %arg18[%parallel_loop3A_215, %parallel_loop3A_216] {strides = array<i32>} : memref<128x128xf32, #tpu.memory_space<vmem>>, vector<16xf32>,
        tpu.vector_store %arg18[%parallel_loop3A_215, %parallel_loop3A_216], %parallel_loop3A_214 {strides = array<i32>} : memref<128x128xf32, #tpu.memory_space<vmem>>, vector<16xf32>,
        %parallel_loop3A_218 = arith.index_cast %parallel_loop3A_191 : i32 to index
        %parallel_loop3A_219 = arith.constant 48 : index
        %parallel_loop3A_220 = tpu.vector_load %arg18[%parallel_loop3A_218, %parallel_loop3A_219] {strides = array<i32>} : memref<128x128xf32, #tpu.memory_space<vmem>>, vector<16xf32>,
        %parallel_loop3A_221 = arith.mulf %parallel_loop3A_220, %parallel_loop3A_196 : vector<16xf32>
        %parallel_loop3A_222 = arith.index_cast %parallel_loop3A_191 : i32 to index
        %parallel_loop3A_223 = arith.constant 48 : index
        %parallel_loop3A_224 = tpu.vector_load %arg18[%parallel_loop3A_222, %parallel_loop3A_223] {strides = array<i32>} : memref<128x128xf32, #tpu.memory_space<vmem>>, vector<16xf32>,
        tpu.vector_store %arg18[%parallel_loop3A_222, %parallel_loop3A_223], %parallel_loop3A_221 {strides = array<i32>} : memref<128x128xf32, #tpu.memory_space<vmem>>, vector<16xf32>,
        %parallel_loop3A_225 = arith.index_cast %parallel_loop3A_191 : i32 to index
        %parallel_loop3A_226 = arith.constant 64 : index
        %parallel_loop3A_227 = tpu.vector_load %arg18[%parallel_loop3A_225, %parallel_loop3A_226] {strides = array<i32>} : memref<128x128xf32, #tpu.memory_space<vmem>>, vector<16xf32>,
        %parallel_loop3A_228 = arith.mulf %parallel_loop3A_227, %parallel_loop3A_196 : vector<16xf32>
        %parallel_loop3A_229 = arith.index_cast %parallel_loop3A_191 : i32 to index
        %parallel_loop3A_230 = arith.constant 64 : index
        %parallel_loop3A_231 = tpu.vector_load %arg18[%parallel_loop3A_229, %parallel_loop3A_230] {strides = array<i32>} : memref<128x128xf32, #tpu.memory_space<vmem>>, vector<16xf32>,
        tpu.vector_store %arg18[%parallel_loop3A_229, %parallel_loop3A_230], %parallel_loop3A_228 {strides = array<i32>} : memref<128x128xf32, #tpu.memory_space<vmem>>, vector<16xf32>,
        %parallel_loop3A_232 = arith.index_cast %parallel_loop3A_191 : i32 to index
        %parallel_loop3A_233 = arith.constant 80 : index
        %parallel_loop3A_234 = tpu.vector_load %arg18[%parallel_loop3A_232, %parallel_loop3A_233] {strides = array<i32>} : memref<128x128xf32, #tpu.memory_space<vmem>>, vector<16xf32>,
        %parallel_loop3A_235 = arith.mulf %parallel_loop3A_234, %parallel_loop3A_196 : vector<16xf32>
        %parallel_loop3A_236 = arith.index_cast %parallel_loop3A_191 : i32 to index
        %parallel_loop3A_237 = arith.constant 80 : index
        %parallel_loop3A_238 = tpu.vector_load %arg18[%parallel_loop3A_236, %parallel_loop3A_237] {strides = array<i32>} : memref<128x128xf32, #tpu.memory_space<vmem>>, vector<16xf32>,
        tpu.vector_store %arg18[%parallel_loop3A_236, %parallel_loop3A_237], %parallel_loop3A_235 {strides = array<i32>} : memref<128x128xf32, #tpu.memory_space<vmem>>, vector<16xf32>,
        %parallel_loop3A_239 = arith.index_cast %parallel_loop3A_191 : i32 to index
        %parallel_loop3A_240 = arith.constant 96 : index
        %parallel_loop3A_241 = tpu.vector_load %arg18[%parallel_loop3A_239, %parallel_loop3A_240] {strides = array<i32>} : memref<128x128xf32, #tpu.memory_space<vmem>>, vector<16xf32>,
        %parallel_loop3A_242 = arith.mulf %parallel_loop3A_241, %parallel_loop3A_196 : vector<16xf32>
        %parallel_loop3A_243 = arith.index_cast %parallel_loop3A_191 : i32 to index
        %parallel_loop3A_244 = arith.constant 96 : index
        %parallel_loop3A_245 = tpu.vector_load %arg18[%parallel_loop3A_243, %parallel_loop3A_244] {strides = array<i32>} : memref<128x128xf32, #tpu.memory_space<vmem>>, vector<16xf32>,
        tpu.vector_store %arg18[%parallel_loop3A_243, %parallel_loop3A_244], %parallel_loop3A_242 {strides = array<i32>} : memref<128x128xf32, #tpu.memory_space<vmem>>, vector<16xf32>,
        %parallel_loop3A_246 = arith.index_cast %parallel_loop3A_191 : i32 to index
        %parallel_loop3A_247 = arith.constant 112 : index
        %parallel_loop3A_248 = tpu.vector_load %arg18[%parallel_loop3A_246, %parallel_loop3A_247] {strides = array<i32>} : memref<128x128xf32, #tpu.memory_space<vmem>>, vector<16xf32>,
        %parallel_loop3A_249 = arith.mulf %parallel_loop3A_248, %parallel_loop3A_196 : vector<16xf32>
        %parallel_loop3A_250 = arith.index_cast %parallel_loop3A_191 : i32 to index
        %parallel_loop3A_251 = arith.constant 112 : index
        %parallel_loop3A_252 = tpu.vector_load %arg18[%parallel_loop3A_250, %parallel_loop3A_251] {strides = array<i32>} : memref<128x128xf32, #tpu.memory_space<vmem>>, vector<16xf32>,
        tpu.vector_store %arg18[%parallel_loop3A_250, %parallel_loop3A_251], %parallel_loop3A_249 {strides = array<i32>} : memref<128x128xf32, #tpu.memory_space<vmem>>, vector<16xf32>,
      } {sc.loop_unroll_factor = 4 : i64, sc.parallel_access}
      %dma_wait3A_133 = arith.constant 0 : i32
      %dma_wait3A_134 = arith.constant 0 : i32
      %dma_wait3A_135 = tpu.memref_slice %arg4[%dma_wait3A_133, %dma_wait3A_134] : memref<2592x128xi32, #tpu.memory_space<hbm>> -> memref<1x128xi32, #tpu.memory_space<hbm>>
      %dma_wait3A_136 = arith.constant 0 : i32
      %dma_wait3A_137 = arith.constant 0 : i32
      %dma_wait3A_138 = tpu.memref_slice %arg4[%dma_wait3A_136, %dma_wait3A_137] : memref<2592x128xi32, #tpu.memory_space<hbm>> -> memref<1x128xi32, #tpu.memory_space<hbm>>
      tpu.wait_dma2 semaphore(%arg24 : memref<!tpu.dma_semaphore, #tpu.memory_space<semaphore_mem>>) src(%dma_wait3A_138 : memref<1x128xi32, #tpu.memory_space<hbm>>) dst(%arg15 : memref<1x128xi32, #tpu.memory_space<vmem>>)
      %dma_start3A_139 = arith.constant 0 : i32
      %dma_start3A_140 = arith.constant 0 : i32
      %dma_start3A_141 = tpu.memref_slice %arg15[%dma_start3A_139, %dma_start3A_140] : memref<1x128xi32, #tpu.memory_space<vmem>> -> memref<1x128xi32, #tpu.memory_space<vmem>>
      %dma_start3A_142 = tpu.memref_squeeze %dma_start3A_141 : memref<1x128xi32, #tpu.memory_space<vmem>> -> memref<128xi32, #tpu.memory_space<vmem>>
      %dma_start3A_143 = arith.constant 0 : i32
      %dma_start3A_144 = arith.constant 0 : i32
      %dma_start3A_145 = tpu.memref_slice %arg32[%dma_start3A_143, %dma_start3A_144] : memref<10000x128xf32, #tpu.memory_space<vmem_shared>> -> memref<10000x128xf32, #tpu.memory_space<vmem_shared>>
      tpu.enqueue_indirect_dma source(%arg18 : memref<128x128xf32, #tpu.memory_space<vmem>>) target(%dma_start3A_145 : memref<10000x128xf32, #tpu.memory_space<vmem_shared>>) offsets(%dma_start3A_142 : memref<128xi32, #tpu.memory_space<vmem>>) semaphore(%arg30 : memref<!tpu.dma_semaphore, #tpu.memory_space<semaphore_mem>>) {add = true}
      %add3A_146 = arith.constant 2 : i32
      %add3A_147 = arith.addi %add3A_119, %add3A_146 : i32
      %lt3A_148 = arith.constant 81 : i32
      %lt3A_149 = arith.cmpi slt, %add3A_147, %lt3A_148 : i32
      %convert_element_type3A_150 = arith.extui %lt3A_149 : i1 to i32
      %cond3A_151 = arith.constant 0 : i32
      %cond3A_152 = arith.cmpi ne, %convert_element_type3A_150, %cond3A_151 : i32
      scf.if %cond3A_152 {
        %add3A_191 = arith.constant 2 : i32
        %add3A_192 = arith.addi %add3A_119, %add3A_191 : i32
        %mul3A_193 = arith.constant 128 : i32
        %mul3A_194 = arith.muli %add3A_192, %mul3A_193 : i32
        %add3A_195 = arith.addi %mul3A_2, %mul3A_194 : i32
        %dma_start3A_196 = tpu.memref_slice %arg3[%add3A_195] : memref<331776xi32, #tpu.memory_space<hbm>> -> memref<128xi32, #tpu.memory_space<hbm>>
        %dma_start3A_197 = tpu.memref_slice %arg3[%add3A_195] : memref<331776xi32, #tpu.memory_space<hbm>> -> memref<128xi32, #tpu.memory_space<hbm>>
        tpu.enqueue_dma source(%dma_start3A_197 : memref<128xi32, #tpu.memory_space<hbm>>) target(%arg8 : memref<128xi32, #tpu.memory_space<vmem>>) target_semaphore(%arg20 : memref<!tpu.dma_semaphore, #tpu.memory_space<semaphore_mem>>)
        %dma_start3A_198 = tpu.memref_slice %arg5[%add3A_195] : memref<331776xf32, #tpu.memory_space<hbm>> -> memref<128xf32, #tpu.memory_space<hbm>>
        %dma_start3A_199 = tpu.memref_slice %arg5[%add3A_195] : memref<331776xf32, #tpu.memory_space<hbm>> -> memref<128xf32, #tpu.memory_space<hbm>>
        tpu.enqueue_dma source(%dma_start3A_199 : memref<128xf32, #tpu.memory_space<hbm>>) target(%arg11 : memref<128xf32, #tpu.memory_space<vmem>>) target_semaphore(%arg20 : memref<!tpu.dma_semaphore, #tpu.memory_space<semaphore_mem>>)
      } else {
      }
      %mul3A_153 = arith.constant 3 : i32
      %mul3A_154 = arith.muli %scan3A_78, %mul3A_153 : i32
      %add3A_155 = arith.constant 2 : i32
      %add3A_156 = arith.addi %mul3A_154, %add3A_155 : i32
      %dma_wait3A_157 = arith.constant 0 : i32
      %dma_wait3A_158 = arith.constant 0 : i32
      %dma_wait3A_159 = tpu.memref_slice %arg2[%dma_wait3A_157, %dma_wait3A_158] : memref<10000x128xf32, #tpu.memory_space<hbm>> -> memref<10000x128xf32, #tpu.memory_space<hbm>>
      tpu.wait_indirect_dma semaphore(%arg28 : memref<!tpu.dma_semaphore, #tpu.memory_space<semaphore_mem>>) src(%dma_wait3A_159 : memref<10000x128xf32, #tpu.memory_space<hbm>>) dst(%arg19 : memref<128x128xf32, #tpu.memory_space<vmem>>)
      %add3A_160 = arith.constant 1 : i32
      %add3A_161 = arith.addi %add3A_156, %add3A_160 : i32
      %lt3A_162 = arith.constant 81 : i32
      %lt3A_163 = arith.cmpi slt, %add3A_161, %lt3A_162 : i32
      %convert_element_type3A_164 = arith.extui %lt3A_163 : i1 to i32
      %cond3A_165 = arith.constant 0 : i32
      %cond3A_166 = arith.cmpi ne, %convert_element_type3A_164, %cond3A_165 : i32
      scf.if %cond3A_166 {
        %dma_wait3A_191 = arith.constant 0 : i32
        %dma_wait3A_192 = tpu.memref_slice %arg3[%dma_wait3A_191] : memref<331776xi32, #tpu.memory_space<hbm>> -> memref<128xi32, #tpu.memory_space<hbm>>
        %dma_wait3A_193 = arith.constant 0 : i32
        %dma_wait3A_194 = tpu.memref_slice %arg3[%dma_wait3A_193] : memref<331776xi32, #tpu.memory_space<hbm>> -> memref<128xi32, #tpu.memory_space<hbm>>
        tpu.wait_dma2 semaphore(%arg20 : memref<!tpu.dma_semaphore, #tpu.memory_space<semaphore_mem>>) src(%dma_wait3A_194 : memref<128xi32, #tpu.memory_space<hbm>>) dst(%arg8 : memref<128xi32, #tpu.memory_space<vmem>>)
        %dma_wait3A_195 = arith.constant 0 : i32
        %dma_wait3A_196 = tpu.memref_slice %arg5[%dma_wait3A_195] : memref<331776xf32, #tpu.memory_space<hbm>> -> memref<128xf32, #tpu.memory_space<hbm>>
        %dma_wait3A_197 = arith.constant 0 : i32
        %dma_wait3A_198 = tpu.memref_slice %arg5[%dma_wait3A_197] : memref<331776xf32, #tpu.memory_space<hbm>> -> memref<128xf32, #tpu.memory_space<hbm>>
        tpu.wait_dma2 semaphore(%arg20 : memref<!tpu.dma_semaphore, #tpu.memory_space<semaphore_mem>>) src(%dma_wait3A_198 : memref<128xf32, #tpu.memory_space<hbm>>) dst(%arg11 : memref<128xf32, #tpu.memory_space<vmem>>)
        %add3A_199 = arith.constant 1 : i32
        %add3A_200 = arith.addi %add3A_156, %add3A_199 : i32
        %ge3A = arith.constant 3 : i32
        %ge3A_201 = arith.cmpi sge, %add3A_200, %ge3A : i32
        %convert_element_type3A_202 = arith.extui %ge3A_201 : i1 to i32
        %cond3A_203 = arith.constant 0 : i32
        %cond3A_204 = arith.cmpi ne, %convert_element_type3A_202, %cond3A_203 : i32
        scf.if %cond3A_204 {
          %dma_wait3A_217 = arith.constant 0 : i32
          %dma_wait3A_218 = arith.constant 0 : i32
          %dma_wait3A_219 = tpu.memref_slice %arg14[%dma_wait3A_217, %dma_wait3A_218] : memref<1x128xi32, #tpu.memory_space<vmem>> -> memref<1x128xi32, #tpu.memory_space<vmem>>
          %dma_wait3A_220 = tpu.memref_squeeze %dma_wait3A_219 : memref<1x128xi32, #tpu.memory_space<vmem>> -> memref<128xi32, #tpu.memory_space<vmem>>
          %dma_wait3A_221 = arith.constant 0 : i32
          %dma_wait3A_222 = arith.constant 0 : i32
          %dma_wait3A_223 = tpu.memref_slice %arg32[%dma_wait3A_221, %dma_wait3A_222] : memref<10000x128xf32, #tpu.memory_space<vmem_shared>> -> memref<10000x128xf32, #tpu.memory_space<vmem_shared>>
          tpu.wait_indirect_dma semaphore(%arg29 : memref<!tpu.dma_semaphore, #tpu.memory_space<semaphore_mem>>) src(%arg17 : memref<128x128xf32, #tpu.memory_space<vmem>>) dst(%dma_wait3A_223 : memref<10000x128xf32, #tpu.memory_space<vmem_shared>>)
        } else {
        }
        %dma_start3A_205 = arith.constant 0 : i32
        %dma_start3A_206 = arith.constant 0 : i32
        %dma_start3A_207 = tpu.memref_slice %arg2[%dma_start3A_205, %dma_start3A_206] : memref<10000x128xf32, #tpu.memory_space<hbm>> -> memref<10000x128xf32, #tpu.memory_space<hbm>>
        tpu.enqueue_indirect_dma source(%dma_start3A_207 : memref<10000x128xf32, #tpu.memory_space<hbm>>) target(%arg17 : memref<128x128xf32, #tpu.memory_space<vmem>>) offsets(%arg8 : memref<128xi32, #tpu.memory_space<vmem>>) semaphore(%arg26 : memref<!tpu.dma_semaphore, #tpu.memory_space<semaphore_mem>>)
        %add3A_208 = arith.constant 1 : i32
        %add3A_209 = arith.addi %add3A_156, %add3A_208 : i32
        %mul3A_210 = arith.constant 81 : i32
        %mul3A_211 = arith.muli %add3A, %mul3A_210 : i32
        %add3A_212 = arith.addi %mul3A_211, %add3A_209 : i32
        %dma_start3A_213 = arith.constant 0 : i32
        %dma_start3A_214 = tpu.memref_slice %arg4[%add3A_212, %dma_start3A_213] : memref<2592x128xi32, #tpu.memory_space<hbm>> -> memref<1x128xi32, #tpu.memory_space<hbm>>
        %dma_start3A_215 = arith.constant 0 : i32
        %dma_start3A_216 = tpu.memref_slice %arg4[%add3A_212, %dma_start3A_215] : memref<2592x128xi32, #tpu.memory_space<hbm>> -> memref<1x128xi32, #tpu.memory_space<hbm>>
        tpu.enqueue_dma source(%dma_start3A_216 : memref<1x128xi32, #tpu.memory_space<hbm>>) target(%arg14 : memref<1x128xi32, #tpu.memory_space<vmem>>) target_semaphore(%arg23 : memref<!tpu.dma_semaphore, #tpu.memory_space<semaphore_mem>>)
      } else {
      }
      %parallel_loop3A_167 = arith.constant 0 : i32
      %parallel_loop3A_168 = arith.constant 128 : i32
      %parallel_loop3A_169 = arith.constant 1 : i32
      scf.for %parallel_loop3A_191 = %parallel_loop3A_167 to %parallel_loop3A_168 step %parallel_loop3A_169  : i32 {
        %parallel_loop3A_192 = arith.constant 0 : i32
        %parallel_loop3A_193 = vector.broadcast %parallel_loop3A_192 : i32 to vector<16xi32>
        %parallel_loop3A_194 = vector.broadcast %parallel_loop3A_191 : i32 to vector<16xi32>
        %parallel_loop3A_195 = arith.addi %parallel_loop3A_193, %parallel_loop3A_194 : vector<16xi32>
        %parallel_loop3A_196 = tpu.vector_load_idx %arg13[%parallel_loop3A_195] : memref<128xf32, #tpu.memory_space<vmem>>[vector<16xi32>], vector<16xf32>,
        %parallel_loop3A_197 = arith.index_cast %parallel_loop3A_191 : i32 to index
        %parallel_loop3A_198 = arith.constant 0 : index
        %parallel_loop3A_199 = tpu.vector_load %arg19[%parallel_loop3A_197, %parallel_loop3A_198] {strides = array<i32>} : memref<128x128xf32, #tpu.memory_space<vmem>>, vector<16xf32>,
        %parallel_loop3A_200 = arith.mulf %parallel_loop3A_199, %parallel_loop3A_196 : vector<16xf32>
        %parallel_loop3A_201 = arith.index_cast %parallel_loop3A_191 : i32 to index
        %parallel_loop3A_202 = arith.constant 0 : index
        %parallel_loop3A_203 = tpu.vector_load %arg19[%parallel_loop3A_201, %parallel_loop3A_202] {strides = array<i32>} : memref<128x128xf32, #tpu.memory_space<vmem>>, vector<16xf32>,
        tpu.vector_store %arg19[%parallel_loop3A_201, %parallel_loop3A_202], %parallel_loop3A_200 {strides = array<i32>} : memref<128x128xf32, #tpu.memory_space<vmem>>, vector<16xf32>,
        %parallel_loop3A_204 = arith.index_cast %parallel_loop3A_191 : i32 to index
        %parallel_loop3A_205 = arith.constant 16 : index
        %parallel_loop3A_206 = tpu.vector_load %arg19[%parallel_loop3A_204, %parallel_loop3A_205] {strides = array<i32>} : memref<128x128xf32, #tpu.memory_space<vmem>>, vector<16xf32>,
        %parallel_loop3A_207 = arith.mulf %parallel_loop3A_206, %parallel_loop3A_196 : vector<16xf32>
        %parallel_loop3A_208 = arith.index_cast %parallel_loop3A_191 : i32 to index
        %parallel_loop3A_209 = arith.constant 16 : index
        %parallel_loop3A_210 = tpu.vector_load %arg19[%parallel_loop3A_208, %parallel_loop3A_209] {strides = array<i32>} : memref<128x128xf32, #tpu.memory_space<vmem>>, vector<16xf32>,
        tpu.vector_store %arg19[%parallel_loop3A_208, %parallel_loop3A_209], %parallel_loop3A_207 {strides = array<i32>} : memref<128x128xf32, #tpu.memory_space<vmem>>, vector<16xf32>,
        %parallel_loop3A_211 = arith.index_cast %parallel_loop3A_191 : i32 to index
        %parallel_loop3A_212 = arith.constant 32 : index
        %parallel_loop3A_213 = tpu.vector_load %arg19[%parallel_loop3A_211, %parallel_loop3A_212] {strides = array<i32>} : memref<128x128xf32, #tpu.memory_space<vmem>>, vector<16xf32>,
        %parallel_loop3A_214 = arith.mulf %parallel_loop3A_213, %parallel_loop3A_196 : vector<16xf32>
        %parallel_loop3A_215 = arith.index_cast %parallel_loop3A_191 : i32 to index
        %parallel_loop3A_216 = arith.constant 32 : index
        %parallel_loop3A_217 = tpu.vector_load %arg19[%parallel_loop3A_215, %parallel_loop3A_216] {strides = array<i32>} : memref<128x128xf32, #tpu.memory_space<vmem>>, vector<16xf32>,
        tpu.vector_store %arg19[%parallel_loop3A_215, %parallel_loop3A_216], %parallel_loop3A_214 {strides = array<i32>} : memref<128x128xf32, #tpu.memory_space<vmem>>, vector<16xf32>,
        %parallel_loop3A_218 = arith.index_cast %parallel_loop3A_191 : i32 to index
        %parallel_loop3A_219 = arith.constant 48 : index
        %parallel_loop3A_220 = tpu.vector_load %arg19[%parallel_loop3A_218, %parallel_loop3A_219] {strides = array<i32>} : memref<128x128xf32, #tpu.memory_space<vmem>>, vector<16xf32>,
        %parallel_loop3A_221 = arith.mulf %parallel_loop3A_220, %parallel_loop3A_196 : vector<16xf32>
        %parallel_loop3A_222 = arith.index_cast %parallel_loop3A_191 : i32 to index
        %parallel_loop3A_223 = arith.constant 48 : index
        %parallel_loop3A_224 = tpu.vector_load %arg19[%parallel_loop3A_222, %parallel_loop3A_223] {strides = array<i32>} : memref<128x128xf32, #tpu.memory_space<vmem>>, vector<16xf32>,
        tpu.vector_store %arg19[%parallel_loop3A_222, %parallel_loop3A_223], %parallel_loop3A_221 {strides = array<i32>} : memref<128x128xf32, #tpu.memory_space<vmem>>, vector<16xf32>,
        %parallel_loop3A_225 = arith.index_cast %parallel_loop3A_191 : i32 to index
        %parallel_loop3A_226 = arith.constant 64 : index
        %parallel_loop3A_227 = tpu.vector_load %arg19[%parallel_loop3A_225, %parallel_loop3A_226] {strides = array<i32>} : memref<128x128xf32, #tpu.memory_space<vmem>>, vector<16xf32>,
        %parallel_loop3A_228 = arith.mulf %parallel_loop3A_227, %parallel_loop3A_196 : vector<16xf32>
        %parallel_loop3A_229 = arith.index_cast %parallel_loop3A_191 : i32 to index
        %parallel_loop3A_230 = arith.constant 64 : index
        %parallel_loop3A_231 = tpu.vector_load %arg19[%parallel_loop3A_229, %parallel_loop3A_230] {strides = array<i32>} : memref<128x128xf32, #tpu.memory_space<vmem>>, vector<16xf32>,
        tpu.vector_store %arg19[%parallel_loop3A_229, %parallel_loop3A_230], %parallel_loop3A_228 {strides = array<i32>} : memref<128x128xf32, #tpu.memory_space<vmem>>, vector<16xf32>,
        %parallel_loop3A_232 = arith.index_cast %parallel_loop3A_191 : i32 to index
        %parallel_loop3A_233 = arith.constant 80 : index
        %parallel_loop3A_234 = tpu.vector_load %arg19[%parallel_loop3A_232, %parallel_loop3A_233] {strides = array<i32>} : memref<128x128xf32, #tpu.memory_space<vmem>>, vector<16xf32>,
        %parallel_loop3A_235 = arith.mulf %parallel_loop3A_234, %parallel_loop3A_196 : vector<16xf32>
        %parallel_loop3A_236 = arith.index_cast %parallel_loop3A_191 : i32 to index
        %parallel_loop3A_237 = arith.constant 80 : index
        %parallel_loop3A_238 = tpu.vector_load %arg19[%parallel_loop3A_236, %parallel_loop3A_237] {strides = array<i32>} : memref<128x128xf32, #tpu.memory_space<vmem>>, vector<16xf32>,
        tpu.vector_store %arg19[%parallel_loop3A_236, %parallel_loop3A_237], %parallel_loop3A_235 {strides = array<i32>} : memref<128x128xf32, #tpu.memory_space<vmem>>, vector<16xf32>,
        %parallel_loop3A_239 = arith.index_cast %parallel_loop3A_191 : i32 to index
        %parallel_loop3A_240 = arith.constant 96 : index
        %parallel_loop3A_241 = tpu.vector_load %arg19[%parallel_loop3A_239, %parallel_loop3A_240] {strides = array<i32>} : memref<128x128xf32, #tpu.memory_space<vmem>>, vector<16xf32>,
        %parallel_loop3A_242 = arith.mulf %parallel_loop3A_241, %parallel_loop3A_196 : vector<16xf32>
        %parallel_loop3A_243 = arith.index_cast %parallel_loop3A_191 : i32 to index
        %parallel_loop3A_244 = arith.constant 96 : index
        %parallel_loop3A_245 = tpu.vector_load %arg19[%parallel_loop3A_243, %parallel_loop3A_244] {strides = array<i32>} : memref<128x128xf32, #tpu.memory_space<vmem>>, vector<16xf32>,
        tpu.vector_store %arg19[%parallel_loop3A_243, %parallel_loop3A_244], %parallel_loop3A_242 {strides = array<i32>} : memref<128x128xf32, #tpu.memory_space<vmem>>, vector<16xf32>,
        %parallel_loop3A_246 = arith.index_cast %parallel_loop3A_191 : i32 to index
        %parallel_loop3A_247 = arith.constant 112 : index
        %parallel_loop3A_248 = tpu.vector_load %arg19[%parallel_loop3A_246, %parallel_loop3A_247] {strides = array<i32>} : memref<128x128xf32, #tpu.memory_space<vmem>>, vector<16xf32>,
        %parallel_loop3A_249 = arith.mulf %parallel_loop3A_248, %parallel_loop3A_196 : vector<16xf32>
        %parallel_loop3A_250 = arith.index_cast %parallel_loop3A_191 : i32 to index
        %parallel_loop3A_251 = arith.constant 112 : index
        %parallel_loop3A_252 = tpu.vector_load %arg19[%parallel_loop3A_250, %parallel_loop3A_251] {strides = array<i32>} : memref<128x128xf32, #tpu.memory_space<vmem>>, vector<16xf32>,
        tpu.vector_store %arg19[%parallel_loop3A_250, %parallel_loop3A_251], %parallel_loop3A_249 {strides = array<i32>} : memref<128x128xf32, #tpu.memory_space<vmem>>, vector<16xf32>,
      } {sc.loop_unroll_factor = 4 : i64, sc.parallel_access}
      %dma_wait3A_170 = arith.constant 0 : i32
      %dma_wait3A_171 = arith.constant 0 : i32
      %dma_wait3A_172 = tpu.memref_slice %arg4[%dma_wait3A_170, %dma_wait3A_171] : memref<2592x128xi32, #tpu.memory_space<hbm>> -> memref<1x128xi32, #tpu.memory_space<hbm>>
      %dma_wait3A_173 = arith.constant 0 : i32
      %dma_wait3A_174 = arith.constant 0 : i32
      %dma_wait3A_175 = tpu.memref_slice %arg4[%dma_wait3A_173, %dma_wait3A_174] : memref<2592x128xi32, #tpu.memory_space<hbm>> -> memref<1x128xi32, #tpu.memory_space<hbm>>
      tpu.wait_dma2 semaphore(%arg25 : memref<!tpu.dma_semaphore, #tpu.memory_space<semaphore_mem>>) src(%dma_wait3A_175 : memref<1x128xi32, #tpu.memory_space<hbm>>) dst(%arg16 : memref<1x128xi32, #tpu.memory_space<vmem>>)
      %dma_start3A_176 = arith.constant 0 : i32
      %dma_start3A_177 = arith.constant 0 : i32
      %dma_start3A_178 = tpu.memref_slice %arg16[%dma_start3A_176, %dma_start3A_177] : memref<1x128xi32, #tpu.memory_space<vmem>> -> memref<1x128xi32, #tpu.memory_space<vmem>>
      %dma_start3A_179 = tpu.memref_squeeze %dma_start3A_178 : memref<1x128xi32, #tpu.memory_space<vmem>> -> memref<128xi32, #tpu.memory_space<vmem>>
      %dma_start3A_180 = arith.constant 0 : i32
      %dma_start3A_181 = arith.constant 0 : i32
      %dma_start3A_182 = tpu.memref_slice %arg32[%dma_start3A_180, %dma_start3A_181] : memref<10000x128xf32, #tpu.memory_space<vmem_shared>> -> memref<10000x128xf32, #tpu.memory_space<vmem_shared>>
      tpu.enqueue_indirect_dma source(%arg19 : memref<128x128xf32, #tpu.memory_space<vmem>>) target(%dma_start3A_182 : memref<10000x128xf32, #tpu.memory_space<vmem_shared>>) offsets(%dma_start3A_179 : memref<128xi32, #tpu.memory_space<vmem>>) semaphore(%arg31 : memref<!tpu.dma_semaphore, #tpu.memory_space<semaphore_mem>>) {add = true}
      %add3A_183 = arith.constant 2 : i32
      %add3A_184 = arith.addi %add3A_156, %add3A_183 : i32
      %lt3A_185 = arith.constant 81 : i32
      %lt3A_186 = arith.cmpi slt, %add3A_184, %lt3A_185 : i32
      %convert_element_type3A_187 = arith.extui %lt3A_186 : i1 to i32
      %cond3A_188 = arith.constant 0 : i32
      %cond3A_189 = arith.cmpi ne, %convert_element_type3A_187, %cond3A_188 : i32
      scf.if %cond3A_189 {
        %add3A_191 = arith.constant 2 : i32
        %add3A_192 = arith.addi %add3A_156, %add3A_191 : i32
        %mul3A_193 = arith.constant 128 : i32
        %mul3A_194 = arith.muli %add3A_192, %mul3A_193 : i32
        %add3A_195 = arith.addi %mul3A_2, %mul3A_194 : i32
        %dma_start3A_196 = tpu.memref_slice %arg3[%add3A_195] : memref<331776xi32, #tpu.memory_space<hbm>> -> memref<128xi32, #tpu.memory_space<hbm>>
        %dma_start3A_197 = tpu.memref_slice %arg3[%add3A_195] : memref<331776xi32, #tpu.memory_space<hbm>> -> memref<128xi32, #tpu.memory_space<hbm>>
        tpu.enqueue_dma source(%dma_start3A_197 : memref<128xi32, #tpu.memory_space<hbm>>) target(%arg9 : memref<128xi32, #tpu.memory_space<vmem>>) target_semaphore(%arg21 : memref<!tpu.dma_semaphore, #tpu.memory_space<semaphore_mem>>)
        %dma_start3A_198 = tpu.memref_slice %arg5[%add3A_195] : memref<331776xf32, #tpu.memory_space<hbm>> -> memref<128xf32, #tpu.memory_space<hbm>>
        %dma_start3A_199 = tpu.memref_slice %arg5[%add3A_195] : memref<331776xf32, #tpu.memory_space<hbm>> -> memref<128xf32, #tpu.memory_space<hbm>>
        tpu.enqueue_dma source(%dma_start3A_199 : memref<128xf32, #tpu.memory_space<hbm>>) target(%arg12 : memref<128xf32, #tpu.memory_space<vmem>>) target_semaphore(%arg21 : memref<!tpu.dma_semaphore, #tpu.memory_space<semaphore_mem>>)
      } else {
      }
      %scan3A_190 = arith.constant 0 : i32
      scf.yield %scan3A_190 : i32
    }
    %scan3A_45 = arith.constant 27 : i32
    %dma_wait3A_46 = arith.constant 0 : i32
    %dma_wait3A_47 = arith.constant 0 : i32
    %dma_wait3A_48 = tpu.memref_slice %arg14[%dma_wait3A_46, %dma_wait3A_47] : memref<1x128xi32, #tpu.memory_space<vmem>> -> memref<1x128xi32, #tpu.memory_space<vmem>>
    %dma_wait3A_49 = tpu.memref_squeeze %dma_wait3A_48 : memref<1x128xi32, #tpu.memory_space<vmem>> -> memref<128xi32, #tpu.memory_space<vmem>>
    %dma_wait3A_50 = arith.constant 0 : i32
    %dma_wait3A_51 = arith.constant 0 : i32
    %dma_wait3A_52 = tpu.memref_slice %arg32[%dma_wait3A_50, %dma_wait3A_51] : memref<10000x128xf32, #tpu.memory_space<vmem_shared>> -> memref<10000x128xf32, #tpu.memory_space<vmem_shared>>
    tpu.wait_indirect_dma semaphore(%arg29 : memref<!tpu.dma_semaphore, #tpu.memory_space<semaphore_mem>>) src(%arg17 : memref<128x128xf32, #tpu.memory_space<vmem>>) dst(%dma_wait3A_52 : memref<10000x128xf32, #tpu.memory_space<vmem_shared>>)
    %dma_wait3A_53 = arith.constant 0 : i32
    %dma_wait3A_54 = arith.constant 0 : i32
    %dma_wait3A_55 = tpu.memref_slice %arg15[%dma_wait3A_53, %dma_wait3A_54] : memref<1x128xi32, #tpu.memory_space<vmem>> -> memref<1x128xi32, #tpu.memory_space<vmem>>
    %dma_wait3A_56 = tpu.memref_squeeze %dma_wait3A_55 : memref<1x128xi32, #tpu.memory_space<vmem>> -> memref<128xi32, #tpu.memory_space<vmem>>
    %dma_wait3A_57 = arith.constant 0 : i32
    %dma_wait3A_58 = arith.constant 0 : i32
    %dma_wait3A_59 = tpu.memref_slice %arg32[%dma_wait3A_57, %dma_wait3A_58] : memref<10000x128xf32, #tpu.memory_space<vmem_shared>> -> memref<10000x128xf32, #tpu.memory_space<vmem_shared>>
    tpu.wait_indirect_dma semaphore(%arg30 : memref<!tpu.dma_semaphore, #tpu.memory_space<semaphore_mem>>) src(%arg18 : memref<128x128xf32, #tpu.memory_space<vmem>>) dst(%dma_wait3A_59 : memref<10000x128xf32, #tpu.memory_space<vmem_shared>>)
    %dma_wait3A_60 = arith.constant 0 : i32
    %dma_wait3A_61 = arith.constant 0 : i32
    %dma_wait3A_62 = tpu.memref_slice %arg16[%dma_wait3A_60, %dma_wait3A_61] : memref<1x128xi32, #tpu.memory_space<vmem>> -> memref<1x128xi32, #tpu.memory_space<vmem>>
    %dma_wait3A_63 = tpu.memref_squeeze %dma_wait3A_62 : memref<1x128xi32, #tpu.memory_space<vmem>> -> memref<128xi32, #tpu.memory_space<vmem>>
    %dma_wait3A_64 = arith.constant 0 : i32
    %dma_wait3A_65 = arith.constant 0 : i32
    %dma_wait3A_66 = tpu.memref_slice %arg32[%dma_wait3A_64, %dma_wait3A_65] : memref<10000x128xf32, #tpu.memory_space<vmem_shared>> -> memref<10000x128xf32, #tpu.memory_space<vmem_shared>>
    tpu.wait_indirect_dma semaphore(%arg31 : memref<!tpu.dma_semaphore, #tpu.memory_space<semaphore_mem>>) src(%arg19 : memref<128x128xf32, #tpu.memory_space<vmem>>) dst(%dma_wait3A_66 : memref<10000x128xf32, #tpu.memory_space<vmem_shared>>)
    %barrier3A_67 = arith.constant 0 : index
    tpu.barrier barrier_id(%barrier3A_67)
    %lt3A_68 = arith.constant 15 : i32
    %lt3A_69 = arith.cmpi slt, %arg1, %lt3A_68 : i32
    %convert_element_type3A_70 = arith.extui %lt3A_69 : i1 to i32
    %cond3A_71 = arith.constant 0 : i32
    %cond3A_72 = arith.cmpi ne, %convert_element_type3A_70, %cond3A_71 : i32
    scf.if %cond3A_72 {
      "tpu.region"() ({
        %run_scoped3A = tpu.sem_alloc : memref<!tpu.dma_semaphore, #tpu.memory_space<semaphore_mem>>
        %dma_start3A_78 = arith.constant 0 : i32
        %dma_start3A_79 = tpu.memref_slice %arg7[%arg0, %mul3A_4, %dma_start3A_78] : memref<2x10000x128xf32, #tpu.memory_space<hbm>> -> memref<1x632x128xf32, #tpu.memory_space<hbm>>
        %dma_start3A_80 = tpu.memref_squeeze %dma_start3A_79 : memref<1x632x128xf32, #tpu.memory_space<hbm>> -> memref<632x128xf32, #tpu.memory_space<hbm>>
        %dma_start3A_81 = arith.constant 0 : i32
        %dma_start3A_82 = tpu.memref_slice %arg32[%mul3A_4, %dma_start3A_81] : memref<10000x128xf32, #tpu.memory_space<vmem_shared>> -> memref<632x128xf32, #tpu.memory_space<vmem_shared>>
        tpu.enqueue_dma source(%dma_start3A_82 : memref<632x128xf32, #tpu.memory_space<vmem_shared>>) target(%dma_start3A_80 : memref<632x128xf32, #tpu.memory_space<hbm>>) target_semaphore(%run_scoped3A : memref<!tpu.dma_semaphore, #tpu.memory_space<semaphore_mem>>)
        %dma_wait3A_83 = arith.constant 0 : i32
        %dma_wait3A_84 = tpu.memref_slice %arg7[%arg0, %mul3A_4, %dma_wait3A_83] : memref<2x10000x128xf32, #tpu.memory_space<hbm>> -> memref<1x632x128xf32, #tpu.memory_space<hbm>>
        %dma_wait3A_85 = tpu.memref_squeeze %dma_wait3A_84 : memref<1x632x128xf32, #tpu.memory_space<hbm>> -> memref<632x128xf32, #tpu.memory_space<hbm>>
        %dma_wait3A_86 = arith.constant 0 : i32
        %dma_wait3A_87 = tpu.memref_slice %arg32[%mul3A_4, %dma_wait3A_86] : memref<10000x128xf32, #tpu.memory_space<vmem_shared>> -> memref<632x128xf32, #tpu.memory_space<vmem_shared>>
        tpu.wait_dma2 semaphore(%run_scoped3A : memref<!tpu.dma_semaphore, #tpu.memory_space<semaphore_mem>>) src(%dma_wait3A_87 : memref<632x128xf32, #tpu.memory_space<vmem_shared>>) dst(%dma_wait3A_85 : memref<632x128xf32, #tpu.memory_space<hbm>>)
        tpu.yield
      }) : () -> ()
    } else {
    }
    %eq3A_73 = arith.constant 15 : i32
    %eq3A_74 = arith.cmpi eq, %arg1, %eq3A_73 : i32
    %convert_element_type3A_75 = arith.extui %eq3A_74 : i1 to i32
    %cond3A_76 = arith.constant 0 : i32
    %cond3A_77 = arith.cmpi ne, %convert_element_type3A_75, %cond3A_76 : i32
    scf.if %cond3A_77 {
      "tpu.region"() ({
        %run_scoped3A = tpu.sem_alloc : memref<!tpu.dma_semaphore, #tpu.memory_space<semaphore_mem>>
        %dma_start3A_78 = arith.constant 9480 : i32
        %dma_start3A_79 = arith.constant 0 : i32
        %dma_start3A_80 = tpu.memref_slice %arg7[%arg0, %dma_start3A_78, %dma_start3A_79] : memref<2x10000x128xf32, #tpu.memory_space<hbm>> -> memref<1x520x128xf32, #tpu.memory_space<hbm>>
        %dma_start3A_81 = tpu.memref_squeeze %dma_start3A_80 : memref<1x520x128xf32, #tpu.memory_space<hbm>> -> memref<520x128xf32, #tpu.memory_space<hbm>>
        %dma_start3A_82 = arith.constant 9480 : i32
        %dma_start3A_83 = arith.constant 0 : i32
        %dma_start3A_84 = tpu.memref_slice %arg32[%dma_start3A_82, %dma_start3A_83] : memref<10000x128xf32, #tpu.memory_space<vmem_shared>> -> memref<520x128xf32, #tpu.memory_space<vmem_shared>>
        tpu.enqueue_dma source(%dma_start3A_84 : memref<520x128xf32, #tpu.memory_space<vmem_shared>>) target(%dma_start3A_81 : memref<520x128xf32, #tpu.memory_space<hbm>>) target_semaphore(%run_scoped3A : memref<!tpu.dma_semaphore, #tpu.memory_space<semaphore_mem>>)
        %dma_wait3A_85 = arith.constant 9480 : i32
        %dma_wait3A_86 = arith.constant 0 : i32
        %dma_wait3A_87 = tpu.memref_slice %arg7[%arg0, %dma_wait3A_85, %dma_wait3A_86] : memref<2x10000x128xf32, #tpu.memory_space<hbm>> -> memref<1x520x128xf32, #tpu.memory_space<hbm>>
        %dma_wait3A_88 = tpu.memref_squeeze %dma_wait3A_87 : memref<1x520x128xf32, #tpu.memory_space<hbm>> -> memref<520x128xf32, #tpu.memory_space<hbm>>
        %dma_wait3A_89 = arith.constant 9480 : i32
        %dma_wait3A_90 = arith.constant 0 : i32
        %dma_wait3A_91 = tpu.memref_slice %arg32[%dma_wait3A_89, %dma_wait3A_90] : memref<10000x128xf32, #tpu.memory_space<vmem_shared>> -> memref<520x128xf32, #tpu.memory_space<vmem_shared>>
        tpu.wait_dma2 semaphore(%run_scoped3A : memref<!tpu.dma_semaphore, #tpu.memory_space<semaphore_mem>>) src(%dma_wait3A_91 : memref<520x128xf32, #tpu.memory_space<vmem_shared>>) dst(%dma_wait3A_88 : memref<520x128xf32, #tpu.memory_space<hbm>>)
        tpu.yield
      }) : () -> ()
    } else {
    }
    return
  }
}

module attributes {stable_mosaic.version = 14 : i64} {
  func.func @body(%arg0: i32, %arg1: memref<2x1000x128xf32, #tpu.memory_space<vmem>>, %arg2: memref<128x128xf32, #tpu.memory_space<vmem>>, %arg3: memref<1x128xf32, #tpu.memory_space<vmem>>, %arg4: memref<1000x128xf32, #tpu.memory_space<vmem>>) attributes {dimension_semantics = [#tpu.dimension_semantics<arbitrary>], iteration_bounds = array<i64: 10>, scalar_prefetch = 0 : i64, scratch_operands = 0 : i64, tpu.core_type = #tpu.core_type<tc>, window_params = [{transform_indices = @transform_0, window_bounds = array<i64: 2, 1000, 128>}, {pipeline_mode = #tpu.pipeline_mode<synchronous>, transform_indices = @transform_1, window_bounds = array<i64: 128, 128>}, {pipeline_mode = #tpu.pipeline_mode<synchronous>, transform_indices = @transform_2, window_bounds = array<i64: 1, 128>}, {transform_indices = @transform_3, window_bounds = array<i64: 1000, 128>}]} {
    %get3A = arith.constant 0 : index
    %get3A_0 = arith.constant 0 : index
    %get3A_1 = arith.constant 0 : index
    %get3A_2 = vector.load %arg1[%get3A, %get3A_0, %get3A_1] : memref<2x1000x128xf32, #tpu.memory_space<vmem>>, vector<1x1000x128xf32>
    %get3A_3 = vector.shape_cast %get3A_2 : vector<1x1000x128xf32> to vector<1000x128xf32>
    %get3A_4 = arith.constant 1 : index
    %get3A_5 = arith.constant 0 : index
    %get3A_6 = arith.constant 0 : index
    %get3A_7 = vector.load %arg1[%get3A_4, %get3A_5, %get3A_6] : memref<2x1000x128xf32, #tpu.memory_space<vmem>>, vector<1x1000x128xf32>
    %get3A_8 = vector.shape_cast %get3A_7 : vector<1x1000x128xf32> to vector<1000x128xf32>
    %add3A = arith.addf %get3A_3, %get3A_8 : vector<1000x128xf32>
    %get3A_9 = arith.constant 0 : index
    %get3A_10 = arith.constant 0 : index
    %get3A_11 = vector.load %arg2[%get3A_9, %get3A_10] : memref<128x128xf32, #tpu.memory_space<vmem>>, vector<128x128xf32>
    %dot_general3A = arith.constant dense<0.000000e+00> : vector<1000x128xf32>
    %dot_general3A_12 = tpu.matmul %add3A, %get3A_11, %dot_general3A {dimension_numbers = #tpu.dot_dimension_numbers<[1], [0], [0], [1], [0, 0, 1, 1], [], []>, transpose_lhs_hint = false} : vector<1000x128xf32>, vector<128x128xf32>, vector<1000x128xf32> -> vector<1000x128xf32>
    %get3A_13 = arith.constant 0 : index
    %get3A_14 = arith.constant 0 : index
    %get3A_15 = vector.load %arg3[%get3A_13, %get3A_14] : memref<1x128xf32, #tpu.memory_space<vmem>>, vector<1x128xf32>
    %add3A_16 = vector.broadcast %get3A_15 : vector<1x128xf32> to vector<1000x128xf32>
    %add3A_17 = arith.addf %dot_general3A_12, %add3A_16 : vector<1000x128xf32>
    %gt3A = arith.constant 0.000000e+00 : f32
    %gt3A_18 = vector.broadcast %gt3A : f32 to vector<1000x128xf32>
    %gt3A_19 = arith.cmpf ogt, %add3A_17, %gt3A_18 : vector<1000x128xf32>
    %exp3A = math.exp %add3A_17 : vector<1000x128xf32>
    %sub3A = arith.constant 1.000000e+00 : f32
    %sub3A_20 = vector.broadcast %sub3A : f32 to vector<1000x128xf32>
    %sub3A_21 = arith.subf %exp3A, %sub3A_20 : vector<1000x128xf32>
    %select_n3A = arith.select %gt3A_19, %add3A_17, %sub3A_21 : vector<1000x128xi1>, vector<1000x128xf32>
    %swap3A = arith.constant 0 : index
    %swap3A_22 = arith.constant 0 : index
    %swap3A_23 = vector.load %arg4[%swap3A, %swap3A_22] : memref<1000x128xf32, #tpu.memory_space<vmem>>, vector<1000x128xf32>
    tpu.vector_store %arg4[%swap3A, %swap3A_22], %select_n3A {strides = array<i32>} : memref<1000x128xf32, #tpu.memory_space<vmem>>, vector<1000x128xf32>,
    return
  }
  func.func @transform_0(%arg0: i32) -> (i32, i32, i32) {
    %c0_i32 = arith.constant 0 : i32
    %c0_i32_0 = arith.constant 0 : i32
    %c0_i32_1 = arith.constant 0 : i32
    return %c0_i32, %arg0, %c0_i32_0 : i32, i32, i32
  }
  func.func @transform_1(%arg0: i32) -> (i32, i32) {
    %c0_i32 = arith.constant 0 : i32
    %c0_i32_0 = arith.constant 0 : i32
    %c0_i32_1 = arith.constant 0 : i32
    return %c0_i32, %c0_i32_0 : i32, i32
  }
  func.func @transform_2(%arg0: i32) -> (i32, i32) {
    %c0_i32 = arith.constant 0 : i32
    %c0_i32_0 = arith.constant 0 : i32
    %c0_i32_1 = arith.constant 0 : i32
    return %c0_i32, %c0_i32_0 : i32, i32
  }
  func.func @transform_3(%arg0: i32) -> (i32, i32) {
    %c0_i32 = arith.constant 0 : i32
    %c0_i32_0 = arith.constant 0 : i32
    return %arg0, %c0_i32 : i32, i32
  }
}

module attributes {stable_mosaic.version = 14 : i64} {
  func.func @body(%arg0: i32, %arg1: memref<2x1000x128xf32, #tpu.memory_space<vmem>>, %arg2: memref<128x128xf32, #tpu.memory_space<vmem>>, %arg3: memref<1x128xf32, #tpu.memory_space<vmem>>, %arg4: memref<1000x128xf32, #tpu.memory_space<vmem>>) attributes {dimension_semantics = [#tpu.dimension_semantics<arbitrary>], iteration_bounds = array<i64: 10>, scalar_prefetch = 0 : i64, scratch_operands = 0 : i64, tpu.core_type = #tpu.core_type<tc>, window_params = [{transform_indices = @transform_0, window_bounds = array<i64: 2, 1000, 128>}, {pipeline_mode = #tpu.pipeline_mode<synchronous>, transform_indices = @transform_1, window_bounds = array<i64: 128, 128>}, {pipeline_mode = #tpu.pipeline_mode<synchronous>, transform_indices = @transform_2, window_bounds = array<i64: 1, 128>}, {transform_indices = @transform_3, window_bounds = array<i64: 1000, 128>}]} {
    %get3A = arith.constant 0 : index
    %get3A_0 = arith.constant 0 : index
    %get3A_1 = arith.constant 0 : index
    %get3A_2 = vector.load %arg1[%get3A, %get3A_0, %get3A_1] : memref<2x1000x128xf32, #tpu.memory_space<vmem>>, vector<1x1000x128xf32>
    %get3A_3 = vector.shape_cast %get3A_2 : vector<1x1000x128xf32> to vector<1000x128xf32>
    %get3A_4 = arith.constant 1 : index
    %get3A_5 = arith.constant 0 : index
    %get3A_6 = arith.constant 0 : index
    %get3A_7 = vector.load %arg1[%get3A_4, %get3A_5, %get3A_6] : memref<2x1000x128xf32, #tpu.memory_space<vmem>>, vector<1x1000x128xf32>
    %get3A_8 = vector.shape_cast %get3A_7 : vector<1x1000x128xf32> to vector<1000x128xf32>
    %add3A = arith.addf %get3A_3, %get3A_8 : vector<1000x128xf32>
    %get3A_9 = arith.constant 0 : index
    %get3A_10 = arith.constant 0 : index
    %get3A_11 = vector.load %arg2[%get3A_9, %get3A_10] : memref<128x128xf32, #tpu.memory_space<vmem>>, vector<128x128xf32>
    %dot_general3A = arith.constant dense<0.000000e+00> : vector<1000x128xf32>
    %dot_general3A_12 = tpu.matmul %add3A, %get3A_11, %dot_general3A {dimension_numbers = #tpu.dot_dimension_numbers<[1], [0], [0], [1], [0, 0, 1, 1], [], []>, transpose_lhs_hint = false} : vector<1000x128xf32>, vector<128x128xf32>, vector<1000x128xf32> -> vector<1000x128xf32>
    %get3A_13 = arith.constant 0 : index
    %get3A_14 = arith.constant 0 : index
    %get3A_15 = vector.load %arg3[%get3A_13, %get3A_14] : memref<1x128xf32, #tpu.memory_space<vmem>>, vector<1x128xf32>
    %add3A_16 = vector.broadcast %get3A_15 : vector<1x128xf32> to vector<1000x128xf32>
    %add3A_17 = arith.addf %dot_general3A_12, %add3A_16 : vector<1000x128xf32>
    %swap3A = arith.constant 0 : index
    %swap3A_18 = arith.constant 0 : index
    %swap3A_19 = vector.load %arg4[%swap3A, %swap3A_18] : memref<1000x128xf32, #tpu.memory_space<vmem>>, vector<1000x128xf32>
    tpu.vector_store %arg4[%swap3A, %swap3A_18], %add3A_17 {strides = array<i32>} : memref<1000x128xf32, #tpu.memory_space<vmem>>, vector<1000x128xf32>,
    return
  }
  func.func @transform_0(%arg0: i32) -> (i32, i32, i32) {
    %c0_i32 = arith.constant 0 : i32
    %c0_i32_0 = arith.constant 0 : i32
    %c0_i32_1 = arith.constant 0 : i32
    return %c0_i32, %arg0, %c0_i32_0 : i32, i32, i32
  }
  func.func @transform_1(%arg0: i32) -> (i32, i32) {
    %c0_i32 = arith.constant 0 : i32
    %c0_i32_0 = arith.constant 0 : i32
    %c0_i32_1 = arith.constant 0 : i32
    return %c0_i32, %c0_i32_0 : i32, i32
  }
  func.func @transform_2(%arg0: i32) -> (i32, i32) {
    %c0_i32 = arith.constant 0 : i32
    %c0_i32_0 = arith.constant 0 : i32
    %c0_i32_1 = arith.constant 0 : i32
    return %c0_i32, %c0_i32_0 : i32, i32
  }
  func.func @transform_3(%arg0: i32) -> (i32, i32) {
    %c0_i32 = arith.constant 0 : i32
    %c0_i32_0 = arith.constant 0 : i32
    return %arg0, %c0_i32 : i32, i32
  }
}

</mosaic_0001>

<sc_bundles>
// kernel: kernel.10.cloned.1.call-start
scs
__scs_entry_jumppad:
0x0: {  	(pc) =	sbr.rel $0x88, $3  }
0x1: {  	(tag) =	ssettag $0x0;
	lr =	simm.s32 $0x1  }
0x2: {  	[smem:$0x3F98] =	sst lr;
	_ =	strace $0xD0000000  }
0x3: {  	_ = 	snop  }
0x4: {  	_ = 	snop  }
0x5: {  	_ = 	snop  }
0x6: {  	_ = 	snop  }
0x7: {  	_ = 	snop  }
__scs_overlays_trampoline_lowered:
0x8: {  	[smem:$0x3FA7] =	sst s0  }
0x9: {  	[smem:$0x3FA8] =	sst s1  }
0xa: {  	[smem:$0x3FA9] =	sst s2  }
0xb: {  	[smem:$0x3FAA] =	sst s3  }
0xc: {  	[smem:$0x3FAB] =	sst s4  }
0xd: {  	[smem:$0x3FAC] =	sst s5  }
0xe: {  	[smem:$0x3FAD] =	sst s6  }
0xf: {  	[smem:$0x3FAE] =	sst s7  }
0x10: {  	[smem:$0x3FAF] =	sst s8  }
0x11: {  	[smem:$0x3FB0] =	sst s9;
	s0 =	simm.s32 @!p0 $0x0  }
0x12: {  	s1 =	sld [smem:$0x3F96];
	s0 =	simm.s32 @p0 $0x1  }
0x13: {  	[smem:$0x3FB1] =	sst s0;
	s0 =	simm.s32 @!p1 $0x0  }
0x14: {  	s2 =	sld [smem:$0x3F95];
	s0 =	simm.s32 @p1 $0x1  }
0x15: {  	[smem:$0x3FB2] =	sst s0;
	s0 =	simm.s32 @!p2 $0x0  }
0x16: {  	s3 =	sld [smem:$0x3FDB];
	s0 =	simm.s32 @p2 $0x1  }
0x17: {  	s4 =	simm.s32 $0x1BF5;
	[smem:$0x3FB4] =	sst s0  }
0x18: {  	s0 =	sld [smem:$0x3F97];
	_ =	swait.ge [sflag:s4], $0x0  }
0x19: {  	s7 =	sld [smem:$0x3F98]  }
0x1a: {  	s8 =	sadd.s32 $0xFFFFE003, lr  }
0x1b: {  	s9 =	sadd.s32 $0xFFFFFEF7, lr;
	s5 =	simm.s32 $0xFFFFFFFF;
	p2 =	slt.u32 s8, $0xFFFFF086  }
0x1c: {  	p1 =	slt.u32 s9, $0xF7A;
	s5 =	simm.s32 @!p2 $0x0  }
0x1d: {  	s5 =	simm.s32 @p1 $0x1;
	p0 =	seq.s32 s7, s2  }
0x1e: {  	s7 =	smul.u32 @!p0 $0xF7A, s2;
	p2 =	seq.s32 @!p0 s5, $0x0  }
0x1f: {  	s9 =	smul.u32 $0xF7A, s1;
	s8 =	simm.s32 @!p0 $0x1BF5;
	p2 =	por !p2, p0  }
0x20: {  	[sflag:s8] =	ssyncset.s32 @!p0 $0xFFFFF086;
	s6 =	sadd.s32 @!p0 s3, s7;
	s7 =	simm.s32 @!p0 $0x108  }
0x21: {  	s3 =	sadd.s32 s3, s9;
	s6 =	sadd.s32 @!p0 $0x88, s6;
	s7 =	simm.s32 @p2 $0x1082  }
0x22: {  	[simem:s7], [sflag:s8] =	dma.local @!p0 [hbm:s6], $0xF7A  }
0x23: {  	s9 =	sor.u32 $0xD0000000, s2;
	s6 =	simm.s32 $0x108;
	_ =	swait.ge @!p0 [sflag:s8], $0x0  }
0x24: {  	s3 =	sadd.s32 $0x88, s3;
	s6 =	simm.s32 @!p1 $0x1082;
	[sflag:s4] =	ssyncset.s32 $0xFFFFF086  }
0x25: {  	[simem:s6], [sflag:s4] =	dma.local [hbm:s3], $0xF7A  }
0x26: {  	[smem:$0x3F98] =	sst s1;
	(tag) =	ssettag s2;
	_ =	strace s9  }
0x27: {  	s1 =	sld [smem:$0x3FA8]  }
0x28: {  	s2 =	sld [smem:$0x3FA9]  }
0x29: {  	s4 =	sld [smem:$0x3FAB]  }
0x2a: {  	p0 =	seq.s32 s5, $0x0;
	s5 =	sld [smem:$0x3FAC]  }
0x2b: {  	s6 =	sld [smem:$0x3FAD]  }
0x2c: {  	s7 =	sld [smem:$0x3FAE]  }
0x2d: {  	s3 =	simm.s32 $0x108;
	s8 =	sld [smem:$0x3FAF]  }
0x2e: {  	s3 =	simm.s32 @!p0 $0x1082;
	s9 =	sld [smem:$0x3FB0]  }
0x2f: {  	lr =	sadd.s32 s0, s3;
	s0 =	sld [smem:$0x3FA7]  }
0x30: {  	s3 =	sld [smem:$0x3FAA]  }
0x31: {  	[smem:$0x3FB3] =	sst s10  }
0x32: {  	s10 =	sld [smem:$0x3FB1];
	_ =	sdelay $0x3  }
0x33: {  	p0 =	seq.s32 s10, $0x1;
	s10 =	sld [smem:$0x3FB3];
	_ =	sdelay $0x3  }
0x34: {  	[smem:$0x3FB3] =	sst s10  }
0x35: {  	s10 =	sld [smem:$0x3FB2];
	_ =	sdelay $0x3  }
0x36: {  	p1 =	seq.s32 s10, $0x1;
	s10 =	sld [smem:$0x3FB3];
	_ =	sdelay $0x3  }
0x37: {  	[smem:$0x3FB3] =	sst s10  }
0x38: {  	s10 =	sld [smem:$0x3FB4]  }
0x39: {  	_ = 	snop;
	(pc) =	sbr.ind lr, $3  }
0x3a: {  	_ = 	snop  }
0x3b: {  	_ = 	snop  }
0x3c: {  	p2 =	seq.s32 s10, $0x1;
	s10 =	sld [smem:$0x3FB3]  }
0x3d: {  	_ =	shalt  }
0x3e: {  	_ =	shalt  }
0x3f: {  	_ =	shalt  }
0x40: {  	_ =	shalt  }
0x41: {  	_ =	shalt  }
0x42: {  	_ =	shalt  }
0x43: {  	_ =	shalt  }
0x44: {  	_ =	shalt  }
0x45: {  	_ =	shalt  }
0x46: {  	_ =	shalt  }
0x47: {  	_ =	shalt  }
0x48: {  	_ =	shalt  }
0x49: {  	_ =	shalt  }
0x4a: {  	_ =	shalt  }
0x4b: {  	_ =	shalt  }
0x4c: {  	_ =	shalt  }
0x4d: {  	_ =	shalt  }
0x4e: {  	_ =	shalt  }
0x4f: {  	_ =	shalt  }
0x50: {  	_ =	shalt  }
0x51: {  	_ =	shalt  }
0x52: {  	_ =	shalt  }
0x53: {  	_ =	shalt  }
0x54: {  	_ =	shalt  }
0x55: {  	_ =	shalt  }
0x56: {  	_ =	shalt  }
0x57: {  	_ =	shalt  }
0x58: {  	_ =	shalt  }
0x59: {  	_ =	shalt  }
0x5a: {  	_ =	shalt  }
0x5b: {  	_ =	shalt  }
0x5c: {  	_ =	shalt  }
0x5d: {  	_ =	shalt  }
0x5e: {  	_ =	shalt  }
0x5f: {  	_ =	shalt  }
0x60: {  	_ =	shalt  }
0x61: {  	_ =	shalt  }
0x62: {  	_ =	shalt  }
0x63: {  	_ =	shalt  }
0x64: {  	_ =	shalt  }
0x65: {  	_ =	shalt  }
0x66: {  	_ =	shalt  }
0x67: {  	_ =	shalt  }
0x68: {  	_ =	shalt  }
0x69: {  	_ =	shalt  }
0x6a: {  	_ =	shalt  }
0x6b: {  	_ =	shalt  }
0x6c: {  	_ =	shalt  }
0x6d: {  	_ =	shalt  }
0x6e: {  	_ =	shalt  }
0x6f: {  	_ =	shalt  }
0x70: {  	_ =	shalt  }
0x71: {  	_ =	shalt  }
0x72: {  	_ =	shalt  }
0x73: {  	_ =	shalt  }
0x74: {  	_ =	shalt  }
0x75: {  	_ =	shalt  }
0x76: {  	_ =	shalt  }
0x77: {  	_ =	shalt  }
0x78: {  	_ =	shalt  }
0x79: {  	_ =	shalt  }
0x7a: {  	_ =	shalt  }
0x7b: {  	_ =	shalt  }
0x7c: {  	_ =	shalt  }
0x7d: {  	_ =	shalt  }
0x7e: {  	_ =	shalt  }
0x7f: {  	_ =	shalt  }
0x80: {  	_ =	shalt  }
0x81: {  	_ =	shalt  }
0x82: {  	_ =	shalt  }
0x83: {  	_ =	shalt  }
0x84: {  	_ =	shalt  }
0x85: {  	_ =	shalt  }
0x86: {  	_ =	shalt  }
0x87: {  	_ =	shalt  }
.Lfunc_end0:
.L_simem_size_0:
called_computation_lowered:
.L_overlay_start_0:
0x88: {  	s2 =	sld [smem:$0x3FD9]  }
0x89: {  	s3 =	sld [smem:$0x3FFE];
	_ =	sdelay $0x1  }
0x8a: {  	s1 =	srdreg.scid  }
0x8b: {  	s0 =	sand.u32 $0x1, s1  }
0x8c: {  	s16 =	sshll.u32 s0, $0xA;
	s2 =	sadd.s32 s3, s2  }
0x8d: {  	s2 =	sadd.s32 s2, s16  }
0x8e: {  	[smem:$0x3FBF] =	sst s2  }
0x8f: {  	_ = 	snop  }
0x90: {  	(tm) =	ssettm $0x1  }
0x91: {  	s17 =	sld [smem:$0x3FFB];
	_ =	sdelay $0x3  }
0x92: {  	_ =	strace s17  }
0x93: {  	s2 =	sld [smem:$0x3FFC];
	_ =	sdelay $0x3  }
0x94: {  	_ =	strace s2  }
0x95: {  	s2 =	sld [smem:$0x3FFD];
	_ =	sdelay $0x3  }
0x96: {  	_ =	strace s2  }
0x97: {  	_ =	strace $0x8FFFFFFF  }
0x98: {  	s18 =	sld [smem:$0x3FDB];
	_ =	sdelay $0x1  }
0x99: {  	s19 =	simm.s32 $_scs_section_size  }
0x9a: {  	s4 =	simm.s32 $_size__tile_overlayer_lowered;
	s5 =	simm.s32 $_tile_overlayer_lowered  }
0x9b: {  	s22 =	simm.s32 $0x1BFF;
	s21 =	sshll.u32 s5, $0x1;
	s2 =	sadd.s32 s19, s18  }
0x9c: {  	s6 =	simm.s32 $0x0;
	s20 =	sshll.u32 s4, $0x1;
	s4 =	sadd.s32 s21, s2  }
0x9d: {  	[timem:s6], [sflag:s22] =	dma.local [hbm:s4], s20  }
0x9e: {  	_ =	swait.ge [sflag:s22], s20  }
0x9f: {  	s3 =	ssub.s32 $0x0, s20;
	[sflag:s22] =	ssyncset.done $0x0  }
0xa0: {  	[sflag:s22] =	ssyncadd.s32 s3;
	_ =	sdelay $0x1  }
0xa1: {  	s23 =	simm.s32 $0x1B8B  }
0xa2: {  	_ =	swait.ge [sflag:s23], $0x1  }
0xa3: {  	[sflag:s23] =	ssyncset.done $0x0  }
0xa4: {  	s25 =	simm.s32 $0x1B8E;
	s24 =	sld [smem:$0x3FFE];
	[sflag:s23] =	ssyncadd.s32 $0xFFFFFFFF  }
0xa5: {  	s26 =	simm.s32 $execute0_lowered;
	[smem:$0x3FD2] =	sst s25  }
0xa6: {  	s4 =	sshll.u32 s26, $0x1;
	_ =	strace $0x80000046;
	[dreg:$0x1] =	wrdreg $0xFFFFFFFF  }
0xa7: {  	s28 =	simm.s32 $_size_execute0_lowered;
	s2 =	sadd.s32 s2, s4;
	[dreg:$0x0] =	wrdreg $0x0  }
0xa8: {  	s4 =	sshll.u32 s28, $0x1;
	[dreg:$0x2] =	wrdreg s2  }
0xa9: {  	[dreg:$0x3] =	wrdreg s4  }
0xaa: {  	[dreg:$0x4] =	wrdreg $0xC0  }
0xab: {  	_ =	task [dreg:s6], $0x5FFFF  }
0xac: {  	[dreg:$0x1] =	wrdreg $0xFFFFFFFF  }
0xad: {  	[dreg:$0x0] =	wrdreg $0x60  }
0xae: {  	[dreg:$0x2] =	wrdreg s24  }
0xaf: {  	[dreg:$0x3] =	wrdreg $0x9  }
0xb0: {  	_ =	task.clear_ibuf [dreg:s6], $0x4FFFF;
	_ =	strace $0x90000046  }
0xb1: {  	s29 =	simm.s32 $0x9;
	_ =	strace $0x80000048  }
0xb2: {  	_ =	swait.ge [sflag:s29], $0x1  }
0xb3: {  	[sflag:s29] =	ssyncadd.s32 $0xFFFFFFFF  }
0xb4: {  	_ =	strace $0x90000048  }
0xb5: {  	_ =	sfence  }
0xb6: {  	s30 =	sld [smem:$0x0];
	_ =	sdelay $0x2  }
0xb7: {  	s31 =	sshll.u32 s1, $0xD;
	s1 =	sshrl.u32 s1, $0x2  }
0xb8: {  	s3 =	sand.u32 $0x4000, s31;
	s1 =	sadd.s32 s1, s30  }
0xb9: {  	s0 =	sor.u32 s3, s0;
	s1 =	sshll.u32 s1, $0x11  }
0xba: {  	s0 =	sor.u32 s1, s0  }
0xbb: {  	s0 =	sadd.s32 $0x8F2B, s0  }
0xbc: {  	[sflag:s0] =	ssyncadd.remote.s32 $0x1  }
0xbd: {  	_ =	sfence.sel $0xFFFF  }
0xbe: {  	[dreg:$0x0] =	wrdreg $0xFFFFFFFF;
	(pc) =	sbr.abs _section_cstart, $3  }
0xbf: {  	[dreg:$0x1] =	wrdreg $0xFFFFFFFF  }
0xc0: {  	_ =	task.clear_ibuf [dreg:s6], $0x2FFFF;
	_ =	strace $0x9FFFFFFF  }
0xc1: {  	(tm) =	ssettm $0x7FFFFFFF  }
tec
execute0_lowered:
.L_overlay_start_1:
0x0: {  	(tag) =	ssettag $0x1  }
0x1: {  	s1 =	srdreg.scid  }
0x2: {  	s0 =	stileid.u32;
	s4 =	rddreg [dreg:$0x0]  }
0x3: {  	s2 =	simm.s32 $0x0;
	s3 =	sand.u32 $0x1, s1;
	s31 =	sshll.u32 s0, $0x1  }
0x4: {  	s9 =	simm.s32 $0x1;
	s10 =	simm.s32 $0x7780;
	s5 =	sor.u32 s3, s31  }
0x5: {  	s11 =	simm.s32 $0x2780;
	s12 =	simm.s32 $0x0;
	s6 =	smul.u32 $0x510, s5  }
0x6: {  	[smem:$0x7FF] =	sst s2;
	s3 =	ssub.s32 $0x2, s3;
	s5 =	smul.u32 $0x4E2, s5  }
0x7: {  	s1 =	rddreg [dreg:$0x1];
	_ =	strace $0x80000047;
	s7 =	sshrl.u32 s3, $0x1  }
0x8: {  	s7 =	ssub.s32 s3, s7;
	s6 =	sadd.s32 s6, s4;
	s8 =	sadd.s32 s5, s4  }
0x9: {  	s7 =	smax.u32 s7, $0x1;
	s3 =	sadd.s32 $0xC400, s6;
	s4 =	sadd.s32 $0x2200, s6  }
0xa: {  	v0 =	vimm.f32 $0.0e+00;
	v1 =	vimm.f32 $1.000000000e+00;
	s5 =	sadd.s32 $0x16600, s8;
	s6 =	sadd.s32 $0x20400, s8;
	s8 =	simm.s32 $0x4F00  }
.LBB2_1:
0xb: {  	[tilespmem:s8], [sflag:$0x1] =	stream.linear.gather [hbm4b:s3+s2], $0x2880, $0x38;
	[tilespmem:$0xA000] =	vst v63  }
0xc: {  	_ =	swait.ge [sflag:s9], $0x2880  }
0xd: {  	[sflag:s9] =	ssyncset.done $0x0  }
0xe: {  	[sflag:s9] =	ssyncadd.s32 $0xFFFFD780  }
0xf: {  	[tilespmem:s10], [sflag:$0x1] =	stream.linear.gather [hbm4b:s4+s2], $0x2880, $0x38;
	[tilespmem:$0xA000] =	vst v63  }
0x10: {  	_ =	swait.ge [sflag:s9], $0x2880  }
0x11: {  	[sflag:s9] =	ssyncset.done $0x0  }
0x12: {  	s13 =	simm.s32 $0x0;
	[sflag:s9] =	ssyncadd.s32 $0xFFFFD780  }
.LBB2_2:
0x13: {  	p0 =	sne.s32 s13, $0x9C00  }
.Ltmp0:
0x14: {  	_ = 	snop;
	(pc) =	sbr.rel @p0 .LBB2_2-.Ltmp0, $4  }
0x15: {  	_ = 	snop  }
0x16: {  	s14 =	sshra.s32 s13, $0x2  }
0x17: {  	[tilespmem:s14+$0x0] =	vst v0  }
0x18: {  	s13 =	sadd.s32 $0x40, s13;
	[tilespmem:s14+$0x2780] =	vst v0  }
0x19: {  	s14 =	simm.s32 $0x0;
	s13 =	simm.s32 $0x40  }
.LBB2_4:
0x1a: {  	p0 =	sne.s32 s13, $0xA1C0;
	v2 =	vld [tilespmem:s14+$0x4F00];
	_ =	sdelay $0x7  }
0x1b: {  	[tilespmem:v2+s2+$0x0] =	vst.idx.add.f32.msk $0xffff, v1  }
0x1c: {  	v2 =	vld [tilespmem:s14+$0x7780];
	_ =	sdelay $0x3  }
.Ltmp1:
0x1d: {  	(pc) =	sbr.rel @p0 .LBB2_4-.Ltmp1, $2  }
0x1e: {  	_ =	sdelay $0x2  }
0x1f: {  	s14 =	sshra.s32 s13, $0x2;
	s13 =	sadd.s32 $0x40, s13;
	[tilespmem:v2+s11+$0x0] =	vst.idx.add.f32.msk $0xffff, v1  }
0x20: {  	v2 =	vld [tilespmem:s14+$0x4F00];
	_ =	sdelay $0x7  }
0x21: {  	[tilespmem:v2+s2+$0x0] =	vst.idx.add.f32.msk $0xffff, v1  }
0x22: {  	v2 =	vld [tilespmem:s14+$0x7780];
	_ =	sdelay $0x7  }
0x23: {  	[tilespmem:v2+s11+$0x0] =	vst.idx.add.f32.msk $0xffff, v1  }
0x24: {  	[hbm4b:s5+s2] =	stream.linear.scatter [tilespmem:s2], [sflag:$0x1], $0x2710, $0x38;
	[tilespmem:$0xA000] =	vst v63  }
0x25: {  	s12 =	sadd.s32 $0x1, s12;
	_ =	swait.ge [sflag:s9], $0x2710  }
0x26: {  	p0 =	sne.s32 s12, s7;
	[sflag:s9] =	ssyncset.done $0x0  }
.Ltmp2:
0x27: {  	[sflag:s9] =	ssyncadd.s32 $0xFFFFD8F0;
	(pc) =	sbr.rel @p0 .LBB2_1-.Ltmp2, $4  }
0x28: {  	[hbm4b:s6+s2] =	stream.linear.scatter [tilespmem:s11], [sflag:$0x1], $0x2710, $0x38;
	[tilespmem:$0xA000] =	vst v63  }
0x29: {  	_ =	swait.ge [sflag:s9], $0x2710  }
0x2a: {  	[sflag:s9] =	ssyncset.done $0x0  }
0x2b: {  	[sflag:s9] =	ssyncadd.s32 $0xFFFFD8F0  }
0x2c: {  	_ =	sfence.sel $0x180000  }
0x2d: {  	[bflag:$0x0] =	sbarrier.arrive $0xFFFF  }
0x2e: {  	p0 =	sne.s32 s0, $0x0;
	_ =	strace $0x90000047  }
0x2f: {  	s0 =	sadd.s32 @!p0 $0x100000, s1;
	[bflag:$0x2] =	sbarrier.arrive $0xFFFF  }
0x30: {  	[sflag:s0] =	ssyncadd.tile.s32 @!p0 $0x1;
	_ =	shalt  }
.Lfunc_end2:
_tile_overlayer_lowered:
.L_overlay_start_2:
0x31: {  	(tag) =	ssettag $0x2  }
0x32: {  	s0 =	rddreg [dreg:$0x0];
	s2 =	stileid.u32  }
0x33: {  	s1 =	rddreg [dreg:$0x1];
	p0 =	sne.s32 s2, $0x0  }
0x34: {  	s3 =	rddreg [dreg:$0x2];
	[bflag:$0x3] =	sbarrier.arrive $0xFFFF;
	s2 =	simm.s32 @!p0 $0x1C01  }
0x35: {  	[timem:s3], [sflag:s2] =	dma.local @!p0 [hbm:s0], s1  }
0x36: {  	s0 =	simm.s32 @!p0 $0x1  }
0x37: {  	_ =	swait.ge @!p0 [sflag:s0], s1  }
0x38: {  	s1 =	ssub.s32 @!p0 $0x0, s1;
	[sflag:s0] =	ssyncset.done @!p0 $0x0  }
0x39: {  	[sflag:s0] =	ssyncadd.s32 @!p0 s1  }
0x3a: {  	[bflag:$0x3] =	sbarrier.arrive $0xFFFF  }
0x3b: {  	_ =	shalt  }

// kernel: kernel.13.cloned.1.call-start
scs
__scs_entry_jumppad:
0x0: {  	(pc) =	sbr.rel $0x88, $3  }
0x1: {  	(tag) =	ssettag $0x0;
	lr =	simm.s32 $0x1  }
0x2: {  	[smem:$0x3F98] =	sst lr;
	_ =	strace $0xD0000000  }
0x3: {  	_ = 	snop  }
0x4: {  	_ = 	snop  }
0x5: {  	_ = 	snop  }
0x6: {  	_ = 	snop  }
0x7: {  	_ = 	snop  }
__scs_overlays_trampoline_lowered:
0x8: {  	[smem:$0x3FA7] =	sst s0  }
0x9: {  	[smem:$0x3FA8] =	sst s1  }
0xa: {  	[smem:$0x3FA9] =	sst s2  }
0xb: {  	[smem:$0x3FAA] =	sst s3  }
0xc: {  	[smem:$0x3FAB] =	sst s4  }
0xd: {  	[smem:$0x3FAC] =	sst s5  }
0xe: {  	[smem:$0x3FAD] =	sst s6  }
0xf: {  	[smem:$0x3FAE] =	sst s7  }
0x10: {  	[smem:$0x3FAF] =	sst s8  }
0x11: {  	[smem:$0x3FB0] =	sst s9;
	s0 =	simm.s32 @!p0 $0x0  }
0x12: {  	s1 =	sld [smem:$0x3F96];
	s0 =	simm.s32 @p0 $0x1  }
0x13: {  	[smem:$0x3FB1] =	sst s0;
	s0 =	simm.s32 @!p1 $0x0  }
0x14: {  	s2 =	sld [smem:$0x3F95];
	s0 =	simm.s32 @p1 $0x1  }
0x15: {  	[smem:$0x3FB2] =	sst s0;
	s0 =	simm.s32 @!p2 $0x0  }
0x16: {  	s3 =	sld [smem:$0x3FDB];
	s0 =	simm.s32 @p2 $0x1  }
0x17: {  	s4 =	simm.s32 $0x1BF5;
	[smem:$0x3FB4] =	sst s0  }
0x18: {  	s0 =	sld [smem:$0x3F97];
	_ =	swait.ge [sflag:s4], $0x0  }
0x19: {  	s7 =	sld [smem:$0x3F98]  }
0x1a: {  	s8 =	sadd.s32 $0xFFFFE003, lr  }
0x1b: {  	s9 =	sadd.s32 $0xFFFFFEF7, lr;
	s5 =	simm.s32 $0xFFFFFFFF;
	p2 =	slt.u32 s8, $0xFFFFF086  }
0x1c: {  	p1 =	slt.u32 s9, $0xF7A;
	s5 =	simm.s32 @!p2 $0x0  }
0x1d: {  	s5 =	simm.s32 @p1 $0x1;
	p0 =	seq.s32 s7, s2  }
0x1e: {  	s7 =	smul.u32 @!p0 $0xF7A, s2;
	p2 =	seq.s32 @!p0 s5, $0x0  }
0x1f: {  	s9 =	smul.u32 $0xF7A, s1;
	s8 =	simm.s32 @!p0 $0x1BF5;
	p2 =	por !p2, p0  }
0x20: {  	[sflag:s8] =	ssyncset.s32 @!p0 $0xFFFFF086;
	s6 =	sadd.s32 @!p0 s3, s7;
	s7 =	simm.s32 @!p0 $0x108  }
0x21: {  	s3 =	sadd.s32 s3, s9;
	s6 =	sadd.s32 @!p0 $0x88, s6;
	s7 =	simm.s32 @p2 $0x1082  }
0x22: {  	[simem:s7], [sflag:s8] =	dma.local @!p0 [hbm:s6], $0xF7A  }
0x23: {  	s9 =	sor.u32 $0xD0000000, s2;
	s6 =	simm.s32 $0x108;
	_ =	swait.ge @!p0 [sflag:s8], $0x0  }
0x24: {  	s3 =	sadd.s32 $0x88, s3;
	s6 =	simm.s32 @!p1 $0x1082;
	[sflag:s4] =	ssyncset.s32 $0xFFFFF086  }
0x25: {  	[simem:s6], [sflag:s4] =	dma.local [hbm:s3], $0xF7A  }
0x26: {  	[smem:$0x3F98] =	sst s1;
	(tag) =	ssettag s2;
	_ =	strace s9  }
0x27: {  	s1 =	sld [smem:$0x3FA8]  }
0x28: {  	s2 =	sld [smem:$0x3FA9]  }
0x29: {  	s4 =	sld [smem:$0x3FAB]  }
0x2a: {  	p0 =	seq.s32 s5, $0x0;
	s5 =	sld [smem:$0x3FAC]  }
0x2b: {  	s6 =	sld [smem:$0x3FAD]  }
0x2c: {  	s7 =	sld [smem:$0x3FAE]  }
0x2d: {  	s3 =	simm.s32 $0x108;
	s8 =	sld [smem:$0x3FAF]  }
0x2e: {  	s3 =	simm.s32 @!p0 $0x1082;
	s9 =	sld [smem:$0x3FB0]  }
0x2f: {  	lr =	sadd.s32 s0, s3;
	s0 =	sld [smem:$0x3FA7]  }
0x30: {  	s3 =	sld [smem:$0x3FAA]  }
0x31: {  	[smem:$0x3FB3] =	sst s10  }
0x32: {  	s10 =	sld [smem:$0x3FB1];
	_ =	sdelay $0x3  }
0x33: {  	p0 =	seq.s32 s10, $0x1;
	s10 =	sld [smem:$0x3FB3];
	_ =	sdelay $0x3  }
0x34: {  	[smem:$0x3FB3] =	sst s10  }
0x35: {  	s10 =	sld [smem:$0x3FB2];
	_ =	sdelay $0x3  }
0x36: {  	p1 =	seq.s32 s10, $0x1;
	s10 =	sld [smem:$0x3FB3];
	_ =	sdelay $0x3  }
0x37: {  	[smem:$0x3FB3] =	sst s10  }
0x38: {  	s10 =	sld [smem:$0x3FB4]  }
0x39: {  	_ = 	snop;
	(pc) =	sbr.ind lr, $3  }
0x3a: {  	_ = 	snop  }
0x3b: {  	_ = 	snop  }
0x3c: {  	p2 =	seq.s32 s10, $0x1;
	s10 =	sld [smem:$0x3FB3]  }
0x3d: {  	_ =	shalt  }
0x3e: {  	_ =	shalt  }
0x3f: {  	_ =	shalt  }
0x40: {  	_ =	shalt  }
0x41: {  	_ =	shalt  }
0x42: {  	_ =	shalt  }
0x43: {  	_ =	shalt  }
0x44: {  	_ =	shalt  }
0x45: {  	_ =	shalt  }
0x46: {  	_ =	shalt  }
0x47: {  	_ =	shalt  }
0x48: {  	_ =	shalt  }
0x49: {  	_ =	shalt  }
0x4a: {  	_ =	shalt  }
0x4b: {  	_ =	shalt  }
0x4c: {  	_ =	shalt  }
0x4d: {  	_ =	shalt  }
0x4e: {  	_ =	shalt  }
0x4f: {  	_ =	shalt  }
0x50: {  	_ =	shalt  }
0x51: {  	_ =	shalt  }
0x52: {  	_ =	shalt  }
0x53: {  	_ =	shalt  }
0x54: {  	_ =	shalt  }
0x55: {  	_ =	shalt  }
0x56: {  	_ =	shalt  }
0x57: {  	_ =	shalt  }
0x58: {  	_ =	shalt  }
0x59: {  	_ =	shalt  }
0x5a: {  	_ =	shalt  }
0x5b: {  	_ =	shalt  }
0x5c: {  	_ =	shalt  }
0x5d: {  	_ =	shalt  }
0x5e: {  	_ =	shalt  }
0x5f: {  	_ =	shalt  }
0x60: {  	_ =	shalt  }
0x61: {  	_ =	shalt  }
0x62: {  	_ =	shalt  }
0x63: {  	_ =	shalt  }
0x64: {  	_ =	shalt  }
0x65: {  	_ =	shalt  }
0x66: {  	_ =	shalt  }
0x67: {  	_ =	shalt  }
0x68: {  	_ =	shalt  }
0x69: {  	_ =	shalt  }
0x6a: {  	_ =	shalt  }
0x6b: {  	_ =	shalt  }
0x6c: {  	_ =	shalt  }
0x6d: {  	_ =	shalt  }
0x6e: {  	_ =	shalt  }
0x6f: {  	_ =	shalt  }
0x70: {  	_ =	shalt  }
0x71: {  	_ =	shalt  }
0x72: {  	_ =	shalt  }
0x73: {  	_ =	shalt  }
0x74: {  	_ =	shalt  }
0x75: {  	_ =	shalt  }
0x76: {  	_ =	shalt  }
0x77: {  	_ =	shalt  }
0x78: {  	_ =	shalt  }
0x79: {  	_ =	shalt  }
0x7a: {  	_ =	shalt  }
0x7b: {  	_ =	shalt  }
0x7c: {  	_ =	shalt  }
0x7d: {  	_ =	shalt  }
0x7e: {  	_ =	shalt  }
0x7f: {  	_ =	shalt  }
0x80: {  	_ =	shalt  }
0x81: {  	_ =	shalt  }
0x82: {  	_ =	shalt  }
0x83: {  	_ =	shalt  }
0x84: {  	_ =	shalt  }
0x85: {  	_ =	shalt  }
0x86: {  	_ =	shalt  }
0x87: {  	_ =	shalt  }
.Lfunc_end0:
.L_simem_size_0:
called_computation.1_lowered:
.L_overlay_start_0:
0x88: {  	s2 =	sld [smem:$0x3FD9]  }
0x89: {  	s3 =	sld [smem:$0x3FFE];
	_ =	sdelay $0x1  }
0x8a: {  	s1 =	srdreg.scid  }
0x8b: {  	s0 =	sand.u32 $0x1, s1  }
0x8c: {  	s17 =	sshll.u32 s0, $0xA;
	s2 =	sadd.s32 s3, s2  }
0x8d: {  	s2 =	sadd.s32 s2, s17  }
0x8e: {  	[smem:$0x3FBF] =	sst s2  }
0x8f: {  	_ = 	snop  }
0x90: {  	s2 =	sld [smem:$0x3FD0];
	(tm) =	ssettm $0x1  }
0x91: {  	s18 =	sld [smem:$0x3FFB];
	_ =	sdelay $0x3  }
0x92: {  	_ =	strace s18  }
0x93: {  	s3 =	sld [smem:$0x3FFC];
	_ =	sdelay $0x3  }
0x94: {  	_ =	strace s3  }
0x95: {  	s3 =	sld [smem:$0x3FFD];
	_ =	sdelay $0x3  }
0x96: {  	_ =	strace s3  }
0x97: {  	_ =	strace $0x8FFFFFFF  }
0x98: {  	s19 =	sld [smem:$0x3FDB];
	_ =	sdelay $0x1  }
0x99: {  	s4 =	simm.s32 $_scs_section_size  }
0x9a: {  	s5 =	simm.s32 $_size__tile_overlayer_lowered;
	s6 =	simm.s32 $_tile_overlayer_lowered  }
0x9b: {  	s22 =	simm.s32 $0x1BFF;
	s21 =	sshll.u32 s6, $0x1;
	s3 =	sadd.s32 s4, s19  }
0x9c: {  	s7 =	simm.s32 $0x0;
	s20 =	sshll.u32 s5, $0x1;
	s5 =	sadd.s32 s21, s3  }
0x9d: {  	[timem:s7], [sflag:s22] =	dma.local [hbm:s5], s20  }
0x9e: {  	_ =	swait.ge [sflag:s22], s20  }
0x9f: {  	s4 =	ssub.s32 $0x0, s20;
	[sflag:s22] =	ssyncset.done $0x0  }
0xa0: {  	[sflag:s22] =	ssyncadd.s32 s4;
	_ =	sdelay $0x1  }
0xa1: {  	s23 =	simm.s32 $0x1B8B  }
0xa2: {  	_ =	swait.ge [sflag:s23], $0x1  }
0xa3: {  	[sflag:s23] =	ssyncset.done $0x0  }
0xa4: {  	s25 =	simm.s32 $0x1B8E;
	s24 =	sld [smem:$0x3FFE];
	[sflag:s23] =	ssyncadd.s32 $0xFFFFFFFF  }
0xa5: {  	s26 =	simm.s32 $execute0_lowered;
	[smem:$0x3FD2] =	sst s25  }
0xa6: {  	s5 =	sshll.u32 s26, $0x1;
	_ =	strace $0x80000049;
	[dreg:$0x1] =	wrdreg $0xFFFFFFFF  }
0xa7: {  	s28 =	simm.s32 $_size_execute0_lowered;
	s3 =	sadd.s32 s3, s5;
	[dreg:$0x0] =	wrdreg $0x0  }
0xa8: {  	s5 =	sshll.u32 s28, $0x1;
	[dreg:$0x2] =	wrdreg s3  }
0xa9: {  	[dreg:$0x3] =	wrdreg s5  }
0xaa: {  	[dreg:$0x4] =	wrdreg $0xC0  }
0xab: {  	_ =	task [dreg:s7], $0x5FFFF  }
0xac: {  	[dreg:$0x1] =	wrdreg $0xFFFFFFFF  }
0xad: {  	[dreg:$0x0] =	wrdreg $0x60  }
0xae: {  	[dreg:$0x2] =	wrdreg s24  }
0xaf: {  	[dreg:$0x3] =	wrdreg s2  }
0xb0: {  	[dreg:$0x4] =	wrdreg $0x9  }
0xb1: {  	_ =	task.clear_ibuf [dreg:s7], $0x5FFFF;
	_ =	strace $0x90000049  }
0xb2: {  	s29 =	simm.s32 $0x9;
	_ =	strace $0x8000004B  }
0xb3: {  	_ =	swait.ge [sflag:s29], $0x1  }
0xb4: {  	[sflag:s29] =	ssyncadd.s32 $0xFFFFFFFF  }
0xb5: {  	_ =	strace $0x9000004B  }
0xb6: {  	_ =	sfence  }
0xb7: {  	s30 =	sld [smem:$0x0];
	_ =	sdelay $0x2  }
0xb8: {  	s31 =	sshll.u32 s1, $0xD;
	s1 =	sshrl.u32 s1, $0x2  }
0xb9: {  	s3 =	sand.u32 $0x4000, s31;
	s1 =	sadd.s32 s1, s30  }
0xba: {  	s0 =	sor.u32 s3, s0;
	s1 =	sshll.u32 s1, $0x11  }
0xbb: {  	s0 =	sor.u32 s1, s0  }
0xbc: {  	s0 =	sadd.s32 $0x8F2B, s0  }
0xbd: {  	[sflag:s0] =	ssyncadd.remote.s32 $0x1  }
0xbe: {  	_ =	sfence.sel $0xFFFF  }
0xbf: {  	[dreg:$0x0] =	wrdreg $0xFFFFFFFF;
	(pc) =	sbr.abs _section_cstart, $3  }
0xc0: {  	[dreg:$0x1] =	wrdreg $0xFFFFFFFF  }
0xc1: {  	_ =	task.clear_ibuf [dreg:s7], $0x2FFFF;
	_ =	strace $0x9FFFFFFF  }
0xc2: {  	(tm) =	ssettm $0x7FFFFFFF  }
0xc3: {  	_ =	shalt  }
tec
execute0_lowered:
.L_overlay_start_1:
0x0: {  	(tag) =	ssettag $0x1  }
0x1: {  	s5 =	rddreg [dreg:$0x0]  }
0x2: {  	s1 =	srdreg.scid;
	s0 =	stileid.u32  }
0x3: {  	s7 =	rddreg [dreg:$0x1];
	s2 =	simm.s32 $0x0;
	s11 =	simm.s32 $0x2780  }
0x4: {  	s12 =	simm.s32 $0x4F00;
	s13 =	simm.s32 $0x7780;
	s14 =	simm.s32 $0xA000  }
0x5: {  	s15 =	simm.s32 $0xC880;
	s3 =	sand.u32 $0x1, s1;
	s4 =	sshll.u32 s0, $0x1  }
0x6: {  	s16 =	simm.s32 $0x0;
	s1 =	rddreg [dreg:$0x2];
	s4 =	sor.u32 s3, s4  }
0x7: {  	[smem:$0x7FF] =	sst s2;
	s6 =	ssub.s32 $0x2, s3;
	s8 =	smul.u32 $0x510, s4  }
0x8: {  	_ =	strace $0x8000004A;
	s3 =	sadd.s32 $0x16600, s5;
	s9 =	sshrl.u32 s6, $0x1  }
0x9: {  	s4 =	sadd.s32 $0x16C00, s5;
	s9 =	ssub.s32 s6, s9;
	s10 =	sadd.s32 s8, s5  }
0xa: {  	s7 =	sadd.s32 s7, s8;
	s9 =	smax.u32 s9, $0x1;
	s5 =	sadd.s32 $0xC400, s10  }
0xb: {  	s6 =	sadd.s32 $0x2200, s10;
	s8 =	sadd.s32 $0x17200, s10;
	s10 =	simm.s32 $0x1  }
.LBB2_1:
0xc: {  	[tilespmem:s2], [sflag:$0x1] =	stream.linear.gather [hbm4b:s3+s2], $0x2780, $0x38;
	[tilespmem:$0xF100] =	vst v63  }
0xd: {  	_ =	swait.ge [sflag:s10], $0x2780  }
0xe: {  	[sflag:s10] =	ssyncset.done $0x0  }
0xf: {  	[sflag:s10] =	ssyncadd.s32 $0xFFFFD880  }
0x10: {  	[tilespmem:s11], [sflag:$0x1] =	stream.linear.gather [hbm4b:s4+s2], $0x2780, $0x38;
	[tilespmem:$0xF100] =	vst v63  }
0x11: {  	_ =	swait.ge [sflag:s10], $0x2780  }
0x12: {  	[sflag:s10] =	ssyncset.done $0x0  }
0x13: {  	[sflag:s10] =	ssyncadd.s32 $0xFFFFD880  }
0x14: {  	[tilespmem:s12], [sflag:$0x1] =	stream.linear.gather [hbm4b:s5+s2], $0x2880, $0x38;
	[tilespmem:$0xF100] =	vst v63  }
0x15: {  	_ =	swait.ge [sflag:s10], $0x2880  }
0x16: {  	[sflag:s10] =	ssyncset.done $0x0  }
0x17: {  	[sflag:s10] =	ssyncadd.s32 $0xFFFFD780  }
0x18: {  	[tilespmem:s13], [sflag:$0x1] =	stream.linear.gather [hbm4b:s6+s2], $0x2880, $0x38;
	[tilespmem:$0xF100] =	vst v63  }
0x19: {  	_ =	swait.ge [sflag:s10], $0x2880  }
0x1a: {  	[sflag:s10] =	ssyncset.done $0x0  }
0x1b: {  	[sflag:s10] =	ssyncadd.s32 $0xFFFFD780  }
0x1c: {  	[tilespmem:s14], [sflag:$0x1] =	stream.linear.gather [hbm4b:s7+s2], $0x2880, $0x38;
	[tilespmem:$0xF100] =	vst v63  }
0x1d: {  	_ =	swait.ge [sflag:s10], $0x2880  }
0x1e: {  	[sflag:s10] =	ssyncset.done $0x0  }
0x1f: {  	s17 =	simm.s32 $0x0;
	[sflag:s10] =	ssyncadd.s32 $0xFFFFD780  }
0x20: {  	v0 =	vld [tilespmem:s17+$0x4F00]  }
0x21: {  	v2 =	vld [tilespmem:s17+$0x7780];
	_ =	sdelay $0x5  }
0x22: {  	v1 =	vld [tilespmem:s17+$0xA000]  }
0x23: {  	v0 =	vld.idx.msk [tilespmem:v0+s2+$0x0], $0xffff  }
0x24: {  	s18 =	simm.s32 $0x10;
	s19 =	simm.s32 $0x80;
	v2 =	vld.idx.msk [tilespmem:v2+s11+$0x0], $0xffff  }
.LBB2_2:
0x25: {  	p0 =	sne.s32 s19, $0xA1C0;
	v3 =	vld [tilespmem:s18+$0x4F00];
	_ =	sdelay $0x1  }
0x26: {  	v4 =	vld [tilespmem:s18+$0x7780]  }
0x27: {  	v0 =	vmul.f32 v0, v1;
	_ =	sdelay $0x1  }
0x28: {  	v0 =	vmul.f32 v2, v0  }
.Ltmp0:
0x29: {  	(pc) =	sbr.rel @p0 .LBB2_2-.Ltmp0, $4  }
0x2a: {  	[tilespmem:s17+$0xC880] =	vst v0;
	s17 =	smov.u32 s18  }
0x2b: {  	v0 =	vld.idx.msk [tilespmem:v3+s2+$0x0], $0xffff  }
0x2c: {  	v1 =	vld [tilespmem:s17+$0xA000]  }
0x2d: {  	s18 =	sshra.s32 s19, $0x2;
	s19 =	sadd.s32 $0x40, s19;
	v2 =	vld.idx.msk [tilespmem:v4+s11+$0x0], $0xffff  }
0x2e: {  	v3 =	vld [tilespmem:s18+$0x4F00];
	_ =	sdelay $0x2  }
0x2f: {  	v4 =	vld [tilespmem:s18+$0x7780];
	v0 =	vmul.f32 v0, v1;
	_ =	sdelay $0x1  }
0x30: {  	v0 =	vmul.f32 v2, v0;
	_ =	sdelay $0x1  }
0x31: {  	[tilespmem:s17+$0xC880] =	vst v0  }
0x32: {  	v0 =	vld.idx.msk [tilespmem:v3+s2+$0x0], $0xffff  }
0x33: {  	v62 =	vld [tilespmem:s18+$0xA000];
	_ =	sdelay $0x1  }
0x34: {  	v63 =	vld.idx.msk [tilespmem:v4+s11+$0x0], $0xffff;
	_ =	sdelay $0x2  }
0x35: {  	v0 =	vmul.f32 v0, v62;
	_ =	sdelay $0x1  }
0x36: {  	s16 =	sadd.s32 $0x1, s16;
	v0 =	vmul.f32 v63, v0  }
0x37: {  	p0 =	sne.s32 s16, s9  }
.Ltmp1:
0x38: {  	[tilespmem:s18+$0xC880] =	vst v0;
	(pc) =	sbr.rel @p0 .LBB2_1-.Ltmp1, $4  }
0x39: {  	[hbm4b:s8+s2] =	stream.linear.scatter [tilespmem:s15], [sflag:$0x1], $0x2880, $0x38;
	[tilespmem:$0xF100] =	vst v63  }
0x3a: {  	_ =	swait.ge [sflag:s10], $0x2880  }
0x3b: {  	[sflag:s10] =	ssyncset.done $0x0  }
0x3c: {  	[sflag:s10] =	ssyncadd.s32 $0xFFFFD780  }
0x3d: {  	_ =	sfence.sel $0x180000  }
0x3e: {  	[bflag:$0x0] =	sbarrier.arrive $0xFFFF  }
0x3f: {  	p0 =	sne.s32 s0, $0x0;
	_ =	strace $0x9000004A  }
0x40: {  	s0 =	sadd.s32 @!p0 $0x100000, s1;
	[bflag:$0x2] =	sbarrier.arrive $0xFFFF  }
0x41: {  	[sflag:s0] =	ssyncadd.tile.s32 @!p0 $0x1;
	_ =	shalt  }
.Lfunc_end2:
_tile_overlayer_lowered:
.L_overlay_start_2:
0x42: {  	(tag) =	ssettag $0x2  }
0x43: {  	s0 =	rddreg [dreg:$0x0];
	s2 =	stileid.u32  }
0x44: {  	s1 =	rddreg [dreg:$0x1];
	p0 =	sne.s32 s2, $0x0  }
0x45: {  	s3 =	rddreg [dreg:$0x2];
	[bflag:$0x3] =	sbarrier.arrive $0xFFFF;
	s2 =	simm.s32 @!p0 $0x1C01  }
0x46: {  	[timem:s3], [sflag:s2] =	dma.local @!p0 [hbm:s0], s1  }
0x47: {  	s0 =	simm.s32 @!p0 $0x1  }
0x48: {  	_ =	swait.ge @!p0 [sflag:s0], s1  }
0x49: {  	s1 =	ssub.s32 @!p0 $0x0, s1;
	[sflag:s0] =	ssyncset.done @!p0 $0x0  }
0x4a: {  	[sflag:s0] =	ssyncadd.s32 @!p0 s1  }
0x4b: {  	[bflag:$0x3] =	sbarrier.arrive $0xFFFF  }
0x4c: {  	_ =	shalt  }

// kernel: kernel.16.cloned.1.call-start
scs
__scs_entry_jumppad:
0x0: {  	(pc) =	sbr.rel $0x88, $3  }
0x1: {  	(tag) =	ssettag $0x0;
	lr =	simm.s32 $0x1  }
0x2: {  	[smem:$0x3F98] =	sst lr;
	_ =	strace $0xD0000000  }
0x3: {  	_ = 	snop  }
0x4: {  	_ = 	snop  }
0x5: {  	_ = 	snop  }
0x6: {  	_ = 	snop  }
0x7: {  	_ = 	snop  }
__scs_overlays_trampoline_lowered:
0x8: {  	[smem:$0x3FA7] =	sst s0  }
0x9: {  	[smem:$0x3FA8] =	sst s1  }
0xa: {  	[smem:$0x3FA9] =	sst s2  }
0xb: {  	[smem:$0x3FAA] =	sst s3  }
0xc: {  	[smem:$0x3FAB] =	sst s4  }
0xd: {  	[smem:$0x3FAC] =	sst s5  }
0xe: {  	[smem:$0x3FAD] =	sst s6  }
0xf: {  	[smem:$0x3FAE] =	sst s7  }
0x10: {  	[smem:$0x3FAF] =	sst s8  }
0x11: {  	[smem:$0x3FB0] =	sst s9;
	s0 =	simm.s32 @!p0 $0x0  }
0x12: {  	s1 =	sld [smem:$0x3F96];
	s0 =	simm.s32 @p0 $0x1  }
0x13: {  	[smem:$0x3FB1] =	sst s0;
	s0 =	simm.s32 @!p1 $0x0  }
0x14: {  	s2 =	sld [smem:$0x3F95];
	s0 =	simm.s32 @p1 $0x1  }
0x15: {  	[smem:$0x3FB2] =	sst s0;
	s0 =	simm.s32 @!p2 $0x0  }
0x16: {  	s3 =	sld [smem:$0x3FDB];
	s0 =	simm.s32 @p2 $0x1  }
0x17: {  	s4 =	simm.s32 $0x1BF5;
	[smem:$0x3FB4] =	sst s0  }
0x18: {  	s0 =	sld [smem:$0x3F97];
	_ =	swait.ge [sflag:s4], $0x0  }
0x19: {  	s7 =	sld [smem:$0x3F98]  }
0x1a: {  	s8 =	sadd.s32 $0xFFFFE003, lr  }
0x1b: {  	s9 =	sadd.s32 $0xFFFFFEF7, lr;
	s5 =	simm.s32 $0xFFFFFFFF;
	p2 =	slt.u32 s8, $0xFFFFF086  }
0x1c: {  	p1 =	slt.u32 s9, $0xF7A;
	s5 =	simm.s32 @!p2 $0x0  }
0x1d: {  	s5 =	simm.s32 @p1 $0x1;
	p0 =	seq.s32 s7, s2  }
0x1e: {  	s7 =	smul.u32 @!p0 $0xF7A, s2;
	p2 =	seq.s32 @!p0 s5, $0x0  }
0x1f: {  	s9 =	smul.u32 $0xF7A, s1;
	s8 =	simm.s32 @!p0 $0x1BF5;
	p2 =	por !p2, p0  }
0x20: {  	[sflag:s8] =	ssyncset.s32 @!p0 $0xFFFFF086;
	s6 =	sadd.s32 @!p0 s3, s7;
	s7 =	simm.s32 @!p0 $0x108  }
0x21: {  	s3 =	sadd.s32 s3, s9;
	s6 =	sadd.s32 @!p0 $0x88, s6;
	s7 =	simm.s32 @p2 $0x1082  }
0x22: {  	[simem:s7], [sflag:s8] =	dma.local @!p0 [hbm:s6], $0xF7A  }
0x23: {  	s9 =	sor.u32 $0xD0000000, s2;
	s6 =	simm.s32 $0x108;
	_ =	swait.ge @!p0 [sflag:s8], $0x0  }
0x24: {  	s3 =	sadd.s32 $0x88, s3;
	s6 =	simm.s32 @!p1 $0x1082;
	[sflag:s4] =	ssyncset.s32 $0xFFFFF086  }
0x25: {  	[simem:s6], [sflag:s4] =	dma.local [hbm:s3], $0xF7A  }
0x26: {  	[smem:$0x3F98] =	sst s1;
	(tag) =	ssettag s2;
	_ =	strace s9  }
0x27: {  	s1 =	sld [smem:$0x3FA8]  }
0x28: {  	s2 =	sld [smem:$0x3FA9]  }
0x29: {  	s4 =	sld [smem:$0x3FAB]  }
0x2a: {  	p0 =	seq.s32 s5, $0x0;
	s5 =	sld [smem:$0x3FAC]  }
0x2b: {  	s6 =	sld [smem:$0x3FAD]  }
0x2c: {  	s7 =	sld [smem:$0x3FAE]  }
0x2d: {  	s3 =	simm.s32 $0x108;
	s8 =	sld [smem:$0x3FAF]  }
0x2e: {  	s3 =	simm.s32 @!p0 $0x1082;
	s9 =	sld [smem:$0x3FB0]  }
0x2f: {  	lr =	sadd.s32 s0, s3;
	s0 =	sld [smem:$0x3FA7]  }
0x30: {  	s3 =	sld [smem:$0x3FAA]  }
0x31: {  	[smem:$0x3FB3] =	sst s10  }
0x32: {  	s10 =	sld [smem:$0x3FB1];
	_ =	sdelay $0x3  }
0x33: {  	p0 =	seq.s32 s10, $0x1;
	s10 =	sld [smem:$0x3FB3];
	_ =	sdelay $0x3  }
0x34: {  	[smem:$0x3FB3] =	sst s10  }
0x35: {  	s10 =	sld [smem:$0x3FB2];
	_ =	sdelay $0x3  }
0x36: {  	p1 =	seq.s32 s10, $0x1;
	s10 =	sld [smem:$0x3FB3];
	_ =	sdelay $0x3  }
0x37: {  	[smem:$0x3FB3] =	sst s10  }
0x38: {  	s10 =	sld [smem:$0x3FB4]  }
0x39: {  	_ = 	snop;
	(pc) =	sbr.ind lr, $3  }
0x3a: {  	_ = 	snop  }
0x3b: {  	_ = 	snop  }
0x3c: {  	p2 =	seq.s32 s10, $0x1;
	s10 =	sld [smem:$0x3FB3]  }
0x3d: {  	_ =	shalt  }
0x3e: {  	_ =	shalt  }
0x3f: {  	_ =	shalt  }
0x40: {  	_ =	shalt  }
0x41: {  	_ =	shalt  }
0x42: {  	_ =	shalt  }
0x43: {  	_ =	shalt  }
0x44: {  	_ =	shalt  }
0x45: {  	_ =	shalt  }
0x46: {  	_ =	shalt  }
0x47: {  	_ =	shalt  }
0x48: {  	_ =	shalt  }
0x49: {  	_ =	shalt  }
0x4a: {  	_ =	shalt  }
0x4b: {  	_ =	shalt  }
0x4c: {  	_ =	shalt  }
0x4d: {  	_ =	shalt  }
0x4e: {  	_ =	shalt  }
0x4f: {  	_ =	shalt  }
0x50: {  	_ =	shalt  }
0x51: {  	_ =	shalt  }
0x52: {  	_ =	shalt  }
0x53: {  	_ =	shalt  }
0x54: {  	_ =	shalt  }
0x55: {  	_ =	shalt  }
0x56: {  	_ =	shalt  }
0x57: {  	_ =	shalt  }
0x58: {  	_ =	shalt  }
0x59: {  	_ =	shalt  }
0x5a: {  	_ =	shalt  }
0x5b: {  	_ =	shalt  }
0x5c: {  	_ =	shalt  }
0x5d: {  	_ =	shalt  }
0x5e: {  	_ =	shalt  }
0x5f: {  	_ =	shalt  }
0x60: {  	_ =	shalt  }
0x61: {  	_ =	shalt  }
0x62: {  	_ =	shalt  }
0x63: {  	_ =	shalt  }
0x64: {  	_ =	shalt  }
0x65: {  	_ =	shalt  }
0x66: {  	_ =	shalt  }
0x67: {  	_ =	shalt  }
0x68: {  	_ =	shalt  }
0x69: {  	_ =	shalt  }
0x6a: {  	_ =	shalt  }
0x6b: {  	_ =	shalt  }
0x6c: {  	_ =	shalt  }
0x6d: {  	_ =	shalt  }
0x6e: {  	_ =	shalt  }
0x6f: {  	_ =	shalt  }
0x70: {  	_ =	shalt  }
0x71: {  	_ =	shalt  }
0x72: {  	_ =	shalt  }
0x73: {  	_ =	shalt  }
0x74: {  	_ =	shalt  }
0x75: {  	_ =	shalt  }
0x76: {  	_ =	shalt  }
0x77: {  	_ =	shalt  }
0x78: {  	_ =	shalt  }
0x79: {  	_ =	shalt  }
0x7a: {  	_ =	shalt  }
0x7b: {  	_ =	shalt  }
0x7c: {  	_ =	shalt  }
0x7d: {  	_ =	shalt  }
0x7e: {  	_ =	shalt  }
0x7f: {  	_ =	shalt  }
0x80: {  	_ =	shalt  }
0x81: {  	_ =	shalt  }
0x82: {  	_ =	shalt  }
0x83: {  	_ =	shalt  }
0x84: {  	_ =	shalt  }
0x85: {  	_ =	shalt  }
0x86: {  	_ =	shalt  }
0x87: {  	_ =	shalt  }
.Lfunc_end0:
.L_simem_size_0:
called_computation.2_lowered:
.L_overlay_start_0:
0x88: {  	s2 =	sld [smem:$0x3FD9]  }
0x89: {  	s3 =	sld [smem:$0x3FFE];
	_ =	sdelay $0x1  }
0x8a: {  	s1 =	srdreg.scid  }
0x8b: {  	s0 =	sand.u32 $0x1, s1  }
0x8c: {  	s17 =	sshll.u32 s0, $0xA;
	s2 =	sadd.s32 s3, s2  }
0x8d: {  	s2 =	sadd.s32 s2, s17  }
0x8e: {  	[smem:$0x3FBF] =	sst s2  }
0x8f: {  	_ = 	snop  }
0x90: {  	s2 =	sld [smem:$0x3FC9]  }
0x91: {  	s18 =	sld [smem:$0x3FD0];
	(tm) =	ssettm $0x1  }
0x92: {  	s4 =	sld [smem:$0x3FFB];
	_ =	sdelay $0x3  }
0x93: {  	_ =	strace s4  }
0x94: {  	s4 =	sld [smem:$0x3FFC];
	_ =	sdelay $0x3  }
0x95: {  	_ =	strace s4  }
0x96: {  	s4 =	sld [smem:$0x3FFD];
	_ =	sdelay $0x3  }
0x97: {  	_ =	strace s4  }
0x98: {  	_ =	strace $0x8FFFFFFF  }
0x99: {  	s19 =	sld [smem:$0x3FDB];
	_ =	sdelay $0x1  }
0x9a: {  	s5 =	simm.s32 $_scs_section_size  }
0x9b: {  	s6 =	simm.s32 $_size__tile_overlayer_lowered;
	s7 =	simm.s32 $_tile_overlayer_lowered  }
0x9c: {  	s22 =	simm.s32 $0x1BFF;
	s21 =	sshll.u32 s7, $0x1;
	s4 =	sadd.s32 s5, s19  }
0x9d: {  	s8 =	simm.s32 $0x0;
	s20 =	sshll.u32 s6, $0x1;
	s6 =	sadd.s32 s21, s4  }
0x9e: {  	[timem:s8], [sflag:s22] =	dma.local [hbm:s6], s20  }
0x9f: {  	_ =	swait.ge [sflag:s22], s20  }
0xa0: {  	s5 =	ssub.s32 $0x0, s20;
	[sflag:s22] =	ssyncset.done $0x0  }
0xa1: {  	[sflag:s22] =	ssyncadd.s32 s5;
	_ =	sdelay $0x1  }
0xa2: {  	s23 =	simm.s32 $0x1B8B  }
0xa3: {  	_ =	swait.ge [sflag:s23], $0x1  }
0xa4: {  	[sflag:s23] =	ssyncset.done $0x0  }
0xa5: {  	s25 =	simm.s32 $0x1B8E;
	s24 =	sld [smem:$0x3FFE];
	[sflag:s23] =	ssyncadd.s32 $0xFFFFFFFF  }
0xa6: {  	s26 =	simm.s32 $execute0_lowered;
	[smem:$0x3FD2] =	sst s25  }
0xa7: {  	s6 =	sshll.u32 s26, $0x1;
	_ =	strace $0x8000004C;
	[dreg:$0x1] =	wrdreg $0xFFFFFFFF  }
0xa8: {  	s28 =	simm.s32 $_size_execute0_lowered;
	s4 =	sadd.s32 s4, s6;
	[dreg:$0x0] =	wrdreg $0x0  }
0xa9: {  	s6 =	sshll.u32 s28, $0x1;
	[dreg:$0x2] =	wrdreg s4  }
0xaa: {  	[dreg:$0x3] =	wrdreg s6  }
0xab: {  	[dreg:$0x4] =	wrdreg $0xC0  }
0xac: {  	_ =	task [dreg:s8], $0x5FFFF  }
0xad: {  	[dreg:$0x1] =	wrdreg $0xFFFFFFFF  }
0xae: {  	[dreg:$0x0] =	wrdreg $0x60  }
0xaf: {  	[dreg:$0x2] =	wrdreg s2  }
0xb0: {  	[dreg:$0x3] =	wrdreg s24  }
0xb1: {  	[dreg:$0x4] =	wrdreg s18  }
0xb2: {  	[dreg:$0x5] =	wrdreg $0xC4800  }
0xb3: {  	[dreg:$0x6] =	wrdreg $0x9  }
0xb4: {  	_ =	task.clear_ibuf [dreg:s8], $0x7FFFF;
	_ =	strace $0x9000004C  }
0xb5: {  	s29 =	simm.s32 $0x9;
	_ =	strace $0x8000004E  }
0xb6: {  	_ =	swait.ge [sflag:s29], $0x1  }
0xb7: {  	[sflag:s29] =	ssyncadd.s32 $0xFFFFFFFF  }
0xb8: {  	_ =	strace $0x9000004E  }
0xb9: {  	_ =	sfence  }
0xba: {  	s30 =	sld [smem:$0x0];
	_ =	sdelay $0x2  }
0xbb: {  	s31 =	sshll.u32 s1, $0xD;
	s1 =	sshrl.u32 s1, $0x2  }
0xbc: {  	s3 =	sand.u32 $0x4000, s31;
	s1 =	sadd.s32 s1, s30  }
0xbd: {  	s0 =	sor.u32 s3, s0;
	s1 =	sshll.u32 s1, $0x11  }
0xbe: {  	s0 =	sor.u32 s1, s0  }
0xbf: {  	s0 =	sadd.s32 $0x8F2B, s0  }
0xc0: {  	[sflag:s0] =	ssyncadd.remote.s32 $0x1  }
0xc1: {  	_ =	sfence.sel $0xFFFF  }
0xc2: {  	[dreg:$0x0] =	wrdreg $0xFFFFFFFF;
	(pc) =	sbr.abs _section_cstart, $3  }
0xc3: {  	[dreg:$0x1] =	wrdreg $0xFFFFFFFF  }
0xc4: {  	_ =	task.clear_ibuf [dreg:s8], $0x2FFFF;
	_ =	strace $0x9FFFFFFF  }
0xc5: {  	(tm) =	ssettm $0x7FFFFFFF  }
tec
execute0_lowered:
.L_overlay_start_1:
0x0: {  	(tag) =	ssettag $0x1  }
0x1: {  	s1 =	rddreg [dreg:$0x0]  }
0x2: {  	s0 =	rddreg [dreg:$0x1]  }
0x3: {  	s3 =	rddreg [dreg:$0x2]  }
0x4: {  	s2 =	rddreg [dreg:$0x3];
	s4 =	simm.s32 $0x0;
	s6 =	srdreg.scid  }
0x5: {  	s15 =	stileid.u32;
	s28 =	simm.s32 $0x80;
	s30 =	simm.s32 $0x200  }
0x6: {  	s31 =	simm.s32 $0x7;
	[smem:$0x7FF] =	sst s4;
	s5 =	sadd.s32 $0xC400, s0  }
0x7: {  	s9 =	sand.u32 $0x1, s6;
	s7 =	sshll.u32 s15, $0x1;
	s11 =	smul.u32 $0x4F000, s15  }
0x8: {  	s6 =	sadd.s32 $0x2200, s0;
	s14 =	smul.u32 $0x2780, s15;
	s26 =	sadd.s32 $0x128400, s2  }
0x9: {  	s20 =	smul.u32 $0x13C00, s15;
	p0 =	seq.s32 s15, $0xF;
	s15 =	simm.s32 $0x3  }
0xa: {  	_ =	strace $0x8000004D;
	s10 =	sor.u32 s9, s7;
	s7 =	sadd.s32 $0x17200, s0  }
0xb: {  	s12 =	ssub.s32 $0x2, s9;
	s0 =	sadd.s32 $0x21400, s0;
	s9 =	smul.u32 $0x138800, s9  }
0xc: {  	[dreg:$0x7] =	wrdreg s26;
	s8 =	smul.u32 $0x2880, s10;
	s13 =	sshrl.u32 s12, $0x1  }
0xd: {  	s11 =	sshrl.u32 s11, $0x2;
	s25 =	sadd.s32 s3, s14;
	s3 =	sadd.s32 $0x25080, s3  }
0xe: {  	s16 =	sshll.u32 s10, $0x7;
	s12 =	ssub.s32 s12, s13;
	[dreg:$0x6] =	wrdreg s25  }
0xf: {  	s11 =	sadd.s32 s11, s2;
	[dreg:$0x8] =	wrdreg s3;
	s3 =	sand.u32 $0x380, s16  }
0x10: {  	s24 =	sadd.s32 s20, s9;
	s9 =	sshrl.u32 s9, $0x3;
	s13 =	simm.s32 $0x8  }
0x11: {  	s16 =	simm.s32 $0x8480;
	[dreg:$0x5] =	wrdreg s11;
	s29 =	sshrl.u32 s8, $0x3  }
0x12: {  	s17 =	sand.u32 $0x7FC00, s8;
	s25 =	sadd.s32 $0x200, s8;
	s9 =	sadd.s32 s0, s9  }
0x13: {  	s11 =	simm.s32 $0x100;
	s14 =	sadd.s32 s5, s29;
	s18 =	sadd.s32 s7, s29  }
0x14: {  	s3 =	sor.u32 s3, s17;
	s19 =	sadd.s32 $0x10, s29;
	[dreg:$0xf] =	wrdreg s25  }
0x15: {  	s26 =	sadd.s32 $0x25080, s9;
	s29 =	smax.u32 s12, $0x1;
	s9 =	simm.s32 $0x380  }
0x16: {  	s12 =	simm.s32 $0x280;
	s17 =	simm.s32 $0x400;
	[dreg:$0x9] =	wrdreg s14  }
0x17: {  	s14 =	smul.u32 $0x51, s10;
	[dreg:$0xa] =	wrdreg s18;
	s3 =	sshrl.u32 s3, $0x3  }
0x18: {  	s21 =	sadd.s32 s5, s19;
	s22 =	sadd.s32 s7, s19;
	[dreg:$0x11] =	wrdreg s26  }
0x19: {  	[dreg:$0x12] =	wrdreg s29;
	s10 =	simm.s32 $0x4;
	s18 =	simm.s32 $0x5  }
.Ltmp0:
0x1a: {  	s3 =	sadd.s32 s6, s3;
	[dreg:$0xc] =	wrdreg s21;
	(pc) =	sbr.rel .LBB2_1-.Ltmp0, $4  }
0x1b: {  	[dreg:$0xd] =	wrdreg s22;
	s21 =	simm.s32 $0x6;
	s22 =	simm.s32 $0x0  }
0x1c: {  	[dreg:$0xb] =	wrdreg s3;
	s23 =	sadd.s32 $0x1, s14;
	s3 =	sshrl.u32 s24, $0x3  }
0x1d: {  	s24 =	simm.s32 $0x180;
	[dreg:$0xe] =	wrdreg s23;
	s0 =	sadd.s32 s0, s3  }
0x1e: {  	s3 =	simm.s32 $0x4480;
	[dreg:$0x10] =	wrdreg s0;
	s0 =	simm.s32 $0x2  }
.LBB2_10:
0x1f: {  	s19 =	simm.s32 $0xA  }
0x20: {  	_ =	swait.ge [sflag:s19], $0x4000  }
0x21: {  	[sflag:s19] =	ssyncset.done $0x0  }
0x22: {  	s23 =	simm.s32 $0xB;
	[sflag:s19] =	ssyncadd.s32 $0xFFFFC000  }
0x23: {  	_ =	swait.ge [sflag:s23], $0x4000  }
0x24: {  	[sflag:s23] =	ssyncset.done $0x0  }
0x25: {  	s25 =	simm.s32 $0xC;
	[sflag:s23] =	ssyncadd.s32 $0xFFFFC000  }
0x26: {  	_ =	swait.ge [sflag:s25], $0x4000  }
0x27: {  	[sflag:s25] =	ssyncset.done $0x0  }
0x28: {  	[sflag:s25] =	ssyncadd.s32 $0xFFFFC000  }
0x29: {  	[bflag:$0x0] =	sbarrier.arrive $0xFFFF  }
0x2a: {  	s20 =	rddreg [dreg:$0x11]  }
0x2b: {  	s19 =	simm.s32 @p0 $0x1FCD;
	s22 =	rddreg [dreg:$0x14]  }
0x2c: {  	[hbm:s20], [sflag:s19] =	dma.local @p0 [spmem:s22], $0x2080  }
0x2d: {  	s19 =	simm.s32 @p0 $0xD  }
0x2e: {  	_ =	swait.ge @p0 [sflag:s19], $0x2080  }
0x2f: {  	s20 =	rddreg [dreg:$0x15]  }
0x30: {  	[sflag:s19] =	ssyncset.done @p0 $0x0;
	s22 =	rddreg [dreg:$0x16]  }
0x31: {  	[sflag:s19] =	ssyncadd.s32 @p0 $0xFFFFDF80;
	s19 =	rddreg [dreg:$0x10]  }
0x32: {  	[hbm:s19], [sflag:s20] =	dma.local @!p0 [spmem:s22], $0x2780  }
0x33: {  	s19 =	simm.s32 @!p0 $0xD  }
0x34: {  	_ =	swait.ge @!p0 [sflag:s19], $0x2780  }
0x35: {  	s26 =	rddreg [dreg:$0x13]  }
0x36: {  	s29 =	rddreg [dreg:$0x12];
	s22 =	sadd.s32 $0x1, s26  }
0x37: {  	p1 =	sne.s32 s22, s29  }
.Ltmp1:
0x38: {  	_ = 	snop;
	(pc) =	sbr.rel @!p1 .LBB2_11-.Ltmp1, $3  }
0x39: {  	_ =	sdelay $0x1  }
0x3a: {  	[sflag:s19] =	ssyncset.done @!p0 $0x0  }
0x3b: {  	[sflag:s19] =	ssyncadd.s32 @!p0 $0xFFFFD880  }
.LBB2_1:
0x3c: {  	[dreg:$0x13] =	wrdreg s22  }
0x3d: {  	s19 =	rddreg [dreg:$0x7]  }
0x3e: {  	s22 =	sshrl.u32 @p0 s19, $0x3;
	s19 =	rddreg [dreg:$0x8]  }
0x3f: {  	s20 =	simm.s32 @p0 $0x1FCD;
	[dreg:$0x14] =	wrdreg s22  }
0x40: {  	[spmem:s22], [sflag:s20] =	dma.local @p0 [hbm:s19], $0x2080  }
0x41: {  	s20 =	simm.s32 @p0 $0xD  }
0x42: {  	_ =	swait.ge @p0 [sflag:s20], $0x2080  }
0x43: {  	s19 =	stileid.u32;
	[sflag:s20] =	ssyncset.done @p0 $0x0  }
0x44: {  	s22 =	sshll.u32 @!p0 s19, $0x6;
	s19 =	rddreg [dreg:$0x5];
	[sflag:s20] =	ssyncadd.s32 @p0 $0xFFFFDF80  }
0x45: {  	s20 =	sor.u32 @!p0 $0x1C0D, s22;
	s22 =	sshrl.u32 @!p0 s19, $0x3;
	s19 =	rddreg [dreg:$0x6]  }
0x46: {  	[dreg:$0x15] =	wrdreg s20  }
0x47: {  	[dreg:$0x16] =	wrdreg s22  }
0x48: {  	[spmem:s22], [sflag:s20] =	dma.local @!p0 [hbm:s19], $0x2780  }
0x49: {  	s20 =	simm.s32 @!p0 $0xD  }
0x4a: {  	_ =	swait.ge @!p0 [sflag:s20], $0x2780  }
0x4b: {  	[sflag:s20] =	ssyncset.done @!p0 $0x0  }
0x4c: {  	[sflag:s20] =	ssyncadd.s32 @!p0 $0xFFFFD880  }
0x4d: {  	[bflag:$0x0] =	sbarrier.arrive $0xFFFF  }
0x4e: {  	s26 =	rddreg [dreg:$0x9]  }
0x4f: {  	[tilespmem:s4], [sflag:$0x1] =	stream.linear.gather [hbm4b:s26+s4], $0x80, $0x38;
	[tilespmem:$0x1FD00] =	vst v63  }
0x50: {  	s20 =	simm.s32 $0x1;
	s29 =	rddreg [dreg:$0xa]  }
0x51: {  	[tilespmem:s24], [sflag:$0x1] =	stream.linear.gather [hbm4b:s29+s4], $0x80, $0x38;
	[tilespmem:$0x1FD00] =	vst v63  }
0x52: {  	_ =	swait.ge [sflag:s20], $0x80  }
0x53: {  	[sflag:s20] =	ssyncset.done $0x0  }
0x54: {  	[sflag:s20] =	ssyncadd.s32 $0xFFFFFF80  }
0x55: {  	_ =	swait.ge [sflag:s20], $0x80  }
0x56: {  	[sflag:s20] =	ssyncset.done $0x0  }
0x57: {  	s23 =	simm.s32 $0x300;
	s22 =	rddreg [dreg:$0xb];
	[sflag:s20] =	ssyncadd.s32 $0xFFFFFF80  }
0x58: {  	[tilespmem:s23], [sflag:$0x4] =	stream.linear.gather [hbm4b:s22+s4], $0x80, $0x38;
	[tilespmem:$0x1FD00] =	vst v63  }
0x59: {  	s25 =	simm.s32 $0x480  }
0x5a: {  	[tilespmem:s25], [sflag:$0x7] =	stream.indirect.gather [hbm4b:s1+s28], $0x80, s4, s28, $0xb8;
	[tilespmem:$0x1FD00] =	vst v63  }
0x5b: {  	s26 =	rddreg [dreg:$0xc]  }
0x5c: {  	[tilespmem:s28], [sflag:$0x2] =	stream.linear.gather [hbm4b:s26+s4], $0x80, $0x38;
	[tilespmem:$0x1FD00] =	vst v63  }
0x5d: {  	s29 =	rddreg [dreg:$0xd];
	s25 =	simm.s32 $0x0  }
0x5e: {  	[tilespmem:s30], [sflag:$0x2] =	stream.linear.gather [hbm4b:s29+s4], $0x80, $0x38;
	[tilespmem:$0x1FD00] =	vst v63  }
.LBB2_2:
0x5f: {  	_ =	swait.ge [sflag:s31], $0x4000  }
0x60: {  	[sflag:s31] =	ssyncset.done $0x0  }
0x61: {  	[sflag:s31] =	ssyncadd.s32 $0xFFFFC000  }
0x62: {  	_ =	swait.ge [sflag:s0], $0x80  }
0x63: {  	[sflag:s0] =	ssyncset.done $0x0  }
0x64: {  	[sflag:s0] =	ssyncadd.s32 $0xFFFFFF80  }
0x65: {  	_ =	swait.ge [sflag:s0], $0x80  }
0x66: {  	p1 =	seq.s32 s25, $0x0;
	[sflag:s0] =	ssyncset.done $0x0  }
0x67: {  	s23 =	simm.s32 $0x0;
	s20 =	simm.s32 @!p1 $0xB;
	[sflag:s0] =	ssyncadd.s32 $0xFFFFFF80  }
0x68: {  	s26 =	simm.s32 $0x2;
	s22 =	smul.u32 $0x3, s25;
	v0 =	vmov s23;
	_ =	swait.ge @!p1 [sflag:s20], $0x4000  }
0x69: {  	v1 =	vmov s26;
	v0 =	vand.u32 $0xFFFFFFFC, v0;
	[sflag:s20] =	ssyncset.done @!p1 $0x0;
	s19 =	rddreg [dreg:$0xe]  }
0x6a: {  	v1 =	vand.u32 $0xFFFFFFFE, v1;
	v0 =	vbroadcast v0, $0x0;
	[sflag:s20] =	ssyncadd.s32 @!p1 $0xFFFFC000;
	s26 =	sadd.s32 s22, s19  }
0x6b: {  	v1 =	vbroadcast v1, $0x0;
	[tilespmem:s3], [sflag:$0x8] =	stream.indirect.gather [hbm4b:s1+s28], $0x80, s28, s28, $0xb8;
	[tilespmem:$0x1FD00] =	vst v63  }
0x6c: {  	s20 =	sshll.u32 s26, $0x4  }
0x6d: {  	s20 =	sand.u32 $0xFFFFFF0, s20  }
0x6e: {  	s20 =	sadd.s32 s6, s20  }
0x6f: {  	[tilespmem:s9], [sflag:$0x5] =	stream.linear.gather [hbm4b:s20+s23], $0x80, $0x38;
	[tilespmem:$0x1FD00] =	vst v63  }
0x70: {  	v0 =	vld.idx.msk [tilespmem:v0+s24+$0x0], $0xffff  }
0x71: {  	s23 =	simm.s32 $0x580;
	v1 =	vld.idx.msk [tilespmem:v1+s24+$0x0], $0xffff  }
0x72: {  	s19 =	simm.s32 $0x1;
	v3 =	vld [tilespmem:s23+$0x70]  }
0x73: {  	v2 =	vmov s19;
	v4 =	vld [tilespmem:s23+$0xFFFFFF00]  }
0x74: {  	v2 =	vand.u32 $0xFFFFFFFD, v2;
	v5 =	vld [tilespmem:s23+$0xFFFFFF10]  }
0x75: {  	v2 =	vbroadcast v2, $0x0;
	v6 =	vld [tilespmem:s23+$0xFFFFFF20]  }
0x76: {  	v7 =	vld [tilespmem:s23+$0xFFFFFF30]  }
0x77: {  	v8 =	vld [tilespmem:s23+$0xFFFFFF40]  }
0x78: {  	v9 =	vld [tilespmem:s23+$0xFFFFFF50]  }
0x79: {  	v10 =	vld [tilespmem:s23+$0xFFFFFF60];
	v4 =	vmul.f32 v4, v0  }
0x7a: {  	v12 =	vld [tilespmem:s23+$0x40];
	v3 =	vmul.f32 v3, v1  }
0x7b: {  	v2 =	vld.idx.msk [tilespmem:v2+s24+$0x0], $0xffff;
	[tilespmem:s23+$0xFFFFFF00] =	vst v4;
	v4 =	vmul.f32 v5, v0  }
0x7c: {  	v5 =	vld [tilespmem:s23+$0xFFFFFF70];
	[tilespmem:s23+$0x70] =	vst v3;
	v3 =	vmul.f32 v6, v0  }
0x7d: {  	v6 =	vld [tilespmem:s23+$0xFFFFFF80];
	[tilespmem:s23+$0xFFFFFF10] =	vst v4;
	v4 =	vmul.f32 v7, v0  }
0x7e: {  	v7 =	vld [tilespmem:s23+$0xFFFFFF90];
	[tilespmem:s23+$0xFFFFFF20] =	vst v3;
	v3 =	vmul.f32 v8, v0  }
0x7f: {  	v8 =	vld [tilespmem:s23+$0xFFFFFFA0];
	[tilespmem:s23+$0xFFFFFF30] =	vst v4;
	v4 =	vmul.f32 v9, v0  }
0x80: {  	v9 =	vld [tilespmem:s23+$0xFFFFFFB0];
	[tilespmem:s23+$0xFFFFFF40] =	vst v3;
	v3 =	vmul.f32 v10, v0  }
0x81: {  	v10 =	vld [tilespmem:s23+$0xFFFFFFC0];
	v5 =	vmul.f32 v5, v0;
	[tilespmem:s23+$0xFFFFFF50] =	vst v4  }
0x82: {  	v4 =	vmul.f32 v6, v2;
	v6 =	vld [tilespmem:s23+$0xFFFFFFD0];
	[tilespmem:s23+$0xFFFFFF60] =	vst v3  }
0x83: {  	s26 =	simm.s32 $0x3;
	v3 =	vld [tilespmem:s23+$0xFFFFFFE0];
	v7 =	vmul.f32 v7, v2;
	[tilespmem:s23+$0xFFFFFF70] =	vst v5  }
0x84: {  	v11 =	vmov s26;
	v5 =	vld [tilespmem:s23+$0xFFFFFFF0];
	[tilespmem:s23+$0xFFFFFF80] =	vst v4;
	v4 =	vmul.f32 v8, v2  }
0x85: {  	v8 =	vld [tilespmem:s23+$0x0];
	[tilespmem:s23+$0xFFFFFF90] =	vst v7;
	v7 =	vmul.f32 v9, v2  }
0x86: {  	v9 =	vld [tilespmem:s23+$0x10];
	[tilespmem:s23+$0xFFFFFFA0] =	vst v4;
	v4 =	vmul.f32 v10, v2  }
0x87: {  	[tilespmem:s23+$0xFFFFFFB0] =	vst v7;
	v6 =	vmul.f32 v6, v2;
	v7 =	vld [tilespmem:s23+$0x20]  }
0x88: {  	v10 =	vld [tilespmem:s23+$0x30];
	v3 =	vmul.f32 v3, v2;
	[tilespmem:s23+$0xFFFFFFC0] =	vst v4  }
0x89: {  	v0 =	vld.idx.msk [tilespmem:v11+s24+$0x0], $0xffff;
	v2 =	vmul.f32 v5, v2;
	[tilespmem:s23+$0xFFFFFFD0] =	vst v6  }
0x8a: {  	[tilespmem:s23+$0xFFFFFFE0] =	vst v3;
	v4 =	vmul.f32 v8, v1;
	v3 =	vld [tilespmem:s23+$0x50]  }
0x8b: {  	s19 =	simm.s32 $0x4;
	[tilespmem:s23+$0xFFFFFFF0] =	vst v2;
	v5 =	vmul.f32 v9, v1;
	v2 =	vld [tilespmem:s23+$0x60]  }
0x8c: {  	s26 =	simm.s32 $0x7;
	v6 =	vmov s19;
	[tilespmem:s23+$0x0] =	vst v4;
	v8 =	vmul.f32 v7, v1;
	v7 =	vld [tilespmem:s23+$0x80]  }
0x8d: {  	s19 =	simm.s32 $0x5;
	v11 =	vand.u32 $0xFFFFFFFC, v6;
	v6 =	vld [tilespmem:s23+$0x90];
	v4 =	vmov s26;
	v9 =	vmul.f32 v10, v1;
	[tilespmem:s23+$0x10] =	vst v5  }
0x8e: {  	s29 =	simm.s32 $0x8;
	s20 =	simm.s32 $0x6;
	v10 =	vmul.f32 v12, v1;
	s26 =	simm.s32 $0x580;
	v5 =	vbroadcast v11, $0x0;
	v11 =	vmov s19;
	[tilespmem:s23+$0x20] =	vst v8;
	v8 =	vld [tilespmem:s23+$0xA0]  }
.LBB2_3:
0x8f: {  	p2 =	slt.u32 s29, $0x7C;
	v11 =	vand.u32 $0xFFFFFFFD, v11;
	v12 =	vmov s20;
	[tilespmem:s23+$0x30] =	vst v9;
	v3 =	vmul.f32 v3, v1;
	v9 =	vld [tilespmem:s23+$0xB0]  }
0x90: {  	v11 =	vbroadcast v11, $0x0;
	v12 =	vand.u32 $0xFFFFFFFE, v12;
	[tilespmem:s23+$0x40] =	vst v10;
	v1 =	vmul.f32 v2, v1;
	v2 =	vld [tilespmem:s23+$0xC0]  }
0x91: {  	v10 =	vbroadcast v12, $0x0;
	[tilespmem:s23+$0x50] =	vst v3;
	v3 =	vmul.f32 v7, v0;
	v7 =	vld [tilespmem:s23+$0xD0]  }
0x92: {  	[tilespmem:s23+$0x60] =	vst v1;
	v1 =	vmul.f32 v6, v0;
	v6 =	vld [tilespmem:s23+$0xE0]  }
0x93: {  	[tilespmem:s23+$0x80] =	vst v3;
	v3 =	vmul.f32 v8, v0;
	v8 =	vld [tilespmem:s23+$0xF0]  }
0x94: {  	v4 =	vld.idx.msk [tilespmem:v4+s24+$0x0], $0xffff;
	[tilespmem:s23+$0x90] =	vst v1;
	v1 =	vmul.f32 v9, v0  }
0x95: {  	v5 =	vld.idx.msk [tilespmem:v5+s24+$0x0], $0xffff;
	[tilespmem:s23+$0xA0] =	vst v3;
	v2 =	vmul.f32 v2, v0  }
0x96: {  	v3 =	vld.idx.msk [tilespmem:v11+s24+$0x0], $0xffff;
	[tilespmem:s23+$0xB0] =	vst v1;
	v7 =	vmul.f32 v7, v0  }
0x97: {  	s23 =	sadd.s32 $0x200, s23;
	v1 =	vld.idx.msk [tilespmem:v10+s24+$0x0], $0xffff;
	[tilespmem:s26+$0xC0] =	vst v2;
	v2 =	vmul.f32 v6, v0  }
0x98: {  	v6 =	vld [tilespmem:s23+$0x70];
	[tilespmem:s26+$0xD0] =	vst v7;
	v8 =	vmul.f32 v8, v0  }
0x99: {  	v7 =	vld [tilespmem:s23+$0xFFFFFF00];
	[tilespmem:s26+$0xE0] =	vst v2  }
0x9a: {  	v0 =	vmov v4;
	v2 =	vld [tilespmem:s23+$0xFFFFFF10];
	[tilespmem:s26+$0xF0] =	vst v8;
	s26 =	smov.u32 s23  }
0x9b: {  	v4 =	vld [tilespmem:s23+$0xFFFFFF20]  }
0x9c: {  	v8 =	vld [tilespmem:s23+$0xFFFFFF30]  }
0x9d: {  	v9 =	vld [tilespmem:s23+$0xFFFFFF40];
	v6 =	vmul.f32 v6, v1  }
0x9e: {  	v7 =	vmul.f32 v7, v5;
	v10 =	vld [tilespmem:s23+$0xFFFFFF50]  }
0x9f: {  	v2 =	vmul.f32 v2, v5;
	v11 =	vld [tilespmem:s23+$0xFFFFFF60];
	[tilespmem:s23+$0x70] =	vst v6  }
0xa0: {  	[tilespmem:s23+$0xFFFFFF00] =	vst v7;
	v4 =	vmul.f32 v4, v5;
	v6 =	vld [tilespmem:s23+$0xFFFFFF70]  }
0xa1: {  	[tilespmem:s23+$0xFFFFFF10] =	vst v2;
	v2 =	vmul.f32 v8, v5;
	v7 =	vld [tilespmem:s23+$0xFFFFFF80]  }
0xa2: {  	[tilespmem:s23+$0xFFFFFF20] =	vst v4;
	v4 =	vmul.f32 v9, v5;
	v8 =	vld [tilespmem:s23+$0xFFFFFF90]  }
0xa3: {  	[tilespmem:s23+$0xFFFFFF30] =	vst v2;
	v2 =	vmul.f32 v10, v5;
	v9 =	vld [tilespmem:s23+$0xFFFFFFA0]  }
0xa4: {  	[tilespmem:s23+$0xFFFFFF40] =	vst v4;
	v4 =	vmul.f32 v11, v5;
	v10 =	vld [tilespmem:s23+$0xFFFFFFB0]  }
0xa5: {  	[tilespmem:s23+$0xFFFFFF50] =	vst v2;
	v2 =	vmul.f32 v6, v5;
	v5 =	vld [tilespmem:s23+$0xFFFFFFC0]  }
0xa6: {  	[tilespmem:s23+$0xFFFFFF60] =	vst v4;
	v4 =	vmul.f32 v7, v3;
	v6 =	vld [tilespmem:s23+$0xFFFFFFD0]  }
0xa7: {  	[tilespmem:s23+$0xFFFFFF70] =	vst v2;
	v2 =	vmul.f32 v8, v3;
	v7 =	vld [tilespmem:s23+$0xFFFFFFE0]  }
0xa8: {  	[tilespmem:s23+$0xFFFFFF80] =	vst v4;
	v4 =	vmul.f32 v9, v3;
	v8 =	vld [tilespmem:s23+$0xFFFFFFF0]  }
0xa9: {  	[tilespmem:s23+$0xFFFFFF90] =	vst v2;
	v2 =	vmul.f32 v10, v3;
	v9 =	vld [tilespmem:s23+$0x0]  }
0xaa: {  	[tilespmem:s23+$0xFFFFFFA0] =	vst v4;
	v4 =	vmul.f32 v5, v3;
	v5 =	vld [tilespmem:s23+$0x10]  }
0xab: {  	[tilespmem:s23+$0xFFFFFFB0] =	vst v2;
	v2 =	vmul.f32 v6, v3;
	v6 =	vld [tilespmem:s23+$0x20]  }
0xac: {  	[tilespmem:s23+$0xFFFFFFC0] =	vst v4;
	v4 =	vmul.f32 v7, v3;
	v10 =	vld [tilespmem:s23+$0x30]  }
0xad: {  	[tilespmem:s23+$0xFFFFFFD0] =	vst v2;
	v2 =	vmul.f32 v8, v3;
	v8 =	vld [tilespmem:s23+$0x40]  }
.Ltmp2:
0xae: {  	[tilespmem:s23+$0xFFFFFFE0] =	vst v4;
	v4 =	vmul.f32 v9, v1;
	v3 =	vld [tilespmem:s23+$0x50];
	(pc) =	sbr.rel @p2 .LBB2_3-.Ltmp2, $4  }
0xaf: {  	[tilespmem:s23+$0xFFFFFFF0] =	vst v2;
	v5 =	vmul.f32 v5, v1;
	v2 =	vld [tilespmem:s23+$0x60]  }
0xb0: {  	s20 =	sadd.s32 $0x3, s29;
	v9 =	vmov s29;
	[tilespmem:s23+$0x0] =	vst v4;
	v12 =	vmul.f32 v6, v1;
	v7 =	vld [tilespmem:s23+$0x80]  }
0xb1: {  	s19 =	sadd.s32 $0x1, s29;
	v11 =	vand.u32 $0xFFFFFFFC, v9;
	v4 =	vmov s20;
	[tilespmem:s23+$0x10] =	vst v5;
	v9 =	vmul.f32 v10, v1;
	v6 =	vld [tilespmem:s23+$0x90]  }
0xb2: {  	s20 =	sadd.s32 $0x2, s29;
	s29 =	sadd.s32 $0x4, s29;
	v5 =	vbroadcast v11, $0x0;
	v11 =	vmov s19;
	[tilespmem:s23+$0x20] =	vst v12;
	v10 =	vmul.f32 v8, v1;
	v8 =	vld [tilespmem:s23+$0xA0]  }
0xb3: {  	v12 =	vld [tilespmem:s23+$0xB0]  }
0xb4: {  	v14 =	vld [tilespmem:s23+$0xC0]  }
0xb5: {  	v13 =	vmov s20;
	v15 =	vld [tilespmem:s23+$0xD0]  }
0xb6: {  	v16 =	vld [tilespmem:s23+$0xE0];
	[tilespmem:s23+$0x30] =	vst v9;
	v3 =	vmul.f32 v3, v1;
	v13 =	vand.u32 $0xFFFFFFFE, v13  }
0xb7: {  	v11 =	vand.u32 $0xFFFFFFFD, v11;
	v4 =	vld.idx.msk [tilespmem:v4+s24+$0x0], $0xffff;
	[tilespmem:s23+$0x40] =	vst v10;
	v1 =	vmul.f32 v2, v1;
	v13 =	vbroadcast v13, $0x0  }
0xb8: {  	s29 =	sadd.s32 $0x200, s23;
	v11 =	vbroadcast v11, $0x0;
	v2 =	vld.idx.msk [tilespmem:v5+s24+$0x0], $0xffff;
	v7 =	vmul.f32 v7, v0;
	[tilespmem:s23+$0x50] =	vst v3  }
0xb9: {  	v9 =	vld [tilespmem:s29+$0xFFFFFF00];
	v3 =	vmul.f32 v6, v0;
	[tilespmem:s23+$0x60] =	vst v1  }
0xba: {  	[tilespmem:s23+$0x80] =	vst v7;
	v7 =	vld [tilespmem:s23+$0xF0];
	v1 =	vmul.f32 v8, v0  }
0xbb: {  	v10 =	vld [tilespmem:s29+$0xFFFFFF10];
	[tilespmem:s23+$0x90] =	vst v3;
	v3 =	vmul.f32 v12, v0  }
0xbc: {  	v8 =	vld [tilespmem:s29+$0x70];
	[tilespmem:s23+$0xA0] =	vst v1;
	v1 =	vmul.f32 v14, v0  }
0xbd: {  	[tilespmem:s23+$0xB0] =	vst v3;
	v3 =	vmul.f32 v15, v0;
	v6 =	vld.idx.msk [tilespmem:v13+s24+$0x0], $0xffff  }
0xbe: {  	v5 =	vld.idx.msk [tilespmem:v11+s24+$0x0], $0xffff;
	[tilespmem:s26+$0xC0] =	vst v1;
	v1 =	vmul.f32 v16, v0  }
0xbf: {  	v11 =	vld [tilespmem:s29+$0xFFFFFF20];
	[tilespmem:s26+$0xD0] =	vst v3;
	v0 =	vmul.f32 v7, v0  }
0xc0: {  	v3 =	vld [tilespmem:s29+$0xFFFFFF30];
	[tilespmem:s26+$0xE0] =	vst v1  }
0xc1: {  	v1 =	vld [tilespmem:s29+$0xFFFFFF40];
	[tilespmem:s26+$0xF0] =	vst v0;
	v0 =	vmul.f32 v9, v2  }
0xc2: {  	v7 =	vmul.f32 v8, v6;
	v8 =	vld [tilespmem:s29+$0xFFFFFF50]  }
0xc3: {  	v9 =	vmul.f32 v10, v2;
	v10 =	vld [tilespmem:s29+$0xFFFFFF60];
	[tilespmem:s29+$0xFFFFFF00] =	vst v0  }
0xc4: {  	v0 =	vmul.f32 v11, v2;
	[tilespmem:s29+$0x70] =	vst v7;
	v7 =	vld [tilespmem:s29+$0xFFFFFF70]  }
0xc5: {  	[tilespmem:s29+$0xFFFFFF10] =	vst v9;
	v9 =	vld [tilespmem:s29+$0xFFFFFF80];
	v3 =	vmul.f32 v3, v2  }
0xc6: {  	[tilespmem:s29+$0xFFFFFF20] =	vst v0;
	v0 =	vmul.f32 v1, v2;
	v1 =	vld [tilespmem:s29+$0xFFFFFF90]  }
0xc7: {  	[tilespmem:s29+$0xFFFFFF30] =	vst v3;
	v3 =	vmul.f32 v8, v2;
	v8 =	vld [tilespmem:s29+$0xFFFFFFA0]  }
0xc8: {  	[tilespmem:s29+$0xFFFFFF40] =	vst v0;
	v0 =	vmul.f32 v10, v2;
	v10 =	vld [tilespmem:s29+$0xFFFFFFB0]  }
0xc9: {  	[tilespmem:s29+$0xFFFFFF50] =	vst v3;
	v2 =	vmul.f32 v7, v2;
	v3 =	vld [tilespmem:s29+$0xFFFFFFC0]  }
0xca: {  	[tilespmem:s29+$0xFFFFFF60] =	vst v0;
	v0 =	vmul.f32 v9, v5;
	v7 =	vld [tilespmem:s29+$0xFFFFFFD0]  }
0xcb: {  	v1 =	vmul.f32 v1, v5;
	[tilespmem:s29+$0xFFFFFF70] =	vst v2;
	v2 =	vld [tilespmem:s29+$0xFFFFFFE0]  }
0xcc: {  	[tilespmem:s29+$0xFFFFFF80] =	vst v0;
	v0 =	vmul.f32 v8, v5;
	v8 =	vld [tilespmem:s29+$0xFFFFFFF0]  }
0xcd: {  	v9 =	vld [tilespmem:s29+$0x0];
	[tilespmem:s29+$0xFFFFFF90] =	vst v1;
	v1 =	vmul.f32 v10, v5  }
0xce: {  	[tilespmem:s29+$0xFFFFFFA0] =	vst v0;
	v0 =	vmul.f32 v3, v5;
	v3 =	vld [tilespmem:s29+$0x10]  }
0xcf: {  	[tilespmem:s29+$0xFFFFFFB0] =	vst v1;
	v1 =	vmul.f32 v7, v5;
	v7 =	vld [tilespmem:s29+$0x20]  }
0xd0: {  	[tilespmem:s29+$0xFFFFFFC0] =	vst v0;
	v0 =	vmul.f32 v2, v5;
	v2 =	vld [tilespmem:s29+$0x30]  }
0xd1: {  	[tilespmem:s29+$0xFFFFFFD0] =	vst v1;
	v1 =	vmul.f32 v8, v5;
	v5 =	vld [tilespmem:s29+$0x40]  }
0xd2: {  	v8 =	vld [tilespmem:s29+$0x50];
	[tilespmem:s29+$0xFFFFFFE0] =	vst v0;
	v0 =	vmul.f32 v9, v6  }
0xd3: {  	[tilespmem:s29+$0xFFFFFFF0] =	vst v1;
	v1 =	vmul.f32 v3, v6;
	v3 =	vld [tilespmem:s29+$0x60]  }
0xd4: {  	[tilespmem:s29+$0x0] =	vst v0;
	v0 =	vmul.f32 v7, v6;
	v7 =	vld [tilespmem:s29+$0x80]  }
0xd5: {  	[tilespmem:s29+$0x10] =	vst v1;
	v1 =	vmul.f32 v2, v6;
	v2 =	vld [tilespmem:s29+$0x90]  }
0xd6: {  	[tilespmem:s29+$0x20] =	vst v0;
	v0 =	vmul.f32 v5, v6;
	v5 =	vld [tilespmem:s29+$0xA0]  }
0xd7: {  	[tilespmem:s29+$0x30] =	vst v1;
	v1 =	vmul.f32 v8, v6;
	v8 =	vld [tilespmem:s29+$0xB0]  }
0xd8: {  	[tilespmem:s29+$0x40] =	vst v0;
	v0 =	vmul.f32 v3, v6;
	v3 =	vld [tilespmem:s29+$0xC0]  }
0xd9: {  	v6 =	vld [tilespmem:s29+$0xD0];
	[tilespmem:s29+$0x50] =	vst v1;
	v1 =	vmul.f32 v7, v4  }
0xda: {  	[tilespmem:s29+$0x60] =	vst v0;
	v0 =	vmul.f32 v2, v4;
	v2 =	vld [tilespmem:s29+$0xE0]  }
0xdb: {  	[tilespmem:s29+$0x80] =	vst v1;
	v1 =	vmul.f32 v5, v4;
	v5 =	vld [tilespmem:s29+$0xF0]  }
0xdc: {  	[tilespmem:s29+$0x90] =	vst v0;
	v0 =	vmul.f32 v8, v4  }
0xdd: {  	[tilespmem:s29+$0xA0] =	vst v1;
	v1 =	vmul.f32 v3, v4  }
0xde: {  	[tilespmem:s29+$0xB0] =	vst v0;
	v0 =	vmul.f32 v6, v4  }
0xdf: {  	[tilespmem:s29+$0xC0] =	vst v1;
	v1 =	vmul.f32 v2, v4  }
0xe0: {  	[tilespmem:s29+$0xD0] =	vst v0;
	v0 =	vmul.f32 v5, v4  }
0xe1: {  	[tilespmem:s29+$0xE0] =	vst v1  }
0xe2: {  	[tilespmem:s29+$0xF0] =	vst v0  }
0xe3: {  	_ =	swait.ge [sflag:s10], $0x80  }
0xe4: {  	[sflag:s10] =	ssyncset.done $0x0  }
0xe5: {  	s19 =	simm.s32 $0x300;
	s26 =	simm.s32 $0x480;
	[sflag:s10] =	ssyncadd.s32 $0xFFFFFF80  }
0xe6: {  	[spmem:s2] =	stream.indirect.scatter.add.f32 [tilespmem:s26], [sflag:$0xA], $0x80, s19, s28, $0xb8;
	[tilespmem:$0x1FD00] =	vst v63  }
0xe7: {  	s19 =	sadd.s32 $0x2, s22  }
0xe8: {  	s23 =	sshll.u32 s19, $0x7  }
0xe9: {  	s20 =	sadd.s32 s8, s23  }
0xea: {  	s20 =	sshrl.u32 s20, $0x3  }
0xeb: {  	s26 =	sadd.s32 s5, s20  }
0xec: {  	[tilespmem:s11], [sflag:$0x3] =	stream.linear.gather [hbm4b:s26+s4], $0x80, $0x38;
	[tilespmem:$0x1FD00] =	vst v63  }
0xed: {  	s20 =	sadd.s32 s7, s20  }
0xee: {  	[tilespmem:s12], [sflag:$0x3] =	stream.linear.gather [hbm4b:s20+s4], $0x80, $0x38;
	[tilespmem:$0x1FD00] =	vst v63  }
0xef: {  	_ =	swait.ge [sflag:s13], $0x4000  }
0xf0: {  	[sflag:s13] =	ssyncset.done $0x0  }
0xf1: {  	[sflag:s13] =	ssyncadd.s32 $0xFFFFC000  }
0xf2: {  	_ =	swait.ge [sflag:s15], $0x80  }
0xf3: {  	[sflag:s15] =	ssyncset.done $0x0  }
0xf4: {  	[sflag:s15] =	ssyncadd.s32 $0xFFFFFF80  }
0xf5: {  	s23 =	simm.s32 $0x0;
	_ =	swait.ge [sflag:s15], $0x80  }
0xf6: {  	v0 =	vmov s23;
	s26 =	simm.s32 $0x2;
	[sflag:s15] =	ssyncset.done $0x0  }
0xf7: {  	v0 =	vand.u32 $0xFFFFFFFC, v0;
	v1 =	vmov s26;
	s20 =	simm.s32 @!p1 $0xC;
	[sflag:s15] =	ssyncadd.s32 $0xFFFFFF80  }
0xf8: {  	s19 =	sadd.s32 s14, s19;
	v0 =	vbroadcast v0, $0x0;
	v1 =	vand.u32 $0xFFFFFFFE, v1;
	_ =	swait.ge @!p1 [sflag:s20], $0x4000  }
0xf9: {  	s19 =	sshll.u32 s19, $0x4;
	v1 =	vbroadcast v1, $0x0;
	[sflag:s20] =	ssyncset.done @!p1 $0x0  }
0xfa: {  	s19 =	sand.u32 $0xFFFFFF0, s19;
	[sflag:s20] =	ssyncadd.s32 @!p1 $0xFFFFC000  }
0xfb: {  	[tilespmem:s16], [sflag:$0x9] =	stream.indirect.gather [hbm4b:s1+s28], $0x80, s11, s28, $0xb8;
	[tilespmem:$0x1FD00] =	vst v63  }
0xfc: {  	s19 =	sadd.s32 s6, s19  }
0xfd: {  	[tilespmem:s17], [sflag:$0x6] =	stream.linear.gather [hbm4b:s19+s23], $0x80, $0x38;
	[tilespmem:$0x1FD00] =	vst v63  }
0xfe: {  	v0 =	vld.idx.msk [tilespmem:v0+s30+$0x0], $0xffff  }
0xff: {  	s26 =	simm.s32 $0x1;
	s23 =	simm.s32 $0x4580;
	v1 =	vld.idx.msk [tilespmem:v1+s30+$0x0], $0xffff  }
0x100: {  	v2 =	vmov s26;
	v3 =	vld [tilespmem:s23+$0x70]  }
0x101: {  	v2 =	vand.u32 $0xFFFFFFFD, v2;
	v4 =	vld [tilespmem:s23+$0xFFFFFF00]  }
0x102: {  	v2 =	vbroadcast v2, $0x0;
	v5 =	vld [tilespmem:s23+$0xFFFFFF10]  }
0x103: {  	v6 =	vld [tilespmem:s23+$0xFFFFFF20]  }
0x104: {  	v7 =	vld [tilespmem:s23+$0xFFFFFF30]  }
0x105: {  	v8 =	vld [tilespmem:s23+$0xFFFFFF40]  }
0x106: {  	v9 =	vld [tilespmem:s23+$0xFFFFFF50]  }
0x107: {  	v10 =	vld [tilespmem:s23+$0xFFFFFF60];
	v4 =	vmul.f32 v4, v0  }
0x108: {  	v2 =	vld.idx.msk [tilespmem:v2+s30+$0x0], $0xffff;
	v3 =	vmul.f32 v3, v1  }
0x109: {  	v63 =	vld [tilespmem:s23+$0x40];
	[tilespmem:s23+$0xFFFFFF00] =	vst v4;
	v4 =	vmul.f32 v5, v0  }
0x10a: {  	v5 =	vld [tilespmem:s23+$0xFFFFFF70];
	[tilespmem:s23+$0x70] =	vst v3;
	v3 =	vmul.f32 v6, v0  }
0x10b: {  	v6 =	vld [tilespmem:s23+$0xFFFFFF80];
	[tilespmem:s23+$0xFFFFFF10] =	vst v4;
	v4 =	vmul.f32 v7, v0  }
0x10c: {  	v7 =	vld [tilespmem:s23+$0xFFFFFF90];
	[tilespmem:s23+$0xFFFFFF20] =	vst v3;
	v3 =	vmul.f32 v8, v0  }
0x10d: {  	v8 =	vld [tilespmem:s23+$0xFFFFFFA0];
	[tilespmem:s23+$0xFFFFFF30] =	vst v4;
	v4 =	vmul.f32 v9, v0  }
0x10e: {  	v9 =	vld [tilespmem:s23+$0xFFFFFFB0];
	[tilespmem:s23+$0xFFFFFF40] =	vst v3;
	v3 =	vmul.f32 v10, v0  }
0x10f: {  	v10 =	vld [tilespmem:s23+$0xFFFFFFC0];
	v5 =	vmul.f32 v5, v0;
	[tilespmem:s23+$0xFFFFFF50] =	vst v4  }
0x110: {  	v4 =	vmul.f32 v6, v2;
	v6 =	vld [tilespmem:s23+$0xFFFFFFD0];
	[tilespmem:s23+$0xFFFFFF60] =	vst v3  }
0x111: {  	s20 =	simm.s32 $0x3;
	v3 =	vld [tilespmem:s23+$0xFFFFFFE0];
	v7 =	vmul.f32 v7, v2;
	[tilespmem:s23+$0xFFFFFF70] =	vst v5  }
0x112: {  	v11 =	vmov s20;
	v5 =	vld [tilespmem:s23+$0xFFFFFFF0];
	[tilespmem:s23+$0xFFFFFF80] =	vst v4;
	v4 =	vmul.f32 v8, v2  }
0x113: {  	v8 =	vld [tilespmem:s23+$0x0];
	[tilespmem:s23+$0xFFFFFF90] =	vst v7;
	v7 =	vmul.f32 v9, v2  }
0x114: {  	v9 =	vld [tilespmem:s23+$0x10];
	[tilespmem:s23+$0xFFFFFFA0] =	vst v4;
	v4 =	vmul.f32 v10, v2  }
0x115: {  	[tilespmem:s23+$0xFFFFFFB0] =	vst v7;
	v6 =	vmul.f32 v6, v2;
	v7 =	vld [tilespmem:s23+$0x20]  }
0x116: {  	v10 =	vld [tilespmem:s23+$0x30];
	v3 =	vmul.f32 v3, v2;
	[tilespmem:s23+$0xFFFFFFC0] =	vst v4  }
0x117: {  	v0 =	vld.idx.msk [tilespmem:v11+s30+$0x0], $0xffff;
	v2 =	vmul.f32 v5, v2;
	[tilespmem:s23+$0xFFFFFFD0] =	vst v6  }
0x118: {  	[tilespmem:s23+$0xFFFFFFE0] =	vst v3;
	v4 =	vmul.f32 v8, v1;
	v3 =	vld [tilespmem:s23+$0x50]  }
0x119: {  	s26 =	simm.s32 $0x4;
	[tilespmem:s23+$0xFFFFFFF0] =	vst v2;
	v5 =	vmul.f32 v9, v1;
	v2 =	vld [tilespmem:s23+$0x60]  }
0x11a: {  	s20 =	simm.s32 $0x7;
	v6 =	vmov s26;
	[tilespmem:s23+$0x0] =	vst v4;
	v8 =	vmul.f32 v7, v1;
	v7 =	vld [tilespmem:s23+$0x80]  }
0x11b: {  	s26 =	simm.s32 $0x5;
	v11 =	vand.u32 $0xFFFFFFFC, v6;
	v6 =	vld [tilespmem:s23+$0x90];
	v4 =	vmov s20;
	v9 =	vmul.f32 v10, v1;
	[tilespmem:s23+$0x10] =	vst v5  }
0x11c: {  	s29 =	simm.s32 $0x8;
	s20 =	simm.s32 $0x6;
	v10 =	vmul.f32 v63, v1;
	v5 =	vbroadcast v11, $0x0;
	v11 =	vmov s26;
	s26 =	simm.s32 $0x4580;
	[tilespmem:s23+$0x20] =	vst v8;
	v8 =	vld [tilespmem:s23+$0xA0]  }
.LBB2_5:
0x11d: {  	p1 =	slt.u32 s29, $0x7C;
	v11 =	vand.u32 $0xFFFFFFFD, v11;
	v12 =	vmov s20;
	[tilespmem:s23+$0x30] =	vst v9;
	v3 =	vmul.f32 v3, v1;
	v9 =	vld [tilespmem:s23+$0xB0]  }
0x11e: {  	v11 =	vbroadcast v11, $0x0;
	v12 =	vand.u32 $0xFFFFFFFE, v12;
	[tilespmem:s23+$0x40] =	vst v10;
	v1 =	vmul.f32 v2, v1;
	v2 =	vld [tilespmem:s23+$0xC0]  }
0x11f: {  	v10 =	vbroadcast v12, $0x0;
	[tilespmem:s23+$0x50] =	vst v3;
	v3 =	vmul.f32 v7, v0;
	v7 =	vld [tilespmem:s23+$0xD0]  }
0x120: {  	[tilespmem:s23+$0x60] =	vst v1;
	v1 =	vmul.f32 v6, v0;
	v6 =	vld [tilespmem:s23+$0xE0]  }
0x121: {  	[tilespmem:s23+$0x80] =	vst v3;
	v3 =	vmul.f32 v8, v0;
	v8 =	vld [tilespmem:s23+$0xF0]  }
0x122: {  	v4 =	vld.idx.msk [tilespmem:v4+s30+$0x0], $0xffff;
	[tilespmem:s23+$0x90] =	vst v1;
	v1 =	vmul.f32 v9, v0  }
0x123: {  	v5 =	vld.idx.msk [tilespmem:v5+s30+$0x0], $0xffff;
	[tilespmem:s23+$0xA0] =	vst v3;
	v2 =	vmul.f32 v2, v0  }
0x124: {  	v3 =	vld.idx.msk [tilespmem:v11+s30+$0x0], $0xffff;
	[tilespmem:s23+$0xB0] =	vst v1;
	v7 =	vmul.f32 v7, v0  }
0x125: {  	s23 =	sadd.s32 $0x200, s23;
	v1 =	vld.idx.msk [tilespmem:v10+s30+$0x0], $0xffff;
	[tilespmem:s26+$0xC0] =	vst v2;
	v2 =	vmul.f32 v6, v0  }
0x126: {  	v6 =	vld [tilespmem:s23+$0x70];
	[tilespmem:s26+$0xD0] =	vst v7;
	v8 =	vmul.f32 v8, v0  }
0x127: {  	v7 =	vld [tilespmem:s23+$0xFFFFFF00];
	[tilespmem:s26+$0xE0] =	vst v2  }
0x128: {  	v0 =	vmov v4;
	v2 =	vld [tilespmem:s23+$0xFFFFFF10];
	[tilespmem:s26+$0xF0] =	vst v8;
	s26 =	smov.u32 s23  }
0x129: {  	v4 =	vld [tilespmem:s23+$0xFFFFFF20]  }
0x12a: {  	v8 =	vld [tilespmem:s23+$0xFFFFFF30]  }
0x12b: {  	v9 =	vld [tilespmem:s23+$0xFFFFFF40];
	v6 =	vmul.f32 v6, v1  }
0x12c: {  	v7 =	vmul.f32 v7, v5;
	v10 =	vld [tilespmem:s23+$0xFFFFFF50]  }
0x12d: {  	v2 =	vmul.f32 v2, v5;
	v11 =	vld [tilespmem:s23+$0xFFFFFF60];
	[tilespmem:s23+$0x70] =	vst v6  }
0x12e: {  	[tilespmem:s23+$0xFFFFFF00] =	vst v7;
	v4 =	vmul.f32 v4, v5;
	v6 =	vld [tilespmem:s23+$0xFFFFFF70]  }
0x12f: {  	[tilespmem:s23+$0xFFFFFF10] =	vst v2;
	v2 =	vmul.f32 v8, v5;
	v7 =	vld [tilespmem:s23+$0xFFFFFF80]  }
0x130: {  	[tilespmem:s23+$0xFFFFFF20] =	vst v4;
	v4 =	vmul.f32 v9, v5;
	v8 =	vld [tilespmem:s23+$0xFFFFFF90]  }
0x131: {  	[tilespmem:s23+$0xFFFFFF30] =	vst v2;
	v2 =	vmul.f32 v10, v5;
	v9 =	vld [tilespmem:s23+$0xFFFFFFA0]  }
0x132: {  	[tilespmem:s23+$0xFFFFFF40] =	vst v4;
	v4 =	vmul.f32 v11, v5;
	v10 =	vld [tilespmem:s23+$0xFFFFFFB0]  }
0x133: {  	[tilespmem:s23+$0xFFFFFF50] =	vst v2;
	v2 =	vmul.f32 v6, v5;
	v5 =	vld [tilespmem:s23+$0xFFFFFFC0]  }
0x134: {  	[tilespmem:s23+$0xFFFFFF60] =	vst v4;
	v4 =	vmul.f32 v7, v3;
	v6 =	vld [tilespmem:s23+$0xFFFFFFD0]  }
0x135: {  	[tilespmem:s23+$0xFFFFFF70] =	vst v2;
	v2 =	vmul.f32 v8, v3;
	v7 =	vld [tilespmem:s23+$0xFFFFFFE0]  }
0x136: {  	[tilespmem:s23+$0xFFFFFF80] =	vst v4;
	v4 =	vmul.f32 v9, v3;
	v8 =	vld [tilespmem:s23+$0xFFFFFFF0]  }
0x137: {  	[tilespmem:s23+$0xFFFFFF90] =	vst v2;
	v2 =	vmul.f32 v10, v3;
	v9 =	vld [tilespmem:s23+$0x0]  }
0x138: {  	[tilespmem:s23+$0xFFFFFFA0] =	vst v4;
	v4 =	vmul.f32 v5, v3;
	v5 =	vld [tilespmem:s23+$0x10]  }
0x139: {  	[tilespmem:s23+$0xFFFFFFB0] =	vst v2;
	v2 =	vmul.f32 v6, v3;
	v6 =	vld [tilespmem:s23+$0x20]  }
0x13a: {  	[tilespmem:s23+$0xFFFFFFC0] =	vst v4;
	v4 =	vmul.f32 v7, v3;
	v10 =	vld [tilespmem:s23+$0x30]  }
0x13b: {  	[tilespmem:s23+$0xFFFFFFD0] =	vst v2;
	v2 =	vmul.f32 v8, v3;
	v8 =	vld [tilespmem:s23+$0x40]  }
.Ltmp3:
0x13c: {  	[tilespmem:s23+$0xFFFFFFE0] =	vst v4;
	v4 =	vmul.f32 v9, v1;
	v3 =	vld [tilespmem:s23+$0x50];
	(pc) =	sbr.rel @p1 .LBB2_5-.Ltmp3, $4  }
0x13d: {  	[tilespmem:s23+$0xFFFFFFF0] =	vst v2;
	v5 =	vmul.f32 v5, v1;
	v2 =	vld [tilespmem:s23+$0x60]  }
0x13e: {  	s19 =	sadd.s32 $0x3, s29;
	v9 =	vmov s29;
	[tilespmem:s23+$0x0] =	vst v4;
	v12 =	vmul.f32 v6, v1;
	v7 =	vld [tilespmem:s23+$0x80]  }
0x13f: {  	s20 =	sadd.s32 $0x1, s29;
	v11 =	vand.u32 $0xFFFFFFFC, v9;
	v4 =	vmov s19;
	[tilespmem:s23+$0x10] =	vst v5;
	v9 =	vmul.f32 v10, v1;
	v6 =	vld [tilespmem:s23+$0x90]  }
0x140: {  	v5 =	vbroadcast v11, $0x0;
	v11 =	vmov s20;
	s20 =	sadd.s32 $0x2, s29;
	s29 =	sadd.s32 $0x4, s29;
	[tilespmem:s23+$0x20] =	vst v12;
	v10 =	vmul.f32 v8, v1;
	v8 =	vld [tilespmem:s23+$0xA0]  }
0x141: {  	v12 =	vld [tilespmem:s23+$0xB0]  }
0x142: {  	v14 =	vld [tilespmem:s23+$0xC0]  }
0x143: {  	v13 =	vmov s20;
	v15 =	vld [tilespmem:s23+$0xD0]  }
0x144: {  	v16 =	vld [tilespmem:s23+$0xE0];
	[tilespmem:s23+$0x30] =	vst v9;
	v3 =	vmul.f32 v3, v1;
	v13 =	vand.u32 $0xFFFFFFFE, v13  }
0x145: {  	v11 =	vand.u32 $0xFFFFFFFD, v11;
	v4 =	vld.idx.msk [tilespmem:v4+s30+$0x0], $0xffff;
	[tilespmem:s23+$0x40] =	vst v10;
	v1 =	vmul.f32 v2, v1;
	v13 =	vbroadcast v13, $0x0  }
0x146: {  	s29 =	sadd.s32 $0x200, s23;
	v11 =	vbroadcast v11, $0x0;
	v2 =	vld.idx.msk [tilespmem:v5+s30+$0x0], $0xffff;
	v7 =	vmul.f32 v7, v0;
	[tilespmem:s23+$0x50] =	vst v3  }
0x147: {  	v9 =	vld [tilespmem:s29+$0xFFFFFF00];
	v3 =	vmul.f32 v6, v0;
	[tilespmem:s23+$0x60] =	vst v1  }
0x148: {  	[tilespmem:s23+$0x80] =	vst v7;
	v7 =	vld [tilespmem:s23+$0xF0];
	v1 =	vmul.f32 v8, v0  }
0x149: {  	v10 =	vld [tilespmem:s29+$0xFFFFFF10];
	[tilespmem:s23+$0x90] =	vst v3;
	v3 =	vmul.f32 v12, v0  }
0x14a: {  	v8 =	vld [tilespmem:s29+$0x70];
	[tilespmem:s23+$0xA0] =	vst v1;
	v1 =	vmul.f32 v14, v0  }
0x14b: {  	[tilespmem:s23+$0xB0] =	vst v3;
	v3 =	vmul.f32 v15, v0;
	v6 =	vld.idx.msk [tilespmem:v13+s30+$0x0], $0xffff  }
0x14c: {  	v5 =	vld.idx.msk [tilespmem:v11+s30+$0x0], $0xffff;
	[tilespmem:s26+$0xC0] =	vst v1;
	v1 =	vmul.f32 v16, v0  }
0x14d: {  	v11 =	vld [tilespmem:s29+$0xFFFFFF20];
	[tilespmem:s26+$0xD0] =	vst v3;
	v0 =	vmul.f32 v7, v0  }
0x14e: {  	v3 =	vld [tilespmem:s29+$0xFFFFFF30];
	[tilespmem:s26+$0xE0] =	vst v1  }
0x14f: {  	v1 =	vld [tilespmem:s29+$0xFFFFFF40];
	[tilespmem:s26+$0xF0] =	vst v0;
	v0 =	vmul.f32 v9, v2  }
0x150: {  	v7 =	vmul.f32 v8, v6;
	v8 =	vld [tilespmem:s29+$0xFFFFFF50]  }
0x151: {  	v9 =	vmul.f32 v10, v2;
	v10 =	vld [tilespmem:s29+$0xFFFFFF60];
	[tilespmem:s29+$0xFFFFFF00] =	vst v0  }
0x152: {  	v0 =	vmul.f32 v11, v2;
	[tilespmem:s29+$0x70] =	vst v7;
	v7 =	vld [tilespmem:s29+$0xFFFFFF70]  }
0x153: {  	[tilespmem:s29+$0xFFFFFF10] =	vst v9;
	v9 =	vld [tilespmem:s29+$0xFFFFFF80];
	v3 =	vmul.f32 v3, v2  }
0x154: {  	[tilespmem:s29+$0xFFFFFF20] =	vst v0;
	v0 =	vmul.f32 v1, v2;
	v1 =	vld [tilespmem:s29+$0xFFFFFF90]  }
0x155: {  	[tilespmem:s29+$0xFFFFFF30] =	vst v3;
	v3 =	vmul.f32 v8, v2;
	v8 =	vld [tilespmem:s29+$0xFFFFFFA0]  }
0x156: {  	[tilespmem:s29+$0xFFFFFF40] =	vst v0;
	v0 =	vmul.f32 v10, v2;
	v10 =	vld [tilespmem:s29+$0xFFFFFFB0]  }
0x157: {  	[tilespmem:s29+$0xFFFFFF50] =	vst v3;
	v2 =	vmul.f32 v7, v2;
	v3 =	vld [tilespmem:s29+$0xFFFFFFC0]  }
0x158: {  	[tilespmem:s29+$0xFFFFFF60] =	vst v0;
	v0 =	vmul.f32 v9, v5;
	v7 =	vld [tilespmem:s29+$0xFFFFFFD0]  }
0x159: {  	v1 =	vmul.f32 v1, v5;
	[tilespmem:s29+$0xFFFFFF70] =	vst v2;
	v2 =	vld [tilespmem:s29+$0xFFFFFFE0]  }
0x15a: {  	[tilespmem:s29+$0xFFFFFF80] =	vst v0;
	v0 =	vmul.f32 v8, v5;
	v8 =	vld [tilespmem:s29+$0xFFFFFFF0]  }
0x15b: {  	v9 =	vld [tilespmem:s29+$0x0];
	[tilespmem:s29+$0xFFFFFF90] =	vst v1;
	v1 =	vmul.f32 v10, v5  }
0x15c: {  	[tilespmem:s29+$0xFFFFFFA0] =	vst v0;
	v0 =	vmul.f32 v3, v5;
	v3 =	vld [tilespmem:s29+$0x10]  }
0x15d: {  	[tilespmem:s29+$0xFFFFFFB0] =	vst v1;
	v1 =	vmul.f32 v7, v5;
	v7 =	vld [tilespmem:s29+$0x20]  }
0x15e: {  	[tilespmem:s29+$0xFFFFFFC0] =	vst v0;
	v0 =	vmul.f32 v2, v5;
	v2 =	vld [tilespmem:s29+$0x30]  }
0x15f: {  	[tilespmem:s29+$0xFFFFFFD0] =	vst v1;
	v1 =	vmul.f32 v8, v5;
	v5 =	vld [tilespmem:s29+$0x40]  }
0x160: {  	v8 =	vld [tilespmem:s29+$0x50];
	[tilespmem:s29+$0xFFFFFFE0] =	vst v0;
	v0 =	vmul.f32 v9, v6  }
0x161: {  	[tilespmem:s29+$0xFFFFFFF0] =	vst v1;
	v1 =	vmul.f32 v3, v6;
	v3 =	vld [tilespmem:s29+$0x60]  }
0x162: {  	[tilespmem:s29+$0x0] =	vst v0;
	v0 =	vmul.f32 v7, v6;
	v7 =	vld [tilespmem:s29+$0x80]  }
0x163: {  	[tilespmem:s29+$0x10] =	vst v1;
	v1 =	vmul.f32 v2, v6;
	v2 =	vld [tilespmem:s29+$0x90]  }
0x164: {  	[tilespmem:s29+$0x20] =	vst v0;
	v0 =	vmul.f32 v5, v6;
	v5 =	vld [tilespmem:s29+$0xA0]  }
0x165: {  	[tilespmem:s29+$0x30] =	vst v1;
	v1 =	vmul.f32 v8, v6;
	v8 =	vld [tilespmem:s29+$0xB0]  }
0x166: {  	[tilespmem:s29+$0x40] =	vst v0;
	v0 =	vmul.f32 v3, v6;
	v3 =	vld [tilespmem:s29+$0xC0]  }
0x167: {  	v6 =	vld [tilespmem:s29+$0xD0];
	[tilespmem:s29+$0x50] =	vst v1;
	v1 =	vmul.f32 v7, v4  }
0x168: {  	[tilespmem:s29+$0x60] =	vst v0;
	v0 =	vmul.f32 v2, v4;
	v2 =	vld [tilespmem:s29+$0xE0]  }
0x169: {  	[tilespmem:s29+$0x80] =	vst v1;
	v1 =	vmul.f32 v5, v4;
	v5 =	vld [tilespmem:s29+$0xF0]  }
0x16a: {  	[tilespmem:s29+$0x90] =	vst v0;
	v0 =	vmul.f32 v8, v4  }
0x16b: {  	[tilespmem:s29+$0xA0] =	vst v1;
	v1 =	vmul.f32 v3, v4  }
0x16c: {  	[tilespmem:s29+$0xB0] =	vst v0;
	v0 =	vmul.f32 v6, v4  }
0x16d: {  	[tilespmem:s29+$0xC0] =	vst v1;
	v1 =	vmul.f32 v2, v4  }
0x16e: {  	[tilespmem:s29+$0xD0] =	vst v0;
	v0 =	vmul.f32 v5, v4  }
0x16f: {  	[tilespmem:s29+$0xE0] =	vst v1  }
0x170: {  	[tilespmem:s29+$0xF0] =	vst v0  }
0x171: {  	p1 =	seq.s32 s25, $0x1A;
	_ =	swait.ge [sflag:s18], $0x80  }
0x172: {  	s19 =	sadd.s32 @!p1 $0x3, s22;
	[sflag:s18] =	ssyncset.done $0x0  }
0x173: {  	s20 =	simm.s32 @p1 $0x9;
	s22 =	sshll.u32 @!p1 s19, $0x7;
	[sflag:s18] =	ssyncadd.s32 $0xFFFFFF80  }
0x174: {  	[spmem:s2] =	stream.indirect.scatter.add.f32 [tilespmem:s3], [sflag:$0xB], $0x80, s9, s28, $0xb8;
	[tilespmem:$0x1FD00] =	vst v63  }
0x175: {  	s22 =	sadd.s32 @!p1 s8, s22;
	_ =	swait.ge @p1 [sflag:s20], $0x4000  }
0x176: {  	s22 =	sshrl.u32 @!p1 s22, $0x3;
	[sflag:s20] =	ssyncset.done @p1 $0x0  }
0x177: {  	s23 =	simm.s32 @!p1 $0x0;
	[sflag:s20] =	ssyncadd.s32 @p1 $0xFFFFC000;
	s20 =	sadd.s32 @!p1 s5, s22  }
0x178: {  	[tilespmem:s23], [sflag:$0x1] =	stream.linear.gather @!p1 [hbm4b:s20+s23], $0x80, $0x38;
	[tilespmem:$0x1FD00] =	vst v63  }
0x179: {  	s20 =	sadd.s32 @!p1 s7, s22;
	s22 =	simm.s32 @!p1 $0x180  }
0x17a: {  	[tilespmem:s22], [sflag:$0x1] =	stream.linear.gather @!p1 [hbm4b:s20+s23], $0x80, $0x38;
	[tilespmem:$0x1FD00] =	vst v63  }
0x17b: {  	s20 =	simm.s32 @!p1 $0x9  }
0x17c: {  	_ =	swait.ge @!p1 [sflag:s20], $0x4000  }
0x17d: {  	[sflag:s20] =	ssyncset.done @!p1 $0x0  }
0x17e: {  	[sflag:s20] =	ssyncadd.s32 @!p1 $0xFFFFC000;
	s20 =	simm.s32 @!p1 $0x1  }
0x17f: {  	_ =	swait.ge @!p1 [sflag:s20], $0x80  }
0x180: {  	[sflag:s20] =	ssyncset.done @!p1 $0x0  }
0x181: {  	[sflag:s20] =	ssyncadd.s32 @!p1 $0xFFFFFF80  }
0x182: {  	s29 =	simm.s32 $0x0;
	_ =	swait.ge @!p1 [sflag:s20], $0x80  }
0x183: {  	s26 =	simm.s32 $0x2;
	v0 =	vmov s29;
	[sflag:s20] =	ssyncset.done @!p1 $0x0  }
0x184: {  	s19 =	sadd.s32 @!p1 s14, s19;
	v1 =	vmov s26;
	v0 =	vand.u32 $0xFFFFFFFC, v0;
	[sflag:s20] =	ssyncadd.s32 @!p1 $0xFFFFFF80;
	s20 =	simm.s32 @!p1 $0xA  }
0x185: {  	s19 =	sshll.u32 @!p1 s19, $0x4;
	v1 =	vand.u32 $0xFFFFFFFE, v1;
	v0 =	vbroadcast v0, $0x0;
	_ =	swait.ge @!p1 [sflag:s20], $0x4000  }
0x186: {  	s19 =	sand.u32 @!p1 $0xFFFFFF0, s19;
	v1 =	vbroadcast v1, $0x0;
	[sflag:s20] =	ssyncset.done @!p1 $0x0  }
0x187: {  	s22 =	simm.s32 @!p1 $0x480;
	[sflag:s20] =	ssyncadd.s32 @!p1 $0xFFFFC000;
	s20 =	simm.s32 @!p1 $0x80  }
0x188: {  	[tilespmem:s22], [sflag:$0x7] =	stream.indirect.gather @!p1 [hbm4b:s1+s20], $0x80, s23, s20, $0xb8;
	[tilespmem:$0x1FD00] =	vst v63  }
0x189: {  	s19 =	sadd.s32 @!p1 s6, s19;
	s20 =	simm.s32 @!p1 $0x300  }
0x18a: {  	[tilespmem:s20], [sflag:$0x4] =	stream.linear.gather @!p1 [hbm4b:s19+s23], $0x80, $0x38;
	[tilespmem:$0x1FD00] =	vst v63  }
0x18b: {  	v0 =	vld.idx.msk [tilespmem:v0+s12+$0x0], $0xffff  }
0x18c: {  	s29 =	simm.s32 $0x1;
	s22 =	simm.s32 $0x8580;
	v1 =	vld.idx.msk [tilespmem:v1+s12+$0x0], $0xffff  }
0x18d: {  	v2 =	vmov s29;
	v3 =	vld [tilespmem:s22+$0x70]  }
0x18e: {  	v2 =	vand.u32 $0xFFFFFFFD, v2;
	v4 =	vld [tilespmem:s22+$0xFFFFFF00]  }
0x18f: {  	v2 =	vbroadcast v2, $0x0;
	v5 =	vld [tilespmem:s22+$0xFFFFFF10]  }
0x190: {  	v6 =	vld [tilespmem:s22+$0xFFFFFF20]  }
0x191: {  	v7 =	vld [tilespmem:s22+$0xFFFFFF30]  }
0x192: {  	v8 =	vld [tilespmem:s22+$0xFFFFFF40]  }
0x193: {  	v9 =	vld [tilespmem:s22+$0xFFFFFF50]  }
0x194: {  	v10 =	vld [tilespmem:s22+$0xFFFFFF60];
	v4 =	vmul.f32 v4, v0  }
0x195: {  	v2 =	vld.idx.msk [tilespmem:v2+s12+$0x0], $0xffff;
	v3 =	vmul.f32 v3, v1  }
0x196: {  	v63 =	vld [tilespmem:s22+$0x40];
	[tilespmem:s22+$0xFFFFFF00] =	vst v4;
	v4 =	vmul.f32 v5, v0  }
0x197: {  	v5 =	vld [tilespmem:s22+$0xFFFFFF70];
	[tilespmem:s22+$0x70] =	vst v3;
	v3 =	vmul.f32 v6, v0  }
0x198: {  	v6 =	vld [tilespmem:s22+$0xFFFFFF80];
	[tilespmem:s22+$0xFFFFFF10] =	vst v4;
	v4 =	vmul.f32 v7, v0  }
0x199: {  	v7 =	vld [tilespmem:s22+$0xFFFFFF90];
	[tilespmem:s22+$0xFFFFFF20] =	vst v3;
	v3 =	vmul.f32 v8, v0  }
0x19a: {  	v8 =	vld [tilespmem:s22+$0xFFFFFFA0];
	[tilespmem:s22+$0xFFFFFF30] =	vst v4;
	v4 =	vmul.f32 v9, v0  }
0x19b: {  	v9 =	vld [tilespmem:s22+$0xFFFFFFB0];
	[tilespmem:s22+$0xFFFFFF40] =	vst v3;
	v3 =	vmul.f32 v10, v0  }
0x19c: {  	v10 =	vld [tilespmem:s22+$0xFFFFFFC0];
	v5 =	vmul.f32 v5, v0;
	[tilespmem:s22+$0xFFFFFF50] =	vst v4  }
0x19d: {  	v4 =	vmul.f32 v6, v2;
	v6 =	vld [tilespmem:s22+$0xFFFFFFD0];
	[tilespmem:s22+$0xFFFFFF60] =	vst v3  }
0x19e: {  	s20 =	simm.s32 $0x3;
	v3 =	vld [tilespmem:s22+$0xFFFFFFE0];
	v7 =	vmul.f32 v7, v2;
	[tilespmem:s22+$0xFFFFFF70] =	vst v5  }
0x19f: {  	v11 =	vmov s20;
	v5 =	vld [tilespmem:s22+$0xFFFFFFF0];
	[tilespmem:s22+$0xFFFFFF80] =	vst v4;
	v4 =	vmul.f32 v8, v2  }
0x1a0: {  	v8 =	vld [tilespmem:s22+$0x0];
	[tilespmem:s22+$0xFFFFFF90] =	vst v7;
	v7 =	vmul.f32 v9, v2  }
0x1a1: {  	v9 =	vld [tilespmem:s22+$0x10];
	[tilespmem:s22+$0xFFFFFFA0] =	vst v4;
	v4 =	vmul.f32 v10, v2  }
0x1a2: {  	[tilespmem:s22+$0xFFFFFFB0] =	vst v7;
	v6 =	vmul.f32 v6, v2;
	v7 =	vld [tilespmem:s22+$0x20]  }
0x1a3: {  	v10 =	vld [tilespmem:s22+$0x30];
	v3 =	vmul.f32 v3, v2;
	[tilespmem:s22+$0xFFFFFFC0] =	vst v4  }
0x1a4: {  	v0 =	vld.idx.msk [tilespmem:v11+s12+$0x0], $0xffff;
	v2 =	vmul.f32 v5, v2;
	[tilespmem:s22+$0xFFFFFFD0] =	vst v6  }
0x1a5: {  	[tilespmem:s22+$0xFFFFFFE0] =	vst v3;
	v4 =	vmul.f32 v8, v1;
	v3 =	vld [tilespmem:s22+$0x50]  }
0x1a6: {  	s23 =	simm.s32 $0x4;
	[tilespmem:s22+$0xFFFFFFF0] =	vst v2;
	v5 =	vmul.f32 v9, v1;
	v2 =	vld [tilespmem:s22+$0x60]  }
0x1a7: {  	s26 =	simm.s32 $0x7;
	v6 =	vmov s23;
	[tilespmem:s22+$0x0] =	vst v4;
	v8 =	vmul.f32 v7, v1;
	v7 =	vld [tilespmem:s22+$0x80]  }
0x1a8: {  	s29 =	simm.s32 $0x5;
	v11 =	vand.u32 $0xFFFFFFFC, v6;
	v6 =	vld [tilespmem:s22+$0x90];
	v4 =	vmov s26;
	v9 =	vmul.f32 v10, v1;
	[tilespmem:s22+$0x10] =	vst v5  }
0x1a9: {  	s20 =	simm.s32 $0x6;
	s23 =	simm.s32 $0x8580;
	s26 =	simm.s32 $0x8;
	v10 =	vmul.f32 v63, v1;
	v5 =	vbroadcast v11, $0x0;
	v11 =	vmov s29;
	[tilespmem:s22+$0x20] =	vst v8;
	v8 =	vld [tilespmem:s22+$0xA0]  }
.LBB2_7:
0x1aa: {  	p2 =	slt.u32 s26, $0x7C;
	v11 =	vand.u32 $0xFFFFFFFD, v11;
	v12 =	vmov s20;
	[tilespmem:s22+$0x30] =	vst v9;
	v3 =	vmul.f32 v3, v1;
	v9 =	vld [tilespmem:s22+$0xB0]  }
0x1ab: {  	v11 =	vbroadcast v11, $0x0;
	v12 =	vand.u32 $0xFFFFFFFE, v12;
	[tilespmem:s22+$0x40] =	vst v10;
	v1 =	vmul.f32 v2, v1;
	v2 =	vld [tilespmem:s22+$0xC0]  }
0x1ac: {  	v10 =	vbroadcast v12, $0x0;
	[tilespmem:s22+$0x50] =	vst v3;
	v3 =	vmul.f32 v7, v0;
	v7 =	vld [tilespmem:s22+$0xD0]  }
0x1ad: {  	[tilespmem:s22+$0x60] =	vst v1;
	v1 =	vmul.f32 v6, v0;
	v6 =	vld [tilespmem:s22+$0xE0]  }
0x1ae: {  	[tilespmem:s22+$0x80] =	vst v3;
	v3 =	vmul.f32 v8, v0;
	v8 =	vld [tilespmem:s22+$0xF0]  }
0x1af: {  	v4 =	vld.idx.msk [tilespmem:v4+s12+$0x0], $0xffff;
	[tilespmem:s22+$0x90] =	vst v1;
	v1 =	vmul.f32 v9, v0  }
0x1b0: {  	v5 =	vld.idx.msk [tilespmem:v5+s12+$0x0], $0xffff;
	[tilespmem:s22+$0xA0] =	vst v3;
	v2 =	vmul.f32 v2, v0  }
0x1b1: {  	v3 =	vld.idx.msk [tilespmem:v11+s12+$0x0], $0xffff;
	[tilespmem:s22+$0xB0] =	vst v1;
	v7 =	vmul.f32 v7, v0  }
0x1b2: {  	s22 =	sadd.s32 $0x200, s22;
	v1 =	vld.idx.msk [tilespmem:v10+s12+$0x0], $0xffff;
	[tilespmem:s23+$0xC0] =	vst v2;
	v2 =	vmul.f32 v6, v0  }
0x1b3: {  	v6 =	vld [tilespmem:s22+$0x70];
	[tilespmem:s23+$0xD0] =	vst v7;
	v8 =	vmul.f32 v8, v0  }
0x1b4: {  	v7 =	vld [tilespmem:s22+$0xFFFFFF00];
	[tilespmem:s23+$0xE0] =	vst v2  }
0x1b5: {  	v0 =	vmov v4;
	v2 =	vld [tilespmem:s22+$0xFFFFFF10];
	[tilespmem:s23+$0xF0] =	vst v8;
	s23 =	smov.u32 s22  }
0x1b6: {  	v4 =	vld [tilespmem:s22+$0xFFFFFF20]  }
0x1b7: {  	v8 =	vld [tilespmem:s22+$0xFFFFFF30]  }
0x1b8: {  	v9 =	vld [tilespmem:s22+$0xFFFFFF40];
	v6 =	vmul.f32 v6, v1  }
0x1b9: {  	v7 =	vmul.f32 v7, v5;
	v10 =	vld [tilespmem:s22+$0xFFFFFF50]  }
0x1ba: {  	v2 =	vmul.f32 v2, v5;
	v11 =	vld [tilespmem:s22+$0xFFFFFF60];
	[tilespmem:s22+$0x70] =	vst v6  }
0x1bb: {  	[tilespmem:s22+$0xFFFFFF00] =	vst v7;
	v4 =	vmul.f32 v4, v5;
	v6 =	vld [tilespmem:s22+$0xFFFFFF70]  }
0x1bc: {  	[tilespmem:s22+$0xFFFFFF10] =	vst v2;
	v2 =	vmul.f32 v8, v5;
	v7 =	vld [tilespmem:s22+$0xFFFFFF80]  }
0x1bd: {  	[tilespmem:s22+$0xFFFFFF20] =	vst v4;
	v4 =	vmul.f32 v9, v5;
	v8 =	vld [tilespmem:s22+$0xFFFFFF90]  }
0x1be: {  	[tilespmem:s22+$0xFFFFFF30] =	vst v2;
	v2 =	vmul.f32 v10, v5;
	v9 =	vld [tilespmem:s22+$0xFFFFFFA0]  }
0x1bf: {  	[tilespmem:s22+$0xFFFFFF40] =	vst v4;
	v4 =	vmul.f32 v11, v5;
	v10 =	vld [tilespmem:s22+$0xFFFFFFB0]  }
0x1c0: {  	[tilespmem:s22+$0xFFFFFF50] =	vst v2;
	v2 =	vmul.f32 v6, v5;
	v5 =	vld [tilespmem:s22+$0xFFFFFFC0]  }
0x1c1: {  	[tilespmem:s22+$0xFFFFFF60] =	vst v4;
	v4 =	vmul.f32 v7, v3;
	v6 =	vld [tilespmem:s22+$0xFFFFFFD0]  }
0x1c2: {  	[tilespmem:s22+$0xFFFFFF70] =	vst v2;
	v2 =	vmul.f32 v8, v3;
	v7 =	vld [tilespmem:s22+$0xFFFFFFE0]  }
0x1c3: {  	[tilespmem:s22+$0xFFFFFF80] =	vst v4;
	v4 =	vmul.f32 v9, v3;
	v8 =	vld [tilespmem:s22+$0xFFFFFFF0]  }
0x1c4: {  	[tilespmem:s22+$0xFFFFFF90] =	vst v2;
	v2 =	vmul.f32 v10, v3;
	v9 =	vld [tilespmem:s22+$0x0]  }
0x1c5: {  	[tilespmem:s22+$0xFFFFFFA0] =	vst v4;
	v4 =	vmul.f32 v5, v3;
	v5 =	vld [tilespmem:s22+$0x10]  }
0x1c6: {  	[tilespmem:s22+$0xFFFFFFB0] =	vst v2;
	v2 =	vmul.f32 v6, v3;
	v6 =	vld [tilespmem:s22+$0x20]  }
0x1c7: {  	[tilespmem:s22+$0xFFFFFFC0] =	vst v4;
	v4 =	vmul.f32 v7, v3;
	v10 =	vld [tilespmem:s22+$0x30]  }
0x1c8: {  	[tilespmem:s22+$0xFFFFFFD0] =	vst v2;
	v2 =	vmul.f32 v8, v3;
	v8 =	vld [tilespmem:s22+$0x40]  }
.Ltmp4:
0x1c9: {  	[tilespmem:s22+$0xFFFFFFE0] =	vst v4;
	v4 =	vmul.f32 v9, v1;
	v3 =	vld [tilespmem:s22+$0x50];
	(pc) =	sbr.rel @p2 .LBB2_7-.Ltmp4, $4  }
0x1ca: {  	[tilespmem:s22+$0xFFFFFFF0] =	vst v2;
	v5 =	vmul.f32 v5, v1;
	v2 =	vld [tilespmem:s22+$0x60]  }
0x1cb: {  	s19 =	sadd.s32 $0x3, s26;
	v9 =	vmov s26;
	[tilespmem:s22+$0x0] =	vst v4;
	v12 =	vmul.f32 v6, v1;
	v7 =	vld [tilespmem:s22+$0x80]  }
0x1cc: {  	s20 =	sadd.s32 $0x1, s26;
	v11 =	vand.u32 $0xFFFFFFFC, v9;
	v4 =	vmov s19;
	[tilespmem:s22+$0x10] =	vst v5;
	v9 =	vmul.f32 v10, v1;
	v6 =	vld [tilespmem:s22+$0x90]  }
0x1cd: {  	v5 =	vbroadcast v11, $0x0;
	v11 =	vmov s20;
	s20 =	sadd.s32 $0x2, s26;
	s26 =	sadd.s32 $0x4, s26;
	[tilespmem:s22+$0x20] =	vst v12;
	v10 =	vmul.f32 v8, v1;
	v8 =	vld [tilespmem:s22+$0xA0]  }
0x1ce: {  	v12 =	vld [tilespmem:s22+$0xB0]  }
0x1cf: {  	v14 =	vld [tilespmem:s22+$0xC0]  }
0x1d0: {  	v15 =	vld [tilespmem:s22+$0xD0]  }
0x1d1: {  	v16 =	vld [tilespmem:s22+$0xE0]  }
0x1d2: {  	v44 =	vld [tilespmem:s22+$0xF0];
	[tilespmem:s22+$0x30] =	vst v9;
	v3 =	vmul.f32 v3, v1  }
0x1d3: {  	v4 =	vld.idx.msk [tilespmem:v4+s12+$0x0], $0xffff;
	[tilespmem:s22+$0x40] =	vst v10;
	v45 =	vmul.f32 v2, v1  }
0x1d4: {  	s26 =	sadd.s32 $0x200, s22;
	v46 =	vld.idx.msk [tilespmem:v5+s12+$0x0], $0xffff;
	v7 =	vmul.f32 v7, v0;
	[tilespmem:s22+$0x50] =	vst v3  }
0x1d5: {  	v51 =	vld [tilespmem:s26+$0x70];
	v47 =	vmul.f32 v6, v0;
	[tilespmem:s22+$0x60] =	vst v45  }
0x1d6: {  	v53 =	vld [tilespmem:s26+$0xFFFFFF00];
	[tilespmem:s22+$0x80] =	vst v7;
	v49 =	vmul.f32 v8, v0  }
0x1d7: {  	v55 =	vld [tilespmem:s26+$0xFFFFFF10];
	[tilespmem:s22+$0x90] =	vst v47;
	v50 =	vmul.f32 v12, v0  }
0x1d8: {  	v11 =	vand.u32 $0xFFFFFFFD, v11;
	v57 =	vld [tilespmem:s26+$0xFFFFFF20];
	v52 =	vmul.f32 v14, v0;
	[tilespmem:s22+$0xA0] =	vst v49  }
0x1d9: {  	v11 =	vbroadcast v11, $0x0;
	v59 =	vld [tilespmem:s26+$0xFFFFFF30];
	v54 =	vmul.f32 v15, v0;
	[tilespmem:s22+$0xB0] =	vst v50  }
0x1da: {  	v60 =	vld [tilespmem:s26+$0xFFFFFF40];
	v56 =	vmul.f32 v16, v0;
	[tilespmem:s23+$0xC0] =	vst v52  }
0x1db: {  	v63 =	vld [tilespmem:s26+$0xFFFFFF50];
	v58 =	vmul.f32 v44, v0;
	[tilespmem:s23+$0xD0] =	vst v54  }
0x1dc: {  	v15 =	vld [tilespmem:s26+$0xFFFFFF70];
	v62 =	vmul.f32 v53, v46;
	[tilespmem:s23+$0xE0] =	vst v56  }
0x1dd: {  	v16 =	vld [tilespmem:s26+$0xFFFFFF80];
	v12 =	vmul.f32 v55, v46;
	[tilespmem:s23+$0xF0] =	vst v58  }
0x1de: {  	v44 =	vld [tilespmem:s26+$0x80];
	v14 =	vmul.f32 v57, v46;
	[tilespmem:s26+$0xFFFFFF00] =	vst v62  }
0x1df: {  	v3 =	vmul.f32 v59, v46;
	v48 =	vld.idx.msk [tilespmem:v11+s12+$0x0], $0xffff;
	[tilespmem:s26+$0xFFFFFF10] =	vst v12  }
0x1e0: {  	v13 =	vmov s20;
	v18 =	vld [tilespmem:s26+$0xFFFFFF90];
	v17 =	vmul.f32 v60, v46;
	[tilespmem:s26+$0xFFFFFF20] =	vst v14  }
0x1e1: {  	v13 =	vand.u32 $0xFFFFFFFE, v13;
	v20 =	vld [tilespmem:s26+$0xFFFFFFA0];
	v19 =	vmul.f32 v63, v46;
	[tilespmem:s26+$0xFFFFFF30] =	vst v3  }
0x1e2: {  	v22 =	vld [tilespmem:s26+$0xFFFFFFB0];
	v13 =	vbroadcast v13, $0x0;
	[tilespmem:s26+$0xFFFFFF40] =	vst v17;
	v2 =	vmul.f32 v15, v46  }
0x1e3: {  	v23 =	vld [tilespmem:s26+$0xFFFFFFC0];
	[tilespmem:s26+$0xFFFFFF50] =	vst v19;
	v53 =	vmul.f32 v44, v4  }
0x1e4: {  	v25 =	vld [tilespmem:s26+$0xFFFFFFD0];
	v24 =	vmul.f32 v16, v48;
	[tilespmem:s26+$0xFFFFFF70] =	vst v2  }
0x1e5: {  	v26 =	vld [tilespmem:s26+$0xFFFFFFE0];
	v1 =	vmul.f32 v18, v48;
	[tilespmem:s26+$0x80] =	vst v53  }
0x1e6: {  	v28 =	vld [tilespmem:s26+$0xFFFFFFF0];
	v27 =	vmul.f32 v20, v48;
	[tilespmem:s26+$0xFFFFFF80] =	vst v24  }
0x1e7: {  	v50 =	vld [tilespmem:s26+$0xB0];
	v29 =	vmul.f32 v22, v48;
	[tilespmem:s26+$0xFFFFFF90] =	vst v1  }
0x1e8: {  	v6 =	vld.idx.msk [tilespmem:v13+s12+$0x0], $0xffff;
	v31 =	vmul.f32 v23, v48;
	[tilespmem:s26+$0xFFFFFFA0] =	vst v27  }
0x1e9: {  	v13 =	vld [tilespmem:s26+$0xFFFFFF60];
	v33 =	vmul.f32 v25, v48;
	[tilespmem:s26+$0xFFFFFFB0] =	vst v29  }
0x1ea: {  	v30 =	vld [tilespmem:s26+$0x0];
	v35 =	vmul.f32 v26, v48;
	[tilespmem:s26+$0xFFFFFFC0] =	vst v31  }
0x1eb: {  	v32 =	vld [tilespmem:s26+$0x10];
	v37 =	vmul.f32 v28, v48;
	[tilespmem:s26+$0xFFFFFFD0] =	vst v33  }
0x1ec: {  	v34 =	vld [tilespmem:s26+$0x20];
	v59 =	vmul.f32 v50, v4;
	[tilespmem:s26+$0xFFFFFFE0] =	vst v35  }
0x1ed: {  	v36 =	vld [tilespmem:s26+$0x30];
	v61 =	vmul.f32 v51, v6;
	[tilespmem:s26+$0xFFFFFFF0] =	vst v37  }
0x1ee: {  	v38 =	vld [tilespmem:s26+$0x40];
	v21 =	vmul.f32 v13, v46;
	[tilespmem:s26+$0xB0] =	vst v59  }
0x1ef: {  	v40 =	vld [tilespmem:s26+$0x50];
	v39 =	vmul.f32 v30, v6;
	[tilespmem:s26+$0x70] =	vst v61  }
0x1f0: {  	v42 =	vld [tilespmem:s26+$0x60];
	v41 =	vmul.f32 v32, v6;
	[tilespmem:s26+$0xFFFFFF60] =	vst v21  }
0x1f1: {  	v52 =	vld [tilespmem:s26+$0xC0];
	v43 =	vmul.f32 v34, v6;
	[tilespmem:s26+$0x0] =	vst v39  }
0x1f2: {  	v56 =	vld [tilespmem:s26+$0xE0];
	v45 =	vmul.f32 v36, v6;
	[tilespmem:s26+$0x10] =	vst v41  }
0x1f3: {  	v58 =	vld [tilespmem:s26+$0xF0];
	v47 =	vmul.f32 v38, v6;
	[tilespmem:s26+$0x20] =	vst v43  }
0x1f4: {  	v54 =	vld [tilespmem:s26+$0xD0];
	v49 =	vmul.f32 v40, v6;
	[tilespmem:s26+$0x30] =	vst v45  }
0x1f5: {  	v48 =	vld [tilespmem:s26+$0xA0];
	v51 =	vmul.f32 v42, v6;
	[tilespmem:s26+$0x40] =	vst v47  }
0x1f6: {  	v46 =	vld [tilespmem:s26+$0x90];
	v60 =	vmul.f32 v52, v4;
	[tilespmem:s26+$0x50] =	vst v49  }
0x1f7: {  	v62 =	vmul.f32 v56, v4;
	[tilespmem:s26+$0x60] =	vst v51  }
0x1f8: {  	v63 =	vmul.f32 v58, v4;
	[tilespmem:s26+$0xC0] =	vst v60  }
0x1f9: {  	v61 =	vmul.f32 v54, v4;
	[tilespmem:s26+$0xE0] =	vst v62  }
0x1fa: {  	[tilespmem:s26+$0xF0] =	vst v63;
	v57 =	vmul.f32 v48, v4  }
0x1fb: {  	[tilespmem:s26+$0xD0] =	vst v61;
	v55 =	vmul.f32 v46, v4  }
0x1fc: {  	[tilespmem:s26+$0xA0] =	vst v57  }
.Ltmp5:
0x1fd: {  	[tilespmem:s26+$0x90] =	vst v55;
	(pc) =	sbr.rel @p1 .LBB2_10-.Ltmp5, $4  }
0x1fe: {  	_ =	swait.ge [sflag:s21], $0x80  }
0x1ff: {  	[sflag:s21] =	ssyncset.done $0x0  }
0x200: {  	[sflag:s21] =	ssyncadd.s32 $0xFFFFFF80  }
0x201: {  	[spmem:s2] =	stream.indirect.scatter.add.f32 [tilespmem:s16], [sflag:$0xC], $0x80, s17, s28, $0xb8;
	[tilespmem:$0x1FD00] =	vst v63  }
0x202: {  	s19 =	smul.u32 $0x180, s25  }
0x203: {  	s20 =	rddreg [dreg:$0xf]  }
0x204: {  	s19 =	sadd.s32 s19, s20  }
.Ltmp6:
0x205: {  	s19 =	sshrl.u32 s19, $0x3;
	(pc) =	sbr.rel .LBB2_2-.Ltmp6, $4  }
0x206: {  	s29 =	sadd.s32 s5, s19  }
0x207: {  	[tilespmem:s28], [sflag:$0x2] =	stream.linear.gather [hbm4b:s29+s4], $0x80, $0x38;
	[tilespmem:$0x1FD00] =	vst v63  }
0x208: {  	s25 =	sadd.s32 $0x1, s25;
	s19 =	sadd.s32 s7, s19  }
0x209: {  	[tilespmem:s30], [sflag:$0x2] =	stream.linear.gather [hbm4b:s19+s4], $0x80, $0x38;
	[tilespmem:$0x1FD00] =	vst v63  }
.LBB2_11:
0x20a: {  	_ =	sfence.sel $0x180000  }
0x20b: {  	[bflag:$0x0] =	sbarrier.arrive $0xFFFF  }
0x20c: {  	_ =	strace $0x9000004D  }
0x20d: {  	s0 =	stileid.u32;
	[bflag:$0x2] =	sbarrier.arrive $0xFFFF  }
0x20e: {  	p0 =	sne.s32 s0, $0x0;
	s0 =	rddreg [dreg:$0x4]  }
0x20f: {  	s0 =	sadd.s32 @!p0 $0x100000, s0  }
0x210: {  	[sflag:s0] =	ssyncadd.tile.s32 @!p0 $0x1;
	_ =	shalt  }
.Lfunc_end2:
_tile_overlayer_lowered:
.L_overlay_start_2:
0x211: {  	(tag) =	ssettag $0x2  }
0x212: {  	s0 =	rddreg [dreg:$0x0];
	s2 =	stileid.u32  }
0x213: {  	s1 =	rddreg [dreg:$0x1];
	p0 =	sne.s32 s2, $0x0  }
0x214: {  	s3 =	rddreg [dreg:$0x2];
	[bflag:$0x3] =	sbarrier.arrive $0xFFFF;
	s2 =	simm.s32 @!p0 $0x1C0D  }
0x215: {  	[timem:s3], [sflag:s2] =	dma.local @!p0 [hbm:s0], s1  }
0x216: {  	s0 =	simm.s32 @!p0 $0xD  }
0x217: {  	_ =	swait.ge @!p0 [sflag:s0], s1  }
0x218: {  	s1 =	ssub.s32 @!p0 $0x0, s1;
	[sflag:s0] =	ssyncset.done @!p0 $0x0  }
0x219: {  	[sflag:s0] =	ssyncadd.s32 @!p0 s1  }
0x21a: {  	[bflag:$0x3] =	sbarrier.arrive $0xFFFF  }
0x21b: {  	_ =	shalt  }

// kernel: kernel.19.cloned.1.call-start
scs
__scs_entry_jumppad:
0x0: {  	(pc) =	sbr.rel $0x88, $3  }
0x1: {  	(tag) =	ssettag $0x0;
	lr =	simm.s32 $0x1  }
0x2: {  	[smem:$0x3F98] =	sst lr;
	_ =	strace $0xD0000000  }
0x3: {  	_ = 	snop  }
0x4: {  	_ = 	snop  }
0x5: {  	_ = 	snop  }
0x6: {  	_ = 	snop  }
0x7: {  	_ = 	snop  }
__scs_overlays_trampoline_lowered:
0x8: {  	[smem:$0x3FA7] =	sst s0  }
0x9: {  	[smem:$0x3FA8] =	sst s1  }
0xa: {  	[smem:$0x3FA9] =	sst s2  }
0xb: {  	[smem:$0x3FAA] =	sst s3  }
0xc: {  	[smem:$0x3FAB] =	sst s4  }
0xd: {  	[smem:$0x3FAC] =	sst s5  }
0xe: {  	[smem:$0x3FAD] =	sst s6  }
0xf: {  	[smem:$0x3FAE] =	sst s7  }
0x10: {  	[smem:$0x3FAF] =	sst s8  }
0x11: {  	[smem:$0x3FB0] =	sst s9;
	s0 =	simm.s32 @!p0 $0x0  }
0x12: {  	s1 =	sld [smem:$0x3F96];
	s0 =	simm.s32 @p0 $0x1  }
0x13: {  	[smem:$0x3FB1] =	sst s0;
	s0 =	simm.s32 @!p1 $0x0  }
0x14: {  	s2 =	sld [smem:$0x3F95];
	s0 =	simm.s32 @p1 $0x1  }
0x15: {  	[smem:$0x3FB2] =	sst s0;
	s0 =	simm.s32 @!p2 $0x0  }
0x16: {  	s3 =	sld [smem:$0x3FDB];
	s0 =	simm.s32 @p2 $0x1  }
0x17: {  	s4 =	simm.s32 $0x1BF5;
	[smem:$0x3FB4] =	sst s0  }
0x18: {  	s0 =	sld [smem:$0x3F97];
	_ =	swait.ge [sflag:s4], $0x0  }
0x19: {  	s7 =	sld [smem:$0x3F98]  }
0x1a: {  	s8 =	sadd.s32 $0xFFFFE003, lr  }
0x1b: {  	s9 =	sadd.s32 $0xFFFFFEF7, lr;
	s5 =	simm.s32 $0xFFFFFFFF;
	p2 =	slt.u32 s8, $0xFFFFF086  }
0x1c: {  	p1 =	slt.u32 s9, $0xF7A;
	s5 =	simm.s32 @!p2 $0x0  }
0x1d: {  	s5 =	simm.s32 @p1 $0x1;
	p0 =	seq.s32 s7, s2  }
0x1e: {  	s7 =	smul.u32 @!p0 $0xF7A, s2;
	p2 =	seq.s32 @!p0 s5, $0x0  }
0x1f: {  	s9 =	smul.u32 $0xF7A, s1;
	s8 =	simm.s32 @!p0 $0x1BF5;
	p2 =	por !p2, p0  }
0x20: {  	[sflag:s8] =	ssyncset.s32 @!p0 $0xFFFFF086;
	s6 =	sadd.s32 @!p0 s3, s7;
	s7 =	simm.s32 @!p0 $0x108  }
0x21: {  	s3 =	sadd.s32 s3, s9;
	s6 =	sadd.s32 @!p0 $0x88, s6;
	s7 =	simm.s32 @p2 $0x1082  }
0x22: {  	[simem:s7], [sflag:s8] =	dma.local @!p0 [hbm:s6], $0xF7A  }
0x23: {  	s9 =	sor.u32 $0xD0000000, s2;
	s6 =	simm.s32 $0x108;
	_ =	swait.ge @!p0 [sflag:s8], $0x0  }
0x24: {  	s3 =	sadd.s32 $0x88, s3;
	s6 =	simm.s32 @!p1 $0x1082;
	[sflag:s4] =	ssyncset.s32 $0xFFFFF086  }
0x25: {  	[simem:s6], [sflag:s4] =	dma.local [hbm:s3], $0xF7A  }
0x26: {  	[smem:$0x3F98] =	sst s1;
	(tag) =	ssettag s2;
	_ =	strace s9  }
0x27: {  	s1 =	sld [smem:$0x3FA8]  }
0x28: {  	s2 =	sld [smem:$0x3FA9]  }
0x29: {  	s4 =	sld [smem:$0x3FAB]  }
0x2a: {  	p0 =	seq.s32 s5, $0x0;
	s5 =	sld [smem:$0x3FAC]  }
0x2b: {  	s6 =	sld [smem:$0x3FAD]  }
0x2c: {  	s7 =	sld [smem:$0x3FAE]  }
0x2d: {  	s3 =	simm.s32 $0x108;
	s8 =	sld [smem:$0x3FAF]  }
0x2e: {  	s3 =	simm.s32 @!p0 $0x1082;
	s9 =	sld [smem:$0x3FB0]  }
0x2f: {  	lr =	sadd.s32 s0, s3;
	s0 =	sld [smem:$0x3FA7]  }
0x30: {  	s3 =	sld [smem:$0x3FAA]  }
0x31: {  	[smem:$0x3FB3] =	sst s10  }
0x32: {  	s10 =	sld [smem:$0x3FB1];
	_ =	sdelay $0x3  }
0x33: {  	p0 =	seq.s32 s10, $0x1;
	s10 =	sld [smem:$0x3FB3];
	_ =	sdelay $0x3  }
0x34: {  	[smem:$0x3FB3] =	sst s10  }
0x35: {  	s10 =	sld [smem:$0x3FB2];
	_ =	sdelay $0x3  }
0x36: {  	p1 =	seq.s32 s10, $0x1;
	s10 =	sld [smem:$0x3FB3];
	_ =	sdelay $0x3  }
0x37: {  	[smem:$0x3FB3] =	sst s10  }
0x38: {  	s10 =	sld [smem:$0x3FB4]  }
0x39: {  	_ = 	snop;
	(pc) =	sbr.ind lr, $3  }
0x3a: {  	_ = 	snop  }
0x3b: {  	_ = 	snop  }
0x3c: {  	p2 =	seq.s32 s10, $0x1;
	s10 =	sld [smem:$0x3FB3]  }
0x3d: {  	_ =	shalt  }
0x3e: {  	_ =	shalt  }
0x3f: {  	_ =	shalt  }
0x40: {  	_ =	shalt  }
0x41: {  	_ =	shalt  }
0x42: {  	_ =	shalt  }
0x43: {  	_ =	shalt  }
0x44: {  	_ =	shalt  }
0x45: {  	_ =	shalt  }
0x46: {  	_ =	shalt  }
0x47: {  	_ =	shalt  }
0x48: {  	_ =	shalt  }
0x49: {  	_ =	shalt  }
0x4a: {  	_ =	shalt  }
0x4b: {  	_ =	shalt  }
0x4c: {  	_ =	shalt  }
0x4d: {  	_ =	shalt  }
0x4e: {  	_ =	shalt  }
0x4f: {  	_ =	shalt  }
0x50: {  	_ =	shalt  }
0x51: {  	_ =	shalt  }
0x52: {  	_ =	shalt  }
0x53: {  	_ =	shalt  }
0x54: {  	_ =	shalt  }
0x55: {  	_ =	shalt  }
0x56: {  	_ =	shalt  }
0x57: {  	_ =	shalt  }
0x58: {  	_ =	shalt  }
0x59: {  	_ =	shalt  }
0x5a: {  	_ =	shalt  }
0x5b: {  	_ =	shalt  }
0x5c: {  	_ =	shalt  }
0x5d: {  	_ =	shalt  }
0x5e: {  	_ =	shalt  }
0x5f: {  	_ =	shalt  }
0x60: {  	_ =	shalt  }
0x61: {  	_ =	shalt  }
0x62: {  	_ =	shalt  }
0x63: {  	_ =	shalt  }
0x64: {  	_ =	shalt  }
0x65: {  	_ =	shalt  }
0x66: {  	_ =	shalt  }
0x67: {  	_ =	shalt  }
0x68: {  	_ =	shalt  }
0x69: {  	_ =	shalt  }
0x6a: {  	_ =	shalt  }
0x6b: {  	_ =	shalt  }
0x6c: {  	_ =	shalt  }
0x6d: {  	_ =	shalt  }
0x6e: {  	_ =	shalt  }
0x6f: {  	_ =	shalt  }
0x70: {  	_ =	shalt  }
0x71: {  	_ =	shalt  }
0x72: {  	_ =	shalt  }
0x73: {  	_ =	shalt  }
0x74: {  	_ =	shalt  }
0x75: {  	_ =	shalt  }
0x76: {  	_ =	shalt  }
0x77: {  	_ =	shalt  }
0x78: {  	_ =	shalt  }
0x79: {  	_ =	shalt  }
0x7a: {  	_ =	shalt  }
0x7b: {  	_ =	shalt  }
0x7c: {  	_ =	shalt  }
0x7d: {  	_ =	shalt  }
0x7e: {  	_ =	shalt  }
0x7f: {  	_ =	shalt  }
0x80: {  	_ =	shalt  }
0x81: {  	_ =	shalt  }
0x82: {  	_ =	shalt  }
0x83: {  	_ =	shalt  }
0x84: {  	_ =	shalt  }
0x85: {  	_ =	shalt  }
0x86: {  	_ =	shalt  }
0x87: {  	_ =	shalt  }
.Lfunc_end0:
.L_simem_size_0:
called_computation.3_lowered:
.L_overlay_start_0:
0x88: {  	s2 =	sld [smem:$0x3FD9]  }
0x89: {  	s3 =	sld [smem:$0x3FFE];
	_ =	sdelay $0x1  }
0x8a: {  	s1 =	srdreg.scid  }
0x8b: {  	s0 =	sand.u32 $0x1, s1  }
0x8c: {  	s17 =	sshll.u32 s0, $0xA;
	s2 =	sadd.s32 s3, s2  }
0x8d: {  	s2 =	sadd.s32 s2, s17  }
0x8e: {  	[smem:$0x3FBF] =	sst s2  }
0x8f: {  	_ = 	snop  }
0x90: {  	s2 =	sld [smem:$0x3FD0];
	(tm) =	ssettm $0x1  }
0x91: {  	s18 =	sld [smem:$0x3FFB];
	_ =	sdelay $0x3  }
0x92: {  	_ =	strace s18  }
0x93: {  	s3 =	sld [smem:$0x3FFC];
	_ =	sdelay $0x3  }
0x94: {  	_ =	strace s3  }
0x95: {  	s3 =	sld [smem:$0x3FFD];
	_ =	sdelay $0x3  }
0x96: {  	_ =	strace s3  }
0x97: {  	_ =	strace $0x8FFFFFFF  }
0x98: {  	s19 =	sld [smem:$0x3FDB];
	_ =	sdelay $0x1  }
0x99: {  	s4 =	simm.s32 $_scs_section_size  }
0x9a: {  	s5 =	simm.s32 $_size__tile_overlayer_lowered;
	s6 =	simm.s32 $_tile_overlayer_lowered  }
0x9b: {  	s22 =	simm.s32 $0x1BFF;
	s21 =	sshll.u32 s6, $0x1;
	s3 =	sadd.s32 s4, s19  }
0x9c: {  	s7 =	simm.s32 $0x0;
	s20 =	sshll.u32 s5, $0x1;
	s5 =	sadd.s32 s21, s3  }
0x9d: {  	[timem:s7], [sflag:s22] =	dma.local [hbm:s5], s20  }
0x9e: {  	_ =	swait.ge [sflag:s22], s20  }
0x9f: {  	s4 =	ssub.s32 $0x0, s20;
	[sflag:s22] =	ssyncset.done $0x0  }
0xa0: {  	[sflag:s22] =	ssyncadd.s32 s4;
	_ =	sdelay $0x1  }
0xa1: {  	s23 =	simm.s32 $0x1B8B  }
0xa2: {  	_ =	swait.ge [sflag:s23], $0x1  }
0xa3: {  	[sflag:s23] =	ssyncset.done $0x0  }
0xa4: {  	s25 =	simm.s32 $0x1B8E;
	s24 =	sld [smem:$0x3FFE];
	[sflag:s23] =	ssyncadd.s32 $0xFFFFFFFF  }
0xa5: {  	s26 =	simm.s32 $execute0_lowered;
	[smem:$0x3FD2] =	sst s25  }
0xa6: {  	s5 =	sshll.u32 s26, $0x1;
	_ =	strace $0x8000004F;
	[dreg:$0x1] =	wrdreg $0xFFFFFFFF  }
0xa7: {  	s28 =	simm.s32 $_size_execute0_lowered;
	s3 =	sadd.s32 s3, s5;
	[dreg:$0x0] =	wrdreg $0x0  }
0xa8: {  	s5 =	sshll.u32 s28, $0x1;
	[dreg:$0x2] =	wrdreg s3  }
0xa9: {  	[dreg:$0x3] =	wrdreg s5  }
0xaa: {  	[dreg:$0x4] =	wrdreg $0xC0  }
0xab: {  	_ =	task [dreg:s7], $0x5FFFF  }
0xac: {  	[dreg:$0x1] =	wrdreg $0xFFFFFFFF  }
0xad: {  	[dreg:$0x0] =	wrdreg $0x60  }
0xae: {  	[dreg:$0x2] =	wrdreg s24  }
0xaf: {  	[dreg:$0x3] =	wrdreg s2  }
0xb0: {  	[dreg:$0x4] =	wrdreg $0xC4800  }
0xb1: {  	[dreg:$0x5] =	wrdreg $0x9  }
0xb2: {  	_ =	task.clear_ibuf [dreg:s7], $0x6FFFF;
	_ =	strace $0x9000004F  }
0xb3: {  	s29 =	simm.s32 $0x9;
	_ =	strace $0x80000051  }
0xb4: {  	_ =	swait.ge [sflag:s29], $0x1  }
0xb5: {  	[sflag:s29] =	ssyncadd.s32 $0xFFFFFFFF  }
0xb6: {  	_ =	strace $0x90000051  }
0xb7: {  	_ =	sfence  }
0xb8: {  	s30 =	sld [smem:$0x0];
	_ =	sdelay $0x2  }
0xb9: {  	s31 =	sshll.u32 s1, $0xD;
	s1 =	sshrl.u32 s1, $0x2  }
0xba: {  	s3 =	sand.u32 $0x4000, s31;
	s1 =	sadd.s32 s1, s30  }
0xbb: {  	s0 =	sor.u32 s3, s0;
	s1 =	sshll.u32 s1, $0x11  }
0xbc: {  	s0 =	sor.u32 s1, s0  }
0xbd: {  	s0 =	sadd.s32 $0x8F2B, s0  }
0xbe: {  	[sflag:s0] =	ssyncadd.remote.s32 $0x1  }
0xbf: {  	_ =	sfence.sel $0xFFFF  }
0xc0: {  	[dreg:$0x0] =	wrdreg $0xFFFFFFFF;
	(pc) =	sbr.abs _section_cstart, $3  }
0xc1: {  	[dreg:$0x1] =	wrdreg $0xFFFFFFFF  }
0xc2: {  	_ =	task.clear_ibuf [dreg:s7], $0x2FFFF;
	_ =	strace $0x9FFFFFFF  }
0xc3: {  	(tm) =	ssettm $0x7FFFFFFF  }
tec
execute0_lowered:
.L_overlay_start_1:
0x0: {  	(tag) =	ssettag $0x1  }
0x1: {  	s0 =	rddreg [dreg:$0x0]  }
0x2: {  	s3 =	rddreg [dreg:$0x1]  }
0x3: {  	s1 =	rddreg [dreg:$0x2]  }
0x4: {  	s2 =	simm.s32 $0x0;
	s6 =	srdreg.scid;
	s15 =	stileid.u32  }
0x5: {  	s28 =	simm.s32 $0x80;
	s30 =	simm.s32 $0x200;
	s31 =	simm.s32 $0x7  }
0x6: {  	[smem:$0x7FF] =	sst s2;
	s4 =	sadd.s32 $0x21400, s0;
	s5 =	sadd.s32 $0xC400, s0  }
0x7: {  	s9 =	sand.u32 $0x1, s6;
	s7 =	sshll.u32 s15, $0x1;
	s11 =	smul.u32 $0x4F000, s15  }
0x8: {  	s6 =	sadd.s32 $0x2200, s0;
	s14 =	smul.u32 $0x2780, s15;
	s26 =	sadd.s32 $0x128400, s1  }
0x9: {  	s20 =	smul.u32 $0x13C00, s15;
	p0 =	seq.s32 s15, $0xF;
	s15 =	simm.s32 $0x3  }
0xa: {  	_ =	strace $0x80000050;
	s10 =	sor.u32 s9, s7;
	s7 =	sadd.s32 $0x17200, s0  }
0xb: {  	s12 =	ssub.s32 $0x2, s9;
	s0 =	sadd.s32 $0x48600, s0;
	s9 =	smul.u32 $0x138800, s9  }
0xc: {  	[dreg:$0x6] =	wrdreg s26;
	s8 =	smul.u32 $0x2880, s10;
	s13 =	sshrl.u32 s12, $0x1  }
0xd: {  	s11 =	sshrl.u32 s11, $0x2;
	s25 =	sadd.s32 s3, s14;
	s3 =	sadd.s32 $0x25080, s3  }
0xe: {  	s16 =	sshll.u32 s10, $0x7;
	s12 =	ssub.s32 s12, s13;
	[dreg:$0x5] =	wrdreg s25  }
0xf: {  	s11 =	sadd.s32 s11, s1;
	[dreg:$0x7] =	wrdreg s3;
	s3 =	sand.u32 $0x380, s16  }
0x10: {  	s24 =	sadd.s32 s20, s9;
	s9 =	sshrl.u32 s9, $0x3;
	s13 =	simm.s32 $0x8  }
0x11: {  	s16 =	simm.s32 $0x8480;
	[dreg:$0x4] =	wrdreg s11;
	s29 =	sshrl.u32 s8, $0x3  }
0x12: {  	s17 =	sand.u32 $0x7FC00, s8;
	s25 =	sadd.s32 $0x200, s8;
	s9 =	sadd.s32 s0, s9  }
0x13: {  	s11 =	simm.s32 $0x100;
	s14 =	sadd.s32 s5, s29;
	s18 =	sadd.s32 s7, s29  }
0x14: {  	s3 =	sor.u32 s3, s17;
	s19 =	sadd.s32 $0x10, s29;
	[dreg:$0xe] =	wrdreg s25  }
0x15: {  	s26 =	sadd.s32 $0x25080, s9;
	s29 =	smax.u32 s12, $0x1;
	s9 =	simm.s32 $0x380  }
0x16: {  	s12 =	simm.s32 $0x280;
	s17 =	simm.s32 $0x400;
	[dreg:$0x8] =	wrdreg s14  }
0x17: {  	s14 =	smul.u32 $0x51, s10;
	[dreg:$0x9] =	wrdreg s18;
	s3 =	sshrl.u32 s3, $0x3  }
0x18: {  	s21 =	sadd.s32 s5, s19;
	s22 =	sadd.s32 s7, s19;
	[dreg:$0x10] =	wrdreg s26  }
0x19: {  	[dreg:$0x11] =	wrdreg s29;
	s10 =	simm.s32 $0x4;
	s18 =	simm.s32 $0x5  }
.Ltmp0:
0x1a: {  	s3 =	sadd.s32 s6, s3;
	[dreg:$0xb] =	wrdreg s21;
	(pc) =	sbr.rel .LBB2_1-.Ltmp0, $4  }
0x1b: {  	[dreg:$0xc] =	wrdreg s22;
	s21 =	simm.s32 $0x6;
	s22 =	simm.s32 $0x0  }
0x1c: {  	[dreg:$0xa] =	wrdreg s3;
	s23 =	sadd.s32 $0x1, s14;
	s3 =	sshrl.u32 s24, $0x3  }
0x1d: {  	s24 =	simm.s32 $0x180;
	[dreg:$0xd] =	wrdreg s23;
	s0 =	sadd.s32 s0, s3  }
0x1e: {  	s3 =	simm.s32 $0x4480;
	[dreg:$0xf] =	wrdreg s0;
	s0 =	simm.s32 $0x2  }
.LBB2_10:
0x1f: {  	s19 =	simm.s32 $0xA  }
0x20: {  	_ =	swait.ge [sflag:s19], $0x4000  }
0x21: {  	[sflag:s19] =	ssyncset.done $0x0  }
0x22: {  	s23 =	simm.s32 $0xB;
	[sflag:s19] =	ssyncadd.s32 $0xFFFFC000  }
0x23: {  	_ =	swait.ge [sflag:s23], $0x4000  }
0x24: {  	[sflag:s23] =	ssyncset.done $0x0  }
0x25: {  	s25 =	simm.s32 $0xC;
	[sflag:s23] =	ssyncadd.s32 $0xFFFFC000  }
0x26: {  	_ =	swait.ge [sflag:s25], $0x4000  }
0x27: {  	[sflag:s25] =	ssyncset.done $0x0  }
0x28: {  	[sflag:s25] =	ssyncadd.s32 $0xFFFFC000  }
0x29: {  	[bflag:$0x0] =	sbarrier.arrive $0xFFFF  }
0x2a: {  	s20 =	rddreg [dreg:$0x10]  }
0x2b: {  	s19 =	simm.s32 @p0 $0x1FCD;
	s22 =	rddreg [dreg:$0x13]  }
0x2c: {  	[hbm:s20], [sflag:s19] =	dma.local @p0 [spmem:s22], $0x2080  }
0x2d: {  	s19 =	simm.s32 @p0 $0xD  }
0x2e: {  	_ =	swait.ge @p0 [sflag:s19], $0x2080  }
0x2f: {  	s20 =	rddreg [dreg:$0x14]  }
0x30: {  	[sflag:s19] =	ssyncset.done @p0 $0x0;
	s22 =	rddreg [dreg:$0x15]  }
0x31: {  	[sflag:s19] =	ssyncadd.s32 @p0 $0xFFFFDF80;
	s19 =	rddreg [dreg:$0xf]  }
0x32: {  	[hbm:s19], [sflag:s20] =	dma.local @!p0 [spmem:s22], $0x2780  }
0x33: {  	s19 =	simm.s32 @!p0 $0xD  }
0x34: {  	_ =	swait.ge @!p0 [sflag:s19], $0x2780  }
0x35: {  	s26 =	rddreg [dreg:$0x12]  }
0x36: {  	s29 =	rddreg [dreg:$0x11];
	s22 =	sadd.s32 $0x1, s26  }
0x37: {  	p1 =	sne.s32 s22, s29  }
.Ltmp1:
0x38: {  	_ = 	snop;
	(pc) =	sbr.rel @!p1 .LBB2_11-.Ltmp1, $3  }
0x39: {  	_ =	sdelay $0x1  }
0x3a: {  	[sflag:s19] =	ssyncset.done @!p0 $0x0  }
0x3b: {  	[sflag:s19] =	ssyncadd.s32 @!p0 $0xFFFFD880  }
.LBB2_1:
0x3c: {  	[dreg:$0x12] =	wrdreg s22  }
0x3d: {  	s19 =	rddreg [dreg:$0x6]  }
0x3e: {  	s22 =	sshrl.u32 @p0 s19, $0x3;
	s19 =	rddreg [dreg:$0x7]  }
0x3f: {  	s20 =	simm.s32 @p0 $0x1FCD;
	[dreg:$0x13] =	wrdreg s22  }
0x40: {  	[spmem:s22], [sflag:s20] =	dma.local @p0 [hbm:s19], $0x2080  }
0x41: {  	s20 =	simm.s32 @p0 $0xD  }
0x42: {  	_ =	swait.ge @p0 [sflag:s20], $0x2080  }
0x43: {  	s19 =	stileid.u32;
	[sflag:s20] =	ssyncset.done @p0 $0x0  }
0x44: {  	s22 =	sshll.u32 @!p0 s19, $0x6;
	s19 =	rddreg [dreg:$0x4];
	[sflag:s20] =	ssyncadd.s32 @p0 $0xFFFFDF80  }
0x45: {  	s20 =	sor.u32 @!p0 $0x1C0D, s22;
	s22 =	sshrl.u32 @!p0 s19, $0x3;
	s19 =	rddreg [dreg:$0x5]  }
0x46: {  	[dreg:$0x14] =	wrdreg s20  }
0x47: {  	[dreg:$0x15] =	wrdreg s22  }
0x48: {  	[spmem:s22], [sflag:s20] =	dma.local @!p0 [hbm:s19], $0x2780  }
0x49: {  	s20 =	simm.s32 @!p0 $0xD  }
0x4a: {  	_ =	swait.ge @!p0 [sflag:s20], $0x2780  }
0x4b: {  	[sflag:s20] =	ssyncset.done @!p0 $0x0  }
0x4c: {  	[sflag:s20] =	ssyncadd.s32 @!p0 $0xFFFFD880  }
0x4d: {  	[bflag:$0x0] =	sbarrier.arrive $0xFFFF  }
0x4e: {  	s26 =	rddreg [dreg:$0x8]  }
0x4f: {  	[tilespmem:s2], [sflag:$0x1] =	stream.linear.gather [hbm4b:s26+s2], $0x80, $0x38;
	[tilespmem:$0x1FD00] =	vst v63  }
0x50: {  	s20 =	simm.s32 $0x1;
	s29 =	rddreg [dreg:$0x9]  }
0x51: {  	[tilespmem:s24], [sflag:$0x1] =	stream.linear.gather [hbm4b:s29+s2], $0x80, $0x38;
	[tilespmem:$0x1FD00] =	vst v63  }
0x52: {  	_ =	swait.ge [sflag:s20], $0x80  }
0x53: {  	[sflag:s20] =	ssyncset.done $0x0  }
0x54: {  	[sflag:s20] =	ssyncadd.s32 $0xFFFFFF80  }
0x55: {  	_ =	swait.ge [sflag:s20], $0x80  }
0x56: {  	[sflag:s20] =	ssyncset.done $0x0  }
0x57: {  	s23 =	simm.s32 $0x300;
	s22 =	rddreg [dreg:$0xa];
	[sflag:s20] =	ssyncadd.s32 $0xFFFFFF80  }
0x58: {  	[tilespmem:s23], [sflag:$0x4] =	stream.linear.gather [hbm4b:s22+s2], $0x80, $0x38;
	[tilespmem:$0x1FD00] =	vst v63  }
0x59: {  	s25 =	simm.s32 $0x480  }
0x5a: {  	[tilespmem:s25], [sflag:$0x7] =	stream.indirect.gather [hbm4b:s4+s28], $0x80, s2, s28, $0xb8;
	[tilespmem:$0x1FD00] =	vst v63  }
0x5b: {  	s26 =	rddreg [dreg:$0xb]  }
0x5c: {  	[tilespmem:s28], [sflag:$0x2] =	stream.linear.gather [hbm4b:s26+s2], $0x80, $0x38;
	[tilespmem:$0x1FD00] =	vst v63  }
0x5d: {  	s29 =	rddreg [dreg:$0xc];
	s25 =	simm.s32 $0x0  }
0x5e: {  	[tilespmem:s30], [sflag:$0x2] =	stream.linear.gather [hbm4b:s29+s2], $0x80, $0x38;
	[tilespmem:$0x1FD00] =	vst v63  }
.LBB2_2:
0x5f: {  	_ =	swait.ge [sflag:s31], $0x4000  }
0x60: {  	[sflag:s31] =	ssyncset.done $0x0  }
0x61: {  	[sflag:s31] =	ssyncadd.s32 $0xFFFFC000  }
0x62: {  	_ =	swait.ge [sflag:s0], $0x80  }
0x63: {  	[sflag:s0] =	ssyncset.done $0x0  }
0x64: {  	[sflag:s0] =	ssyncadd.s32 $0xFFFFFF80  }
0x65: {  	_ =	swait.ge [sflag:s0], $0x80  }
0x66: {  	p1 =	seq.s32 s25, $0x0;
	[sflag:s0] =	ssyncset.done $0x0  }
0x67: {  	s23 =	simm.s32 $0x0;
	s20 =	simm.s32 @!p1 $0xB;
	[sflag:s0] =	ssyncadd.s32 $0xFFFFFF80  }
0x68: {  	s26 =	simm.s32 $0x2;
	s22 =	smul.u32 $0x3, s25;
	v0 =	vmov s23;
	_ =	swait.ge @!p1 [sflag:s20], $0x4000  }
0x69: {  	v1 =	vmov s26;
	v0 =	vand.u32 $0xFFFFFFFC, v0;
	[sflag:s20] =	ssyncset.done @!p1 $0x0;
	s19 =	rddreg [dreg:$0xd]  }
0x6a: {  	v1 =	vand.u32 $0xFFFFFFFE, v1;
	v0 =	vbroadcast v0, $0x0;
	[sflag:s20] =	ssyncadd.s32 @!p1 $0xFFFFC000;
	s26 =	sadd.s32 s22, s19  }
0x6b: {  	v1 =	vbroadcast v1, $0x0;
	[tilespmem:s3], [sflag:$0x8] =	stream.indirect.gather [hbm4b:s4+s28], $0x80, s28, s28, $0xb8;
	[tilespmem:$0x1FD00] =	vst v63  }
0x6c: {  	s20 =	sshll.u32 s26, $0x4  }
0x6d: {  	s20 =	sand.u32 $0xFFFFFF0, s20  }
0x6e: {  	s20 =	sadd.s32 s6, s20  }
0x6f: {  	[tilespmem:s9], [sflag:$0x5] =	stream.linear.gather [hbm4b:s20+s23], $0x80, $0x38;
	[tilespmem:$0x1FD00] =	vst v63  }
0x70: {  	v0 =	vld.idx.msk [tilespmem:v0+s24+$0x0], $0xffff  }
0x71: {  	s23 =	simm.s32 $0x580;
	v1 =	vld.idx.msk [tilespmem:v1+s24+$0x0], $0xffff  }
0x72: {  	s19 =	simm.s32 $0x1;
	v3 =	vld [tilespmem:s23+$0x70]  }
0x73: {  	v2 =	vmov s19;
	v4 =	vld [tilespmem:s23+$0xFFFFFF00]  }
0x74: {  	v2 =	vand.u32 $0xFFFFFFFD, v2;
	v5 =	vld [tilespmem:s23+$0xFFFFFF10]  }
0x75: {  	v2 =	vbroadcast v2, $0x0;
	v6 =	vld [tilespmem:s23+$0xFFFFFF20]  }
0x76: {  	v7 =	vld [tilespmem:s23+$0xFFFFFF30]  }
0x77: {  	v8 =	vld [tilespmem:s23+$0xFFFFFF40]  }
0x78: {  	v9 =	vld [tilespmem:s23+$0xFFFFFF50]  }
0x79: {  	v10 =	vld [tilespmem:s23+$0xFFFFFF60];
	v4 =	vmul.f32 v4, v0  }
0x7a: {  	v12 =	vld [tilespmem:s23+$0x40];
	v3 =	vmul.f32 v3, v1  }
0x7b: {  	v2 =	vld.idx.msk [tilespmem:v2+s24+$0x0], $0xffff;
	[tilespmem:s23+$0xFFFFFF00] =	vst v4;
	v4 =	vmul.f32 v5, v0  }
0x7c: {  	v5 =	vld [tilespmem:s23+$0xFFFFFF70];
	[tilespmem:s23+$0x70] =	vst v3;
	v3 =	vmul.f32 v6, v0  }
0x7d: {  	v6 =	vld [tilespmem:s23+$0xFFFFFF80];
	[tilespmem:s23+$0xFFFFFF10] =	vst v4;
	v4 =	vmul.f32 v7, v0  }
0x7e: {  	v7 =	vld [tilespmem:s23+$0xFFFFFF90];
	[tilespmem:s23+$0xFFFFFF20] =	vst v3;
	v3 =	vmul.f32 v8, v0  }
0x7f: {  	v8 =	vld [tilespmem:s23+$0xFFFFFFA0];
	[tilespmem:s23+$0xFFFFFF30] =	vst v4;
	v4 =	vmul.f32 v9, v0  }
0x80: {  	v9 =	vld [tilespmem:s23+$0xFFFFFFB0];
	[tilespmem:s23+$0xFFFFFF40] =	vst v3;
	v3 =	vmul.f32 v10, v0  }
0x81: {  	v10 =	vld [tilespmem:s23+$0xFFFFFFC0];
	v5 =	vmul.f32 v5, v0;
	[tilespmem:s23+$0xFFFFFF50] =	vst v4  }
0x82: {  	v4 =	vmul.f32 v6, v2;
	v6 =	vld [tilespmem:s23+$0xFFFFFFD0];
	[tilespmem:s23+$0xFFFFFF60] =	vst v3  }
0x83: {  	s26 =	simm.s32 $0x3;
	v3 =	vld [tilespmem:s23+$0xFFFFFFE0];
	v7 =	vmul.f32 v7, v2;
	[tilespmem:s23+$0xFFFFFF70] =	vst v5  }
0x84: {  	v11 =	vmov s26;
	v5 =	vld [tilespmem:s23+$0xFFFFFFF0];
	[tilespmem:s23+$0xFFFFFF80] =	vst v4;
	v4 =	vmul.f32 v8, v2  }
0x85: {  	v8 =	vld [tilespmem:s23+$0x0];
	[tilespmem:s23+$0xFFFFFF90] =	vst v7;
	v7 =	vmul.f32 v9, v2  }
0x86: {  	v9 =	vld [tilespmem:s23+$0x10];
	[tilespmem:s23+$0xFFFFFFA0] =	vst v4;
	v4 =	vmul.f32 v10, v2  }
0x87: {  	[tilespmem:s23+$0xFFFFFFB0] =	vst v7;
	v6 =	vmul.f32 v6, v2;
	v7 =	vld [tilespmem:s23+$0x20]  }
0x88: {  	v10 =	vld [tilespmem:s23+$0x30];
	v3 =	vmul.f32 v3, v2;
	[tilespmem:s23+$0xFFFFFFC0] =	vst v4  }
0x89: {  	v0 =	vld.idx.msk [tilespmem:v11+s24+$0x0], $0xffff;
	v2 =	vmul.f32 v5, v2;
	[tilespmem:s23+$0xFFFFFFD0] =	vst v6  }
0x8a: {  	[tilespmem:s23+$0xFFFFFFE0] =	vst v3;
	v4 =	vmul.f32 v8, v1;
	v3 =	vld [tilespmem:s23+$0x50]  }
0x8b: {  	s19 =	simm.s32 $0x4;
	[tilespmem:s23+$0xFFFFFFF0] =	vst v2;
	v5 =	vmul.f32 v9, v1;
	v2 =	vld [tilespmem:s23+$0x60]  }
0x8c: {  	s26 =	simm.s32 $0x7;
	v6 =	vmov s19;
	[tilespmem:s23+$0x0] =	vst v4;
	v8 =	vmul.f32 v7, v1;
	v7 =	vld [tilespmem:s23+$0x80]  }
0x8d: {  	s19 =	simm.s32 $0x5;
	v11 =	vand.u32 $0xFFFFFFFC, v6;
	v6 =	vld [tilespmem:s23+$0x90];
	v4 =	vmov s26;
	v9 =	vmul.f32 v10, v1;
	[tilespmem:s23+$0x10] =	vst v5  }
0x8e: {  	s29 =	simm.s32 $0x8;
	s20 =	simm.s32 $0x6;
	v10 =	vmul.f32 v12, v1;
	s26 =	simm.s32 $0x580;
	v5 =	vbroadcast v11, $0x0;
	v11 =	vmov s19;
	[tilespmem:s23+$0x20] =	vst v8;
	v8 =	vld [tilespmem:s23+$0xA0]  }
.LBB2_3:
0x8f: {  	p2 =	slt.u32 s29, $0x7C;
	v11 =	vand.u32 $0xFFFFFFFD, v11;
	v12 =	vmov s20;
	[tilespmem:s23+$0x30] =	vst v9;
	v3 =	vmul.f32 v3, v1;
	v9 =	vld [tilespmem:s23+$0xB0]  }
0x90: {  	v11 =	vbroadcast v11, $0x0;
	v12 =	vand.u32 $0xFFFFFFFE, v12;
	[tilespmem:s23+$0x40] =	vst v10;
	v1 =	vmul.f32 v2, v1;
	v2 =	vld [tilespmem:s23+$0xC0]  }
0x91: {  	v10 =	vbroadcast v12, $0x0;
	[tilespmem:s23+$0x50] =	vst v3;
	v3 =	vmul.f32 v7, v0;
	v7 =	vld [tilespmem:s23+$0xD0]  }
0x92: {  	[tilespmem:s23+$0x60] =	vst v1;
	v1 =	vmul.f32 v6, v0;
	v6 =	vld [tilespmem:s23+$0xE0]  }
0x93: {  	[tilespmem:s23+$0x80] =	vst v3;
	v3 =	vmul.f32 v8, v0;
	v8 =	vld [tilespmem:s23+$0xF0]  }
0x94: {  	v4 =	vld.idx.msk [tilespmem:v4+s24+$0x0], $0xffff;
	[tilespmem:s23+$0x90] =	vst v1;
	v1 =	vmul.f32 v9, v0  }
0x95: {  	v5 =	vld.idx.msk [tilespmem:v5+s24+$0x0], $0xffff;
	[tilespmem:s23+$0xA0] =	vst v3;
	v2 =	vmul.f32 v2, v0  }
0x96: {  	v3 =	vld.idx.msk [tilespmem:v11+s24+$0x0], $0xffff;
	[tilespmem:s23+$0xB0] =	vst v1;
	v7 =	vmul.f32 v7, v0  }
0x97: {  	s23 =	sadd.s32 $0x200, s23;
	v1 =	vld.idx.msk [tilespmem:v10+s24+$0x0], $0xffff;
	[tilespmem:s26+$0xC0] =	vst v2;
	v2 =	vmul.f32 v6, v0  }
0x98: {  	v6 =	vld [tilespmem:s23+$0x70];
	[tilespmem:s26+$0xD0] =	vst v7;
	v8 =	vmul.f32 v8, v0  }
0x99: {  	v7 =	vld [tilespmem:s23+$0xFFFFFF00];
	[tilespmem:s26+$0xE0] =	vst v2  }
0x9a: {  	v0 =	vmov v4;
	v2 =	vld [tilespmem:s23+$0xFFFFFF10];
	[tilespmem:s26+$0xF0] =	vst v8;
	s26 =	smov.u32 s23  }
0x9b: {  	v4 =	vld [tilespmem:s23+$0xFFFFFF20]  }
0x9c: {  	v8 =	vld [tilespmem:s23+$0xFFFFFF30]  }
0x9d: {  	v9 =	vld [tilespmem:s23+$0xFFFFFF40];
	v6 =	vmul.f32 v6, v1  }
0x9e: {  	v7 =	vmul.f32 v7, v5;
	v10 =	vld [tilespmem:s23+$0xFFFFFF50]  }
0x9f: {  	v2 =	vmul.f32 v2, v5;
	v11 =	vld [tilespmem:s23+$0xFFFFFF60];
	[tilespmem:s23+$0x70] =	vst v6  }
0xa0: {  	[tilespmem:s23+$0xFFFFFF00] =	vst v7;
	v4 =	vmul.f32 v4, v5;
	v6 =	vld [tilespmem:s23+$0xFFFFFF70]  }
0xa1: {  	[tilespmem:s23+$0xFFFFFF10] =	vst v2;
	v2 =	vmul.f32 v8, v5;
	v7 =	vld [tilespmem:s23+$0xFFFFFF80]  }
0xa2: {  	[tilespmem:s23+$0xFFFFFF20] =	vst v4;
	v4 =	vmul.f32 v9, v5;
	v8 =	vld [tilespmem:s23+$0xFFFFFF90]  }
0xa3: {  	[tilespmem:s23+$0xFFFFFF30] =	vst v2;
	v2 =	vmul.f32 v10, v5;
	v9 =	vld [tilespmem:s23+$0xFFFFFFA0]  }
0xa4: {  	[tilespmem:s23+$0xFFFFFF40] =	vst v4;
	v4 =	vmul.f32 v11, v5;
	v10 =	vld [tilespmem:s23+$0xFFFFFFB0]  }
0xa5: {  	[tilespmem:s23+$0xFFFFFF50] =	vst v2;
	v2 =	vmul.f32 v6, v5;
	v5 =	vld [tilespmem:s23+$0xFFFFFFC0]  }
0xa6: {  	[tilespmem:s23+$0xFFFFFF60] =	vst v4;
	v4 =	vmul.f32 v7, v3;
	v6 =	vld [tilespmem:s23+$0xFFFFFFD0]  }
0xa7: {  	[tilespmem:s23+$0xFFFFFF70] =	vst v2;
	v2 =	vmul.f32 v8, v3;
	v7 =	vld [tilespmem:s23+$0xFFFFFFE0]  }
0xa8: {  	[tilespmem:s23+$0xFFFFFF80] =	vst v4;
	v4 =	vmul.f32 v9, v3;
	v8 =	vld [tilespmem:s23+$0xFFFFFFF0]  }
0xa9: {  	[tilespmem:s23+$0xFFFFFF90] =	vst v2;
	v2 =	vmul.f32 v10, v3;
	v9 =	vld [tilespmem:s23+$0x0]  }
0xaa: {  	[tilespmem:s23+$0xFFFFFFA0] =	vst v4;
	v4 =	vmul.f32 v5, v3;
	v5 =	vld [tilespmem:s23+$0x10]  }
0xab: {  	[tilespmem:s23+$0xFFFFFFB0] =	vst v2;
	v2 =	vmul.f32 v6, v3;
	v6 =	vld [tilespmem:s23+$0x20]  }
0xac: {  	[tilespmem:s23+$0xFFFFFFC0] =	vst v4;
	v4 =	vmul.f32 v7, v3;
	v10 =	vld [tilespmem:s23+$0x30]  }
0xad: {  	[tilespmem:s23+$0xFFFFFFD0] =	vst v2;
	v2 =	vmul.f32 v8, v3;
	v8 =	vld [tilespmem:s23+$0x40]  }
.Ltmp2:
0xae: {  	[tilespmem:s23+$0xFFFFFFE0] =	vst v4;
	v4 =	vmul.f32 v9, v1;
	v3 =	vld [tilespmem:s23+$0x50];
	(pc) =	sbr.rel @p2 .LBB2_3-.Ltmp2, $4  }
0xaf: {  	[tilespmem:s23+$0xFFFFFFF0] =	vst v2;
	v5 =	vmul.f32 v5, v1;
	v2 =	vld [tilespmem:s23+$0x60]  }
0xb0: {  	s20 =	sadd.s32 $0x3, s29;
	v9 =	vmov s29;
	[tilespmem:s23+$0x0] =	vst v4;
	v12 =	vmul.f32 v6, v1;
	v7 =	vld [tilespmem:s23+$0x80]  }
0xb1: {  	s19 =	sadd.s32 $0x1, s29;
	v11 =	vand.u32 $0xFFFFFFFC, v9;
	v4 =	vmov s20;
	[tilespmem:s23+$0x10] =	vst v5;
	v9 =	vmul.f32 v10, v1;
	v6 =	vld [tilespmem:s23+$0x90]  }
0xb2: {  	s20 =	sadd.s32 $0x2, s29;
	s29 =	sadd.s32 $0x4, s29;
	v5 =	vbroadcast v11, $0x0;
	v11 =	vmov s19;
	[tilespmem:s23+$0x20] =	vst v12;
	v10 =	vmul.f32 v8, v1;
	v8 =	vld [tilespmem:s23+$0xA0]  }
0xb3: {  	v12 =	vld [tilespmem:s23+$0xB0]  }
0xb4: {  	v14 =	vld [tilespmem:s23+$0xC0]  }
0xb5: {  	v13 =	vmov s20;
	v15 =	vld [tilespmem:s23+$0xD0]  }
0xb6: {  	v16 =	vld [tilespmem:s23+$0xE0];
	[tilespmem:s23+$0x30] =	vst v9;
	v3 =	vmul.f32 v3, v1;
	v13 =	vand.u32 $0xFFFFFFFE, v13  }
0xb7: {  	v11 =	vand.u32 $0xFFFFFFFD, v11;
	v4 =	vld.idx.msk [tilespmem:v4+s24+$0x0], $0xffff;
	[tilespmem:s23+$0x40] =	vst v10;
	v1 =	vmul.f32 v2, v1;
	v13 =	vbroadcast v13, $0x0  }
0xb8: {  	s29 =	sadd.s32 $0x200, s23;
	v11 =	vbroadcast v11, $0x0;
	v2 =	vld.idx.msk [tilespmem:v5+s24+$0x0], $0xffff;
	v7 =	vmul.f32 v7, v0;
	[tilespmem:s23+$0x50] =	vst v3  }
0xb9: {  	v9 =	vld [tilespmem:s29+$0xFFFFFF00];
	v3 =	vmul.f32 v6, v0;
	[tilespmem:s23+$0x60] =	vst v1  }
0xba: {  	[tilespmem:s23+$0x80] =	vst v7;
	v7 =	vld [tilespmem:s23+$0xF0];
	v1 =	vmul.f32 v8, v0  }
0xbb: {  	v10 =	vld [tilespmem:s29+$0xFFFFFF10];
	[tilespmem:s23+$0x90] =	vst v3;
	v3 =	vmul.f32 v12, v0  }
0xbc: {  	v8 =	vld [tilespmem:s29+$0x70];
	[tilespmem:s23+$0xA0] =	vst v1;
	v1 =	vmul.f32 v14, v0  }
0xbd: {  	[tilespmem:s23+$0xB0] =	vst v3;
	v3 =	vmul.f32 v15, v0;
	v6 =	vld.idx.msk [tilespmem:v13+s24+$0x0], $0xffff  }
0xbe: {  	v5 =	vld.idx.msk [tilespmem:v11+s24+$0x0], $0xffff;
	[tilespmem:s26+$0xC0] =	vst v1;
	v1 =	vmul.f32 v16, v0  }
0xbf: {  	v11 =	vld [tilespmem:s29+$0xFFFFFF20];
	[tilespmem:s26+$0xD0] =	vst v3;
	v0 =	vmul.f32 v7, v0  }
0xc0: {  	v3 =	vld [tilespmem:s29+$0xFFFFFF30];
	[tilespmem:s26+$0xE0] =	vst v1  }
0xc1: {  	v1 =	vld [tilespmem:s29+$0xFFFFFF40];
	[tilespmem:s26+$0xF0] =	vst v0;
	v0 =	vmul.f32 v9, v2  }
0xc2: {  	v7 =	vmul.f32 v8, v6;
	v8 =	vld [tilespmem:s29+$0xFFFFFF50]  }
0xc3: {  	v9 =	vmul.f32 v10, v2;
	v10 =	vld [tilespmem:s29+$0xFFFFFF60];
	[tilespmem:s29+$0xFFFFFF00] =	vst v0  }
0xc4: {  	v0 =	vmul.f32 v11, v2;
	[tilespmem:s29+$0x70] =	vst v7;
	v7 =	vld [tilespmem:s29+$0xFFFFFF70]  }
0xc5: {  	[tilespmem:s29+$0xFFFFFF10] =	vst v9;
	v9 =	vld [tilespmem:s29+$0xFFFFFF80];
	v3 =	vmul.f32 v3, v2  }
0xc6: {  	[tilespmem:s29+$0xFFFFFF20] =	vst v0;
	v0 =	vmul.f32 v1, v2;
	v1 =	vld [tilespmem:s29+$0xFFFFFF90]  }
0xc7: {  	[tilespmem:s29+$0xFFFFFF30] =	vst v3;
	v3 =	vmul.f32 v8, v2;
	v8 =	vld [tilespmem:s29+$0xFFFFFFA0]  }
0xc8: {  	[tilespmem:s29+$0xFFFFFF40] =	vst v0;
	v0 =	vmul.f32 v10, v2;
	v10 =	vld [tilespmem:s29+$0xFFFFFFB0]  }
0xc9: {  	[tilespmem:s29+$0xFFFFFF50] =	vst v3;
	v2 =	vmul.f32 v7, v2;
	v3 =	vld [tilespmem:s29+$0xFFFFFFC0]  }
0xca: {  	[tilespmem:s29+$0xFFFFFF60] =	vst v0;
	v0 =	vmul.f32 v9, v5;
	v7 =	vld [tilespmem:s29+$0xFFFFFFD0]  }
0xcb: {  	v1 =	vmul.f32 v1, v5;
	[tilespmem:s29+$0xFFFFFF70] =	vst v2;
	v2 =	vld [tilespmem:s29+$0xFFFFFFE0]  }
0xcc: {  	[tilespmem:s29+$0xFFFFFF80] =	vst v0;
	v0 =	vmul.f32 v8, v5;
	v8 =	vld [tilespmem:s29+$0xFFFFFFF0]  }
0xcd: {  	v9 =	vld [tilespmem:s29+$0x0];
	[tilespmem:s29+$0xFFFFFF90] =	vst v1;
	v1 =	vmul.f32 v10, v5  }
0xce: {  	[tilespmem:s29+$0xFFFFFFA0] =	vst v0;
	v0 =	vmul.f32 v3, v5;
	v3 =	vld [tilespmem:s29+$0x10]  }
0xcf: {  	[tilespmem:s29+$0xFFFFFFB0] =	vst v1;
	v1 =	vmul.f32 v7, v5;
	v7 =	vld [tilespmem:s29+$0x20]  }
0xd0: {  	[tilespmem:s29+$0xFFFFFFC0] =	vst v0;
	v0 =	vmul.f32 v2, v5;
	v2 =	vld [tilespmem:s29+$0x30]  }
0xd1: {  	[tilespmem:s29+$0xFFFFFFD0] =	vst v1;
	v1 =	vmul.f32 v8, v5;
	v5 =	vld [tilespmem:s29+$0x40]  }
0xd2: {  	v8 =	vld [tilespmem:s29+$0x50];
	[tilespmem:s29+$0xFFFFFFE0] =	vst v0;
	v0 =	vmul.f32 v9, v6  }
0xd3: {  	[tilespmem:s29+$0xFFFFFFF0] =	vst v1;
	v1 =	vmul.f32 v3, v6;
	v3 =	vld [tilespmem:s29+$0x60]  }
0xd4: {  	[tilespmem:s29+$0x0] =	vst v0;
	v0 =	vmul.f32 v7, v6;
	v7 =	vld [tilespmem:s29+$0x80]  }
0xd5: {  	[tilespmem:s29+$0x10] =	vst v1;
	v1 =	vmul.f32 v2, v6;
	v2 =	vld [tilespmem:s29+$0x90]  }
0xd6: {  	[tilespmem:s29+$0x20] =	vst v0;
	v0 =	vmul.f32 v5, v6;
	v5 =	vld [tilespmem:s29+$0xA0]  }
0xd7: {  	[tilespmem:s29+$0x30] =	vst v1;
	v1 =	vmul.f32 v8, v6;
	v8 =	vld [tilespmem:s29+$0xB0]  }
0xd8: {  	[tilespmem:s29+$0x40] =	vst v0;
	v0 =	vmul.f32 v3, v6;
	v3 =	vld [tilespmem:s29+$0xC0]  }
0xd9: {  	v6 =	vld [tilespmem:s29+$0xD0];
	[tilespmem:s29+$0x50] =	vst v1;
	v1 =	vmul.f32 v7, v4  }
0xda: {  	[tilespmem:s29+$0x60] =	vst v0;
	v0 =	vmul.f32 v2, v4;
	v2 =	vld [tilespmem:s29+$0xE0]  }
0xdb: {  	[tilespmem:s29+$0x80] =	vst v1;
	v1 =	vmul.f32 v5, v4;
	v5 =	vld [tilespmem:s29+$0xF0]  }
0xdc: {  	[tilespmem:s29+$0x90] =	vst v0;
	v0 =	vmul.f32 v8, v4  }
0xdd: {  	[tilespmem:s29+$0xA0] =	vst v1;
	v1 =	vmul.f32 v3, v4  }
0xde: {  	[tilespmem:s29+$0xB0] =	vst v0;
	v0 =	vmul.f32 v6, v4  }
0xdf: {  	[tilespmem:s29+$0xC0] =	vst v1;
	v1 =	vmul.f32 v2, v4  }
0xe0: {  	[tilespmem:s29+$0xD0] =	vst v0;
	v0 =	vmul.f32 v5, v4  }
0xe1: {  	[tilespmem:s29+$0xE0] =	vst v1  }
0xe2: {  	[tilespmem:s29+$0xF0] =	vst v0  }
0xe3: {  	_ =	swait.ge [sflag:s10], $0x80  }
0xe4: {  	[sflag:s10] =	ssyncset.done $0x0  }
0xe5: {  	s19 =	simm.s32 $0x300;
	s26 =	simm.s32 $0x480;
	[sflag:s10] =	ssyncadd.s32 $0xFFFFFF80  }
0xe6: {  	[spmem:s1] =	stream.indirect.scatter.add.f32 [tilespmem:s26], [sflag:$0xA], $0x80, s19, s28, $0xb8;
	[tilespmem:$0x1FD00] =	vst v63  }
0xe7: {  	s19 =	sadd.s32 $0x2, s22  }
0xe8: {  	s23 =	sshll.u32 s19, $0x7  }
0xe9: {  	s20 =	sadd.s32 s8, s23  }
0xea: {  	s20 =	sshrl.u32 s20, $0x3  }
0xeb: {  	s26 =	sadd.s32 s5, s20  }
0xec: {  	[tilespmem:s11], [sflag:$0x3] =	stream.linear.gather [hbm4b:s26+s2], $0x80, $0x38;
	[tilespmem:$0x1FD00] =	vst v63  }
0xed: {  	s20 =	sadd.s32 s7, s20  }
0xee: {  	[tilespmem:s12], [sflag:$0x3] =	stream.linear.gather [hbm4b:s20+s2], $0x80, $0x38;
	[tilespmem:$0x1FD00] =	vst v63  }
0xef: {  	_ =	swait.ge [sflag:s13], $0x4000  }
0xf0: {  	[sflag:s13] =	ssyncset.done $0x0  }
0xf1: {  	[sflag:s13] =	ssyncadd.s32 $0xFFFFC000  }
0xf2: {  	_ =	swait.ge [sflag:s15], $0x80  }
0xf3: {  	[sflag:s15] =	ssyncset.done $0x0  }
0xf4: {  	[sflag:s15] =	ssyncadd.s32 $0xFFFFFF80  }
0xf5: {  	s23 =	simm.s32 $0x0;
	_ =	swait.ge [sflag:s15], $0x80  }
0xf6: {  	v0 =	vmov s23;
	s26 =	simm.s32 $0x2;
	[sflag:s15] =	ssyncset.done $0x0  }
0xf7: {  	v0 =	vand.u32 $0xFFFFFFFC, v0;
	v1 =	vmov s26;
	s20 =	simm.s32 @!p1 $0xC;
	[sflag:s15] =	ssyncadd.s32 $0xFFFFFF80  }
0xf8: {  	s19 =	sadd.s32 s14, s19;
	v0 =	vbroadcast v0, $0x0;
	v1 =	vand.u32 $0xFFFFFFFE, v1;
	_ =	swait.ge @!p1 [sflag:s20], $0x4000  }
0xf9: {  	s19 =	sshll.u32 s19, $0x4;
	v1 =	vbroadcast v1, $0x0;
	[sflag:s20] =	ssyncset.done @!p1 $0x0  }
0xfa: {  	s19 =	sand.u32 $0xFFFFFF0, s19;
	[sflag:s20] =	ssyncadd.s32 @!p1 $0xFFFFC000  }
0xfb: {  	[tilespmem:s16], [sflag:$0x9] =	stream.indirect.gather [hbm4b:s4+s28], $0x80, s11, s28, $0xb8;
	[tilespmem:$0x1FD00] =	vst v63  }
0xfc: {  	s19 =	sadd.s32 s6, s19  }
0xfd: {  	[tilespmem:s17], [sflag:$0x6] =	stream.linear.gather [hbm4b:s19+s23], $0x80, $0x38;
	[tilespmem:$0x1FD00] =	vst v63  }
0xfe: {  	v0 =	vld.idx.msk [tilespmem:v0+s30+$0x0], $0xffff  }
0xff: {  	s26 =	simm.s32 $0x1;
	s23 =	simm.s32 $0x4580;
	v1 =	vld.idx.msk [tilespmem:v1+s30+$0x0], $0xffff  }
0x100: {  	v2 =	vmov s26;
	v3 =	vld [tilespmem:s23+$0x70]  }
0x101: {  	v2 =	vand.u32 $0xFFFFFFFD, v2;
	v4 =	vld [tilespmem:s23+$0xFFFFFF00]  }
0x102: {  	v2 =	vbroadcast v2, $0x0;
	v5 =	vld [tilespmem:s23+$0xFFFFFF10]  }
0x103: {  	v6 =	vld [tilespmem:s23+$0xFFFFFF20]  }
0x104: {  	v7 =	vld [tilespmem:s23+$0xFFFFFF30]  }
0x105: {  	v8 =	vld [tilespmem:s23+$0xFFFFFF40]  }
0x106: {  	v9 =	vld [tilespmem:s23+$0xFFFFFF50]  }
0x107: {  	v10 =	vld [tilespmem:s23+$0xFFFFFF60];
	v4 =	vmul.f32 v4, v0  }
0x108: {  	v2 =	vld.idx.msk [tilespmem:v2+s30+$0x0], $0xffff;
	v3 =	vmul.f32 v3, v1  }
0x109: {  	v63 =	vld [tilespmem:s23+$0x40];
	[tilespmem:s23+$0xFFFFFF00] =	vst v4;
	v4 =	vmul.f32 v5, v0  }
0x10a: {  	v5 =	vld [tilespmem:s23+$0xFFFFFF70];
	[tilespmem:s23+$0x70] =	vst v3;
	v3 =	vmul.f32 v6, v0  }
0x10b: {  	v6 =	vld [tilespmem:s23+$0xFFFFFF80];
	[tilespmem:s23+$0xFFFFFF10] =	vst v4;
	v4 =	vmul.f32 v7, v0  }
0x10c: {  	v7 =	vld [tilespmem:s23+$0xFFFFFF90];
	[tilespmem:s23+$0xFFFFFF20] =	vst v3;
	v3 =	vmul.f32 v8, v0  }
0x10d: {  	v8 =	vld [tilespmem:s23+$0xFFFFFFA0];
	[tilespmem:s23+$0xFFFFFF30] =	vst v4;
	v4 =	vmul.f32 v9, v0  }
0x10e: {  	v9 =	vld [tilespmem:s23+$0xFFFFFFB0];
	[tilespmem:s23+$0xFFFFFF40] =	vst v3;
	v3 =	vmul.f32 v10, v0  }
0x10f: {  	v10 =	vld [tilespmem:s23+$0xFFFFFFC0];
	v5 =	vmul.f32 v5, v0;
	[tilespmem:s23+$0xFFFFFF50] =	vst v4  }
0x110: {  	v4 =	vmul.f32 v6, v2;
	v6 =	vld [tilespmem:s23+$0xFFFFFFD0];
	[tilespmem:s23+$0xFFFFFF60] =	vst v3  }
0x111: {  	s20 =	simm.s32 $0x3;
	v3 =	vld [tilespmem:s23+$0xFFFFFFE0];
	v7 =	vmul.f32 v7, v2;
	[tilespmem:s23+$0xFFFFFF70] =	vst v5  }
0x112: {  	v11 =	vmov s20;
	v5 =	vld [tilespmem:s23+$0xFFFFFFF0];
	[tilespmem:s23+$0xFFFFFF80] =	vst v4;
	v4 =	vmul.f32 v8, v2  }
0x113: {  	v8 =	vld [tilespmem:s23+$0x0];
	[tilespmem:s23+$0xFFFFFF90] =	vst v7;
	v7 =	vmul.f32 v9, v2  }
0x114: {  	v9 =	vld [tilespmem:s23+$0x10];
	[tilespmem:s23+$0xFFFFFFA0] =	vst v4;
	v4 =	vmul.f32 v10, v2  }
0x115: {  	[tilespmem:s23+$0xFFFFFFB0] =	vst v7;
	v6 =	vmul.f32 v6, v2;
	v7 =	vld [tilespmem:s23+$0x20]  }
0x116: {  	v10 =	vld [tilespmem:s23+$0x30];
	v3 =	vmul.f32 v3, v2;
	[tilespmem:s23+$0xFFFFFFC0] =	vst v4  }
0x117: {  	v0 =	vld.idx.msk [tilespmem:v11+s30+$0x0], $0xffff;
	v2 =	vmul.f32 v5, v2;
	[tilespmem:s23+$0xFFFFFFD0] =	vst v6  }
0x118: {  	[tilespmem:s23+$0xFFFFFFE0] =	vst v3;
	v4 =	vmul.f32 v8, v1;
	v3 =	vld [tilespmem:s23+$0x50]  }
0x119: {  	s26 =	simm.s32 $0x4;
	[tilespmem:s23+$0xFFFFFFF0] =	vst v2;
	v5 =	vmul.f32 v9, v1;
	v2 =	vld [tilespmem:s23+$0x60]  }
0x11a: {  	s20 =	simm.s32 $0x7;
	v6 =	vmov s26;
	[tilespmem:s23+$0x0] =	vst v4;
	v8 =	vmul.f32 v7, v1;
	v7 =	vld [tilespmem:s23+$0x80]  }
0x11b: {  	s26 =	simm.s32 $0x5;
	v11 =	vand.u32 $0xFFFFFFFC, v6;
	v6 =	vld [tilespmem:s23+$0x90];
	v4 =	vmov s20;
	v9 =	vmul.f32 v10, v1;
	[tilespmem:s23+$0x10] =	vst v5  }
0x11c: {  	s29 =	simm.s32 $0x8;
	s20 =	simm.s32 $0x6;
	v10 =	vmul.f32 v63, v1;
	v5 =	vbroadcast v11, $0x0;
	v11 =	vmov s26;
	s26 =	simm.s32 $0x4580;
	[tilespmem:s23+$0x20] =	vst v8;
	v8 =	vld [tilespmem:s23+$0xA0]  }
.LBB2_5:
0x11d: {  	p1 =	slt.u32 s29, $0x7C;
	v11 =	vand.u32 $0xFFFFFFFD, v11;
	v12 =	vmov s20;
	[tilespmem:s23+$0x30] =	vst v9;
	v3 =	vmul.f32 v3, v1;
	v9 =	vld [tilespmem:s23+$0xB0]  }
0x11e: {  	v11 =	vbroadcast v11, $0x0;
	v12 =	vand.u32 $0xFFFFFFFE, v12;
	[tilespmem:s23+$0x40] =	vst v10;
	v1 =	vmul.f32 v2, v1;
	v2 =	vld [tilespmem:s23+$0xC0]  }
0x11f: {  	v10 =	vbroadcast v12, $0x0;
	[tilespmem:s23+$0x50] =	vst v3;
	v3 =	vmul.f32 v7, v0;
	v7 =	vld [tilespmem:s23+$0xD0]  }
0x120: {  	[tilespmem:s23+$0x60] =	vst v1;
	v1 =	vmul.f32 v6, v0;
	v6 =	vld [tilespmem:s23+$0xE0]  }
0x121: {  	[tilespmem:s23+$0x80] =	vst v3;
	v3 =	vmul.f32 v8, v0;
	v8 =	vld [tilespmem:s23+$0xF0]  }
0x122: {  	v4 =	vld.idx.msk [tilespmem:v4+s30+$0x0], $0xffff;
	[tilespmem:s23+$0x90] =	vst v1;
	v1 =	vmul.f32 v9, v0  }
0x123: {  	v5 =	vld.idx.msk [tilespmem:v5+s30+$0x0], $0xffff;
	[tilespmem:s23+$0xA0] =	vst v3;
	v2 =	vmul.f32 v2, v0  }
0x124: {  	v3 =	vld.idx.msk [tilespmem:v11+s30+$0x0], $0xffff;
	[tilespmem:s23+$0xB0] =	vst v1;
	v7 =	vmul.f32 v7, v0  }
0x125: {  	s23 =	sadd.s32 $0x200, s23;
	v1 =	vld.idx.msk [tilespmem:v10+s30+$0x0], $0xffff;
	[tilespmem:s26+$0xC0] =	vst v2;
	v2 =	vmul.f32 v6, v0  }
0x126: {  	v6 =	vld [tilespmem:s23+$0x70];
	[tilespmem:s26+$0xD0] =	vst v7;
	v8 =	vmul.f32 v8, v0  }
0x127: {  	v7 =	vld [tilespmem:s23+$0xFFFFFF00];
	[tilespmem:s26+$0xE0] =	vst v2  }
0x128: {  	v0 =	vmov v4;
	v2 =	vld [tilespmem:s23+$0xFFFFFF10];
	[tilespmem:s26+$0xF0] =	vst v8;
	s26 =	smov.u32 s23  }
0x129: {  	v4 =	vld [tilespmem:s23+$0xFFFFFF20]  }
0x12a: {  	v8 =	vld [tilespmem:s23+$0xFFFFFF30]  }
0x12b: {  	v9 =	vld [tilespmem:s23+$0xFFFFFF40];
	v6 =	vmul.f32 v6, v1  }
0x12c: {  	v7 =	vmul.f32 v7, v5;
	v10 =	vld [tilespmem:s23+$0xFFFFFF50]  }
0x12d: {  	v2 =	vmul.f32 v2, v5;
	v11 =	vld [tilespmem:s23+$0xFFFFFF60];
	[tilespmem:s23+$0x70] =	vst v6  }
0x12e: {  	[tilespmem:s23+$0xFFFFFF00] =	vst v7;
	v4 =	vmul.f32 v4, v5;
	v6 =	vld [tilespmem:s23+$0xFFFFFF70]  }
0x12f: {  	[tilespmem:s23+$0xFFFFFF10] =	vst v2;
	v2 =	vmul.f32 v8, v5;
	v7 =	vld [tilespmem:s23+$0xFFFFFF80]  }
0x130: {  	[tilespmem:s23+$0xFFFFFF20] =	vst v4;
	v4 =	vmul.f32 v9, v5;
	v8 =	vld [tilespmem:s23+$0xFFFFFF90]  }
0x131: {  	[tilespmem:s23+$0xFFFFFF30] =	vst v2;
	v2 =	vmul.f32 v10, v5;
	v9 =	vld [tilespmem:s23+$0xFFFFFFA0]  }
0x132: {  	[tilespmem:s23+$0xFFFFFF40] =	vst v4;
	v4 =	vmul.f32 v11, v5;
	v10 =	vld [tilespmem:s23+$0xFFFFFFB0]  }
0x133: {  	[tilespmem:s23+$0xFFFFFF50] =	vst v2;
	v2 =	vmul.f32 v6, v5;
	v5 =	vld [tilespmem:s23+$0xFFFFFFC0]  }
0x134: {  	[tilespmem:s23+$0xFFFFFF60] =	vst v4;
	v4 =	vmul.f32 v7, v3;
	v6 =	vld [tilespmem:s23+$0xFFFFFFD0]  }
0x135: {  	[tilespmem:s23+$0xFFFFFF70] =	vst v2;
	v2 =	vmul.f32 v8, v3;
	v7 =	vld [tilespmem:s23+$0xFFFFFFE0]  }
0x136: {  	[tilespmem:s23+$0xFFFFFF80] =	vst v4;
	v4 =	vmul.f32 v9, v3;
	v8 =	vld [tilespmem:s23+$0xFFFFFFF0]  }
0x137: {  	[tilespmem:s23+$0xFFFFFF90] =	vst v2;
	v2 =	vmul.f32 v10, v3;
	v9 =	vld [tilespmem:s23+$0x0]  }
0x138: {  	[tilespmem:s23+$0xFFFFFFA0] =	vst v4;
	v4 =	vmul.f32 v5, v3;
	v5 =	vld [tilespmem:s23+$0x10]  }
0x139: {  	[tilespmem:s23+$0xFFFFFFB0] =	vst v2;
	v2 =	vmul.f32 v6, v3;
	v6 =	vld [tilespmem:s23+$0x20]  }
0x13a: {  	[tilespmem:s23+$0xFFFFFFC0] =	vst v4;
	v4 =	vmul.f32 v7, v3;
	v10 =	vld [tilespmem:s23+$0x30]  }
0x13b: {  	[tilespmem:s23+$0xFFFFFFD0] =	vst v2;
	v2 =	vmul.f32 v8, v3;
	v8 =	vld [tilespmem:s23+$0x40]  }
.Ltmp3:
0x13c: {  	[tilespmem:s23+$0xFFFFFFE0] =	vst v4;
	v4 =	vmul.f32 v9, v1;
	v3 =	vld [tilespmem:s23+$0x50];
	(pc) =	sbr.rel @p1 .LBB2_5-.Ltmp3, $4  }
0x13d: {  	[tilespmem:s23+$0xFFFFFFF0] =	vst v2;
	v5 =	vmul.f32 v5, v1;
	v2 =	vld [tilespmem:s23+$0x60]  }
0x13e: {  	s19 =	sadd.s32 $0x3, s29;
	v9 =	vmov s29;
	[tilespmem:s23+$0x0] =	vst v4;
	v12 =	vmul.f32 v6, v1;
	v7 =	vld [tilespmem:s23+$0x80]  }
0x13f: {  	s20 =	sadd.s32 $0x1, s29;
	v11 =	vand.u32 $0xFFFFFFFC, v9;
	v4 =	vmov s19;
	[tilespmem:s23+$0x10] =	vst v5;
	v9 =	vmul.f32 v10, v1;
	v6 =	vld [tilespmem:s23+$0x90]  }
0x140: {  	v5 =	vbroadcast v11, $0x0;
	v11 =	vmov s20;
	s20 =	sadd.s32 $0x2, s29;
	s29 =	sadd.s32 $0x4, s29;
	[tilespmem:s23+$0x20] =	vst v12;
	v10 =	vmul.f32 v8, v1;
	v8 =	vld [tilespmem:s23+$0xA0]  }
0x141: {  	v12 =	vld [tilespmem:s23+$0xB0]  }
0x142: {  	v14 =	vld [tilespmem:s23+$0xC0]  }
0x143: {  	v13 =	vmov s20;
	v15 =	vld [tilespmem:s23+$0xD0]  }
0x144: {  	v16 =	vld [tilespmem:s23+$0xE0];
	[tilespmem:s23+$0x30] =	vst v9;
	v3 =	vmul.f32 v3, v1;
	v13 =	vand.u32 $0xFFFFFFFE, v13  }
0x145: {  	v11 =	vand.u32 $0xFFFFFFFD, v11;
	v4 =	vld.idx.msk [tilespmem:v4+s30+$0x0], $0xffff;
	[tilespmem:s23+$0x40] =	vst v10;
	v1 =	vmul.f32 v2, v1;
	v13 =	vbroadcast v13, $0x0  }
0x146: {  	s29 =	sadd.s32 $0x200, s23;
	v11 =	vbroadcast v11, $0x0;
	v2 =	vld.idx.msk [tilespmem:v5+s30+$0x0], $0xffff;
	v7 =	vmul.f32 v7, v0;
	[tilespmem:s23+$0x50] =	vst v3  }
0x147: {  	v9 =	vld [tilespmem:s29+$0xFFFFFF00];
	v3 =	vmul.f32 v6, v0;
	[tilespmem:s23+$0x60] =	vst v1  }
0x148: {  	[tilespmem:s23+$0x80] =	vst v7;
	v7 =	vld [tilespmem:s23+$0xF0];
	v1 =	vmul.f32 v8, v0  }
0x149: {  	v10 =	vld [tilespmem:s29+$0xFFFFFF10];
	[tilespmem:s23+$0x90] =	vst v3;
	v3 =	vmul.f32 v12, v0  }
0x14a: {  	v8 =	vld [tilespmem:s29+$0x70];
	[tilespmem:s23+$0xA0] =	vst v1;
	v1 =	vmul.f32 v14, v0  }
0x14b: {  	[tilespmem:s23+$0xB0] =	vst v3;
	v3 =	vmul.f32 v15, v0;
	v6 =	vld.idx.msk [tilespmem:v13+s30+$0x0], $0xffff  }
0x14c: {  	v5 =	vld.idx.msk [tilespmem:v11+s30+$0x0], $0xffff;
	[tilespmem:s26+$0xC0] =	vst v1;
	v1 =	vmul.f32 v16, v0  }
0x14d: {  	v11 =	vld [tilespmem:s29+$0xFFFFFF20];
	[tilespmem:s26+$0xD0] =	vst v3;
	v0 =	vmul.f32 v7, v0  }
0x14e: {  	v3 =	vld [tilespmem:s29+$0xFFFFFF30];
	[tilespmem:s26+$0xE0] =	vst v1  }
0x14f: {  	v1 =	vld [tilespmem:s29+$0xFFFFFF40];
	[tilespmem:s26+$0xF0] =	vst v0;
	v0 =	vmul.f32 v9, v2  }
0x150: {  	v7 =	vmul.f32 v8, v6;
	v8 =	vld [tilespmem:s29+$0xFFFFFF50]  }
0x151: {  	v9 =	vmul.f32 v10, v2;
	v10 =	vld [tilespmem:s29+$0xFFFFFF60];
	[tilespmem:s29+$0xFFFFFF00] =	vst v0  }
0x152: {  	v0 =	vmul.f32 v11, v2;
	[tilespmem:s29+$0x70] =	vst v7;
	v7 =	vld [tilespmem:s29+$0xFFFFFF70]  }
0x153: {  	[tilespmem:s29+$0xFFFFFF10] =	vst v9;
	v9 =	vld [tilespmem:s29+$0xFFFFFF80];
	v3 =	vmul.f32 v3, v2  }
0x154: {  	[tilespmem:s29+$0xFFFFFF20] =	vst v0;
	v0 =	vmul.f32 v1, v2;
	v1 =	vld [tilespmem:s29+$0xFFFFFF90]  }
0x155: {  	[tilespmem:s29+$0xFFFFFF30] =	vst v3;
	v3 =	vmul.f32 v8, v2;
	v8 =	vld [tilespmem:s29+$0xFFFFFFA0]  }
0x156: {  	[tilespmem:s29+$0xFFFFFF40] =	vst v0;
	v0 =	vmul.f32 v10, v2;
	v10 =	vld [tilespmem:s29+$0xFFFFFFB0]  }
0x157: {  	[tilespmem:s29+$0xFFFFFF50] =	vst v3;
	v2 =	vmul.f32 v7, v2;
	v3 =	vld [tilespmem:s29+$0xFFFFFFC0]  }
0x158: {  	[tilespmem:s29+$0xFFFFFF60] =	vst v0;
	v0 =	vmul.f32 v9, v5;
	v7 =	vld [tilespmem:s29+$0xFFFFFFD0]  }
0x159: {  	v1 =	vmul.f32 v1, v5;
	[tilespmem:s29+$0xFFFFFF70] =	vst v2;
	v2 =	vld [tilespmem:s29+$0xFFFFFFE0]  }
0x15a: {  	[tilespmem:s29+$0xFFFFFF80] =	vst v0;
	v0 =	vmul.f32 v8, v5;
	v8 =	vld [tilespmem:s29+$0xFFFFFFF0]  }
0x15b: {  	v9 =	vld [tilespmem:s29+$0x0];
	[tilespmem:s29+$0xFFFFFF90] =	vst v1;
	v1 =	vmul.f32 v10, v5  }
0x15c: {  	[tilespmem:s29+$0xFFFFFFA0] =	vst v0;
	v0 =	vmul.f32 v3, v5;
	v3 =	vld [tilespmem:s29+$0x10]  }
0x15d: {  	[tilespmem:s29+$0xFFFFFFB0] =	vst v1;
	v1 =	vmul.f32 v7, v5;
	v7 =	vld [tilespmem:s29+$0x20]  }
0x15e: {  	[tilespmem:s29+$0xFFFFFFC0] =	vst v0;
	v0 =	vmul.f32 v2, v5;
	v2 =	vld [tilespmem:s29+$0x30]  }
0x15f: {  	[tilespmem:s29+$0xFFFFFFD0] =	vst v1;
	v1 =	vmul.f32 v8, v5;
	v5 =	vld [tilespmem:s29+$0x40]  }
0x160: {  	v8 =	vld [tilespmem:s29+$0x50];
	[tilespmem:s29+$0xFFFFFFE0] =	vst v0;
	v0 =	vmul.f32 v9, v6  }
0x161: {  	[tilespmem:s29+$0xFFFFFFF0] =	vst v1;
	v1 =	vmul.f32 v3, v6;
	v3 =	vld [tilespmem:s29+$0x60]  }
0x162: {  	[tilespmem:s29+$0x0] =	vst v0;
	v0 =	vmul.f32 v7, v6;
	v7 =	vld [tilespmem:s29+$0x80]  }
0x163: {  	[tilespmem:s29+$0x10] =	vst v1;
	v1 =	vmul.f32 v2, v6;
	v2 =	vld [tilespmem:s29+$0x90]  }
0x164: {  	[tilespmem:s29+$0x20] =	vst v0;
	v0 =	vmul.f32 v5, v6;
	v5 =	vld [tilespmem:s29+$0xA0]  }
0x165: {  	[tilespmem:s29+$0x30] =	vst v1;
	v1 =	vmul.f32 v8, v6;
	v8 =	vld [tilespmem:s29+$0xB0]  }
0x166: {  	[tilespmem:s29+$0x40] =	vst v0;
	v0 =	vmul.f32 v3, v6;
	v3 =	vld [tilespmem:s29+$0xC0]  }
0x167: {  	v6 =	vld [tilespmem:s29+$0xD0];
	[tilespmem:s29+$0x50] =	vst v1;
	v1 =	vmul.f32 v7, v4  }
0x168: {  	[tilespmem:s29+$0x60] =	vst v0;
	v0 =	vmul.f32 v2, v4;
	v2 =	vld [tilespmem:s29+$0xE0]  }
0x169: {  	[tilespmem:s29+$0x80] =	vst v1;
	v1 =	vmul.f32 v5, v4;
	v5 =	vld [tilespmem:s29+$0xF0]  }
0x16a: {  	[tilespmem:s29+$0x90] =	vst v0;
	v0 =	vmul.f32 v8, v4  }
0x16b: {  	[tilespmem:s29+$0xA0] =	vst v1;
	v1 =	vmul.f32 v3, v4  }
0x16c: {  	[tilespmem:s29+$0xB0] =	vst v0;
	v0 =	vmul.f32 v6, v4  }
0x16d: {  	[tilespmem:s29+$0xC0] =	vst v1;
	v1 =	vmul.f32 v2, v4  }
0x16e: {  	[tilespmem:s29+$0xD0] =	vst v0;
	v0 =	vmul.f32 v5, v4  }
0x16f: {  	[tilespmem:s29+$0xE0] =	vst v1  }
0x170: {  	[tilespmem:s29+$0xF0] =	vst v0  }
0x171: {  	p1 =	seq.s32 s25, $0x1A;
	_ =	swait.ge [sflag:s18], $0x80  }
0x172: {  	s19 =	sadd.s32 @!p1 $0x3, s22;
	[sflag:s18] =	ssyncset.done $0x0  }
0x173: {  	s20 =	simm.s32 @p1 $0x9;
	s22 =	sshll.u32 @!p1 s19, $0x7;
	[sflag:s18] =	ssyncadd.s32 $0xFFFFFF80  }
0x174: {  	[spmem:s1] =	stream.indirect.scatter.add.f32 [tilespmem:s3], [sflag:$0xB], $0x80, s9, s28, $0xb8;
	[tilespmem:$0x1FD00] =	vst v63  }
0x175: {  	s22 =	sadd.s32 @!p1 s8, s22;
	_ =	swait.ge @p1 [sflag:s20], $0x4000  }
0x176: {  	s22 =	sshrl.u32 @!p1 s22, $0x3;
	[sflag:s20] =	ssyncset.done @p1 $0x0  }
0x177: {  	s23 =	simm.s32 @!p1 $0x0;
	[sflag:s20] =	ssyncadd.s32 @p1 $0xFFFFC000;
	s20 =	sadd.s32 @!p1 s5, s22  }
0x178: {  	[tilespmem:s23], [sflag:$0x1] =	stream.linear.gather @!p1 [hbm4b:s20+s23], $0x80, $0x38;
	[tilespmem:$0x1FD00] =	vst v63  }
0x179: {  	s20 =	sadd.s32 @!p1 s7, s22;
	s22 =	simm.s32 @!p1 $0x180  }
0x17a: {  	[tilespmem:s22], [sflag:$0x1] =	stream.linear.gather @!p1 [hbm4b:s20+s23], $0x80, $0x38;
	[tilespmem:$0x1FD00] =	vst v63  }
0x17b: {  	s20 =	simm.s32 @!p1 $0x9  }
0x17c: {  	_ =	swait.ge @!p1 [sflag:s20], $0x4000  }
0x17d: {  	[sflag:s20] =	ssyncset.done @!p1 $0x0  }
0x17e: {  	[sflag:s20] =	ssyncadd.s32 @!p1 $0xFFFFC000;
	s20 =	simm.s32 @!p1 $0x1  }
0x17f: {  	_ =	swait.ge @!p1 [sflag:s20], $0x80  }
0x180: {  	[sflag:s20] =	ssyncset.done @!p1 $0x0  }
0x181: {  	[sflag:s20] =	ssyncadd.s32 @!p1 $0xFFFFFF80  }
0x182: {  	s29 =	simm.s32 $0x0;
	_ =	swait.ge @!p1 [sflag:s20], $0x80  }
0x183: {  	s26 =	simm.s32 $0x2;
	v0 =	vmov s29;
	[sflag:s20] =	ssyncset.done @!p1 $0x0  }
0x184: {  	s19 =	sadd.s32 @!p1 s14, s19;
	v1 =	vmov s26;
	v0 =	vand.u32 $0xFFFFFFFC, v0;
	[sflag:s20] =	ssyncadd.s32 @!p1 $0xFFFFFF80;
	s20 =	simm.s32 @!p1 $0xA  }
0x185: {  	s19 =	sshll.u32 @!p1 s19, $0x4;
	v1 =	vand.u32 $0xFFFFFFFE, v1;
	v0 =	vbroadcast v0, $0x0;
	_ =	swait.ge @!p1 [sflag:s20], $0x4000  }
0x186: {  	s19 =	sand.u32 @!p1 $0xFFFFFF0, s19;
	v1 =	vbroadcast v1, $0x0;
	[sflag:s20] =	ssyncset.done @!p1 $0x0  }
0x187: {  	s22 =	simm.s32 @!p1 $0x480;
	[sflag:s20] =	ssyncadd.s32 @!p1 $0xFFFFC000;
	s20 =	simm.s32 @!p1 $0x80  }
0x188: {  	[tilespmem:s22], [sflag:$0x7] =	stream.indirect.gather @!p1 [hbm4b:s4+s20], $0x80, s23, s20, $0xb8;
	[tilespmem:$0x1FD00] =	vst v63  }
0x189: {  	s19 =	sadd.s32 @!p1 s6, s19;
	s20 =	simm.s32 @!p1 $0x300  }
0x18a: {  	[tilespmem:s20], [sflag:$0x4] =	stream.linear.gather @!p1 [hbm4b:s19+s23], $0x80, $0x38;
	[tilespmem:$0x1FD00] =	vst v63  }
0x18b: {  	v0 =	vld.idx.msk [tilespmem:v0+s12+$0x0], $0xffff  }
0x18c: {  	s29 =	simm.s32 $0x1;
	s22 =	simm.s32 $0x8580;
	v1 =	vld.idx.msk [tilespmem:v1+s12+$0x0], $0xffff  }
0x18d: {  	v2 =	vmov s29;
	v3 =	vld [tilespmem:s22+$0x70]  }
0x18e: {  	v2 =	vand.u32 $0xFFFFFFFD, v2;
	v4 =	vld [tilespmem:s22+$0xFFFFFF00]  }
0x18f: {  	v2 =	vbroadcast v2, $0x0;
	v5 =	vld [tilespmem:s22+$0xFFFFFF10]  }
0x190: {  	v6 =	vld [tilespmem:s22+$0xFFFFFF20]  }
0x191: {  	v7 =	vld [tilespmem:s22+$0xFFFFFF30]  }
0x192: {  	v8 =	vld [tilespmem:s22+$0xFFFFFF40]  }
0x193: {  	v9 =	vld [tilespmem:s22+$0xFFFFFF50]  }
0x194: {  	v10 =	vld [tilespmem:s22+$0xFFFFFF60];
	v4 =	vmul.f32 v4, v0  }
0x195: {  	v2 =	vld.idx.msk [tilespmem:v2+s12+$0x0], $0xffff;
	v3 =	vmul.f32 v3, v1  }
0x196: {  	v63 =	vld [tilespmem:s22+$0x40];
	[tilespmem:s22+$0xFFFFFF00] =	vst v4;
	v4 =	vmul.f32 v5, v0  }
0x197: {  	v5 =	vld [tilespmem:s22+$0xFFFFFF70];
	[tilespmem:s22+$0x70] =	vst v3;
	v3 =	vmul.f32 v6, v0  }
0x198: {  	v6 =	vld [tilespmem:s22+$0xFFFFFF80];
	[tilespmem:s22+$0xFFFFFF10] =	vst v4;
	v4 =	vmul.f32 v7, v0  }
0x199: {  	v7 =	vld [tilespmem:s22+$0xFFFFFF90];
	[tilespmem:s22+$0xFFFFFF20] =	vst v3;
	v3 =	vmul.f32 v8, v0  }
0x19a: {  	v8 =	vld [tilespmem:s22+$0xFFFFFFA0];
	[tilespmem:s22+$0xFFFFFF30] =	vst v4;
	v4 =	vmul.f32 v9, v0  }
0x19b: {  	v9 =	vld [tilespmem:s22+$0xFFFFFFB0];
	[tilespmem:s22+$0xFFFFFF40] =	vst v3;
	v3 =	vmul.f32 v10, v0  }
0x19c: {  	v10 =	vld [tilespmem:s22+$0xFFFFFFC0];
	v5 =	vmul.f32 v5, v0;
	[tilespmem:s22+$0xFFFFFF50] =	vst v4  }
0x19d: {  	v4 =	vmul.f32 v6, v2;
	v6 =	vld [tilespmem:s22+$0xFFFFFFD0];
	[tilespmem:s22+$0xFFFFFF60] =	vst v3  }
0x19e: {  	s20 =	simm.s32 $0x3;
	v3 =	vld [tilespmem:s22+$0xFFFFFFE0];
	v7 =	vmul.f32 v7, v2;
	[tilespmem:s22+$0xFFFFFF70] =	vst v5  }
0x19f: {  	v11 =	vmov s20;
	v5 =	vld [tilespmem:s22+$0xFFFFFFF0];
	[tilespmem:s22+$0xFFFFFF80] =	vst v4;
	v4 =	vmul.f32 v8, v2  }
0x1a0: {  	v8 =	vld [tilespmem:s22+$0x0];
	[tilespmem:s22+$0xFFFFFF90] =	vst v7;
	v7 =	vmul.f32 v9, v2  }
0x1a1: {  	v9 =	vld [tilespmem:s22+$0x10];
	[tilespmem:s22+$0xFFFFFFA0] =	vst v4;
	v4 =	vmul.f32 v10, v2  }
0x1a2: {  	[tilespmem:s22+$0xFFFFFFB0] =	vst v7;
	v6 =	vmul.f32 v6, v2;
	v7 =	vld [tilespmem:s22+$0x20]  }
0x1a3: {  	v10 =	vld [tilespmem:s22+$0x30];
	v3 =	vmul.f32 v3, v2;
	[tilespmem:s22+$0xFFFFFFC0] =	vst v4  }
0x1a4: {  	v0 =	vld.idx.msk [tilespmem:v11+s12+$0x0], $0xffff;
	v2 =	vmul.f32 v5, v2;
	[tilespmem:s22+$0xFFFFFFD0] =	vst v6  }
0x1a5: {  	[tilespmem:s22+$0xFFFFFFE0] =	vst v3;
	v4 =	vmul.f32 v8, v1;
	v3 =	vld [tilespmem:s22+$0x50]  }
0x1a6: {  	s23 =	simm.s32 $0x4;
	[tilespmem:s22+$0xFFFFFFF0] =	vst v2;
	v5 =	vmul.f32 v9, v1;
	v2 =	vld [tilespmem:s22+$0x60]  }
0x1a7: {  	s26 =	simm.s32 $0x7;
	v6 =	vmov s23;
	[tilespmem:s22+$0x0] =	vst v4;
	v8 =	vmul.f32 v7, v1;
	v7 =	vld [tilespmem:s22+$0x80]  }
0x1a8: {  	s29 =	simm.s32 $0x5;
	v11 =	vand.u32 $0xFFFFFFFC, v6;
	v6 =	vld [tilespmem:s22+$0x90];
	v4 =	vmov s26;
	v9 =	vmul.f32 v10, v1;
	[tilespmem:s22+$0x10] =	vst v5  }
0x1a9: {  	s20 =	simm.s32 $0x6;
	s23 =	simm.s32 $0x8580;
	s26 =	simm.s32 $0x8;
	v10 =	vmul.f32 v63, v1;
	v5 =	vbroadcast v11, $0x0;
	v11 =	vmov s29;
	[tilespmem:s22+$0x20] =	vst v8;
	v8 =	vld [tilespmem:s22+$0xA0]  }
.LBB2_7:
0x1aa: {  	p2 =	slt.u32 s26, $0x7C;
	v11 =	vand.u32 $0xFFFFFFFD, v11;
	v12 =	vmov s20;
	[tilespmem:s22+$0x30] =	vst v9;
	v3 =	vmul.f32 v3, v1;
	v9 =	vld [tilespmem:s22+$0xB0]  }
0x1ab: {  	v11 =	vbroadcast v11, $0x0;
	v12 =	vand.u32 $0xFFFFFFFE, v12;
	[tilespmem:s22+$0x40] =	vst v10;
	v1 =	vmul.f32 v2, v1;
	v2 =	vld [tilespmem:s22+$0xC0]  }
0x1ac: {  	v10 =	vbroadcast v12, $0x0;
	[tilespmem:s22+$0x50] =	vst v3;
	v3 =	vmul.f32 v7, v0;
	v7 =	vld [tilespmem:s22+$0xD0]  }
0x1ad: {  	[tilespmem:s22+$0x60] =	vst v1;
	v1 =	vmul.f32 v6, v0;
	v6 =	vld [tilespmem:s22+$0xE0]  }
0x1ae: {  	[tilespmem:s22+$0x80] =	vst v3;
	v3 =	vmul.f32 v8, v0;
	v8 =	vld [tilespmem:s22+$0xF0]  }
0x1af: {  	v4 =	vld.idx.msk [tilespmem:v4+s12+$0x0], $0xffff;
	[tilespmem:s22+$0x90] =	vst v1;
	v1 =	vmul.f32 v9, v0  }
0x1b0: {  	v5 =	vld.idx.msk [tilespmem:v5+s12+$0x0], $0xffff;
	[tilespmem:s22+$0xA0] =	vst v3;
	v2 =	vmul.f32 v2, v0  }
0x1b1: {  	v3 =	vld.idx.msk [tilespmem:v11+s12+$0x0], $0xffff;
	[tilespmem:s22+$0xB0] =	vst v1;
	v7 =	vmul.f32 v7, v0  }
0x1b2: {  	s22 =	sadd.s32 $0x200, s22;
	v1 =	vld.idx.msk [tilespmem:v10+s12+$0x0], $0xffff;
	[tilespmem:s23+$0xC0] =	vst v2;
	v2 =	vmul.f32 v6, v0  }
0x1b3: {  	v6 =	vld [tilespmem:s22+$0x70];
	[tilespmem:s23+$0xD0] =	vst v7;
	v8 =	vmul.f32 v8, v0  }
0x1b4: {  	v7 =	vld [tilespmem:s22+$0xFFFFFF00];
	[tilespmem:s23+$0xE0] =	vst v2  }
0x1b5: {  	v0 =	vmov v4;
	v2 =	vld [tilespmem:s22+$0xFFFFFF10];
	[tilespmem:s23+$0xF0] =	vst v8;
	s23 =	smov.u32 s22  }
0x1b6: {  	v4 =	vld [tilespmem:s22+$0xFFFFFF20]  }
0x1b7: {  	v8 =	vld [tilespmem:s22+$0xFFFFFF30]  }
0x1b8: {  	v9 =	vld [tilespmem:s22+$0xFFFFFF40];
	v6 =	vmul.f32 v6, v1  }
0x1b9: {  	v7 =	vmul.f32 v7, v5;
	v10 =	vld [tilespmem:s22+$0xFFFFFF50]  }
0x1ba: {  	v2 =	vmul.f32 v2, v5;
	v11 =	vld [tilespmem:s22+$0xFFFFFF60];
	[tilespmem:s22+$0x70] =	vst v6  }
0x1bb: {  	[tilespmem:s22+$0xFFFFFF00] =	vst v7;
	v4 =	vmul.f32 v4, v5;
	v6 =	vld [tilespmem:s22+$0xFFFFFF70]  }
0x1bc: {  	[tilespmem:s22+$0xFFFFFF10] =	vst v2;
	v2 =	vmul.f32 v8, v5;
	v7 =	vld [tilespmem:s22+$0xFFFFFF80]  }
0x1bd: {  	[tilespmem:s22+$0xFFFFFF20] =	vst v4;
	v4 =	vmul.f32 v9, v5;
	v8 =	vld [tilespmem:s22+$0xFFFFFF90]  }
0x1be: {  	[tilespmem:s22+$0xFFFFFF30] =	vst v2;
	v2 =	vmul.f32 v10, v5;
	v9 =	vld [tilespmem:s22+$0xFFFFFFA0]  }
0x1bf: {  	[tilespmem:s22+$0xFFFFFF40] =	vst v4;
	v4 =	vmul.f32 v11, v5;
	v10 =	vld [tilespmem:s22+$0xFFFFFFB0]  }
0x1c0: {  	[tilespmem:s22+$0xFFFFFF50] =	vst v2;
	v2 =	vmul.f32 v6, v5;
	v5 =	vld [tilespmem:s22+$0xFFFFFFC0]  }
0x1c1: {  	[tilespmem:s22+$0xFFFFFF60] =	vst v4;
	v4 =	vmul.f32 v7, v3;
	v6 =	vld [tilespmem:s22+$0xFFFFFFD0]  }
0x1c2: {  	[tilespmem:s22+$0xFFFFFF70] =	vst v2;
	v2 =	vmul.f32 v8, v3;
	v7 =	vld [tilespmem:s22+$0xFFFFFFE0]  }
0x1c3: {  	[tilespmem:s22+$0xFFFFFF80] =	vst v4;
	v4 =	vmul.f32 v9, v3;
	v8 =	vld [tilespmem:s22+$0xFFFFFFF0]  }
0x1c4: {  	[tilespmem:s22+$0xFFFFFF90] =	vst v2;
	v2 =	vmul.f32 v10, v3;
	v9 =	vld [tilespmem:s22+$0x0]  }
0x1c5: {  	[tilespmem:s22+$0xFFFFFFA0] =	vst v4;
	v4 =	vmul.f32 v5, v3;
	v5 =	vld [tilespmem:s22+$0x10]  }
0x1c6: {  	[tilespmem:s22+$0xFFFFFFB0] =	vst v2;
	v2 =	vmul.f32 v6, v3;
	v6 =	vld [tilespmem:s22+$0x20]  }
0x1c7: {  	[tilespmem:s22+$0xFFFFFFC0] =	vst v4;
	v4 =	vmul.f32 v7, v3;
	v10 =	vld [tilespmem:s22+$0x30]  }
0x1c8: {  	[tilespmem:s22+$0xFFFFFFD0] =	vst v2;
	v2 =	vmul.f32 v8, v3;
	v8 =	vld [tilespmem:s22+$0x40]  }
.Ltmp4:
0x1c9: {  	[tilespmem:s22+$0xFFFFFFE0] =	vst v4;
	v4 =	vmul.f32 v9, v1;
	v3 =	vld [tilespmem:s22+$0x50];
	(pc) =	sbr.rel @p2 .LBB2_7-.Ltmp4, $4  }
0x1ca: {  	[tilespmem:s22+$0xFFFFFFF0] =	vst v2;
	v5 =	vmul.f32 v5, v1;
	v2 =	vld [tilespmem:s22+$0x60]  }
0x1cb: {  	s19 =	sadd.s32 $0x3, s26;
	v9 =	vmov s26;
	[tilespmem:s22+$0x0] =	vst v4;
	v12 =	vmul.f32 v6, v1;
	v7 =	vld [tilespmem:s22+$0x80]  }
0x1cc: {  	s20 =	sadd.s32 $0x1, s26;
	v11 =	vand.u32 $0xFFFFFFFC, v9;
	v4 =	vmov s19;
	[tilespmem:s22+$0x10] =	vst v5;
	v9 =	vmul.f32 v10, v1;
	v6 =	vld [tilespmem:s22+$0x90]  }
0x1cd: {  	v5 =	vbroadcast v11, $0x0;
	v11 =	vmov s20;
	s20 =	sadd.s32 $0x2, s26;
	s26 =	sadd.s32 $0x4, s26;
	[tilespmem:s22+$0x20] =	vst v12;
	v10 =	vmul.f32 v8, v1;
	v8 =	vld [tilespmem:s22+$0xA0]  }
0x1ce: {  	v12 =	vld [tilespmem:s22+$0xB0]  }
0x1cf: {  	v14 =	vld [tilespmem:s22+$0xC0]  }
0x1d0: {  	v15 =	vld [tilespmem:s22+$0xD0]  }
0x1d1: {  	v16 =	vld [tilespmem:s22+$0xE0]  }
0x1d2: {  	v44 =	vld [tilespmem:s22+$0xF0];
	[tilespmem:s22+$0x30] =	vst v9;
	v3 =	vmul.f32 v3, v1  }
0x1d3: {  	v4 =	vld.idx.msk [tilespmem:v4+s12+$0x0], $0xffff;
	[tilespmem:s22+$0x40] =	vst v10;
	v45 =	vmul.f32 v2, v1  }
0x1d4: {  	s26 =	sadd.s32 $0x200, s22;
	v46 =	vld.idx.msk [tilespmem:v5+s12+$0x0], $0xffff;
	v7 =	vmul.f32 v7, v0;
	[tilespmem:s22+$0x50] =	vst v3  }
0x1d5: {  	v51 =	vld [tilespmem:s26+$0x70];
	v47 =	vmul.f32 v6, v0;
	[tilespmem:s22+$0x60] =	vst v45  }
0x1d6: {  	v53 =	vld [tilespmem:s26+$0xFFFFFF00];
	[tilespmem:s22+$0x80] =	vst v7;
	v49 =	vmul.f32 v8, v0  }
0x1d7: {  	v55 =	vld [tilespmem:s26+$0xFFFFFF10];
	[tilespmem:s22+$0x90] =	vst v47;
	v50 =	vmul.f32 v12, v0  }
0x1d8: {  	v11 =	vand.u32 $0xFFFFFFFD, v11;
	v57 =	vld [tilespmem:s26+$0xFFFFFF20];
	v52 =	vmul.f32 v14, v0;
	[tilespmem:s22+$0xA0] =	vst v49  }
0x1d9: {  	v11 =	vbroadcast v11, $0x0;
	v59 =	vld [tilespmem:s26+$0xFFFFFF30];
	v54 =	vmul.f32 v15, v0;
	[tilespmem:s22+$0xB0] =	vst v50  }
0x1da: {  	v60 =	vld [tilespmem:s26+$0xFFFFFF40];
	v56 =	vmul.f32 v16, v0;
	[tilespmem:s23+$0xC0] =	vst v52  }
0x1db: {  	v63 =	vld [tilespmem:s26+$0xFFFFFF50];
	v58 =	vmul.f32 v44, v0;
	[tilespmem:s23+$0xD0] =	vst v54  }
0x1dc: {  	v15 =	vld [tilespmem:s26+$0xFFFFFF70];
	v62 =	vmul.f32 v53, v46;
	[tilespmem:s23+$0xE0] =	vst v56  }
0x1dd: {  	v16 =	vld [tilespmem:s26+$0xFFFFFF80];
	v12 =	vmul.f32 v55, v46;
	[tilespmem:s23+$0xF0] =	vst v58  }
0x1de: {  	v44 =	vld [tilespmem:s26+$0x80];
	v14 =	vmul.f32 v57, v46;
	[tilespmem:s26+$0xFFFFFF00] =	vst v62  }
0x1df: {  	v3 =	vmul.f32 v59, v46;
	v48 =	vld.idx.msk [tilespmem:v11+s12+$0x0], $0xffff;
	[tilespmem:s26+$0xFFFFFF10] =	vst v12  }
0x1e0: {  	v13 =	vmov s20;
	v18 =	vld [tilespmem:s26+$0xFFFFFF90];
	v17 =	vmul.f32 v60, v46;
	[tilespmem:s26+$0xFFFFFF20] =	vst v14  }
0x1e1: {  	v13 =	vand.u32 $0xFFFFFFFE, v13;
	v20 =	vld [tilespmem:s26+$0xFFFFFFA0];
	v19 =	vmul.f32 v63, v46;
	[tilespmem:s26+$0xFFFFFF30] =	vst v3  }
0x1e2: {  	v22 =	vld [tilespmem:s26+$0xFFFFFFB0];
	v13 =	vbroadcast v13, $0x0;
	[tilespmem:s26+$0xFFFFFF40] =	vst v17;
	v2 =	vmul.f32 v15, v46  }
0x1e3: {  	v23 =	vld [tilespmem:s26+$0xFFFFFFC0];
	[tilespmem:s26+$0xFFFFFF50] =	vst v19;
	v53 =	vmul.f32 v44, v4  }
0x1e4: {  	v25 =	vld [tilespmem:s26+$0xFFFFFFD0];
	v24 =	vmul.f32 v16, v48;
	[tilespmem:s26+$0xFFFFFF70] =	vst v2  }
0x1e5: {  	v26 =	vld [tilespmem:s26+$0xFFFFFFE0];
	v1 =	vmul.f32 v18, v48;
	[tilespmem:s26+$0x80] =	vst v53  }
0x1e6: {  	v28 =	vld [tilespmem:s26+$0xFFFFFFF0];
	v27 =	vmul.f32 v20, v48;
	[tilespmem:s26+$0xFFFFFF80] =	vst v24  }
0x1e7: {  	v50 =	vld [tilespmem:s26+$0xB0];
	v29 =	vmul.f32 v22, v48;
	[tilespmem:s26+$0xFFFFFF90] =	vst v1  }
0x1e8: {  	v6 =	vld.idx.msk [tilespmem:v13+s12+$0x0], $0xffff;
	v31 =	vmul.f32 v23, v48;
	[tilespmem:s26+$0xFFFFFFA0] =	vst v27  }
0x1e9: {  	v13 =	vld [tilespmem:s26+$0xFFFFFF60];
	v33 =	vmul.f32 v25, v48;
	[tilespmem:s26+$0xFFFFFFB0] =	vst v29  }
0x1ea: {  	v30 =	vld [tilespmem:s26+$0x0];
	v35 =	vmul.f32 v26, v48;
	[tilespmem:s26+$0xFFFFFFC0] =	vst v31  }
0x1eb: {  	v32 =	vld [tilespmem:s26+$0x10];
	v37 =	vmul.f32 v28, v48;
	[tilespmem:s26+$0xFFFFFFD0] =	vst v33  }
0x1ec: {  	v34 =	vld [tilespmem:s26+$0x20];
	v59 =	vmul.f32 v50, v4;
	[tilespmem:s26+$0xFFFFFFE0] =	vst v35  }
0x1ed: {  	v36 =	vld [tilespmem:s26+$0x30];
	v61 =	vmul.f32 v51, v6;
	[tilespmem:s26+$0xFFFFFFF0] =	vst v37  }
0x1ee: {  	v38 =	vld [tilespmem:s26+$0x40];
	v21 =	vmul.f32 v13, v46;
	[tilespmem:s26+$0xB0] =	vst v59  }
0x1ef: {  	v40 =	vld [tilespmem:s26+$0x50];
	v39 =	vmul.f32 v30, v6;
	[tilespmem:s26+$0x70] =	vst v61  }
0x1f0: {  	v42 =	vld [tilespmem:s26+$0x60];
	v41 =	vmul.f32 v32, v6;
	[tilespmem:s26+$0xFFFFFF60] =	vst v21  }
0x1f1: {  	v52 =	vld [tilespmem:s26+$0xC0];
	v43 =	vmul.f32 v34, v6;
	[tilespmem:s26+$0x0] =	vst v39  }
0x1f2: {  	v56 =	vld [tilespmem:s26+$0xE0];
	v45 =	vmul.f32 v36, v6;
	[tilespmem:s26+$0x10] =	vst v41  }
0x1f3: {  	v58 =	vld [tilespmem:s26+$0xF0];
	v47 =	vmul.f32 v38, v6;
	[tilespmem:s26+$0x20] =	vst v43  }
0x1f4: {  	v54 =	vld [tilespmem:s26+$0xD0];
	v49 =	vmul.f32 v40, v6;
	[tilespmem:s26+$0x30] =	vst v45  }
0x1f5: {  	v48 =	vld [tilespmem:s26+$0xA0];
	v51 =	vmul.f32 v42, v6;
	[tilespmem:s26+$0x40] =	vst v47  }
0x1f6: {  	v46 =	vld [tilespmem:s26+$0x90];
	v60 =	vmul.f32 v52, v4;
	[tilespmem:s26+$0x50] =	vst v49  }
0x1f7: {  	v62 =	vmul.f32 v56, v4;
	[tilespmem:s26+$0x60] =	vst v51  }
0x1f8: {  	v63 =	vmul.f32 v58, v4;
	[tilespmem:s26+$0xC0] =	vst v60  }
0x1f9: {  	v61 =	vmul.f32 v54, v4;
	[tilespmem:s26+$0xE0] =	vst v62  }
0x1fa: {  	[tilespmem:s26+$0xF0] =	vst v63;
	v57 =	vmul.f32 v48, v4  }
0x1fb: {  	[tilespmem:s26+$0xD0] =	vst v61;
	v55 =	vmul.f32 v46, v4  }
0x1fc: {  	[tilespmem:s26+$0xA0] =	vst v57  }
.Ltmp5:
0x1fd: {  	[tilespmem:s26+$0x90] =	vst v55;
	(pc) =	sbr.rel @p1 .LBB2_10-.Ltmp5, $4  }
0x1fe: {  	_ =	swait.ge [sflag:s21], $0x80  }
0x1ff: {  	[sflag:s21] =	ssyncset.done $0x0  }
0x200: {  	[sflag:s21] =	ssyncadd.s32 $0xFFFFFF80  }
0x201: {  	[spmem:s1] =	stream.indirect.scatter.add.f32 [tilespmem:s16], [sflag:$0xC], $0x80, s17, s28, $0xb8;
	[tilespmem:$0x1FD00] =	vst v63  }
0x202: {  	s19 =	smul.u32 $0x180, s25  }
0x203: {  	s20 =	rddreg [dreg:$0xe]  }
0x204: {  	s19 =	sadd.s32 s19, s20  }
.Ltmp6:
0x205: {  	s19 =	sshrl.u32 s19, $0x3;
	(pc) =	sbr.rel .LBB2_2-.Ltmp6, $4  }
0x206: {  	s29 =	sadd.s32 s5, s19  }
0x207: {  	[tilespmem:s28], [sflag:$0x2] =	stream.linear.gather [hbm4b:s29+s2], $0x80, $0x38;
	[tilespmem:$0x1FD00] =	vst v63  }
0x208: {  	s25 =	sadd.s32 $0x1, s25;
	s19 =	sadd.s32 s7, s19  }
0x209: {  	[tilespmem:s30], [sflag:$0x2] =	stream.linear.gather [hbm4b:s19+s2], $0x80, $0x38;
	[tilespmem:$0x1FD00] =	vst v63  }
.LBB2_11:
0x20a: {  	_ =	sfence.sel $0x180000  }
0x20b: {  	[bflag:$0x0] =	sbarrier.arrive $0xFFFF  }
0x20c: {  	_ =	strace $0x90000050  }
0x20d: {  	s0 =	stileid.u32;
	[bflag:$0x2] =	sbarrier.arrive $0xFFFF  }
0x20e: {  	p0 =	sne.s32 s0, $0x0;
	s0 =	rddreg [dreg:$0x3]  }
0x20f: {  	s0 =	sadd.s32 @!p0 $0x100000, s0  }
0x210: {  	[sflag:s0] =	ssyncadd.tile.s32 @!p0 $0x1;
	_ =	shalt  }
.Lfunc_end2:
_tile_overlayer_lowered:
.L_overlay_start_2:
0x211: {  	(tag) =	ssettag $0x2  }
0x212: {  	s0 =	rddreg [dreg:$0x0];
	s2 =	stileid.u32  }
0x213: {  	s1 =	rddreg [dreg:$0x1];
	p0 =	sne.s32 s2, $0x0  }
0x214: {  	s3 =	rddreg [dreg:$0x2];
	[bflag:$0x3] =	sbarrier.arrive $0xFFFF;
	s2 =	simm.s32 @!p0 $0x1C0D  }
0x215: {  	[timem:s3], [sflag:s2] =	dma.local @!p0 [hbm:s0], s1  }
0x216: {  	s0 =	simm.s32 @!p0 $0xD  }
0x217: {  	_ =	swait.ge @!p0 [sflag:s0], s1  }
0x218: {  	s1 =	ssub.s32 @!p0 $0x0, s1;
	[sflag:s0] =	ssyncset.done @!p0 $0x0  }
0x219: {  	[sflag:s0] =	ssyncadd.s32 @!p0 s1  }
0x21a: {  	[bflag:$0x3] =	sbarrier.arrive $0xFFFF  }
0x21b: {  	_ =	shalt  }

// kernel: kernel.22.cloned.1.call-start
scs
__scs_entry_jumppad:
0x0: {  	(pc) =	sbr.rel $0x88, $3  }
0x1: {  	(tag) =	ssettag $0x0;
	lr =	simm.s32 $0x1  }
0x2: {  	[smem:$0x3F98] =	sst lr;
	_ =	strace $0xD0000000  }
0x3: {  	_ = 	snop  }
0x4: {  	_ = 	snop  }
0x5: {  	_ = 	snop  }
0x6: {  	_ = 	snop  }
0x7: {  	_ = 	snop  }
__scs_overlays_trampoline_lowered:
0x8: {  	[smem:$0x3FA7] =	sst s0  }
0x9: {  	[smem:$0x3FA8] =	sst s1  }
0xa: {  	[smem:$0x3FA9] =	sst s2  }
0xb: {  	[smem:$0x3FAA] =	sst s3  }
0xc: {  	[smem:$0x3FAB] =	sst s4  }
0xd: {  	[smem:$0x3FAC] =	sst s5  }
0xe: {  	[smem:$0x3FAD] =	sst s6  }
0xf: {  	[smem:$0x3FAE] =	sst s7  }
0x10: {  	[smem:$0x3FAF] =	sst s8  }
0x11: {  	[smem:$0x3FB0] =	sst s9;
	s0 =	simm.s32 @!p0 $0x0  }
0x12: {  	s1 =	sld [smem:$0x3F96];
	s0 =	simm.s32 @p0 $0x1  }
0x13: {  	[smem:$0x3FB1] =	sst s0;
	s0 =	simm.s32 @!p1 $0x0  }
0x14: {  	s2 =	sld [smem:$0x3F95];
	s0 =	simm.s32 @p1 $0x1  }
0x15: {  	[smem:$0x3FB2] =	sst s0;
	s0 =	simm.s32 @!p2 $0x0  }
0x16: {  	s3 =	sld [smem:$0x3FDB];
	s0 =	simm.s32 @p2 $0x1  }
0x17: {  	s4 =	simm.s32 $0x1BF5;
	[smem:$0x3FB4] =	sst s0  }
0x18: {  	s0 =	sld [smem:$0x3F97];
	_ =	swait.ge [sflag:s4], $0x0  }
0x19: {  	s7 =	sld [smem:$0x3F98]  }
0x1a: {  	s8 =	sadd.s32 $0xFFFFE003, lr  }
0x1b: {  	s9 =	sadd.s32 $0xFFFFFEF7, lr;
	s5 =	simm.s32 $0xFFFFFFFF;
	p2 =	slt.u32 s8, $0xFFFFF086  }
0x1c: {  	p1 =	slt.u32 s9, $0xF7A;
	s5 =	simm.s32 @!p2 $0x0  }
0x1d: {  	s5 =	simm.s32 @p1 $0x1;
	p0 =	seq.s32 s7, s2  }
0x1e: {  	s7 =	smul.u32 @!p0 $0xF7A, s2;
	p2 =	seq.s32 @!p0 s5, $0x0  }
0x1f: {  	s9 =	smul.u32 $0xF7A, s1;
	s8 =	simm.s32 @!p0 $0x1BF5;
	p2 =	por !p2, p0  }
0x20: {  	[sflag:s8] =	ssyncset.s32 @!p0 $0xFFFFF086;
	s6 =	sadd.s32 @!p0 s3, s7;
	s7 =	simm.s32 @!p0 $0x108  }
0x21: {  	s3 =	sadd.s32 s3, s9;
	s6 =	sadd.s32 @!p0 $0x88, s6;
	s7 =	simm.s32 @p2 $0x1082  }
0x22: {  	[simem:s7], [sflag:s8] =	dma.local @!p0 [hbm:s6], $0xF7A  }
0x23: {  	s9 =	sor.u32 $0xD0000000, s2;
	s6 =	simm.s32 $0x108;
	_ =	swait.ge @!p0 [sflag:s8], $0x0  }
0x24: {  	s3 =	sadd.s32 $0x88, s3;
	s6 =	simm.s32 @!p1 $0x1082;
	[sflag:s4] =	ssyncset.s32 $0xFFFFF086  }
0x25: {  	[simem:s6], [sflag:s4] =	dma.local [hbm:s3], $0xF7A  }
0x26: {  	[smem:$0x3F98] =	sst s1;
	(tag) =	ssettag s2;
	_ =	strace s9  }
0x27: {  	s1 =	sld [smem:$0x3FA8]  }
0x28: {  	s2 =	sld [smem:$0x3FA9]  }
0x29: {  	s4 =	sld [smem:$0x3FAB]  }
0x2a: {  	p0 =	seq.s32 s5, $0x0;
	s5 =	sld [smem:$0x3FAC]  }
0x2b: {  	s6 =	sld [smem:$0x3FAD]  }
0x2c: {  	s7 =	sld [smem:$0x3FAE]  }
0x2d: {  	s3 =	simm.s32 $0x108;
	s8 =	sld [smem:$0x3FAF]  }
0x2e: {  	s3 =	simm.s32 @!p0 $0x1082;
	s9 =	sld [smem:$0x3FB0]  }
0x2f: {  	lr =	sadd.s32 s0, s3;
	s0 =	sld [smem:$0x3FA7]  }
0x30: {  	s3 =	sld [smem:$0x3FAA]  }
0x31: {  	[smem:$0x3FB3] =	sst s10  }
0x32: {  	s10 =	sld [smem:$0x3FB1];
	_ =	sdelay $0x3  }
0x33: {  	p0 =	seq.s32 s10, $0x1;
	s10 =	sld [smem:$0x3FB3];
	_ =	sdelay $0x3  }
0x34: {  	[smem:$0x3FB3] =	sst s10  }
0x35: {  	s10 =	sld [smem:$0x3FB2];
	_ =	sdelay $0x3  }
0x36: {  	p1 =	seq.s32 s10, $0x1;
	s10 =	sld [smem:$0x3FB3];
	_ =	sdelay $0x3  }
0x37: {  	[smem:$0x3FB3] =	sst s10  }
0x38: {  	s10 =	sld [smem:$0x3FB4]  }
0x39: {  	_ = 	snop;
	(pc) =	sbr.ind lr, $3  }
0x3a: {  	_ = 	snop  }
0x3b: {  	_ = 	snop  }
0x3c: {  	p2 =	seq.s32 s10, $0x1;
	s10 =	sld [smem:$0x3FB3]  }
0x3d: {  	_ =	shalt  }
0x3e: {  	_ =	shalt  }
0x3f: {  	_ =	shalt  }
0x40: {  	_ =	shalt  }
0x41: {  	_ =	shalt  }
0x42: {  	_ =	shalt  }
0x43: {  	_ =	shalt  }
0x44: {  	_ =	shalt  }
0x45: {  	_ =	shalt  }
0x46: {  	_ =	shalt  }
0x47: {  	_ =	shalt  }
0x48: {  	_ =	shalt  }
0x49: {  	_ =	shalt  }
0x4a: {  	_ =	shalt  }
0x4b: {  	_ =	shalt  }
0x4c: {  	_ =	shalt  }
0x4d: {  	_ =	shalt  }
0x4e: {  	_ =	shalt  }
0x4f: {  	_ =	shalt  }
0x50: {  	_ =	shalt  }
0x51: {  	_ =	shalt  }
0x52: {  	_ =	shalt  }
0x53: {  	_ =	shalt  }
0x54: {  	_ =	shalt  }
0x55: {  	_ =	shalt  }
0x56: {  	_ =	shalt  }
0x57: {  	_ =	shalt  }
0x58: {  	_ =	shalt  }
0x59: {  	_ =	shalt  }
0x5a: {  	_ =	shalt  }
0x5b: {  	_ =	shalt  }
0x5c: {  	_ =	shalt  }
0x5d: {  	_ =	shalt  }
0x5e: {  	_ =	shalt  }
0x5f: {  	_ =	shalt  }
0x60: {  	_ =	shalt  }
0x61: {  	_ =	shalt  }
0x62: {  	_ =	shalt  }
0x63: {  	_ =	shalt  }
0x64: {  	_ =	shalt  }
0x65: {  	_ =	shalt  }
0x66: {  	_ =	shalt  }
0x67: {  	_ =	shalt  }
0x68: {  	_ =	shalt  }
0x69: {  	_ =	shalt  }
0x6a: {  	_ =	shalt  }
0x6b: {  	_ =	shalt  }
0x6c: {  	_ =	shalt  }
0x6d: {  	_ =	shalt  }
0x6e: {  	_ =	shalt  }
0x6f: {  	_ =	shalt  }
0x70: {  	_ =	shalt  }
0x71: {  	_ =	shalt  }
0x72: {  	_ =	shalt  }
0x73: {  	_ =	shalt  }
0x74: {  	_ =	shalt  }
0x75: {  	_ =	shalt  }
0x76: {  	_ =	shalt  }
0x77: {  	_ =	shalt  }
0x78: {  	_ =	shalt  }
0x79: {  	_ =	shalt  }
0x7a: {  	_ =	shalt  }
0x7b: {  	_ =	shalt  }
0x7c: {  	_ =	shalt  }
0x7d: {  	_ =	shalt  }
0x7e: {  	_ =	shalt  }
0x7f: {  	_ =	shalt  }
0x80: {  	_ =	shalt  }
0x81: {  	_ =	shalt  }
0x82: {  	_ =	shalt  }
0x83: {  	_ =	shalt  }
0x84: {  	_ =	shalt  }
0x85: {  	_ =	shalt  }
0x86: {  	_ =	shalt  }
0x87: {  	_ =	shalt  }
.Lfunc_end0:
.L_simem_size_0:
called_computation.4_lowered:
.L_overlay_start_0:
0x88: {  	s2 =	sld [smem:$0x3FD9]  }
0x89: {  	s3 =	sld [smem:$0x3FFE];
	_ =	sdelay $0x1  }
0x8a: {  	s1 =	srdreg.scid  }
0x8b: {  	s0 =	sand.u32 $0x1, s1  }
0x8c: {  	s17 =	sshll.u32 s0, $0xA;
	s2 =	sadd.s32 s3, s2  }
0x8d: {  	s2 =	sadd.s32 s2, s17  }
0x8e: {  	[smem:$0x3FBF] =	sst s2  }
0x8f: {  	_ = 	snop  }
0x90: {  	s2 =	sld [smem:$0x3FD0];
	(tm) =	ssettm $0x1  }
0x91: {  	s18 =	sld [smem:$0x3FFB];
	_ =	sdelay $0x3  }
0x92: {  	_ =	strace s18  }
0x93: {  	s3 =	sld [smem:$0x3FFC];
	_ =	sdelay $0x3  }
0x94: {  	_ =	strace s3  }
0x95: {  	s3 =	sld [smem:$0x3FFD];
	_ =	sdelay $0x3  }
0x96: {  	_ =	strace s3  }
0x97: {  	_ =	strace $0x8FFFFFFF  }
0x98: {  	s19 =	sld [smem:$0x3FDB];
	_ =	sdelay $0x1  }
0x99: {  	s4 =	simm.s32 $_scs_section_size  }
0x9a: {  	s5 =	simm.s32 $_size__tile_overlayer_lowered;
	s6 =	simm.s32 $_tile_overlayer_lowered  }
0x9b: {  	s22 =	simm.s32 $0x1BFF;
	s21 =	sshll.u32 s6, $0x1;
	s3 =	sadd.s32 s4, s19  }
0x9c: {  	s7 =	simm.s32 $0x0;
	s20 =	sshll.u32 s5, $0x1;
	s5 =	sadd.s32 s21, s3  }
0x9d: {  	[timem:s7], [sflag:s22] =	dma.local [hbm:s5], s20  }
0x9e: {  	_ =	swait.ge [sflag:s22], s20  }
0x9f: {  	s4 =	ssub.s32 $0x0, s20;
	[sflag:s22] =	ssyncset.done $0x0  }
0xa0: {  	[sflag:s22] =	ssyncadd.s32 s4;
	_ =	sdelay $0x1  }
0xa1: {  	s23 =	simm.s32 $0x1B8B  }
0xa2: {  	_ =	swait.ge [sflag:s23], $0x1  }
0xa3: {  	[sflag:s23] =	ssyncset.done $0x0  }
0xa4: {  	s25 =	simm.s32 $0x1B8E;
	s24 =	sld [smem:$0x3FFE];
	[sflag:s23] =	ssyncadd.s32 $0xFFFFFFFF  }
0xa5: {  	s26 =	simm.s32 $execute0_lowered;
	[smem:$0x3FD2] =	sst s25  }
0xa6: {  	s5 =	sshll.u32 s26, $0x1;
	_ =	strace $0x80000052;
	[dreg:$0x1] =	wrdreg $0xFFFFFFFF  }
0xa7: {  	s28 =	simm.s32 $_size_execute0_lowered;
	s3 =	sadd.s32 s3, s5;
	[dreg:$0x0] =	wrdreg $0x0  }
0xa8: {  	s5 =	sshll.u32 s28, $0x1;
	[dreg:$0x2] =	wrdreg s3  }
0xa9: {  	[dreg:$0x3] =	wrdreg s5  }
0xaa: {  	[dreg:$0x4] =	wrdreg $0xC0  }
0xab: {  	_ =	task [dreg:s7], $0x5FFFF  }
0xac: {  	[dreg:$0x1] =	wrdreg $0xFFFFFFFF  }
0xad: {  	[dreg:$0x0] =	wrdreg $0x60  }
0xae: {  	[dreg:$0x2] =	wrdreg s24  }
0xaf: {  	[dreg:$0x3] =	wrdreg s2  }
0xb0: {  	[dreg:$0x4] =	wrdreg $0xC4800  }
0xb1: {  	[dreg:$0x5] =	wrdreg $0x9  }
0xb2: {  	_ =	task.clear_ibuf [dreg:s7], $0x6FFFF;
	_ =	strace $0x90000052  }
0xb3: {  	s29 =	simm.s32 $0x9;
	_ =	strace $0x80000054  }
0xb4: {  	_ =	swait.ge [sflag:s29], $0x1  }
0xb5: {  	[sflag:s29] =	ssyncadd.s32 $0xFFFFFFFF  }
0xb6: {  	_ =	strace $0x90000054  }
0xb7: {  	_ =	sfence  }
0xb8: {  	s30 =	sld [smem:$0x0];
	_ =	sdelay $0x2  }
0xb9: {  	s31 =	sshll.u32 s1, $0xD;
	s1 =	sshrl.u32 s1, $0x2  }
0xba: {  	s3 =	sand.u32 $0x4000, s31;
	s1 =	sadd.s32 s1, s30  }
0xbb: {  	s0 =	sor.u32 s3, s0;
	s1 =	sshll.u32 s1, $0x11  }
0xbc: {  	s0 =	sor.u32 s1, s0  }
0xbd: {  	s0 =	sadd.s32 $0x8F2B, s0  }
0xbe: {  	[sflag:s0] =	ssyncadd.remote.s32 $0x1  }
0xbf: {  	_ =	sfence.sel $0xFFFF  }
0xc0: {  	[dreg:$0x0] =	wrdreg $0xFFFFFFFF;
	(pc) =	sbr.abs _section_cstart, $3  }
0xc1: {  	[dreg:$0x1] =	wrdreg $0xFFFFFFFF  }
0xc2: {  	_ =	task.clear_ibuf [dreg:s7], $0x2FFFF;
	_ =	strace $0x9FFFFFFF  }
0xc3: {  	(tm) =	ssettm $0x7FFFFFFF  }
tec
execute0_lowered:
.L_overlay_start_1:
0x0: {  	(tag) =	ssettag $0x1  }
0x1: {  	s0 =	rddreg [dreg:$0x0]  }
0x2: {  	s3 =	rddreg [dreg:$0x1]  }
0x3: {  	s1 =	rddreg [dreg:$0x2]  }
0x4: {  	s2 =	simm.s32 $0x0;
	s6 =	srdreg.scid;
	s15 =	stileid.u32  }
0x5: {  	s28 =	simm.s32 $0x80;
	s30 =	simm.s32 $0x200;
	s31 =	simm.s32 $0x7  }
0x6: {  	[smem:$0x7FF] =	sst s2;
	s4 =	sadd.s32 $0x21400, s0;
	s5 =	sadd.s32 $0xC400, s0  }
0x7: {  	s9 =	sand.u32 $0x1, s6;
	s7 =	sshll.u32 s15, $0x1;
	s11 =	smul.u32 $0x4F000, s15  }
0x8: {  	s6 =	sadd.s32 $0x2200, s0;
	s14 =	smul.u32 $0x2780, s15;
	s26 =	sadd.s32 $0x128400, s1  }
0x9: {  	s20 =	smul.u32 $0x13C00, s15;
	p0 =	seq.s32 s15, $0xF;
	s15 =	simm.s32 $0x3  }
0xa: {  	_ =	strace $0x80000053;
	s10 =	sor.u32 s9, s7;
	s7 =	sadd.s32 $0x17200, s0  }
0xb: {  	s12 =	ssub.s32 $0x2, s9;
	s0 =	sadd.s32 $0x48600, s0;
	s9 =	smul.u32 $0x138800, s9  }
0xc: {  	[dreg:$0x6] =	wrdreg s26;
	s8 =	smul.u32 $0x2880, s10;
	s13 =	sshrl.u32 s12, $0x1  }
0xd: {  	s11 =	sshrl.u32 s11, $0x2;
	s25 =	sadd.s32 s3, s14;
	s3 =	sadd.s32 $0x25080, s3  }
0xe: {  	s16 =	sshll.u32 s10, $0x7;
	s12 =	ssub.s32 s12, s13;
	[dreg:$0x5] =	wrdreg s25  }
0xf: {  	s11 =	sadd.s32 s11, s1;
	[dreg:$0x7] =	wrdreg s3;
	s3 =	sand.u32 $0x380, s16  }
0x10: {  	s24 =	sadd.s32 s20, s9;
	s9 =	sshrl.u32 s9, $0x3;
	s13 =	simm.s32 $0x8  }
0x11: {  	s16 =	simm.s32 $0x8480;
	[dreg:$0x4] =	wrdreg s11;
	s29 =	sshrl.u32 s8, $0x3  }
0x12: {  	s17 =	sand.u32 $0x7FC00, s8;
	s25 =	sadd.s32 $0x200, s8;
	s9 =	sadd.s32 s0, s9  }
0x13: {  	s11 =	simm.s32 $0x100;
	s14 =	sadd.s32 s5, s29;
	s18 =	sadd.s32 s7, s29  }
0x14: {  	s3 =	sor.u32 s3, s17;
	s19 =	sadd.s32 $0x10, s29;
	[dreg:$0xe] =	wrdreg s25  }
0x15: {  	s26 =	sadd.s32 $0x25080, s9;
	s29 =	smax.u32 s12, $0x1;
	s9 =	simm.s32 $0x380  }
0x16: {  	s12 =	simm.s32 $0x280;
	s17 =	simm.s32 $0x400;
	[dreg:$0x8] =	wrdreg s14  }
0x17: {  	s14 =	smul.u32 $0x51, s10;
	[dreg:$0x9] =	wrdreg s18;
	s3 =	sshrl.u32 s3, $0x3  }
0x18: {  	s21 =	sadd.s32 s5, s19;
	s22 =	sadd.s32 s7, s19;
	[dreg:$0x10] =	wrdreg s26  }
0x19: {  	[dreg:$0x11] =	wrdreg s29;
	s10 =	simm.s32 $0x4;
	s18 =	simm.s32 $0x5  }
.Ltmp0:
0x1a: {  	s3 =	sadd.s32 s6, s3;
	[dreg:$0xb] =	wrdreg s21;
	(pc) =	sbr.rel .LBB2_1-.Ltmp0, $4  }
0x1b: {  	[dreg:$0xc] =	wrdreg s22;
	s21 =	simm.s32 $0x6;
	s22 =	simm.s32 $0x0  }
0x1c: {  	[dreg:$0xa] =	wrdreg s3;
	s23 =	sadd.s32 $0x1, s14;
	s3 =	sshrl.u32 s24, $0x3  }
0x1d: {  	s24 =	simm.s32 $0x180;
	[dreg:$0xd] =	wrdreg s23;
	s0 =	sadd.s32 s0, s3  }
0x1e: {  	s3 =	simm.s32 $0x4480;
	[dreg:$0xf] =	wrdreg s0;
	s0 =	simm.s32 $0x2  }
.LBB2_10:
0x1f: {  	s19 =	simm.s32 $0xA  }
0x20: {  	_ =	swait.ge [sflag:s19], $0x4000  }
0x21: {  	[sflag:s19] =	ssyncset.done $0x0  }
0x22: {  	s23 =	simm.s32 $0xB;
	[sflag:s19] =	ssyncadd.s32 $0xFFFFC000  }
0x23: {  	_ =	swait.ge [sflag:s23], $0x4000  }
0x24: {  	[sflag:s23] =	ssyncset.done $0x0  }
0x25: {  	s25 =	simm.s32 $0xC;
	[sflag:s23] =	ssyncadd.s32 $0xFFFFC000  }
0x26: {  	_ =	swait.ge [sflag:s25], $0x4000  }
0x27: {  	[sflag:s25] =	ssyncset.done $0x0  }
0x28: {  	[sflag:s25] =	ssyncadd.s32 $0xFFFFC000  }
0x29: {  	[bflag:$0x0] =	sbarrier.arrive $0xFFFF  }
0x2a: {  	s20 =	rddreg [dreg:$0x10]  }
0x2b: {  	s19 =	simm.s32 @p0 $0x1FCD;
	s22 =	rddreg [dreg:$0x13]  }
0x2c: {  	[hbm:s20], [sflag:s19] =	dma.local @p0 [spmem:s22], $0x2080  }
0x2d: {  	s19 =	simm.s32 @p0 $0xD  }
0x2e: {  	_ =	swait.ge @p0 [sflag:s19], $0x2080  }
0x2f: {  	s20 =	rddreg [dreg:$0x14]  }
0x30: {  	[sflag:s19] =	ssyncset.done @p0 $0x0;
	s22 =	rddreg [dreg:$0x15]  }
0x31: {  	[sflag:s19] =	ssyncadd.s32 @p0 $0xFFFFDF80;
	s19 =	rddreg [dreg:$0xf]  }
0x32: {  	[hbm:s19], [sflag:s20] =	dma.local @!p0 [spmem:s22], $0x2780  }
0x33: {  	s19 =	simm.s32 @!p0 $0xD  }
0x34: {  	_ =	swait.ge @!p0 [sflag:s19], $0x2780  }
0x35: {  	s26 =	rddreg [dreg:$0x12]  }
0x36: {  	s29 =	rddreg [dreg:$0x11];
	s22 =	sadd.s32 $0x1, s26  }
0x37: {  	p1 =	sne.s32 s22, s29  }
.Ltmp1:
0x38: {  	_ = 	snop;
	(pc) =	sbr.rel @!p1 .LBB2_11-.Ltmp1, $3  }
0x39: {  	_ =	sdelay $0x1  }
0x3a: {  	[sflag:s19] =	ssyncset.done @!p0 $0x0  }
0x3b: {  	[sflag:s19] =	ssyncadd.s32 @!p0 $0xFFFFD880  }
.LBB2_1:
0x3c: {  	[dreg:$0x12] =	wrdreg s22  }
0x3d: {  	s19 =	rddreg [dreg:$0x6]  }
0x3e: {  	s22 =	sshrl.u32 @p0 s19, $0x3;
	s19 =	rddreg [dreg:$0x7]  }
0x3f: {  	s20 =	simm.s32 @p0 $0x1FCD;
	[dreg:$0x13] =	wrdreg s22  }
0x40: {  	[spmem:s22], [sflag:s20] =	dma.local @p0 [hbm:s19], $0x2080  }
0x41: {  	s20 =	simm.s32 @p0 $0xD  }
0x42: {  	_ =	swait.ge @p0 [sflag:s20], $0x2080  }
0x43: {  	s19 =	stileid.u32;
	[sflag:s20] =	ssyncset.done @p0 $0x0  }
0x44: {  	s22 =	sshll.u32 @!p0 s19, $0x6;
	s19 =	rddreg [dreg:$0x4];
	[sflag:s20] =	ssyncadd.s32 @p0 $0xFFFFDF80  }
0x45: {  	s20 =	sor.u32 @!p0 $0x1C0D, s22;
	s22 =	sshrl.u32 @!p0 s19, $0x3;
	s19 =	rddreg [dreg:$0x5]  }
0x46: {  	[dreg:$0x14] =	wrdreg s20  }
0x47: {  	[dreg:$0x15] =	wrdreg s22  }
0x48: {  	[spmem:s22], [sflag:s20] =	dma.local @!p0 [hbm:s19], $0x2780  }
0x49: {  	s20 =	simm.s32 @!p0 $0xD  }
0x4a: {  	_ =	swait.ge @!p0 [sflag:s20], $0x2780  }
0x4b: {  	[sflag:s20] =	ssyncset.done @!p0 $0x0  }
0x4c: {  	[sflag:s20] =	ssyncadd.s32 @!p0 $0xFFFFD880  }
0x4d: {  	[bflag:$0x0] =	sbarrier.arrive $0xFFFF  }
0x4e: {  	s26 =	rddreg [dreg:$0x8]  }
0x4f: {  	[tilespmem:s2], [sflag:$0x1] =	stream.linear.gather [hbm4b:s26+s2], $0x80, $0x38;
	[tilespmem:$0x1FD00] =	vst v63  }
0x50: {  	s20 =	simm.s32 $0x1;
	s29 =	rddreg [dreg:$0x9]  }
0x51: {  	[tilespmem:s24], [sflag:$0x1] =	stream.linear.gather [hbm4b:s29+s2], $0x80, $0x38;
	[tilespmem:$0x1FD00] =	vst v63  }
0x52: {  	_ =	swait.ge [sflag:s20], $0x80  }
0x53: {  	[sflag:s20] =	ssyncset.done $0x0  }
0x54: {  	[sflag:s20] =	ssyncadd.s32 $0xFFFFFF80  }
0x55: {  	_ =	swait.ge [sflag:s20], $0x80  }
0x56: {  	[sflag:s20] =	ssyncset.done $0x0  }
0x57: {  	s23 =	simm.s32 $0x300;
	s22 =	rddreg [dreg:$0xa];
	[sflag:s20] =	ssyncadd.s32 $0xFFFFFF80  }
0x58: {  	[tilespmem:s23], [sflag:$0x4] =	stream.linear.gather [hbm4b:s22+s2], $0x80, $0x38;
	[tilespmem:$0x1FD00] =	vst v63  }
0x59: {  	s25 =	simm.s32 $0x480  }
0x5a: {  	[tilespmem:s25], [sflag:$0x7] =	stream.indirect.gather [hbm4b:s4+s28], $0x80, s2, s28, $0xb8;
	[tilespmem:$0x1FD00] =	vst v63  }
0x5b: {  	s26 =	rddreg [dreg:$0xb]  }
0x5c: {  	[tilespmem:s28], [sflag:$0x2] =	stream.linear.gather [hbm4b:s26+s2], $0x80, $0x38;
	[tilespmem:$0x1FD00] =	vst v63  }
0x5d: {  	s29 =	rddreg [dreg:$0xc];
	s25 =	simm.s32 $0x0  }
0x5e: {  	[tilespmem:s30], [sflag:$0x2] =	stream.linear.gather [hbm4b:s29+s2], $0x80, $0x38;
	[tilespmem:$0x1FD00] =	vst v63  }
.LBB2_2:
0x5f: {  	_ =	swait.ge [sflag:s31], $0x4000  }
0x60: {  	[sflag:s31] =	ssyncset.done $0x0  }
0x61: {  	[sflag:s31] =	ssyncadd.s32 $0xFFFFC000  }
0x62: {  	_ =	swait.ge [sflag:s0], $0x80  }
0x63: {  	[sflag:s0] =	ssyncset.done $0x0  }
0x64: {  	[sflag:s0] =	ssyncadd.s32 $0xFFFFFF80  }
0x65: {  	_ =	swait.ge [sflag:s0], $0x80  }
0x66: {  	p1 =	seq.s32 s25, $0x0;
	[sflag:s0] =	ssyncset.done $0x0  }
0x67: {  	s23 =	simm.s32 $0x0;
	s20 =	simm.s32 @!p1 $0xB;
	[sflag:s0] =	ssyncadd.s32 $0xFFFFFF80  }
0x68: {  	s26 =	simm.s32 $0x2;
	s22 =	smul.u32 $0x3, s25;
	v0 =	vmov s23;
	_ =	swait.ge @!p1 [sflag:s20], $0x4000  }
0x69: {  	v1 =	vmov s26;
	v0 =	vand.u32 $0xFFFFFFFC, v0;
	[sflag:s20] =	ssyncset.done @!p1 $0x0;
	s19 =	rddreg [dreg:$0xd]  }
0x6a: {  	v1 =	vand.u32 $0xFFFFFFFE, v1;
	v0 =	vbroadcast v0, $0x0;
	[sflag:s20] =	ssyncadd.s32 @!p1 $0xFFFFC000;
	s26 =	sadd.s32 s22, s19  }
0x6b: {  	v1 =	vbroadcast v1, $0x0;
	[tilespmem:s3], [sflag:$0x8] =	stream.indirect.gather [hbm4b:s4+s28], $0x80, s28, s28, $0xb8;
	[tilespmem:$0x1FD00] =	vst v63  }
0x6c: {  	s20 =	sshll.u32 s26, $0x4  }
0x6d: {  	s20 =	sand.u32 $0xFFFFFF0, s20  }
0x6e: {  	s20 =	sadd.s32 s6, s20  }
0x6f: {  	[tilespmem:s9], [sflag:$0x5] =	stream.linear.gather [hbm4b:s20+s23], $0x80, $0x38;
	[tilespmem:$0x1FD00] =	vst v63  }
0x70: {  	v0 =	vld.idx.msk [tilespmem:v0+s24+$0x0], $0xffff  }
0x71: {  	s23 =	simm.s32 $0x580;
	v1 =	vld.idx.msk [tilespmem:v1+s24+$0x0], $0xffff  }
0x72: {  	s19 =	simm.s32 $0x1;
	v3 =	vld [tilespmem:s23+$0x70]  }
0x73: {  	v2 =	vmov s19;
	v4 =	vld [tilespmem:s23+$0xFFFFFF00]  }
0x74: {  	v2 =	vand.u32 $0xFFFFFFFD, v2;
	v5 =	vld [tilespmem:s23+$0xFFFFFF10]  }
0x75: {  	v2 =	vbroadcast v2, $0x0;
	v6 =	vld [tilespmem:s23+$0xFFFFFF20]  }
0x76: {  	v7 =	vld [tilespmem:s23+$0xFFFFFF30]  }
0x77: {  	v8 =	vld [tilespmem:s23+$0xFFFFFF40]  }
0x78: {  	v9 =	vld [tilespmem:s23+$0xFFFFFF50]  }
0x79: {  	v10 =	vld [tilespmem:s23+$0xFFFFFF60];
	v4 =	vmul.f32 v4, v0  }
0x7a: {  	v12 =	vld [tilespmem:s23+$0x40];
	v3 =	vmul.f32 v3, v1  }
0x7b: {  	v2 =	vld.idx.msk [tilespmem:v2+s24+$0x0], $0xffff;
	[tilespmem:s23+$0xFFFFFF00] =	vst v4;
	v4 =	vmul.f32 v5, v0  }
0x7c: {  	v5 =	vld [tilespmem:s23+$0xFFFFFF70];
	[tilespmem:s23+$0x70] =	vst v3;
	v3 =	vmul.f32 v6, v0  }
0x7d: {  	v6 =	vld [tilespmem:s23+$0xFFFFFF80];
	[tilespmem:s23+$0xFFFFFF10] =	vst v4;
	v4 =	vmul.f32 v7, v0  }
0x7e: {  	v7 =	vld [tilespmem:s23+$0xFFFFFF90];
	[tilespmem:s23+$0xFFFFFF20] =	vst v3;
	v3 =	vmul.f32 v8, v0  }
0x7f: {  	v8 =	vld [tilespmem:s23+$0xFFFFFFA0];
	[tilespmem:s23+$0xFFFFFF30] =	vst v4;
	v4 =	vmul.f32 v9, v0  }
0x80: {  	v9 =	vld [tilespmem:s23+$0xFFFFFFB0];
	[tilespmem:s23+$0xFFFFFF40] =	vst v3;
	v3 =	vmul.f32 v10, v0  }
0x81: {  	v10 =	vld [tilespmem:s23+$0xFFFFFFC0];
	v5 =	vmul.f32 v5, v0;
	[tilespmem:s23+$0xFFFFFF50] =	vst v4  }
0x82: {  	v4 =	vmul.f32 v6, v2;
	v6 =	vld [tilespmem:s23+$0xFFFFFFD0];
	[tilespmem:s23+$0xFFFFFF60] =	vst v3  }
0x83: {  	s26 =	simm.s32 $0x3;
	v3 =	vld [tilespmem:s23+$0xFFFFFFE0];
	v7 =	vmul.f32 v7, v2;
	[tilespmem:s23+$0xFFFFFF70] =	vst v5  }
0x84: {  	v11 =	vmov s26;
	v5 =	vld [tilespmem:s23+$0xFFFFFFF0];
	[tilespmem:s23+$0xFFFFFF80] =	vst v4;
	v4 =	vmul.f32 v8, v2  }
0x85: {  	v8 =	vld [tilespmem:s23+$0x0];
	[tilespmem:s23+$0xFFFFFF90] =	vst v7;
	v7 =	vmul.f32 v9, v2  }
0x86: {  	v9 =	vld [tilespmem:s23+$0x10];
	[tilespmem:s23+$0xFFFFFFA0] =	vst v4;
	v4 =	vmul.f32 v10, v2  }
0x87: {  	[tilespmem:s23+$0xFFFFFFB0] =	vst v7;
	v6 =	vmul.f32 v6, v2;
	v7 =	vld [tilespmem:s23+$0x20]  }
0x88: {  	v10 =	vld [tilespmem:s23+$0x30];
	v3 =	vmul.f32 v3, v2;
	[tilespmem:s23+$0xFFFFFFC0] =	vst v4  }
0x89: {  	v0 =	vld.idx.msk [tilespmem:v11+s24+$0x0], $0xffff;
	v2 =	vmul.f32 v5, v2;
	[tilespmem:s23+$0xFFFFFFD0] =	vst v6  }
0x8a: {  	[tilespmem:s23+$0xFFFFFFE0] =	vst v3;
	v4 =	vmul.f32 v8, v1;
	v3 =	vld [tilespmem:s23+$0x50]  }
0x8b: {  	s19 =	simm.s32 $0x4;
	[tilespmem:s23+$0xFFFFFFF0] =	vst v2;
	v5 =	vmul.f32 v9, v1;
	v2 =	vld [tilespmem:s23+$0x60]  }
0x8c: {  	s26 =	simm.s32 $0x7;
	v6 =	vmov s19;
	[tilespmem:s23+$0x0] =	vst v4;
	v8 =	vmul.f32 v7, v1;
	v7 =	vld [tilespmem:s23+$0x80]  }
0x8d: {  	s19 =	simm.s32 $0x5;
	v11 =	vand.u32 $0xFFFFFFFC, v6;
	v6 =	vld [tilespmem:s23+$0x90];
	v4 =	vmov s26;
	v9 =	vmul.f32 v10, v1;
	[tilespmem:s23+$0x10] =	vst v5  }
0x8e: {  	s29 =	simm.s32 $0x8;
	s20 =	simm.s32 $0x6;
	v10 =	vmul.f32 v12, v1;
	s26 =	simm.s32 $0x580;
	v5 =	vbroadcast v11, $0x0;
	v11 =	vmov s19;
	[tilespmem:s23+$0x20] =	vst v8;
	v8 =	vld [tilespmem:s23+$0xA0]  }
.LBB2_3:
0x8f: {  	p2 =	slt.u32 s29, $0x7C;
	v11 =	vand.u32 $0xFFFFFFFD, v11;
	v12 =	vmov s20;
	[tilespmem:s23+$0x30] =	vst v9;
	v3 =	vmul.f32 v3, v1;
	v9 =	vld [tilespmem:s23+$0xB0]  }
0x90: {  	v11 =	vbroadcast v11, $0x0;
	v12 =	vand.u32 $0xFFFFFFFE, v12;
	[tilespmem:s23+$0x40] =	vst v10;
	v1 =	vmul.f32 v2, v1;
	v2 =	vld [tilespmem:s23+$0xC0]  }
0x91: {  	v10 =	vbroadcast v12, $0x0;
	[tilespmem:s23+$0x50] =	vst v3;
	v3 =	vmul.f32 v7, v0;
	v7 =	vld [tilespmem:s23+$0xD0]  }
0x92: {  	[tilespmem:s23+$0x60] =	vst v1;
	v1 =	vmul.f32 v6, v0;
	v6 =	vld [tilespmem:s23+$0xE0]  }
0x93: {  	[tilespmem:s23+$0x80] =	vst v3;
	v3 =	vmul.f32 v8, v0;
	v8 =	vld [tilespmem:s23+$0xF0]  }
0x94: {  	v4 =	vld.idx.msk [tilespmem:v4+s24+$0x0], $0xffff;
	[tilespmem:s23+$0x90] =	vst v1;
	v1 =	vmul.f32 v9, v0  }
0x95: {  	v5 =	vld.idx.msk [tilespmem:v5+s24+$0x0], $0xffff;
	[tilespmem:s23+$0xA0] =	vst v3;
	v2 =	vmul.f32 v2, v0  }
0x96: {  	v3 =	vld.idx.msk [tilespmem:v11+s24+$0x0], $0xffff;
	[tilespmem:s23+$0xB0] =	vst v1;
	v7 =	vmul.f32 v7, v0  }
0x97: {  	s23 =	sadd.s32 $0x200, s23;
	v1 =	vld.idx.msk [tilespmem:v10+s24+$0x0], $0xffff;
	[tilespmem:s26+$0xC0] =	vst v2;
	v2 =	vmul.f32 v6, v0  }
0x98: {  	v6 =	vld [tilespmem:s23+$0x70];
	[tilespmem:s26+$0xD0] =	vst v7;
	v8 =	vmul.f32 v8, v0  }
0x99: {  	v7 =	vld [tilespmem:s23+$0xFFFFFF00];
	[tilespmem:s26+$0xE0] =	vst v2  }
0x9a: {  	v0 =	vmov v4;
	v2 =	vld [tilespmem:s23+$0xFFFFFF10];
	[tilespmem:s26+$0xF0] =	vst v8;
	s26 =	smov.u32 s23  }
0x9b: {  	v4 =	vld [tilespmem:s23+$0xFFFFFF20]  }
0x9c: {  	v8 =	vld [tilespmem:s23+$0xFFFFFF30]  }
0x9d: {  	v9 =	vld [tilespmem:s23+$0xFFFFFF40];
	v6 =	vmul.f32 v6, v1  }
0x9e: {  	v7 =	vmul.f32 v7, v5;
	v10 =	vld [tilespmem:s23+$0xFFFFFF50]  }
0x9f: {  	v2 =	vmul.f32 v2, v5;
	v11 =	vld [tilespmem:s23+$0xFFFFFF60];
	[tilespmem:s23+$0x70] =	vst v6  }
0xa0: {  	[tilespmem:s23+$0xFFFFFF00] =	vst v7;
	v4 =	vmul.f32 v4, v5;
	v6 =	vld [tilespmem:s23+$0xFFFFFF70]  }
0xa1: {  	[tilespmem:s23+$0xFFFFFF10] =	vst v2;
	v2 =	vmul.f32 v8, v5;
	v7 =	vld [tilespmem:s23+$0xFFFFFF80]  }
0xa2: {  	[tilespmem:s23+$0xFFFFFF20] =	vst v4;
	v4 =	vmul.f32 v9, v5;
	v8 =	vld [tilespmem:s23+$0xFFFFFF90]  }
0xa3: {  	[tilespmem:s23+$0xFFFFFF30] =	vst v2;
	v2 =	vmul.f32 v10, v5;
	v9 =	vld [tilespmem:s23+$0xFFFFFFA0]  }
0xa4: {  	[tilespmem:s23+$0xFFFFFF40] =	vst v4;
	v4 =	vmul.f32 v11, v5;
	v10 =	vld [tilespmem:s23+$0xFFFFFFB0]  }
0xa5: {  	[tilespmem:s23+$0xFFFFFF50] =	vst v2;
	v2 =	vmul.f32 v6, v5;
	v5 =	vld [tilespmem:s23+$0xFFFFFFC0]  }
0xa6: {  	[tilespmem:s23+$0xFFFFFF60] =	vst v4;
	v4 =	vmul.f32 v7, v3;
	v6 =	vld [tilespmem:s23+$0xFFFFFFD0]  }
0xa7: {  	[tilespmem:s23+$0xFFFFFF70] =	vst v2;
	v2 =	vmul.f32 v8, v3;
	v7 =	vld [tilespmem:s23+$0xFFFFFFE0]  }
0xa8: {  	[tilespmem:s23+$0xFFFFFF80] =	vst v4;
	v4 =	vmul.f32 v9, v3;
	v8 =	vld [tilespmem:s23+$0xFFFFFFF0]  }
0xa9: {  	[tilespmem:s23+$0xFFFFFF90] =	vst v2;
	v2 =	vmul.f32 v10, v3;
	v9 =	vld [tilespmem:s23+$0x0]  }
0xaa: {  	[tilespmem:s23+$0xFFFFFFA0] =	vst v4;
	v4 =	vmul.f32 v5, v3;
	v5 =	vld [tilespmem:s23+$0x10]  }
0xab: {  	[tilespmem:s23+$0xFFFFFFB0] =	vst v2;
	v2 =	vmul.f32 v6, v3;
	v6 =	vld [tilespmem:s23+$0x20]  }
0xac: {  	[tilespmem:s23+$0xFFFFFFC0] =	vst v4;
	v4 =	vmul.f32 v7, v3;
	v10 =	vld [tilespmem:s23+$0x30]  }
0xad: {  	[tilespmem:s23+$0xFFFFFFD0] =	vst v2;
	v2 =	vmul.f32 v8, v3;
	v8 =	vld [tilespmem:s23+$0x40]  }
.Ltmp2:
0xae: {  	[tilespmem:s23+$0xFFFFFFE0] =	vst v4;
	v4 =	vmul.f32 v9, v1;
	v3 =	vld [tilespmem:s23+$0x50];
	(pc) =	sbr.rel @p2 .LBB2_3-.Ltmp2, $4  }
0xaf: {  	[tilespmem:s23+$0xFFFFFFF0] =	vst v2;
	v5 =	vmul.f32 v5, v1;
	v2 =	vld [tilespmem:s23+$0x60]  }
0xb0: {  	s20 =	sadd.s32 $0x3, s29;
	v9 =	vmov s29;
	[tilespmem:s23+$0x0] =	vst v4;
	v12 =	vmul.f32 v6, v1;
	v7 =	vld [tilespmem:s23+$0x80]  }
0xb1: {  	s19 =	sadd.s32 $0x1, s29;
	v11 =	vand.u32 $0xFFFFFFFC, v9;
	v4 =	vmov s20;
	[tilespmem:s23+$0x10] =	vst v5;
	v9 =	vmul.f32 v10, v1;
	v6 =	vld [tilespmem:s23+$0x90]  }
0xb2: {  	s20 =	sadd.s32 $0x2, s29;
	s29 =	sadd.s32 $0x4, s29;
	v5 =	vbroadcast v11, $0x0;
	v11 =	vmov s19;
	[tilespmem:s23+$0x20] =	vst v12;
	v10 =	vmul.f32 v8, v1;
	v8 =	vld [tilespmem:s23+$0xA0]  }
0xb3: {  	v12 =	vld [tilespmem:s23+$0xB0]  }
0xb4: {  	v14 =	vld [tilespmem:s23+$0xC0]  }
0xb5: {  	v13 =	vmov s20;
	v15 =	vld [tilespmem:s23+$0xD0]  }
0xb6: {  	v16 =	vld [tilespmem:s23+$0xE0];
	[tilespmem:s23+$0x30] =	vst v9;
	v3 =	vmul.f32 v3, v1;
	v13 =	vand.u32 $0xFFFFFFFE, v13  }
0xb7: {  	v11 =	vand.u32 $0xFFFFFFFD, v11;
	v4 =	vld.idx.msk [tilespmem:v4+s24+$0x0], $0xffff;
	[tilespmem:s23+$0x40] =	vst v10;
	v1 =	vmul.f32 v2, v1;
	v13 =	vbroadcast v13, $0x0  }
0xb8: {  	s29 =	sadd.s32 $0x200, s23;
	v11 =	vbroadcast v11, $0x0;
	v2 =	vld.idx.msk [tilespmem:v5+s24+$0x0], $0xffff;
	v7 =	vmul.f32 v7, v0;
	[tilespmem:s23+$0x50] =	vst v3  }
0xb9: {  	v9 =	vld [tilespmem:s29+$0xFFFFFF00];
	v3 =	vmul.f32 v6, v0;
	[tilespmem:s23+$0x60] =	vst v1  }
0xba: {  	[tilespmem:s23+$0x80] =	vst v7;
	v7 =	vld [tilespmem:s23+$0xF0];
	v1 =	vmul.f32 v8, v0  }
0xbb: {  	v10 =	vld [tilespmem:s29+$0xFFFFFF10];
	[tilespmem:s23+$0x90] =	vst v3;
	v3 =	vmul.f32 v12, v0  }
0xbc: {  	v8 =	vld [tilespmem:s29+$0x70];
	[tilespmem:s23+$0xA0] =	vst v1;
	v1 =	vmul.f32 v14, v0  }
0xbd: {  	[tilespmem:s23+$0xB0] =	vst v3;
	v3 =	vmul.f32 v15, v0;
	v6 =	vld.idx.msk [tilespmem:v13+s24+$0x0], $0xffff  }
0xbe: {  	v5 =	vld.idx.msk [tilespmem:v11+s24+$0x0], $0xffff;
	[tilespmem:s26+$0xC0] =	vst v1;
	v1 =	vmul.f32 v16, v0  }
0xbf: {  	v11 =	vld [tilespmem:s29+$0xFFFFFF20];
	[tilespmem:s26+$0xD0] =	vst v3;
	v0 =	vmul.f32 v7, v0  }
0xc0: {  	v3 =	vld [tilespmem:s29+$0xFFFFFF30];
	[tilespmem:s26+$0xE0] =	vst v1  }
0xc1: {  	v1 =	vld [tilespmem:s29+$0xFFFFFF40];
	[tilespmem:s26+$0xF0] =	vst v0;
	v0 =	vmul.f32 v9, v2  }
0xc2: {  	v7 =	vmul.f32 v8, v6;
	v8 =	vld [tilespmem:s29+$0xFFFFFF50]  }
0xc3: {  	v9 =	vmul.f32 v10, v2;
	v10 =	vld [tilespmem:s29+$0xFFFFFF60];
	[tilespmem:s29+$0xFFFFFF00] =	vst v0  }
0xc4: {  	v0 =	vmul.f32 v11, v2;
	[tilespmem:s29+$0x70] =	vst v7;
	v7 =	vld [tilespmem:s29+$0xFFFFFF70]  }
0xc5: {  	[tilespmem:s29+$0xFFFFFF10] =	vst v9;
	v9 =	vld [tilespmem:s29+$0xFFFFFF80];
	v3 =	vmul.f32 v3, v2  }
0xc6: {  	[tilespmem:s29+$0xFFFFFF20] =	vst v0;
	v0 =	vmul.f32 v1, v2;
	v1 =	vld [tilespmem:s29+$0xFFFFFF90]  }
0xc7: {  	[tilespmem:s29+$0xFFFFFF30] =	vst v3;
	v3 =	vmul.f32 v8, v2;
	v8 =	vld [tilespmem:s29+$0xFFFFFFA0]  }
0xc8: {  	[tilespmem:s29+$0xFFFFFF40] =	vst v0;
	v0 =	vmul.f32 v10, v2;
	v10 =	vld [tilespmem:s29+$0xFFFFFFB0]  }
0xc9: {  	[tilespmem:s29+$0xFFFFFF50] =	vst v3;
	v2 =	vmul.f32 v7, v2;
	v3 =	vld [tilespmem:s29+$0xFFFFFFC0]  }
0xca: {  	[tilespmem:s29+$0xFFFFFF60] =	vst v0;
	v0 =	vmul.f32 v9, v5;
	v7 =	vld [tilespmem:s29+$0xFFFFFFD0]  }
0xcb: {  	v1 =	vmul.f32 v1, v5;
	[tilespmem:s29+$0xFFFFFF70] =	vst v2;
	v2 =	vld [tilespmem:s29+$0xFFFFFFE0]  }
0xcc: {  	[tilespmem:s29+$0xFFFFFF80] =	vst v0;
	v0 =	vmul.f32 v8, v5;
	v8 =	vld [tilespmem:s29+$0xFFFFFFF0]  }
0xcd: {  	v9 =	vld [tilespmem:s29+$0x0];
	[tilespmem:s29+$0xFFFFFF90] =	vst v1;
	v1 =	vmul.f32 v10, v5  }
0xce: {  	[tilespmem:s29+$0xFFFFFFA0] =	vst v0;
	v0 =	vmul.f32 v3, v5;
	v3 =	vld [tilespmem:s29+$0x10]  }
0xcf: {  	[tilespmem:s29+$0xFFFFFFB0] =	vst v1;
	v1 =	vmul.f32 v7, v5;
	v7 =	vld [tilespmem:s29+$0x20]  }
0xd0: {  	[tilespmem:s29+$0xFFFFFFC0] =	vst v0;
	v0 =	vmul.f32 v2, v5;
	v2 =	vld [tilespmem:s29+$0x30]  }
0xd1: {  	[tilespmem:s29+$0xFFFFFFD0] =	vst v1;
	v1 =	vmul.f32 v8, v5;
	v5 =	vld [tilespmem:s29+$0x40]  }
0xd2: {  	v8 =	vld [tilespmem:s29+$0x50];
	[tilespmem:s29+$0xFFFFFFE0] =	vst v0;
	v0 =	vmul.f32 v9, v6  }
0xd3: {  	[tilespmem:s29+$0xFFFFFFF0] =	vst v1;
	v1 =	vmul.f32 v3, v6;
	v3 =	vld [tilespmem:s29+$0x60]  }
0xd4: {  	[tilespmem:s29+$0x0] =	vst v0;
	v0 =	vmul.f32 v7, v6;
	v7 =	vld [tilespmem:s29+$0x80]  }
0xd5: {  	[tilespmem:s29+$0x10] =	vst v1;
	v1 =	vmul.f32 v2, v6;
	v2 =	vld [tilespmem:s29+$0x90]  }
0xd6: {  	[tilespmem:s29+$0x20] =	vst v0;
	v0 =	vmul.f32 v5, v6;
	v5 =	vld [tilespmem:s29+$0xA0]  }
0xd7: {  	[tilespmem:s29+$0x30] =	vst v1;
	v1 =	vmul.f32 v8, v6;
	v8 =	vld [tilespmem:s29+$0xB0]  }
0xd8: {  	[tilespmem:s29+$0x40] =	vst v0;
	v0 =	vmul.f32 v3, v6;
	v3 =	vld [tilespmem:s29+$0xC0]  }
0xd9: {  	v6 =	vld [tilespmem:s29+$0xD0];
	[tilespmem:s29+$0x50] =	vst v1;
	v1 =	vmul.f32 v7, v4  }
0xda: {  	[tilespmem:s29+$0x60] =	vst v0;
	v0 =	vmul.f32 v2, v4;
	v2 =	vld [tilespmem:s29+$0xE0]  }
0xdb: {  	[tilespmem:s29+$0x80] =	vst v1;
	v1 =	vmul.f32 v5, v4;
	v5 =	vld [tilespmem:s29+$0xF0]  }
0xdc: {  	[tilespmem:s29+$0x90] =	vst v0;
	v0 =	vmul.f32 v8, v4  }
0xdd: {  	[tilespmem:s29+$0xA0] =	vst v1;
	v1 =	vmul.f32 v3, v4  }
0xde: {  	[tilespmem:s29+$0xB0] =	vst v0;
	v0 =	vmul.f32 v6, v4  }
0xdf: {  	[tilespmem:s29+$0xC0] =	vst v1;
	v1 =	vmul.f32 v2, v4  }
0xe0: {  	[tilespmem:s29+$0xD0] =	vst v0;
	v0 =	vmul.f32 v5, v4  }
0xe1: {  	[tilespmem:s29+$0xE0] =	vst v1  }
0xe2: {  	[tilespmem:s29+$0xF0] =	vst v0  }
0xe3: {  	_ =	swait.ge [sflag:s10], $0x80  }
0xe4: {  	[sflag:s10] =	ssyncset.done $0x0  }
0xe5: {  	s19 =	simm.s32 $0x300;
	s26 =	simm.s32 $0x480;
	[sflag:s10] =	ssyncadd.s32 $0xFFFFFF80  }
0xe6: {  	[spmem:s1] =	stream.indirect.scatter.add.f32 [tilespmem:s26], [sflag:$0xA], $0x80, s19, s28, $0xb8;
	[tilespmem:$0x1FD00] =	vst v63  }
0xe7: {  	s19 =	sadd.s32 $0x2, s22  }
0xe8: {  	s23 =	sshll.u32 s19, $0x7  }
0xe9: {  	s20 =	sadd.s32 s8, s23  }
0xea: {  	s20 =	sshrl.u32 s20, $0x3  }
0xeb: {  	s26 =	sadd.s32 s5, s20  }
0xec: {  	[tilespmem:s11], [sflag:$0x3] =	stream.linear.gather [hbm4b:s26+s2], $0x80, $0x38;
	[tilespmem:$0x1FD00] =	vst v63  }
0xed: {  	s20 =	sadd.s32 s7, s20  }
0xee: {  	[tilespmem:s12], [sflag:$0x3] =	stream.linear.gather [hbm4b:s20+s2], $0x80, $0x38;
	[tilespmem:$0x1FD00] =	vst v63  }
0xef: {  	_ =	swait.ge [sflag:s13], $0x4000  }
0xf0: {  	[sflag:s13] =	ssyncset.done $0x0  }
0xf1: {  	[sflag:s13] =	ssyncadd.s32 $0xFFFFC000  }
0xf2: {  	_ =	swait.ge [sflag:s15], $0x80  }
0xf3: {  	[sflag:s15] =	ssyncset.done $0x0  }
0xf4: {  	[sflag:s15] =	ssyncadd.s32 $0xFFFFFF80  }
0xf5: {  	s23 =	simm.s32 $0x0;
	_ =	swait.ge [sflag:s15], $0x80  }
0xf6: {  	v0 =	vmov s23;
	s26 =	simm.s32 $0x2;
	[sflag:s15] =	ssyncset.done $0x0  }
0xf7: {  	v0 =	vand.u32 $0xFFFFFFFC, v0;
	v1 =	vmov s26;
	s20 =	simm.s32 @!p1 $0xC;
	[sflag:s15] =	ssyncadd.s32 $0xFFFFFF80  }
0xf8: {  	s19 =	sadd.s32 s14, s19;
	v0 =	vbroadcast v0, $0x0;
	v1 =	vand.u32 $0xFFFFFFFE, v1;
	_ =	swait.ge @!p1 [sflag:s20], $0x4000  }
0xf9: {  	s19 =	sshll.u32 s19, $0x4;
	v1 =	vbroadcast v1, $0x0;
	[sflag:s20] =	ssyncset.done @!p1 $0x0  }
0xfa: {  	s19 =	sand.u32 $0xFFFFFF0, s19;
	[sflag:s20] =	ssyncadd.s32 @!p1 $0xFFFFC000  }
0xfb: {  	[tilespmem:s16], [sflag:$0x9] =	stream.indirect.gather [hbm4b:s4+s28], $0x80, s11, s28, $0xb8;
	[tilespmem:$0x1FD00] =	vst v63  }
0xfc: {  	s19 =	sadd.s32 s6, s19  }
0xfd: {  	[tilespmem:s17], [sflag:$0x6] =	stream.linear.gather [hbm4b:s19+s23], $0x80, $0x38;
	[tilespmem:$0x1FD00] =	vst v63  }
0xfe: {  	v0 =	vld.idx.msk [tilespmem:v0+s30+$0x0], $0xffff  }
0xff: {  	s26 =	simm.s32 $0x1;
	s23 =	simm.s32 $0x4580;
	v1 =	vld.idx.msk [tilespmem:v1+s30+$0x0], $0xffff  }
0x100: {  	v2 =	vmov s26;
	v3 =	vld [tilespmem:s23+$0x70]  }
0x101: {  	v2 =	vand.u32 $0xFFFFFFFD, v2;
	v4 =	vld [tilespmem:s23+$0xFFFFFF00]  }
0x102: {  	v2 =	vbroadcast v2, $0x0;
	v5 =	vld [tilespmem:s23+$0xFFFFFF10]  }
0x103: {  	v6 =	vld [tilespmem:s23+$0xFFFFFF20]  }
0x104: {  	v7 =	vld [tilespmem:s23+$0xFFFFFF30]  }
0x105: {  	v8 =	vld [tilespmem:s23+$0xFFFFFF40]  }
0x106: {  	v9 =	vld [tilespmem:s23+$0xFFFFFF50]  }
0x107: {  	v10 =	vld [tilespmem:s23+$0xFFFFFF60];
	v4 =	vmul.f32 v4, v0  }
0x108: {  	v2 =	vld.idx.msk [tilespmem:v2+s30+$0x0], $0xffff;
	v3 =	vmul.f32 v3, v1  }
0x109: {  	v63 =	vld [tilespmem:s23+$0x40];
	[tilespmem:s23+$0xFFFFFF00] =	vst v4;
	v4 =	vmul.f32 v5, v0  }
0x10a: {  	v5 =	vld [tilespmem:s23+$0xFFFFFF70];
	[tilespmem:s23+$0x70] =	vst v3;
	v3 =	vmul.f32 v6, v0  }
0x10b: {  	v6 =	vld [tilespmem:s23+$0xFFFFFF80];
	[tilespmem:s23+$0xFFFFFF10] =	vst v4;
	v4 =	vmul.f32 v7, v0  }
0x10c: {  	v7 =	vld [tilespmem:s23+$0xFFFFFF90];
	[tilespmem:s23+$0xFFFFFF20] =	vst v3;
	v3 =	vmul.f32 v8, v0  }
0x10d: {  	v8 =	vld [tilespmem:s23+$0xFFFFFFA0];
	[tilespmem:s23+$0xFFFFFF30] =	vst v4;
	v4 =	vmul.f32 v9, v0  }
0x10e: {  	v9 =	vld [tilespmem:s23+$0xFFFFFFB0];
	[tilespmem:s23+$0xFFFFFF40] =	vst v3;
	v3 =	vmul.f32 v10, v0  }
0x10f: {  	v10 =	vld [tilespmem:s23+$0xFFFFFFC0];
	v5 =	vmul.f32 v5, v0;
	[tilespmem:s23+$0xFFFFFF50] =	vst v4  }
0x110: {  	v4 =	vmul.f32 v6, v2;
	v6 =	vld [tilespmem:s23+$0xFFFFFFD0];
	[tilespmem:s23+$0xFFFFFF60] =	vst v3  }
0x111: {  	s20 =	simm.s32 $0x3;
	v3 =	vld [tilespmem:s23+$0xFFFFFFE0];
	v7 =	vmul.f32 v7, v2;
	[tilespmem:s23+$0xFFFFFF70] =	vst v5  }
0x112: {  	v11 =	vmov s20;
	v5 =	vld [tilespmem:s23+$0xFFFFFFF0];
	[tilespmem:s23+$0xFFFFFF80] =	vst v4;
	v4 =	vmul.f32 v8, v2  }
0x113: {  	v8 =	vld [tilespmem:s23+$0x0];
	[tilespmem:s23+$0xFFFFFF90] =	vst v7;
	v7 =	vmul.f32 v9, v2  }
0x114: {  	v9 =	vld [tilespmem:s23+$0x10];
	[tilespmem:s23+$0xFFFFFFA0] =	vst v4;
	v4 =	vmul.f32 v10, v2  }
0x115: {  	[tilespmem:s23+$0xFFFFFFB0] =	vst v7;
	v6 =	vmul.f32 v6, v2;
	v7 =	vld [tilespmem:s23+$0x20]  }
0x116: {  	v10 =	vld [tilespmem:s23+$0x30];
	v3 =	vmul.f32 v3, v2;
	[tilespmem:s23+$0xFFFFFFC0] =	vst v4  }
0x117: {  	v0 =	vld.idx.msk [tilespmem:v11+s30+$0x0], $0xffff;
	v2 =	vmul.f32 v5, v2;
	[tilespmem:s23+$0xFFFFFFD0] =	vst v6  }
0x118: {  	[tilespmem:s23+$0xFFFFFFE0] =	vst v3;
	v4 =	vmul.f32 v8, v1;
	v3 =	vld [tilespmem:s23+$0x50]  }
0x119: {  	s26 =	simm.s32 $0x4;
	[tilespmem:s23+$0xFFFFFFF0] =	vst v2;
	v5 =	vmul.f32 v9, v1;
	v2 =	vld [tilespmem:s23+$0x60]  }
0x11a: {  	s20 =	simm.s32 $0x7;
	v6 =	vmov s26;
	[tilespmem:s23+$0x0] =	vst v4;
	v8 =	vmul.f32 v7, v1;
	v7 =	vld [tilespmem:s23+$0x80]  }
0x11b: {  	s26 =	simm.s32 $0x5;
	v11 =	vand.u32 $0xFFFFFFFC, v6;
	v6 =	vld [tilespmem:s23+$0x90];
	v4 =	vmov s20;
	v9 =	vmul.f32 v10, v1;
	[tilespmem:s23+$0x10] =	vst v5  }
0x11c: {  	s29 =	simm.s32 $0x8;
	s20 =	simm.s32 $0x6;
	v10 =	vmul.f32 v63, v1;
	v5 =	vbroadcast v11, $0x0;
	v11 =	vmov s26;
	s26 =	simm.s32 $0x4580;
	[tilespmem:s23+$0x20] =	vst v8;
	v8 =	vld [tilespmem:s23+$0xA0]  }
.LBB2_5:
0x11d: {  	p1 =	slt.u32 s29, $0x7C;
	v11 =	vand.u32 $0xFFFFFFFD, v11;
	v12 =	vmov s20;
	[tilespmem:s23+$0x30] =	vst v9;
	v3 =	vmul.f32 v3, v1;
	v9 =	vld [tilespmem:s23+$0xB0]  }
0x11e: {  	v11 =	vbroadcast v11, $0x0;
	v12 =	vand.u32 $0xFFFFFFFE, v12;
	[tilespmem:s23+$0x40] =	vst v10;
	v1 =	vmul.f32 v2, v1;
	v2 =	vld [tilespmem:s23+$0xC0]  }
0x11f: {  	v10 =	vbroadcast v12, $0x0;
	[tilespmem:s23+$0x50] =	vst v3;
	v3 =	vmul.f32 v7, v0;
	v7 =	vld [tilespmem:s23+$0xD0]  }
0x120: {  	[tilespmem:s23+$0x60] =	vst v1;
	v1 =	vmul.f32 v6, v0;
	v6 =	vld [tilespmem:s23+$0xE0]  }
0x121: {  	[tilespmem:s23+$0x80] =	vst v3;
	v3 =	vmul.f32 v8, v0;
	v8 =	vld [tilespmem:s23+$0xF0]  }
0x122: {  	v4 =	vld.idx.msk [tilespmem:v4+s30+$0x0], $0xffff;
	[tilespmem:s23+$0x90] =	vst v1;
	v1 =	vmul.f32 v9, v0  }
0x123: {  	v5 =	vld.idx.msk [tilespmem:v5+s30+$0x0], $0xffff;
	[tilespmem:s23+$0xA0] =	vst v3;
	v2 =	vmul.f32 v2, v0  }
0x124: {  	v3 =	vld.idx.msk [tilespmem:v11+s30+$0x0], $0xffff;
	[tilespmem:s23+$0xB0] =	vst v1;
	v7 =	vmul.f32 v7, v0  }
0x125: {  	s23 =	sadd.s32 $0x200, s23;
	v1 =	vld.idx.msk [tilespmem:v10+s30+$0x0], $0xffff;
	[tilespmem:s26+$0xC0] =	vst v2;
	v2 =	vmul.f32 v6, v0  }
0x126: {  	v6 =	vld [tilespmem:s23+$0x70];
	[tilespmem:s26+$0xD0] =	vst v7;
	v8 =	vmul.f32 v8, v0  }
0x127: {  	v7 =	vld [tilespmem:s23+$0xFFFFFF00];
	[tilespmem:s26+$0xE0] =	vst v2  }
0x128: {  	v0 =	vmov v4;
	v2 =	vld [tilespmem:s23+$0xFFFFFF10];
	[tilespmem:s26+$0xF0] =	vst v8;
	s26 =	smov.u32 s23  }
0x129: {  	v4 =	vld [tilespmem:s23+$0xFFFFFF20]  }
0x12a: {  	v8 =	vld [tilespmem:s23+$0xFFFFFF30]  }
0x12b: {  	v9 =	vld [tilespmem:s23+$0xFFFFFF40];
	v6 =	vmul.f32 v6, v1  }
0x12c: {  	v7 =	vmul.f32 v7, v5;
	v10 =	vld [tilespmem:s23+$0xFFFFFF50]  }
0x12d: {  	v2 =	vmul.f32 v2, v5;
	v11 =	vld [tilespmem:s23+$0xFFFFFF60];
	[tilespmem:s23+$0x70] =	vst v6  }
0x12e: {  	[tilespmem:s23+$0xFFFFFF00] =	vst v7;
	v4 =	vmul.f32 v4, v5;
	v6 =	vld [tilespmem:s23+$0xFFFFFF70]  }
0x12f: {  	[tilespmem:s23+$0xFFFFFF10] =	vst v2;
	v2 =	vmul.f32 v8, v5;
	v7 =	vld [tilespmem:s23+$0xFFFFFF80]  }
0x130: {  	[tilespmem:s23+$0xFFFFFF20] =	vst v4;
	v4 =	vmul.f32 v9, v5;
	v8 =	vld [tilespmem:s23+$0xFFFFFF90]  }
0x131: {  	[tilespmem:s23+$0xFFFFFF30] =	vst v2;
	v2 =	vmul.f32 v10, v5;
	v9 =	vld [tilespmem:s23+$0xFFFFFFA0]  }
0x132: {  	[tilespmem:s23+$0xFFFFFF40] =	vst v4;
	v4 =	vmul.f32 v11, v5;
	v10 =	vld [tilespmem:s23+$0xFFFFFFB0]  }
0x133: {  	[tilespmem:s23+$0xFFFFFF50] =	vst v2;
	v2 =	vmul.f32 v6, v5;
	v5 =	vld [tilespmem:s23+$0xFFFFFFC0]  }
0x134: {  	[tilespmem:s23+$0xFFFFFF60] =	vst v4;
	v4 =	vmul.f32 v7, v3;
	v6 =	vld [tilespmem:s23+$0xFFFFFFD0]  }
0x135: {  	[tilespmem:s23+$0xFFFFFF70] =	vst v2;
	v2 =	vmul.f32 v8, v3;
	v7 =	vld [tilespmem:s23+$0xFFFFFFE0]  }
0x136: {  	[tilespmem:s23+$0xFFFFFF80] =	vst v4;
	v4 =	vmul.f32 v9, v3;
	v8 =	vld [tilespmem:s23+$0xFFFFFFF0]  }
0x137: {  	[tilespmem:s23+$0xFFFFFF90] =	vst v2;
	v2 =	vmul.f32 v10, v3;
	v9 =	vld [tilespmem:s23+$0x0]  }
0x138: {  	[tilespmem:s23+$0xFFFFFFA0] =	vst v4;
	v4 =	vmul.f32 v5, v3;
	v5 =	vld [tilespmem:s23+$0x10]  }
0x139: {  	[tilespmem:s23+$0xFFFFFFB0] =	vst v2;
	v2 =	vmul.f32 v6, v3;
	v6 =	vld [tilespmem:s23+$0x20]  }
0x13a: {  	[tilespmem:s23+$0xFFFFFFC0] =	vst v4;
	v4 =	vmul.f32 v7, v3;
	v10 =	vld [tilespmem:s23+$0x30]  }
0x13b: {  	[tilespmem:s23+$0xFFFFFFD0] =	vst v2;
	v2 =	vmul.f32 v8, v3;
	v8 =	vld [tilespmem:s23+$0x40]  }
.Ltmp3:
0x13c: {  	[tilespmem:s23+$0xFFFFFFE0] =	vst v4;
	v4 =	vmul.f32 v9, v1;
	v3 =	vld [tilespmem:s23+$0x50];
	(pc) =	sbr.rel @p1 .LBB2_5-.Ltmp3, $4  }
0x13d: {  	[tilespmem:s23+$0xFFFFFFF0] =	vst v2;
	v5 =	vmul.f32 v5, v1;
	v2 =	vld [tilespmem:s23+$0x60]  }
0x13e: {  	s19 =	sadd.s32 $0x3, s29;
	v9 =	vmov s29;
	[tilespmem:s23+$0x0] =	vst v4;
	v12 =	vmul.f32 v6, v1;
	v7 =	vld [tilespmem:s23+$0x80]  }
0x13f: {  	s20 =	sadd.s32 $0x1, s29;
	v11 =	vand.u32 $0xFFFFFFFC, v9;
	v4 =	vmov s19;
	[tilespmem:s23+$0x10] =	vst v5;
	v9 =	vmul.f32 v10, v1;
	v6 =	vld [tilespmem:s23+$0x90]  }
0x140: {  	v5 =	vbroadcast v11, $0x0;
	v11 =	vmov s20;
	s20 =	sadd.s32 $0x2, s29;
	s29 =	sadd.s32 $0x4, s29;
	[tilespmem:s23+$0x20] =	vst v12;
	v10 =	vmul.f32 v8, v1;
	v8 =	vld [tilespmem:s23+$0xA0]  }
0x141: {  	v12 =	vld [tilespmem:s23+$0xB0]  }
0x142: {  	v14 =	vld [tilespmem:s23+$0xC0]  }
0x143: {  	v13 =	vmov s20;
	v15 =	vld [tilespmem:s23+$0xD0]  }
0x144: {  	v16 =	vld [tilespmem:s23+$0xE0];
	[tilespmem:s23+$0x30] =	vst v9;
	v3 =	vmul.f32 v3, v1;
	v13 =	vand.u32 $0xFFFFFFFE, v13  }
0x145: {  	v11 =	vand.u32 $0xFFFFFFFD, v11;
	v4 =	vld.idx.msk [tilespmem:v4+s30+$0x0], $0xffff;
	[tilespmem:s23+$0x40] =	vst v10;
	v1 =	vmul.f32 v2, v1;
	v13 =	vbroadcast v13, $0x0  }
0x146: {  	s29 =	sadd.s32 $0x200, s23;
	v11 =	vbroadcast v11, $0x0;
	v2 =	vld.idx.msk [tilespmem:v5+s30+$0x0], $0xffff;
	v7 =	vmul.f32 v7, v0;
	[tilespmem:s23+$0x50] =	vst v3  }
0x147: {  	v9 =	vld [tilespmem:s29+$0xFFFFFF00];
	v3 =	vmul.f32 v6, v0;
	[tilespmem:s23+$0x60] =	vst v1  }
0x148: {  	[tilespmem:s23+$0x80] =	vst v7;
	v7 =	vld [tilespmem:s23+$0xF0];
	v1 =	vmul.f32 v8, v0  }
0x149: {  	v10 =	vld [tilespmem:s29+$0xFFFFFF10];
	[tilespmem:s23+$0x90] =	vst v3;
	v3 =	vmul.f32 v12, v0  }
0x14a: {  	v8 =	vld [tilespmem:s29+$0x70];
	[tilespmem:s23+$0xA0] =	vst v1;
	v1 =	vmul.f32 v14, v0  }
0x14b: {  	[tilespmem:s23+$0xB0] =	vst v3;
	v3 =	vmul.f32 v15, v0;
	v6 =	vld.idx.msk [tilespmem:v13+s30+$0x0], $0xffff  }
0x14c: {  	v5 =	vld.idx.msk [tilespmem:v11+s30+$0x0], $0xffff;
	[tilespmem:s26+$0xC0] =	vst v1;
	v1 =	vmul.f32 v16, v0  }
0x14d: {  	v11 =	vld [tilespmem:s29+$0xFFFFFF20];
	[tilespmem:s26+$0xD0] =	vst v3;
	v0 =	vmul.f32 v7, v0  }
0x14e: {  	v3 =	vld [tilespmem:s29+$0xFFFFFF30];
	[tilespmem:s26+$0xE0] =	vst v1  }
0x14f: {  	v1 =	vld [tilespmem:s29+$0xFFFFFF40];
	[tilespmem:s26+$0xF0] =	vst v0;
	v0 =	vmul.f32 v9, v2  }
0x150: {  	v7 =	vmul.f32 v8, v6;
	v8 =	vld [tilespmem:s29+$0xFFFFFF50]  }
0x151: {  	v9 =	vmul.f32 v10, v2;
	v10 =	vld [tilespmem:s29+$0xFFFFFF60];
	[tilespmem:s29+$0xFFFFFF00] =	vst v0  }
0x152: {  	v0 =	vmul.f32 v11, v2;
	[tilespmem:s29+$0x70] =	vst v7;
	v7 =	vld [tilespmem:s29+$0xFFFFFF70]  }
0x153: {  	[tilespmem:s29+$0xFFFFFF10] =	vst v9;
	v9 =	vld [tilespmem:s29+$0xFFFFFF80];
	v3 =	vmul.f32 v3, v2  }
0x154: {  	[tilespmem:s29+$0xFFFFFF20] =	vst v0;
	v0 =	vmul.f32 v1, v2;
	v1 =	vld [tilespmem:s29+$0xFFFFFF90]  }
0x155: {  	[tilespmem:s29+$0xFFFFFF30] =	vst v3;
	v3 =	vmul.f32 v8, v2;
	v8 =	vld [tilespmem:s29+$0xFFFFFFA0]  }
0x156: {  	[tilespmem:s29+$0xFFFFFF40] =	vst v0;
	v0 =	vmul.f32 v10, v2;
	v10 =	vld [tilespmem:s29+$0xFFFFFFB0]  }
0x157: {  	[tilespmem:s29+$0xFFFFFF50] =	vst v3;
	v2 =	vmul.f32 v7, v2;
	v3 =	vld [tilespmem:s29+$0xFFFFFFC0]  }
0x158: {  	[tilespmem:s29+$0xFFFFFF60] =	vst v0;
	v0 =	vmul.f32 v9, v5;
	v7 =	vld [tilespmem:s29+$0xFFFFFFD0]  }
0x159: {  	v1 =	vmul.f32 v1, v5;
	[tilespmem:s29+$0xFFFFFF70] =	vst v2;
	v2 =	vld [tilespmem:s29+$0xFFFFFFE0]  }
0x15a: {  	[tilespmem:s29+$0xFFFFFF80] =	vst v0;
	v0 =	vmul.f32 v8, v5;
	v8 =	vld [tilespmem:s29+$0xFFFFFFF0]  }
0x15b: {  	v9 =	vld [tilespmem:s29+$0x0];
	[tilespmem:s29+$0xFFFFFF90] =	vst v1;
	v1 =	vmul.f32 v10, v5  }
0x15c: {  	[tilespmem:s29+$0xFFFFFFA0] =	vst v0;
	v0 =	vmul.f32 v3, v5;
	v3 =	vld [tilespmem:s29+$0x10]  }
0x15d: {  	[tilespmem:s29+$0xFFFFFFB0] =	vst v1;
	v1 =	vmul.f32 v7, v5;
	v7 =	vld [tilespmem:s29+$0x20]  }
0x15e: {  	[tilespmem:s29+$0xFFFFFFC0] =	vst v0;
	v0 =	vmul.f32 v2, v5;
	v2 =	vld [tilespmem:s29+$0x30]  }
0x15f: {  	[tilespmem:s29+$0xFFFFFFD0] =	vst v1;
	v1 =	vmul.f32 v8, v5;
	v5 =	vld [tilespmem:s29+$0x40]  }
0x160: {  	v8 =	vld [tilespmem:s29+$0x50];
	[tilespmem:s29+$0xFFFFFFE0] =	vst v0;
	v0 =	vmul.f32 v9, v6  }
0x161: {  	[tilespmem:s29+$0xFFFFFFF0] =	vst v1;
	v1 =	vmul.f32 v3, v6;
	v3 =	vld [tilespmem:s29+$0x60]  }
0x162: {  	[tilespmem:s29+$0x0] =	vst v0;
	v0 =	vmul.f32 v7, v6;
	v7 =	vld [tilespmem:s29+$0x80]  }
0x163: {  	[tilespmem:s29+$0x10] =	vst v1;
	v1 =	vmul.f32 v2, v6;
	v2 =	vld [tilespmem:s29+$0x90]  }
0x164: {  	[tilespmem:s29+$0x20] =	vst v0;
	v0 =	vmul.f32 v5, v6;
	v5 =	vld [tilespmem:s29+$0xA0]  }
0x165: {  	[tilespmem:s29+$0x30] =	vst v1;
	v1 =	vmul.f32 v8, v6;
	v8 =	vld [tilespmem:s29+$0xB0]  }
0x166: {  	[tilespmem:s29+$0x40] =	vst v0;
	v0 =	vmul.f32 v3, v6;
	v3 =	vld [tilespmem:s29+$0xC0]  }
0x167: {  	v6 =	vld [tilespmem:s29+$0xD0];
	[tilespmem:s29+$0x50] =	vst v1;
	v1 =	vmul.f32 v7, v4  }
0x168: {  	[tilespmem:s29+$0x60] =	vst v0;
	v0 =	vmul.f32 v2, v4;
	v2 =	vld [tilespmem:s29+$0xE0]  }
0x169: {  	[tilespmem:s29+$0x80] =	vst v1;
	v1 =	vmul.f32 v5, v4;
	v5 =	vld [tilespmem:s29+$0xF0]  }
0x16a: {  	[tilespmem:s29+$0x90] =	vst v0;
	v0 =	vmul.f32 v8, v4  }
0x16b: {  	[tilespmem:s29+$0xA0] =	vst v1;
	v1 =	vmul.f32 v3, v4  }
0x16c: {  	[tilespmem:s29+$0xB0] =	vst v0;
	v0 =	vmul.f32 v6, v4  }
0x16d: {  	[tilespmem:s29+$0xC0] =	vst v1;
	v1 =	vmul.f32 v2, v4  }
0x16e: {  	[tilespmem:s29+$0xD0] =	vst v0;
	v0 =	vmul.f32 v5, v4  }
0x16f: {  	[tilespmem:s29+$0xE0] =	vst v1  }
0x170: {  	[tilespmem:s29+$0xF0] =	vst v0  }
0x171: {  	p1 =	seq.s32 s25, $0x1A;
	_ =	swait.ge [sflag:s18], $0x80  }
0x172: {  	s19 =	sadd.s32 @!p1 $0x3, s22;
	[sflag:s18] =	ssyncset.done $0x0  }
0x173: {  	s20 =	simm.s32 @p1 $0x9;
	s22 =	sshll.u32 @!p1 s19, $0x7;
	[sflag:s18] =	ssyncadd.s32 $0xFFFFFF80  }
0x174: {  	[spmem:s1] =	stream.indirect.scatter.add.f32 [tilespmem:s3], [sflag:$0xB], $0x80, s9, s28, $0xb8;
	[tilespmem:$0x1FD00] =	vst v63  }
0x175: {  	s22 =	sadd.s32 @!p1 s8, s22;
	_ =	swait.ge @p1 [sflag:s20], $0x4000  }
0x176: {  	s22 =	sshrl.u32 @!p1 s22, $0x3;
	[sflag:s20] =	ssyncset.done @p1 $0x0  }
0x177: {  	s23 =	simm.s32 @!p1 $0x0;
	[sflag:s20] =	ssyncadd.s32 @p1 $0xFFFFC000;
	s20 =	sadd.s32 @!p1 s5, s22  }
0x178: {  	[tilespmem:s23], [sflag:$0x1] =	stream.linear.gather @!p1 [hbm4b:s20+s23], $0x80, $0x38;
	[tilespmem:$0x1FD00] =	vst v63  }
0x179: {  	s20 =	sadd.s32 @!p1 s7, s22;
	s22 =	simm.s32 @!p1 $0x180  }
0x17a: {  	[tilespmem:s22], [sflag:$0x1] =	stream.linear.gather @!p1 [hbm4b:s20+s23], $0x80, $0x38;
	[tilespmem:$0x1FD00] =	vst v63  }
0x17b: {  	s20 =	simm.s32 @!p1 $0x9  }
0x17c: {  	_ =	swait.ge @!p1 [sflag:s20], $0x4000  }
0x17d: {  	[sflag:s20] =	ssyncset.done @!p1 $0x0  }
0x17e: {  	[sflag:s20] =	ssyncadd.s32 @!p1 $0xFFFFC000;
	s20 =	simm.s32 @!p1 $0x1  }
0x17f: {  	_ =	swait.ge @!p1 [sflag:s20], $0x80  }
0x180: {  	[sflag:s20] =	ssyncset.done @!p1 $0x0  }
0x181: {  	[sflag:s20] =	ssyncadd.s32 @!p1 $0xFFFFFF80  }
0x182: {  	s29 =	simm.s32 $0x0;
	_ =	swait.ge @!p1 [sflag:s20], $0x80  }
0x183: {  	s26 =	simm.s32 $0x2;
	v0 =	vmov s29;
	[sflag:s20] =	ssyncset.done @!p1 $0x0  }
0x184: {  	s19 =	sadd.s32 @!p1 s14, s19;
	v1 =	vmov s26;
	v0 =	vand.u32 $0xFFFFFFFC, v0;
	[sflag:s20] =	ssyncadd.s32 @!p1 $0xFFFFFF80;
	s20 =	simm.s32 @!p1 $0xA  }
0x185: {  	s19 =	sshll.u32 @!p1 s19, $0x4;
	v1 =	vand.u32 $0xFFFFFFFE, v1;
	v0 =	vbroadcast v0, $0x0;
	_ =	swait.ge @!p1 [sflag:s20], $0x4000  }
0x186: {  	s19 =	sand.u32 @!p1 $0xFFFFFF0, s19;
	v1 =	vbroadcast v1, $0x0;
	[sflag:s20] =	ssyncset.done @!p1 $0x0  }
0x187: {  	s22 =	simm.s32 @!p1 $0x480;
	[sflag:s20] =	ssyncadd.s32 @!p1 $0xFFFFC000;
	s20 =	simm.s32 @!p1 $0x80  }
0x188: {  	[tilespmem:s22], [sflag:$0x7] =	stream.indirect.gather @!p1 [hbm4b:s4+s20], $0x80, s23, s20, $0xb8;
	[tilespmem:$0x1FD00] =	vst v63  }
0x189: {  	s19 =	sadd.s32 @!p1 s6, s19;
	s20 =	simm.s32 @!p1 $0x300  }
0x18a: {  	[tilespmem:s20], [sflag:$0x4] =	stream.linear.gather @!p1 [hbm4b:s19+s23], $0x80, $0x38;
	[tilespmem:$0x1FD00] =	vst v63  }
0x18b: {  	v0 =	vld.idx.msk [tilespmem:v0+s12+$0x0], $0xffff  }
0x18c: {  	s29 =	simm.s32 $0x1;
	s22 =	simm.s32 $0x8580;
	v1 =	vld.idx.msk [tilespmem:v1+s12+$0x0], $0xffff  }
0x18d: {  	v2 =	vmov s29;
	v3 =	vld [tilespmem:s22+$0x70]  }
0x18e: {  	v2 =	vand.u32 $0xFFFFFFFD, v2;
	v4 =	vld [tilespmem:s22+$0xFFFFFF00]  }
0x18f: {  	v2 =	vbroadcast v2, $0x0;
	v5 =	vld [tilespmem:s22+$0xFFFFFF10]  }
0x190: {  	v6 =	vld [tilespmem:s22+$0xFFFFFF20]  }
0x191: {  	v7 =	vld [tilespmem:s22+$0xFFFFFF30]  }
0x192: {  	v8 =	vld [tilespmem:s22+$0xFFFFFF40]  }
0x193: {  	v9 =	vld [tilespmem:s22+$0xFFFFFF50]  }
0x194: {  	v10 =	vld [tilespmem:s22+$0xFFFFFF60];
	v4 =	vmul.f32 v4, v0  }
0x195: {  	v2 =	vld.idx.msk [tilespmem:v2+s12+$0x0], $0xffff;
	v3 =	vmul.f32 v3, v1  }
0x196: {  	v63 =	vld [tilespmem:s22+$0x40];
	[tilespmem:s22+$0xFFFFFF00] =	vst v4;
	v4 =	vmul.f32 v5, v0  }
0x197: {  	v5 =	vld [tilespmem:s22+$0xFFFFFF70];
	[tilespmem:s22+$0x70] =	vst v3;
	v3 =	vmul.f32 v6, v0  }
0x198: {  	v6 =	vld [tilespmem:s22+$0xFFFFFF80];
	[tilespmem:s22+$0xFFFFFF10] =	vst v4;
	v4 =	vmul.f32 v7, v0  }
0x199: {  	v7 =	vld [tilespmem:s22+$0xFFFFFF90];
	[tilespmem:s22+$0xFFFFFF20] =	vst v3;
	v3 =	vmul.f32 v8, v0  }
0x19a: {  	v8 =	vld [tilespmem:s22+$0xFFFFFFA0];
	[tilespmem:s22+$0xFFFFFF30] =	vst v4;
	v4 =	vmul.f32 v9, v0  }
0x19b: {  	v9 =	vld [tilespmem:s22+$0xFFFFFFB0];
	[tilespmem:s22+$0xFFFFFF40] =	vst v3;
	v3 =	vmul.f32 v10, v0  }
0x19c: {  	v10 =	vld [tilespmem:s22+$0xFFFFFFC0];
	v5 =	vmul.f32 v5, v0;
	[tilespmem:s22+$0xFFFFFF50] =	vst v4  }
0x19d: {  	v4 =	vmul.f32 v6, v2;
	v6 =	vld [tilespmem:s22+$0xFFFFFFD0];
	[tilespmem:s22+$0xFFFFFF60] =	vst v3  }
0x19e: {  	s20 =	simm.s32 $0x3;
	v3 =	vld [tilespmem:s22+$0xFFFFFFE0];
	v7 =	vmul.f32 v7, v2;
	[tilespmem:s22+$0xFFFFFF70] =	vst v5  }
0x19f: {  	v11 =	vmov s20;
	v5 =	vld [tilespmem:s22+$0xFFFFFFF0];
	[tilespmem:s22+$0xFFFFFF80] =	vst v4;
	v4 =	vmul.f32 v8, v2  }
0x1a0: {  	v8 =	vld [tilespmem:s22+$0x0];
	[tilespmem:s22+$0xFFFFFF90] =	vst v7;
	v7 =	vmul.f32 v9, v2  }
0x1a1: {  	v9 =	vld [tilespmem:s22+$0x10];
	[tilespmem:s22+$0xFFFFFFA0] =	vst v4;
	v4 =	vmul.f32 v10, v2  }
0x1a2: {  	[tilespmem:s22+$0xFFFFFFB0] =	vst v7;
	v6 =	vmul.f32 v6, v2;
	v7 =	vld [tilespmem:s22+$0x20]  }
0x1a3: {  	v10 =	vld [tilespmem:s22+$0x30];
	v3 =	vmul.f32 v3, v2;
	[tilespmem:s22+$0xFFFFFFC0] =	vst v4  }
0x1a4: {  	v0 =	vld.idx.msk [tilespmem:v11+s12+$0x0], $0xffff;
	v2 =	vmul.f32 v5, v2;
	[tilespmem:s22+$0xFFFFFFD0] =	vst v6  }
0x1a5: {  	[tilespmem:s22+$0xFFFFFFE0] =	vst v3;
	v4 =	vmul.f32 v8, v1;
	v3 =	vld [tilespmem:s22+$0x50]  }
0x1a6: {  	s23 =	simm.s32 $0x4;
	[tilespmem:s22+$0xFFFFFFF0] =	vst v2;
	v5 =	vmul.f32 v9, v1;
	v2 =	vld [tilespmem:s22+$0x60]  }
0x1a7: {  	s26 =	simm.s32 $0x7;
	v6 =	vmov s23;
	[tilespmem:s22+$0x0] =	vst v4;
	v8 =	vmul.f32 v7, v1;
	v7 =	vld [tilespmem:s22+$0x80]  }
0x1a8: {  	s29 =	simm.s32 $0x5;
	v11 =	vand.u32 $0xFFFFFFFC, v6;
	v6 =	vld [tilespmem:s22+$0x90];
	v4 =	vmov s26;
	v9 =	vmul.f32 v10, v1;
	[tilespmem:s22+$0x10] =	vst v5  }
0x1a9: {  	s20 =	simm.s32 $0x6;
	s23 =	simm.s32 $0x8580;
	s26 =	simm.s32 $0x8;
	v10 =	vmul.f32 v63, v1;
	v5 =	vbroadcast v11, $0x0;
	v11 =	vmov s29;
	[tilespmem:s22+$0x20] =	vst v8;
	v8 =	vld [tilespmem:s22+$0xA0]  }
.LBB2_7:
0x1aa: {  	p2 =	slt.u32 s26, $0x7C;
	v11 =	vand.u32 $0xFFFFFFFD, v11;
	v12 =	vmov s20;
	[tilespmem:s22+$0x30] =	vst v9;
	v3 =	vmul.f32 v3, v1;
	v9 =	vld [tilespmem:s22+$0xB0]  }
0x1ab: {  	v11 =	vbroadcast v11, $0x0;
	v12 =	vand.u32 $0xFFFFFFFE, v12;
	[tilespmem:s22+$0x40] =	vst v10;
	v1 =	vmul.f32 v2, v1;
	v2 =	vld [tilespmem:s22+$0xC0]  }
0x1ac: {  	v10 =	vbroadcast v12, $0x0;
	[tilespmem:s22+$0x50] =	vst v3;
	v3 =	vmul.f32 v7, v0;
	v7 =	vld [tilespmem:s22+$0xD0]  }
0x1ad: {  	[tilespmem:s22+$0x60] =	vst v1;
	v1 =	vmul.f32 v6, v0;
	v6 =	vld [tilespmem:s22+$0xE0]  }
0x1ae: {  	[tilespmem:s22+$0x80] =	vst v3;
	v3 =	vmul.f32 v8, v0;
	v8 =	vld [tilespmem:s22+$0xF0]  }
0x1af: {  	v4 =	vld.idx.msk [tilespmem:v4+s12+$0x0], $0xffff;
	[tilespmem:s22+$0x90] =	vst v1;
	v1 =	vmul.f32 v9, v0  }
0x1b0: {  	v5 =	vld.idx.msk [tilespmem:v5+s12+$0x0], $0xffff;
	[tilespmem:s22+$0xA0] =	vst v3;
	v2 =	vmul.f32 v2, v0  }
0x1b1: {  	v3 =	vld.idx.msk [tilespmem:v11+s12+$0x0], $0xffff;
	[tilespmem:s22+$0xB0] =	vst v1;
	v7 =	vmul.f32 v7, v0  }
0x1b2: {  	s22 =	sadd.s32 $0x200, s22;
	v1 =	vld.idx.msk [tilespmem:v10+s12+$0x0], $0xffff;
	[tilespmem:s23+$0xC0] =	vst v2;
	v2 =	vmul.f32 v6, v0  }
0x1b3: {  	v6 =	vld [tilespmem:s22+$0x70];
	[tilespmem:s23+$0xD0] =	vst v7;
	v8 =	vmul.f32 v8, v0  }
0x1b4: {  	v7 =	vld [tilespmem:s22+$0xFFFFFF00];
	[tilespmem:s23+$0xE0] =	vst v2  }
0x1b5: {  	v0 =	vmov v4;
	v2 =	vld [tilespmem:s22+$0xFFFFFF10];
	[tilespmem:s23+$0xF0] =	vst v8;
	s23 =	smov.u32 s22  }
0x1b6: {  	v4 =	vld [tilespmem:s22+$0xFFFFFF20]  }
0x1b7: {  	v8 =	vld [tilespmem:s22+$0xFFFFFF30]  }
0x1b8: {  	v9 =	vld [tilespmem:s22+$0xFFFFFF40];
	v6 =	vmul.f32 v6, v1  }
0x1b9: {  	v7 =	vmul.f32 v7, v5;
	v10 =	vld [tilespmem:s22+$0xFFFFFF50]  }
0x1ba: {  	v2 =	vmul.f32 v2, v5;
	v11 =	vld [tilespmem:s22+$0xFFFFFF60];
	[tilespmem:s22+$0x70] =	vst v6  }
0x1bb: {  	[tilespmem:s22+$0xFFFFFF00] =	vst v7;
	v4 =	vmul.f32 v4, v5;
	v6 =	vld [tilespmem:s22+$0xFFFFFF70]  }
0x1bc: {  	[tilespmem:s22+$0xFFFFFF10] =	vst v2;
	v2 =	vmul.f32 v8, v5;
	v7 =	vld [tilespmem:s22+$0xFFFFFF80]  }
0x1bd: {  	[tilespmem:s22+$0xFFFFFF20] =	vst v4;
	v4 =	vmul.f32 v9, v5;
	v8 =	vld [tilespmem:s22+$0xFFFFFF90]  }
0x1be: {  	[tilespmem:s22+$0xFFFFFF30] =	vst v2;
	v2 =	vmul.f32 v10, v5;
	v9 =	vld [tilespmem:s22+$0xFFFFFFA0]  }
0x1bf: {  	[tilespmem:s22+$0xFFFFFF40] =	vst v4;
	v4 =	vmul.f32 v11, v5;
	v10 =	vld [tilespmem:s22+$0xFFFFFFB0]  }
0x1c0: {  	[tilespmem:s22+$0xFFFFFF50] =	vst v2;
	v2 =	vmul.f32 v6, v5;
	v5 =	vld [tilespmem:s22+$0xFFFFFFC0]  }
0x1c1: {  	[tilespmem:s22+$0xFFFFFF60] =	vst v4;
	v4 =	vmul.f32 v7, v3;
	v6 =	vld [tilespmem:s22+$0xFFFFFFD0]  }
0x1c2: {  	[tilespmem:s22+$0xFFFFFF70] =	vst v2;
	v2 =	vmul.f32 v8, v3;
	v7 =	vld [tilespmem:s22+$0xFFFFFFE0]  }
0x1c3: {  	[tilespmem:s22+$0xFFFFFF80] =	vst v4;
	v4 =	vmul.f32 v9, v3;
	v8 =	vld [tilespmem:s22+$0xFFFFFFF0]  }
0x1c4: {  	[tilespmem:s22+$0xFFFFFF90] =	vst v2;
	v2 =	vmul.f32 v10, v3;
	v9 =	vld [tilespmem:s22+$0x0]  }
0x1c5: {  	[tilespmem:s22+$0xFFFFFFA0] =	vst v4;
	v4 =	vmul.f32 v5, v3;
	v5 =	vld [tilespmem:s22+$0x10]  }
0x1c6: {  	[tilespmem:s22+$0xFFFFFFB0] =	vst v2;
	v2 =	vmul.f32 v6, v3;
	v6 =	vld [tilespmem:s22+$0x20]  }
0x1c7: {  	[tilespmem:s22+$0xFFFFFFC0] =	vst v4;
	v4 =	vmul.f32 v7, v3;
	v10 =	vld [tilespmem:s22+$0x30]  }
0x1c8: {  	[tilespmem:s22+$0xFFFFFFD0] =	vst v2;
	v2 =	vmul.f32 v8, v3;
	v8 =	vld [tilespmem:s22+$0x40]  }
.Ltmp4:
0x1c9: {  	[tilespmem:s22+$0xFFFFFFE0] =	vst v4;
	v4 =	vmul.f32 v9, v1;
	v3 =	vld [tilespmem:s22+$0x50];
	(pc) =	sbr.rel @p2 .LBB2_7-.Ltmp4, $4  }
0x1ca: {  	[tilespmem:s22+$0xFFFFFFF0] =	vst v2;
	v5 =	vmul.f32 v5, v1;
	v2 =	vld [tilespmem:s22+$0x60]  }
0x1cb: {  	s19 =	sadd.s32 $0x3, s26;
	v9 =	vmov s26;
	[tilespmem:s22+$0x0] =	vst v4;
	v12 =	vmul.f32 v6, v1;
	v7 =	vld [tilespmem:s22+$0x80]  }
0x1cc: {  	s20 =	sadd.s32 $0x1, s26;
	v11 =	vand.u32 $0xFFFFFFFC, v9;
	v4 =	vmov s19;
	[tilespmem:s22+$0x10] =	vst v5;
	v9 =	vmul.f32 v10, v1;
	v6 =	vld [tilespmem:s22+$0x90]  }
0x1cd: {  	v5 =	vbroadcast v11, $0x0;
	v11 =	vmov s20;
	s20 =	sadd.s32 $0x2, s26;
	s26 =	sadd.s32 $0x4, s26;
	[tilespmem:s22+$0x20] =	vst v12;
	v10 =	vmul.f32 v8, v1;
	v8 =	vld [tilespmem:s22+$0xA0]  }
0x1ce: {  	v12 =	vld [tilespmem:s22+$0xB0]  }
0x1cf: {  	v14 =	vld [tilespmem:s22+$0xC0]  }
0x1d0: {  	v15 =	vld [tilespmem:s22+$0xD0]  }
0x1d1: {  	v16 =	vld [tilespmem:s22+$0xE0]  }
0x1d2: {  	v44 =	vld [tilespmem:s22+$0xF0];
	[tilespmem:s22+$0x30] =	vst v9;
	v3 =	vmul.f32 v3, v1  }
0x1d3: {  	v4 =	vld.idx.msk [tilespmem:v4+s12+$0x0], $0xffff;
	[tilespmem:s22+$0x40] =	vst v10;
	v45 =	vmul.f32 v2, v1  }
0x1d4: {  	s26 =	sadd.s32 $0x200, s22;
	v46 =	vld.idx.msk [tilespmem:v5+s12+$0x0], $0xffff;
	v7 =	vmul.f32 v7, v0;
	[tilespmem:s22+$0x50] =	vst v3  }
0x1d5: {  	v51 =	vld [tilespmem:s26+$0x70];
	v47 =	vmul.f32 v6, v0;
	[tilespmem:s22+$0x60] =	vst v45  }
0x1d6: {  	v53 =	vld [tilespmem:s26+$0xFFFFFF00];
	[tilespmem:s22+$0x80] =	vst v7;
	v49 =	vmul.f32 v8, v0  }
0x1d7: {  	v55 =	vld [tilespmem:s26+$0xFFFFFF10];
	[tilespmem:s22+$0x90] =	vst v47;
	v50 =	vmul.f32 v12, v0  }
0x1d8: {  	v11 =	vand.u32 $0xFFFFFFFD, v11;
	v57 =	vld [tilespmem:s26+$0xFFFFFF20];
	v52 =	vmul.f32 v14, v0;
	[tilespmem:s22+$0xA0] =	vst v49  }
0x1d9: {  	v11 =	vbroadcast v11, $0x0;
	v59 =	vld [tilespmem:s26+$0xFFFFFF30];
	v54 =	vmul.f32 v15, v0;
	[tilespmem:s22+$0xB0] =	vst v50  }
0x1da: {  	v60 =	vld [tilespmem:s26+$0xFFFFFF40];
	v56 =	vmul.f32 v16, v0;
	[tilespmem:s23+$0xC0] =	vst v52  }
0x1db: {  	v63 =	vld [tilespmem:s26+$0xFFFFFF50];
	v58 =	vmul.f32 v44, v0;
	[tilespmem:s23+$0xD0] =	vst v54  }
0x1dc: {  	v15 =	vld [tilespmem:s26+$0xFFFFFF70];
	v62 =	vmul.f32 v53, v46;
	[tilespmem:s23+$0xE0] =	vst v56  }
0x1dd: {  	v16 =	vld [tilespmem:s26+$0xFFFFFF80];
	v12 =	vmul.f32 v55, v46;
	[tilespmem:s23+$0xF0] =	vst v58  }
0x1de: {  	v44 =	vld [tilespmem:s26+$0x80];
	v14 =	vmul.f32 v57, v46;
	[tilespmem:s26+$0xFFFFFF00] =	vst v62  }
0x1df: {  	v3 =	vmul.f32 v59, v46;
	v48 =	vld.idx.msk [tilespmem:v11+s12+$0x0], $0xffff;
	[tilespmem:s26+$0xFFFFFF10] =	vst v12  }
0x1e0: {  	v13 =	vmov s20;
	v18 =	vld [tilespmem:s26+$0xFFFFFF90];
	v17 =	vmul.f32 v60, v46;
	[tilespmem:s26+$0xFFFFFF20] =	vst v14  }
0x1e1: {  	v13 =	vand.u32 $0xFFFFFFFE, v13;
	v20 =	vld [tilespmem:s26+$0xFFFFFFA0];
	v19 =	vmul.f32 v63, v46;
	[tilespmem:s26+$0xFFFFFF30] =	vst v3  }
0x1e2: {  	v22 =	vld [tilespmem:s26+$0xFFFFFFB0];
	v13 =	vbroadcast v13, $0x0;
	[tilespmem:s26+$0xFFFFFF40] =	vst v17;
	v2 =	vmul.f32 v15, v46  }
0x1e3: {  	v23 =	vld [tilespmem:s26+$0xFFFFFFC0];
	[tilespmem:s26+$0xFFFFFF50] =	vst v19;
	v53 =	vmul.f32 v44, v4  }
0x1e4: {  	v25 =	vld [tilespmem:s26+$0xFFFFFFD0];
	v24 =	vmul.f32 v16, v48;
	[tilespmem:s26+$0xFFFFFF70] =	vst v2  }
0x1e5: {  	v26 =	vld [tilespmem:s26+$0xFFFFFFE0];
	v1 =	vmul.f32 v18, v48;
	[tilespmem:s26+$0x80] =	vst v53  }
0x1e6: {  	v28 =	vld [tilespmem:s26+$0xFFFFFFF0];
	v27 =	vmul.f32 v20, v48;
	[tilespmem:s26+$0xFFFFFF80] =	vst v24  }
0x1e7: {  	v50 =	vld [tilespmem:s26+$0xB0];
	v29 =	vmul.f32 v22, v48;
	[tilespmem:s26+$0xFFFFFF90] =	vst v1  }
0x1e8: {  	v6 =	vld.idx.msk [tilespmem:v13+s12+$0x0], $0xffff;
	v31 =	vmul.f32 v23, v48;
	[tilespmem:s26+$0xFFFFFFA0] =	vst v27  }
0x1e9: {  	v13 =	vld [tilespmem:s26+$0xFFFFFF60];
	v33 =	vmul.f32 v25, v48;
	[tilespmem:s26+$0xFFFFFFB0] =	vst v29  }
0x1ea: {  	v30 =	vld [tilespmem:s26+$0x0];
	v35 =	vmul.f32 v26, v48;
	[tilespmem:s26+$0xFFFFFFC0] =	vst v31  }
0x1eb: {  	v32 =	vld [tilespmem:s26+$0x10];
	v37 =	vmul.f32 v28, v48;
	[tilespmem:s26+$0xFFFFFFD0] =	vst v33  }
0x1ec: {  	v34 =	vld [tilespmem:s26+$0x20];
	v59 =	vmul.f32 v50, v4;
	[tilespmem:s26+$0xFFFFFFE0] =	vst v35  }
0x1ed: {  	v36 =	vld [tilespmem:s26+$0x30];
	v61 =	vmul.f32 v51, v6;
	[tilespmem:s26+$0xFFFFFFF0] =	vst v37  }
0x1ee: {  	v38 =	vld [tilespmem:s26+$0x40];
	v21 =	vmul.f32 v13, v46;
	[tilespmem:s26+$0xB0] =	vst v59  }
0x1ef: {  	v40 =	vld [tilespmem:s26+$0x50];
	v39 =	vmul.f32 v30, v6;
	[tilespmem:s26+$0x70] =	vst v61  }
0x1f0: {  	v42 =	vld [tilespmem:s26+$0x60];
	v41 =	vmul.f32 v32, v6;
	[tilespmem:s26+$0xFFFFFF60] =	vst v21  }
0x1f1: {  	v52 =	vld [tilespmem:s26+$0xC0];
	v43 =	vmul.f32 v34, v6;
	[tilespmem:s26+$0x0] =	vst v39  }
0x1f2: {  	v56 =	vld [tilespmem:s26+$0xE0];
	v45 =	vmul.f32 v36, v6;
	[tilespmem:s26+$0x10] =	vst v41  }
0x1f3: {  	v58 =	vld [tilespmem:s26+$0xF0];
	v47 =	vmul.f32 v38, v6;
	[tilespmem:s26+$0x20] =	vst v43  }
0x1f4: {  	v54 =	vld [tilespmem:s26+$0xD0];
	v49 =	vmul.f32 v40, v6;
	[tilespmem:s26+$0x30] =	vst v45  }
0x1f5: {  	v48 =	vld [tilespmem:s26+$0xA0];
	v51 =	vmul.f32 v42, v6;
	[tilespmem:s26+$0x40] =	vst v47  }
0x1f6: {  	v46 =	vld [tilespmem:s26+$0x90];
	v60 =	vmul.f32 v52, v4;
	[tilespmem:s26+$0x50] =	vst v49  }
0x1f7: {  	v62 =	vmul.f32 v56, v4;
	[tilespmem:s26+$0x60] =	vst v51  }
0x1f8: {  	v63 =	vmul.f32 v58, v4;
	[tilespmem:s26+$0xC0] =	vst v60  }
0x1f9: {  	v61 =	vmul.f32 v54, v4;
	[tilespmem:s26+$0xE0] =	vst v62  }
0x1fa: {  	[tilespmem:s26+$0xF0] =	vst v63;
	v57 =	vmul.f32 v48, v4  }
0x1fb: {  	[tilespmem:s26+$0xD0] =	vst v61;
	v55 =	vmul.f32 v46, v4  }
0x1fc: {  	[tilespmem:s26+$0xA0] =	vst v57  }
.Ltmp5:
0x1fd: {  	[tilespmem:s26+$0x90] =	vst v55;
	(pc) =	sbr.rel @p1 .LBB2_10-.Ltmp5, $4  }
0x1fe: {  	_ =	swait.ge [sflag:s21], $0x80  }
0x1ff: {  	[sflag:s21] =	ssyncset.done $0x0  }
0x200: {  	[sflag:s21] =	ssyncadd.s32 $0xFFFFFF80  }
0x201: {  	[spmem:s1] =	stream.indirect.scatter.add.f32 [tilespmem:s16], [sflag:$0xC], $0x80, s17, s28, $0xb8;
	[tilespmem:$0x1FD00] =	vst v63  }
0x202: {  	s19 =	smul.u32 $0x180, s25  }
0x203: {  	s20 =	rddreg [dreg:$0xe]  }
0x204: {  	s19 =	sadd.s32 s19, s20  }
.Ltmp6:
0x205: {  	s19 =	sshrl.u32 s19, $0x3;
	(pc) =	sbr.rel .LBB2_2-.Ltmp6, $4  }
0x206: {  	s29 =	sadd.s32 s5, s19  }
0x207: {  	[tilespmem:s28], [sflag:$0x2] =	stream.linear.gather [hbm4b:s29+s2], $0x80, $0x38;
	[tilespmem:$0x1FD00] =	vst v63  }
0x208: {  	s25 =	sadd.s32 $0x1, s25;
	s19 =	sadd.s32 s7, s19  }
0x209: {  	[tilespmem:s30], [sflag:$0x2] =	stream.linear.gather [hbm4b:s19+s2], $0x80, $0x38;
	[tilespmem:$0x1FD00] =	vst v63  }
.LBB2_11:
0x20a: {  	_ =	sfence.sel $0x180000  }
0x20b: {  	[bflag:$0x0] =	sbarrier.arrive $0xFFFF  }
0x20c: {  	_ =	strace $0x90000053  }
0x20d: {  	s0 =	stileid.u32;
	[bflag:$0x2] =	sbarrier.arrive $0xFFFF  }
0x20e: {  	p0 =	sne.s32 s0, $0x0;
	s0 =	rddreg [dreg:$0x3]  }
0x20f: {  	s0 =	sadd.s32 @!p0 $0x100000, s0  }
0x210: {  	[sflag:s0] =	ssyncadd.tile.s32 @!p0 $0x1;
	_ =	shalt  }
.Lfunc_end2:
_tile_overlayer_lowered:
.L_overlay_start_2:
0x211: {  	(tag) =	ssettag $0x2  }
0x212: {  	s0 =	rddreg [dreg:$0x0];
	s2 =	stileid.u32  }
0x213: {  	s1 =	rddreg [dreg:$0x1];
	p0 =	sne.s32 s2, $0x0  }
0x214: {  	s3 =	rddreg [dreg:$0x2];
	[bflag:$0x3] =	sbarrier.arrive $0xFFFF;
	s2 =	simm.s32 @!p0 $0x1C0D  }
0x215: {  	[timem:s3], [sflag:s2] =	dma.local @!p0 [hbm:s0], s1  }
0x216: {  	s0 =	simm.s32 @!p0 $0xD  }
0x217: {  	_ =	swait.ge @!p0 [sflag:s0], s1  }
0x218: {  	s1 =	ssub.s32 @!p0 $0x0, s1;
	[sflag:s0] =	ssyncset.done @!p0 $0x0  }
0x219: {  	[sflag:s0] =	ssyncadd.s32 @!p0 s1  }
0x21a: {  	[bflag:$0x3] =	sbarrier.arrive $0xFFFF  }
0x21b: {  	_ =	shalt  }

</sc_bundles>
